<compile_context>
chip_gen: v7x
topology: tpu7x:2x2x1
jax: 0.10.2.dev20260603
libtpu: 0.0.44.dev20260713+nightly
codegen_flags: <defaults>
</compile_context>

<pallas_src>
import functools

import jax
import jax.numpy as jnp
from jax import lax
from jax.experimental import pallas as pl
from jax.experimental.pallas import tpu as pltpu
from jax.experimental.pallas import tpu_sc as plsc

NPOINT = 1024
NSAMPLE = 32
RADIUS = 0.4


def _fps_body(xyz_ref, nxyz_ref, dist_ref):
    _, B, N = xyz_ref.shape
    iota = lax.broadcasted_iota(jnp.int32, (B, N), 1)
    iota_s = lax.broadcasted_iota(jnp.int32, (B, NPOINT), 1)
    dist_ref[...] = jnp.full((B, N), 1e10, jnp.float32)

    CH = N // 128

    def tree(op, parts):
        while len(parts) > 1:
            nxt = [op(parts[k], parts[k + 1]) for k in range(0, len(parts) - 1, 2)]
            if len(parts) % 2:
                nxt.append(parts[-1])
            parts = nxt
        return parts[0]

    iota_l = lax.broadcasted_iota(jnp.int32, (B, 128), 1)

    def body(i, far):
        onehot = iota == far
        oh3 = jnp.broadcast_to(onehot, (3, B, N))
        xyz3 = xyz_ref[...]
        masked = jnp.where(oh3, xyz3, 0.0)
        s1 = tree(jnp.add, [masked[:, :, j * 128:(j + 1) * 128]
                            for j in range(CH)])
        c3 = jnp.sum(s1, axis=2, keepdims=True)
        sel3 = jnp.broadcast_to(iota_s == i, (3, B, NPOINT))
        nxyz_ref[...] = jnp.where(sel3, c3, nxyz_ref[...])
        dx = xyz3[0] - c3[0]
        dy = xyz3[1] - c3[1]
        dz = xyz3[2] - c3[2]
        d = dx * dx + dy * dy + dz * dz
        dist = jnp.minimum(dist_ref[...], d)
        dist_ref[...] = dist
        dparts = [dist[:, j * 128:(j + 1) * 128] for j in range(CH)]
        dmax = tree(jnp.maximum, dparts)
        m = jnp.max(dmax, axis=1, keepdims=True)
        fj = tree(jnp.minimum,
                  [jnp.where(dparts[j] == m, j, CH) for j in range(CH)])
        ncand = jnp.where(fj < CH, fj * 128 + iota_l, N)
        far_new = jnp.min(ncand, axis=1, keepdims=True)
        return far_new

    lax.fori_loop(0, NPOINT, body, jnp.zeros((B, 1), jnp.int32), unroll=2)


def _run_fps(xyzt):
    _, B, N = xyzt.shape
    return pl.pallas_call(
        _fps_body,
        out_shape=jax.ShapeDtypeStruct((3, B, NPOINT), jnp.float32),
        scratch_shapes=[pltpu.VMEM((B, N), jnp.float32)],
    )(xyzt)


_ST = 256


def _bq_body(nxyz_ref, xyzc_ref, c2_ref):
    _, ST, _ = nxyz_ref.shape
    N = xyzc_ref.shape[2]
    CHN = N // 128
    A = nxyz_ref[0]
    X = xyzc_ref[0]
    cn = jnp.sum(A * A, axis=1, keepdims=True)
    xn = jnp.sum(X * X, axis=0, keepdims=True)
    dot = lax.dot_general(A, X, (((1,), (0,)), ((), ())),
                          preferred_element_type=jnp.float32)
    sqr = (cn + xn) - 2.0 * dot
    maskf = jnp.where(sqr <= RADIUS ** 2, 1.0, 0.0)

    ii = lax.broadcasted_iota(jnp.int32, (128, 128), 0)
    jj = lax.broadcasted_iota(jnp.int32, (128, 128), 1)
    tri = jnp.where(ii <= jj, 1.0, 0.0)
    iip = lax.broadcasted_iota(jnp.int32, (128, 64), 0)
    jjp = lax.broadcasted_iota(jnp.int32, (128, 64), 1)
    packm = (jnp.where(iip == 2 * jjp, 1.0, 0.0)
             + jnp.where(iip == 2 * jjp + 1, 65536.0, 0.0))

    run = jnp.zeros((ST, 1), jnp.float32)
    for j in range(CHN):
        mj = maskf[:, j * 128:(j + 1) * 128]
        local = lax.dot_general(mj, tri, (((1,), (0,)), ((), ())),
                                preferred_element_type=jnp.float32)
        cj = jnp.minimum(local + run, 32.0)
        pk = lax.dot_general(cj, packm, (((1,), (0,)), ((), ())),
                             preferred_element_type=jnp.float32)
        c2_ref[j // 2, :, (j % 2) * 64:(j % 2) * 64 + 64] = pk.astype(jnp.int32)
        run = run + jnp.sum(mj, axis=1, keepdims=True)


def _run_ball_query(new_xyz, xyzc):
    B, _, N = xyzc.shape
    S = new_xyz.shape[1]
    nst = S // _ST
    grid = (B, nst)
    return pl.pallas_call(
        _bq_body,
        grid=grid,
        in_specs=[
            pl.BlockSpec((1, _ST, 3), lambda b, s: (b, s, 0)),
            pl.BlockSpec((1, 3, N), lambda b, s: (b, 0, 0)),
        ],
        out_specs=pl.BlockSpec((N // 256, _ST, 128),
                               lambda b, s, nst=nst: (0, b * nst + s, 0)),
        out_shape=jax.ShapeDtypeStruct((N // 256, B * S, 128), jnp.int32),
    )(new_xyz, xyzc)


def _g1_body(xyzc_ref, feat_ref, w1x_ref, w1f_ref, g1_ref):
    Xc = xyzc_ref[0]
    F = feat_ref[0]
    g1 = lax.dot_general(Xc, w1x_ref[...], (((0,), (0,)), ((), ())),
                         preferred_element_type=jnp.float32)
    g1 = g1 + jnp.dot(F, w1f_ref[...], preferred_element_type=jnp.float32)
    g1_ref[0] = g1


def _run_g1(xyzc, features, w1x, w1f):
    B, _, N = xyzc.shape
    C = features.shape[2]
    H = w1x.shape[1]
    return pl.pallas_call(
        _g1_body,
        grid=(B,),
        in_specs=[
            pl.BlockSpec((1, 3, N), lambda b: (b, 0, 0)),
            pl.BlockSpec((1, N, C), lambda b: (b, 0, 0)),
            pl.BlockSpec((3, H), lambda b: (0, 0)),
            pl.BlockSpec((C, H), lambda b: (0, 0)),
        ],
        out_specs=pl.BlockSpec((1, N, H), lambda b: (b, 0, 0)),
        out_shape=jax.ShapeDtypeStruct((B, N, H), jnp.float32),
    )(xyzc, features, w1x, w1f)


def _sc_select_gather(c2, table, S):
    NWH, ROWS, _ = c2.shape
    NW2 = NWH * 128
    N = NW2 * 2
    H = table.shape[1]
    K = NSAMPLE
    info = plsc.get_sparse_core_info()
    nw = info.num_cores * info.num_subcores
    rpw = ROWS // nw
    RC = 8
    nch = rpw // RC
    NP = RC * K // 2
    mesh = plsc.VectorSubcoreMesh(core_axis_name="c", subcore_axis_name="s")

    @functools.partial(
        pl.kernel,
        mesh=mesh,
        compiler_params=pltpu.CompilerParams(use_tc_tiling_on_sc=False,
                                             needs_layout_passes=False),
        out_type=jax.ShapeDtypeStruct((ROWS * K // 2, 2 * H), jnp.float32),
        scratch_types=[
            pltpu.VMEM((2, NWH, RC, 128), jnp.int32),
            pltpu.VMEM((2, 2, 128), jnp.int32),
            pltpu.VMEM((2, 2, 128, H), jnp.float32),
            pltpu.SemaphoreType.DMA,
            pltpu.SemaphoreType.DMA,
            pltpu.SemaphoreType.DMA,
        ],
    )
    def sel_gather(c2_hbm, tbl_hbm, out_hbm, rows_v, idx_v, gath_v,
                   sem_r, sem_g, sem_o):
        wid = lax.axis_index("s") * info.num_cores + lax.axis_index("c")
        row0 = wid * rpw
        lanes = lax.broadcasted_iota(jnp.int32, (16,), 0)
        k0 = 2 * lanes
        k1 = 2 * lanes + 1

        pltpu.async_copy(c2_hbm.at[:, pl.ds(row0, RC), :], rows_v.at[0], sem_r)

        def search_row(r, j):
            bufv = jnp.full((16,), lax.rem(j, 2), jnp.int32)
            rv = jnp.full((16,), r, jnp.int32)

            def lower_bound(kv):
                pos = jnp.zeros((16,), jnp.int32)
                for step in [2048, 1024, 512, 256, 128, 64, 32, 16, 8, 4, 2, 1]:
                    t = pos + step
                    n1 = t - 1
                    h = lax.shift_right_logical(n1, 1)
                    w = plsc.load_gather(
                        rows_v, [bufv, lax.shift_right_logical(h, 7), rv,
                                 jnp.bitwise_and(h, 127)])
                    sh = lax.shift_left(jnp.bitwise_and(n1, 1), 4)
                    val = jnp.bitwise_and(lax.shift_right_logical(w, sh), 0xFFFF)
                    pos = jnp.where(val <= kv, t, pos)
                return pos

            pos0 = lower_bound(k0)
            pos1 = lower_bound(k1)
            wlast = plsc.load_gather(
                rows_v, [bufv, jnp.full((16,), NWH - 1, jnp.int32), rv,
                         jnp.full((16,), 127, jnp.int32)])
            last = jnp.bitwise_and(lax.shift_right_logical(wlast, 16), 0xFFFF)
            pos0 = jnp.where(last <= k0, N, pos0)
            pos1 = jnp.where(last <= k1, N, pos1)
            first = jnp.min(pos0)
            pos0 = jnp.where(pos0 == N, first, pos0)
            pos1 = jnp.where(pos1 == N, first, pos1)
            boff = ((row0 + j * RC + r) // S) * (N)
            pos0 = jnp.minimum(pos0, N - 1) + boff
            pos1 = jnp.minimum(pos1, N - 1) + boff
            off = lax.shift_left(jnp.bitwise_and(r, 7), 4)
            jb = lax.rem(j, 2)
            idx_v[jb, 0, pl.ds(off, 16)] = pos0
            idx_v[jb, 1, pl.ds(off, 16)] = pos1

        def drain_out(j):
            jb = lax.rem(j, 2)
            pltpu.make_async_copy(
                gath_v.at[jb, 0],
                out_hbm.at[pl.ds((row0 + j * RC) * K // 2, NP), pl.ds(0, H)],
                sem_o).wait()
            pltpu.make_async_copy(
                gath_v.at[jb, 1],
                out_hbm.at[pl.ds((row0 + j * RC) * K // 2, NP), pl.ds(H, H)],
                sem_o).wait()

        def wait_gathers_fire_out(j):
            jb = lax.rem(j, 2)
            pltpu.make_async_copy(tbl_hbm.at[idx_v.at[jb, 0]],
                                  gath_v.at[jb, 0], sem_g).wait()
            pltpu.make_async_copy(tbl_hbm.at[idx_v.at[jb, 1]],
                                  gath_v.at[jb, 1], sem_g).wait()
            pltpu.async_copy(
                gath_v.at[jb, 0],
                out_hbm.at[pl.ds((row0 + j * RC) * K // 2, NP), pl.ds(0, H)],
                sem_o)
            pltpu.async_copy(
                gath_v.at[jb, 1],
                out_hbm.at[pl.ds((row0 + j * RC) * K // 2, NP), pl.ds(H, H)],
                sem_o)

        def outer(j, carry):
            base = row0 + j * RC
            jb = lax.rem(j, 2)
            pltpu.make_async_copy(c2_hbm.at[:, pl.ds(base, RC), :],
                                  rows_v.at[jb], sem_r).wait()

            @pl.when(j + 1 < nch)
            def _():
                pltpu.async_copy(c2_hbm.at[:, pl.ds(base + RC, RC), :],
                                 rows_v.at[lax.rem(j + 1, 2)], sem_r)

            @pl.when(j > 1)
            def _():
                drain_out(j - 2)

            lax.fori_loop(0, RC, lambda r, c: (search_row(r, j), c)[1], 0)

            @pl.when(j > 0)
            def _():
                wait_gathers_fire_out(j - 1)

            pltpu.async_copy(tbl_hbm.at[idx_v.at[jb, 0]], gath_v.at[jb, 0],
                             sem_g)
            pltpu.async_copy(tbl_hbm.at[idx_v.at[jb, 1]], gath_v.at[jb, 1],
                             sem_g)
            return carry

        lax.fori_loop(0, nch, outer, 0)
        wait_gathers_fire_out(nch - 1)
        drain_out(nch - 2)
        drain_out(nch - 1)

    return sel_gather(c2, table)


_GT = 128


def _mlp_body(gath_ref, nxyz_ref, w1x_ref, b1_ref, w2_ref, b2_ref, w3_ref,
              b3_ref, out_ref):
    GT = nxyz_ref.shape[0]
    H1 = w2_ref.shape[0]
    P = NSAMPLE // 2
    offs = b1_ref[...] - lax.dot_general(
        nxyz_ref[...], w1x_ref[...], (((1,), (0,)), ((), ())),
        preferred_element_type=jnp.float32)
    offr = jnp.broadcast_to(offs[:, None, :], (GT, P, H1)).reshape(GT * P, H1)
    z = gath_ref[...]

    def tail(h1):
        h2 = jnp.maximum(
            jnp.dot(h1, w2_ref[...], preferred_element_type=jnp.float32)
            + b2_ref[...], 0.0)
        return jnp.maximum(
            jnp.dot(h2, w3_ref[...], preferred_element_type=jnp.float32)
            + b3_ref[...], 0.0)

    h3e = tail(jnp.maximum(z[:, :H1] + offr, 0.0))
    h3o = tail(jnp.maximum(z[:, H1:] + offr, 0.0))
    h3 = jnp.maximum(h3e, h3o)
    H3 = h3.shape[1]
    out_ref[...] = jnp.max(h3.reshape(GT, P, H3), axis=1)


def _run_mlp(gath, nxyz_flat, w1x, b1, w2, b2, w3, b3):
    BS = nxyz_flat.shape[0]
    H1 = w2.shape[0]
    H3 = w3.shape[1]
    grid = (BS // _GT,)
    return pl.pallas_call(
        _mlp_body,
        grid=grid,
        in_specs=[
            pl.BlockSpec((_GT * NSAMPLE // 2, 2 * H1), lambda i: (i, 0)),
            pl.BlockSpec((_GT, 3), lambda i: (i, 0)),
            pl.BlockSpec((3, H1), lambda i: (0, 0)),
            pl.BlockSpec((1, H1), lambda i: (0, 0)),
            pl.BlockSpec((H1, H1), lambda i: (0, 0)),
            pl.BlockSpec((1, H1), lambda i: (0, 0)),
            pl.BlockSpec((H1, H3), lambda i: (0, 0)),
            pl.BlockSpec((1, H3), lambda i: (0, 0)),
        ],
        out_specs=pl.BlockSpec((_GT, H3), lambda i: (i, 0)),
        out_shape=jax.ShapeDtypeStruct((BS, H3), jnp.float32),
    )(gath, nxyz_flat, w1x, b1, w2, b2, w3, b3)


def kernel(xyz, features, W1, b1, W2, b2, W3, b3):
    B, N, _ = xyz.shape
    S, K = NPOINT, NSAMPLE
    H3 = W3.shape[1]
    xyzc = jnp.transpose(xyz, (0, 2, 1))
    xyzt = jnp.transpose(xyz, (2, 0, 1))
    w1x, w1f = W1[:3], W1[3:]

    nxyz3 = _run_fps(xyzt)
    new_xyz = jnp.transpose(nxyz3, (1, 2, 0))

    c2 = _run_ball_query(new_xyz, xyzc)
    g1 = _run_g1(xyzc, features, w1x, w1f)

    gath = _sc_select_gather(c2, g1.reshape(B * N, -1), S)

    out = _run_mlp(gath, new_xyz.reshape(B * S, 3), w1x,
                   b1.reshape(1, -1), W2, b2.reshape(1, -1), W3,
                   b3.reshape(1, -1))
    return new_xyz, out.reshape(B, S, H3).transpose(0, 2, 1)

# --- scband reference (transcript-rebuilt; emitter-appended) ---
"""Pipeline reference for scband-pointnet-samodule-base-5669356832934 (READ-ONLY COPY).

The authoritative reference and input builder live on the scoring server;
editing this copy changes nothing except your own understanding.
"""

import jax, jax.numpy as jnp
import numpy as np

NPOINT = 1024
NSAMPLE = 32
RADIUS = 0.4


def setup_inputs(seed: int = 0):
    key = jax.random.key(seed)
    k1, k2, k3, k4, k5 = jax.random.split(key, 5)
    B, N, C = 8, 4096, 64
    xyz = jax.random.normal(k1, (B, N, 3), dtype=jnp.float32)
    features = jax.random.normal(k2, (B, N, C), dtype=jnp.float32)
    c_in = C + 3
    W1 = jax.random.normal(k3, (c_in, 64), dtype=jnp.float32) * (1.0 / np.sqrt(c_in))
    b1 = jnp.zeros((64,), dtype=jnp.float32)
    W2 = jax.random.normal(k4, (64, 64), dtype=jnp.float32) * (1.0 / 8.0)
    b2 = jnp.zeros((64,), dtype=jnp.float32)
    W3 = jax.random.normal(k5, (64, 128), dtype=jnp.float32) * (1.0 / 8.0)
    b3 = jnp.zeros((128,), dtype=jnp.float32)
    return {"xyz": xyz, "features": features, "W1": W1, "b1": b1, "W2": W2, "b2": b2, "W3": W3, "b3": b3}


def _fps(xyz, npoint):
    # furthest point sampling -> int32 indices (B, npoint)
    B, N, _ = xyz.shape

    def body(i, state):
        dist, farthest, idxs = state
        idxs = idxs.at[:, i].set(farthest)
        centroid = jnp.take_along_axis(xyz, farthest[:, None, None], axis=1)  # (B,1,3)
        d = jnp.sum((xyz - centroid) ** 2, axis=-1)  # (B,N)
        dist = jnp.minimum(dist, d)
        farthest = jnp.argmax(dist, axis=-1).astype(jnp.int32)
        return (dist, farthest, idxs)

    dist0 = jnp.full((B, N), 1e10, dtype=jnp.float32)
    far0 = jnp.zeros((B,), dtype=jnp.int32)
    idxs0 = jnp.zeros((B, npoint), dtype=jnp.int32)
    _, _, idxs = jax.lax.fori_loop(0, npoint, body, (dist0, far0, idxs0))
    return idxs


def _ball_query(xyz, new_xyz, radius, nsample):
    # replicates pointnet2 ball_query: first nsample points within radius, pad with first hit
    B, N, _ = xyz.shape
    S = new_xyz.shape[1]
    sqr = (jnp.sum(new_xyz ** 2, axis=-1)[:, :, None]
           + jnp.sum(xyz ** 2, axis=-1)[:, None, :]
           - 2.0 * jnp.einsum('bsd,bnd->bsn', new_xyz, xyz))  # (B,S,N)
    gidx = jnp.broadcast_to(jnp.arange(N, dtype=jnp.int32), (B, S, N))
    gidx = jnp.where(sqr > radius ** 2, N, gidx)
    gidx = jnp.sort(gidx, axis=-1)[:, :, :nsample]
    first = gidx[:, :, :1]
    gidx = jnp.where(gidx == N, first, gidx)
    return gidx


def reference(xyz, features, W1, b1, W2, b2, W3, b3):
    B, N, _ = xyz.shape
    fps_idx = _fps(jax.lax.stop_gradient(xyz), NPOINT)  # (B, npoint) int32
    # gather_operation(xyz_flipped, fps_idx).transpose -> (B, npoint, 3)
    new_xyz = jnp.take_along_axis(xyz, fps_idx[:, :, None], axis=1)
    # QueryAndGroup grouper
    gidx = _ball_query(jax.lax.stop_gradient(xyz), jax.lax.stop_gradient(new_xyz), RADIUS, NSAMPLE)  # (B, npoint, nsample)
    bidx = jnp.arange(B, dtype=jnp.int32)[:, None, None]
    grouped_xyz = xyz[bidx, gidx] - new_xyz[:, :, None, :]  # (B, npoint, nsample, 3)
    grouped_feat = features[bidx, gidx]  # (B, npoint, nsample, C)
    h = jnp.concatenate([grouped_xyz, grouped_feat], axis=-1)  # (B, npoint, nsample, C+3)
    # shared MLP (Conv2d 1x1 stack) applied pointwise over channel dim
    h = jax.nn.relu(h @ W1 + b1)
    h = jax.nn.relu(h @ W2 + b2)
    h = jax.nn.relu(h @ W3 + b3)
    # max_pool2d over nsample dim then squeeze -> (B, C_out, npoint)
    new_features = jnp.max(h, axis=2)  # (B, npoint, 128)
    return new_xyz, jnp.transpose(new_features, (0, 2, 1))

if __name__ == "__main__":
    import jax
    _d = setup_inputs()
    print(jax.jit(kernel)(*tuple(_d.values())))

</pallas_src>

<mosaic_0001>
#map = affine_map<(d0, d1) -> (0, 0, 0)>
#map1 = affine_map<(d0, d1) -> (0, 0)>
module attributes {stable_mosaic.version = 14 : i64} {
  func.func @sel_gather(%arg0: i32, %arg1: i32, %arg2: memref<16x8192x128xi32, #tpu.memory_space<hbm>>, %arg3: memref<32768x64xf32, #tpu.memory_space<hbm>>, %arg4: memref<131072x128xf32, #tpu.memory_space<hbm>>, %arg5: memref<2x16x8x128xi32, #tpu.memory_space<vmem>>, %arg6: memref<2x2x128xi32, #tpu.memory_space<vmem>>, %arg7: memref<2x2x128x64xf32, #tpu.memory_space<vmem>>, %arg8: memref<!tpu.dma_semaphore, #tpu.memory_space<semaphore_mem>>, %arg9: memref<!tpu.dma_semaphore, #tpu.memory_space<semaphore_mem>>, %arg10: memref<!tpu.dma_semaphore, #tpu.memory_space<semaphore_mem>>) attributes {dimension_semantics = [#tpu.dimension_semantics<core_parallel>, #tpu.dimension_semantics<subcore_parallel>], iteration_bounds = array<i64: 2, 16>, scalar_prefetch = 0 : i64, scratch_operands = 6 : i64, tpu.core_type = #tpu.core_type<sc_vector_subcore>, window_params = [{transform_indices = #map}, {transform_indices = #map1}, {transform_indices = #map1}]} {
    %mul3A = arith.constant 2 : i32
    %mul3A_0 = arith.muli %arg1, %mul3A : i32
    %add3A = arith.addi %mul3A_0, %arg0 : i32
    %mul3A_1 = arith.constant 256 : i32
    %mul3A_2 = arith.muli %add3A, %mul3A_1 : i32
    %iota3A = tpu.iota {dimensions = array<i32: 0>} : vector<16xi32>
    %mul3A_3 = arith.constant 2 : i32
    %mul3A_4 = vector.broadcast %mul3A_3 : i32 to vector<16xi32>
    %mul3A_5 = arith.muli %mul3A_4, %iota3A : vector<16xi32>
    %mul3A_6 = arith.constant 2 : i32
    %mul3A_7 = vector.broadcast %mul3A_6 : i32 to vector<16xi32>
    %mul3A_8 = arith.muli %mul3A_7, %iota3A : vector<16xi32>
    %add3A_9 = arith.constant 1 : i32
    %add3A_10 = vector.broadcast %add3A_9 : i32 to vector<16xi32>
    %add3A_11 = arith.addi %mul3A_8, %add3A_10 : vector<16xi32>
    %dma_start3A = arith.constant 0 : i32
    %dma_start3A_12 = arith.constant 0 : i32
    %dma_start3A_13 = arith.constant 0 : i32
    %dma_start3A_14 = arith.constant 0 : i32
    %dma_start3A_15 = tpu.memref_slice %arg5[%dma_start3A, %dma_start3A_12, %dma_start3A_13, %dma_start3A_14] : memref<2x16x8x128xi32, #tpu.memory_space<vmem>> -> memref<1x16x8x128xi32, #tpu.memory_space<vmem>>
    %dma_start3A_16 = tpu.memref_squeeze %dma_start3A_15 : memref<1x16x8x128xi32, #tpu.memory_space<vmem>> -> memref<16x8x128xi32, #tpu.memory_space<vmem>>
    %dma_start3A_17 = arith.constant 0 : i32
    %dma_start3A_18 = arith.constant 0 : i32
    %dma_start3A_19 = tpu.memref_slice %arg2[%dma_start3A_17, %mul3A_2, %dma_start3A_18] : memref<16x8192x128xi32, #tpu.memory_space<hbm>> -> memref<16x8x128xi32, #tpu.memory_space<hbm>>
    %dma_start3A_20 = arith.constant 0 : i32
    %dma_start3A_21 = arith.constant 0 : i32
    %dma_start3A_22 = arith.constant 0 : i32
    %dma_start3A_23 = tpu.memref_slice %arg5[%dma_start3A, %dma_start3A_20, %dma_start3A_21, %dma_start3A_22] : memref<2x16x8x128xi32, #tpu.memory_space<vmem>> -> memref<1x16x8x128xi32, #tpu.memory_space<vmem>>
    %dma_start3A_24 = tpu.memref_squeeze %dma_start3A_23 : memref<1x16x8x128xi32, #tpu.memory_space<vmem>> -> memref<16x8x128xi32, #tpu.memory_space<vmem>>
    %dma_start3A_25 = arith.constant 0 : i32
    %dma_start3A_26 = arith.constant 0 : i32
    %dma_start3A_27 = tpu.memref_slice %arg2[%dma_start3A_25, %mul3A_2, %dma_start3A_26] : memref<16x8192x128xi32, #tpu.memory_space<hbm>> -> memref<16x8x128xi32, #tpu.memory_space<hbm>>
    tpu.enqueue_dma source(%dma_start3A_27 : memref<16x8x128xi32, #tpu.memory_space<hbm>>) target(%dma_start3A_24 : memref<16x8x128xi32, #tpu.memory_space<vmem>>) target_semaphore(%arg8 : memref<!tpu.dma_semaphore, #tpu.memory_space<semaphore_mem>>)
    %scan3A = arith.constant 0 : i32
    %scan3A_28 = arith.constant 0 : i32
    %scan3A_29 = arith.constant 32 : i32
    %scan3A_30 = arith.addi %scan3A_28, %scan3A_29 : i32
    %scan3A_31 = arith.constant 1 : i32
    scf.for %scan3A_303 = %scan3A_28 to %scan3A_30 step %scan3A_31  : i32 {
      %mul3A_304 = arith.constant 8 : i32
      %mul3A_305 = arith.muli %scan3A_303, %mul3A_304 : i32
      %add3A_306 = arith.addi %mul3A_2, %mul3A_305 : i32
      %rem3A_307 = arith.constant 2 : i32
      %rem3A_308 = arith.remsi %scan3A_303, %rem3A_307 : i32
      %dma_wait3A_309 = arith.constant 0 : i32
      %dma_wait3A_310 = arith.constant 0 : i32
      %dma_wait3A_311 = arith.constant 0 : i32
      %dma_wait3A_312 = tpu.memref_slice %arg5[%rem3A_308, %dma_wait3A_309, %dma_wait3A_310, %dma_wait3A_311] : memref<2x16x8x128xi32, #tpu.memory_space<vmem>> -> memref<1x16x8x128xi32, #tpu.memory_space<vmem>>
      %dma_wait3A_313 = tpu.memref_squeeze %dma_wait3A_312 : memref<1x16x8x128xi32, #tpu.memory_space<vmem>> -> memref<16x8x128xi32, #tpu.memory_space<vmem>>
      %dma_wait3A_314 = arith.constant 0 : i32
      %dma_wait3A_315 = arith.constant 0 : i32
      %dma_wait3A_316 = tpu.memref_slice %arg2[%dma_wait3A_314, %add3A_306, %dma_wait3A_315] : memref<16x8192x128xi32, #tpu.memory_space<hbm>> -> memref<16x8x128xi32, #tpu.memory_space<hbm>>
      %dma_wait3A_317 = arith.constant 0 : i32
      %dma_wait3A_318 = arith.constant 0 : i32
      %dma_wait3A_319 = arith.constant 0 : i32
      %dma_wait3A_320 = tpu.memref_slice %arg5[%rem3A_308, %dma_wait3A_317, %dma_wait3A_318, %dma_wait3A_319] : memref<2x16x8x128xi32, #tpu.memory_space<vmem>> -> memref<1x16x8x128xi32, #tpu.memory_space<vmem>>
      %dma_wait3A_321 = tpu.memref_squeeze %dma_wait3A_320 : memref<1x16x8x128xi32, #tpu.memory_space<vmem>> -> memref<16x8x128xi32, #tpu.memory_space<vmem>>
      %dma_wait3A_322 = arith.constant 0 : i32
      %dma_wait3A_323 = arith.constant 0 : i32
      %dma_wait3A_324 = tpu.memref_slice %arg2[%dma_wait3A_322, %add3A_306, %dma_wait3A_323] : memref<16x8192x128xi32, #tpu.memory_space<hbm>> -> memref<16x8x128xi32, #tpu.memory_space<hbm>>
      tpu.wait_dma2 semaphore(%arg8 : memref<!tpu.dma_semaphore, #tpu.memory_space<semaphore_mem>>) src(%dma_wait3A_324 : memref<16x8x128xi32, #tpu.memory_space<hbm>>) dst(%dma_wait3A_321 : memref<16x8x128xi32, #tpu.memory_space<vmem>>)
      %add3A_325 = arith.constant 1 : i32
      %add3A_326 = arith.addi %scan3A_303, %add3A_325 : i32
      %lt3A = arith.constant 32 : i32
      %lt3A_327 = arith.cmpi slt, %add3A_326, %lt3A : i32
      %convert_element_type3A = arith.extui %lt3A_327 : i1 to i32
      %cond3A = arith.constant 0 : i32
      %cond3A_328 = arith.cmpi ne, %convert_element_type3A, %cond3A : i32
      scf.if %cond3A_328 {
        %add3A_368 = arith.constant 8 : i32
        %add3A_369 = arith.addi %add3A_306, %add3A_368 : i32
        %add3A_370 = arith.constant 1 : i32
        %add3A_371 = arith.addi %scan3A_303, %add3A_370 : i32
        %rem3A_372 = arith.constant 2 : i32
        %rem3A_373 = arith.remsi %add3A_371, %rem3A_372 : i32
        %dma_start3A_374 = arith.constant 0 : i32
        %dma_start3A_375 = arith.constant 0 : i32
        %dma_start3A_376 = arith.constant 0 : i32
        %dma_start3A_377 = tpu.memref_slice %arg5[%rem3A_373, %dma_start3A_374, %dma_start3A_375, %dma_start3A_376] : memref<2x16x8x128xi32, #tpu.memory_space<vmem>> -> memref<1x16x8x128xi32, #tpu.memory_space<vmem>>
        %dma_start3A_378 = tpu.memref_squeeze %dma_start3A_377 : memref<1x16x8x128xi32, #tpu.memory_space<vmem>> -> memref<16x8x128xi32, #tpu.memory_space<vmem>>
        %dma_start3A_379 = arith.constant 0 : i32
        %dma_start3A_380 = arith.constant 0 : i32
        %dma_start3A_381 = tpu.memref_slice %arg2[%dma_start3A_379, %add3A_369, %dma_start3A_380] : memref<16x8192x128xi32, #tpu.memory_space<hbm>> -> memref<16x8x128xi32, #tpu.memory_space<hbm>>
        %dma_start3A_382 = arith.constant 0 : i32
        %dma_start3A_383 = arith.constant 0 : i32
        %dma_start3A_384 = arith.constant 0 : i32
        %dma_start3A_385 = tpu.memref_slice %arg5[%rem3A_373, %dma_start3A_382, %dma_start3A_383, %dma_start3A_384] : memref<2x16x8x128xi32, #tpu.memory_space<vmem>> -> memref<1x16x8x128xi32, #tpu.memory_space<vmem>>
        %dma_start3A_386 = tpu.memref_squeeze %dma_start3A_385 : memref<1x16x8x128xi32, #tpu.memory_space<vmem>> -> memref<16x8x128xi32, #tpu.memory_space<vmem>>
        %dma_start3A_387 = arith.constant 0 : i32
        %dma_start3A_388 = arith.constant 0 : i32
        %dma_start3A_389 = tpu.memref_slice %arg2[%dma_start3A_387, %add3A_369, %dma_start3A_388] : memref<16x8192x128xi32, #tpu.memory_space<hbm>> -> memref<16x8x128xi32, #tpu.memory_space<hbm>>
        tpu.enqueue_dma source(%dma_start3A_389 : memref<16x8x128xi32, #tpu.memory_space<hbm>>) target(%dma_start3A_386 : memref<16x8x128xi32, #tpu.memory_space<vmem>>) target_semaphore(%arg8 : memref<!tpu.dma_semaphore, #tpu.memory_space<semaphore_mem>>)
      } else {
      }
      %gt3A = arith.constant 1 : i32
      %gt3A_329 = arith.cmpi sgt, %scan3A_303, %gt3A : i32
      %convert_element_type3A_330 = arith.extui %gt3A_329 : i1 to i32
      %cond3A_331 = arith.constant 0 : i32
      %cond3A_332 = arith.cmpi ne, %convert_element_type3A_330, %cond3A_331 : i32
      scf.if %cond3A_332 {
        %sub3A_368 = arith.constant 2 : i32
        %sub3A_369 = arith.subi %scan3A_303, %sub3A_368 : i32
        %rem3A_370 = arith.constant 2 : i32
        %rem3A_371 = arith.remsi %sub3A_369, %rem3A_370 : i32
        %mul3A_372 = arith.constant 8 : i32
        %mul3A_373 = arith.muli %sub3A_369, %mul3A_372 : i32
        %add3A_374 = arith.addi %mul3A_2, %mul3A_373 : i32
        %mul3A_375 = arith.constant 32 : i32
        %mul3A_376 = arith.muli %add3A_374, %mul3A_375 : i32
        %jit3A_377 = arith.constant 2 : i32
        %div3A_378 = arith.divsi %mul3A_376, %jit3A_377 : i32
        %sign3A_379 = arith.constant 0 : i32
        %sign3A_380 = arith.cmpi sgt, %mul3A_376, %sign3A_379 : i32
        %sign3A_381 = arith.extui %sign3A_380 : i1 to i32
        %sign3A_382 = arith.constant 0 : i32
        %sign3A_383 = arith.cmpi slt, %mul3A_376, %sign3A_382 : i32
        %sign3A_384 = arith.extui %sign3A_383 : i1 to i32
        %sign3A_385 = arith.subi %sign3A_381, %sign3A_384 : i32
        %sign3A_386 = arith.constant 0 : i32
        %sign3A_387 = arith.cmpi sgt, %jit3A_377, %sign3A_386 : i32
        %sign3A_388 = arith.extui %sign3A_387 : i1 to i32
        %sign3A_389 = arith.constant 0 : i32
        %sign3A_390 = arith.cmpi slt, %jit3A_377, %sign3A_389 : i32
        %sign3A_391 = arith.extui %sign3A_390 : i1 to i32
        %sign3A_392 = arith.subi %sign3A_388, %sign3A_391 : i32
        %ne3A_393 = arith.cmpi ne, %sign3A_385, %sign3A_392 : i32
        %rem3A_394 = arith.remsi %mul3A_376, %jit3A_377 : i32
        %ne3A_395 = arith.constant 0 : i32
        %ne3A_396 = arith.cmpi ne, %rem3A_394, %ne3A_395 : i32
        %and3A_397 = arith.andi %ne3A_393, %ne3A_396 : i1
        %sub3A_398 = arith.constant 1 : i32
        %sub3A_399 = arith.subi %div3A_378, %sub3A_398 : i32
        %select_n3A_400 = arith.select %and3A_397, %sub3A_399, %div3A_378 : i32
        %dma_wait3A_401 = arith.constant 0 : i32
        %dma_wait3A_402 = arith.constant 0 : i32
        %dma_wait3A_403 = arith.constant 0 : i32
        %dma_wait3A_404 = tpu.memref_slice %arg7[%rem3A_371, %dma_wait3A_401, %dma_wait3A_402, %dma_wait3A_403] : memref<2x2x128x64xf32, #tpu.memory_space<vmem>> -> memref<1x1x128x64xf32, #tpu.memory_space<vmem>>
        %dma_wait3A_405 = tpu.memref_squeeze %dma_wait3A_404 : memref<1x1x128x64xf32, #tpu.memory_space<vmem>> -> memref<128x64xf32, #tpu.memory_space<vmem>>
        %dma_wait3A_406 = arith.constant 0 : i32
        %dma_wait3A_407 = tpu.memref_slice %arg4[%select_n3A_400, %dma_wait3A_406] : memref<131072x128xf32, #tpu.memory_space<hbm>> -> memref<128x64xf32, #tpu.memory_space<hbm>>
        %dma_wait3A_408 = arith.constant 0 : i32
        %dma_wait3A_409 = tpu.memref_slice %arg4[%select_n3A_400, %dma_wait3A_408] : memref<131072x128xf32, #tpu.memory_space<hbm>> -> memref<128x64xf32, #tpu.memory_space<hbm>>
        %dma_wait3A_410 = arith.constant 0 : i32
        %dma_wait3A_411 = arith.constant 0 : i32
        %dma_wait3A_412 = tpu.memref_slice %arg7[%rem3A_371, %dma_wait3A_401, %dma_wait3A_410, %dma_wait3A_411] : memref<2x2x128x64xf32, #tpu.memory_space<vmem>> -> memref<1x1x128x64xf32, #tpu.memory_space<vmem>>
        %dma_wait3A_413 = tpu.memref_squeeze %dma_wait3A_412 : memref<1x1x128x64xf32, #tpu.memory_space<vmem>> -> memref<128x64xf32, #tpu.memory_space<vmem>>
        tpu.wait_dma2 semaphore(%arg10 : memref<!tpu.dma_semaphore, #tpu.memory_space<semaphore_mem>>) src(%dma_wait3A_413 : memref<128x64xf32, #tpu.memory_space<vmem>>) dst(%dma_wait3A_409 : memref<128x64xf32, #tpu.memory_space<hbm>>)
        %mul3A_414 = arith.constant 8 : i32
        %mul3A_415 = arith.muli %sub3A_369, %mul3A_414 : i32
        %add3A_416 = arith.addi %mul3A_2, %mul3A_415 : i32
        %mul3A_417 = arith.constant 32 : i32
        %mul3A_418 = arith.muli %add3A_416, %mul3A_417 : i32
        %jit3A_419 = arith.constant 2 : i32
        %div3A_420 = arith.divsi %mul3A_418, %jit3A_419 : i32
        %sign3A_421 = arith.constant 0 : i32
        %sign3A_422 = arith.cmpi sgt, %mul3A_418, %sign3A_421 : i32
        %sign3A_423 = arith.extui %sign3A_422 : i1 to i32
        %sign3A_424 = arith.constant 0 : i32
        %sign3A_425 = arith.cmpi slt, %mul3A_418, %sign3A_424 : i32
        %sign3A_426 = arith.extui %sign3A_425 : i1 to i32
        %sign3A_427 = arith.subi %sign3A_423, %sign3A_426 : i32
        %sign3A_428 = arith.constant 0 : i32
        %sign3A_429 = arith.cmpi sgt, %jit3A_419, %sign3A_428 : i32
        %sign3A_430 = arith.extui %sign3A_429 : i1 to i32
        %sign3A_431 = arith.constant 0 : i32
        %sign3A_432 = arith.cmpi slt, %jit3A_419, %sign3A_431 : i32
        %sign3A_433 = arith.extui %sign3A_432 : i1 to i32
        %sign3A_434 = arith.subi %sign3A_430, %sign3A_433 : i32
        %ne3A_435 = arith.cmpi ne, %sign3A_427, %sign3A_434 : i32
        %rem3A_436 = arith.remsi %mul3A_418, %jit3A_419 : i32
        %ne3A_437 = arith.constant 0 : i32
        %ne3A_438 = arith.cmpi ne, %rem3A_436, %ne3A_437 : i32
        %and3A_439 = arith.andi %ne3A_435, %ne3A_438 : i1
        %sub3A_440 = arith.constant 1 : i32
        %sub3A_441 = arith.subi %div3A_420, %sub3A_440 : i32
        %select_n3A_442 = arith.select %and3A_439, %sub3A_441, %div3A_420 : i32
        %dma_wait3A_443 = arith.constant 1 : i32
        %dma_wait3A_444 = arith.constant 0 : i32
        %dma_wait3A_445 = arith.constant 0 : i32
        %dma_wait3A_446 = tpu.memref_slice %arg7[%rem3A_371, %dma_wait3A_443, %dma_wait3A_444, %dma_wait3A_445] : memref<2x2x128x64xf32, #tpu.memory_space<vmem>> -> memref<1x1x128x64xf32, #tpu.memory_space<vmem>>
        %dma_wait3A_447 = tpu.memref_squeeze %dma_wait3A_446 : memref<1x1x128x64xf32, #tpu.memory_space<vmem>> -> memref<128x64xf32, #tpu.memory_space<vmem>>
        %dma_wait3A_448 = arith.constant 64 : i32
        %dma_wait3A_449 = tpu.memref_slice %arg4[%select_n3A_442, %dma_wait3A_448] : memref<131072x128xf32, #tpu.memory_space<hbm>> -> memref<128x64xf32, #tpu.memory_space<hbm>>
        %dma_wait3A_450 = arith.constant 64 : i32
        %dma_wait3A_451 = tpu.memref_slice %arg4[%select_n3A_442, %dma_wait3A_450] : memref<131072x128xf32, #tpu.memory_space<hbm>> -> memref<128x64xf32, #tpu.memory_space<hbm>>
        %dma_wait3A_452 = arith.constant 0 : i32
        %dma_wait3A_453 = arith.constant 0 : i32
        %dma_wait3A_454 = tpu.memref_slice %arg7[%rem3A_371, %dma_wait3A_443, %dma_wait3A_452, %dma_wait3A_453] : memref<2x2x128x64xf32, #tpu.memory_space<vmem>> -> memref<1x1x128x64xf32, #tpu.memory_space<vmem>>
        %dma_wait3A_455 = tpu.memref_squeeze %dma_wait3A_454 : memref<1x1x128x64xf32, #tpu.memory_space<vmem>> -> memref<128x64xf32, #tpu.memory_space<vmem>>
        tpu.wait_dma2 semaphore(%arg10 : memref<!tpu.dma_semaphore, #tpu.memory_space<semaphore_mem>>) src(%dma_wait3A_455 : memref<128x64xf32, #tpu.memory_space<vmem>>) dst(%dma_wait3A_451 : memref<128x64xf32, #tpu.memory_space<hbm>>)
      } else {
      }
      %scan3A_333 = arith.constant 0 : i32
      %scan3A_334 = arith.constant 0 : i32
      %scan3A_335 = arith.constant 8 : i32
      %scan3A_336 = arith.addi %scan3A_334, %scan3A_335 : i32
      %scan3A_337 = arith.constant 1 : i32
      scf.for %scan3A_368 = %scan3A_334 to %scan3A_336 step %scan3A_337  : i32 {
        %rem3A_369 = arith.constant 2 : i32
        %rem3A_370 = arith.remsi %scan3A_303, %rem3A_369 : i32
        %broadcast_in_dim3A = vector.broadcast %rem3A_370 : i32 to vector<16xi32>
        %broadcast_in_dim3A_371 = vector.broadcast %scan3A_368 : i32 to vector<16xi32>
        %broadcast_in_dim3A_372 = arith.constant 0 : i32
        %broadcast_in_dim3A_373 = vector.broadcast %broadcast_in_dim3A_372 : i32 to vector<16xi32>
        %add3A_374 = arith.constant 2048 : i32
        %add3A_375 = vector.broadcast %add3A_374 : i32 to vector<16xi32>
        %add3A_376 = arith.addi %broadcast_in_dim3A_373, %add3A_375 : vector<16xi32>
        %sub3A_377 = arith.constant 1 : i32
        %sub3A_378 = vector.broadcast %sub3A_377 : i32 to vector<16xi32>
        %sub3A_379 = arith.subi %add3A_376, %sub3A_378 : vector<16xi32>
        %shift_right_logical3A = arith.constant 1 : i32
        %shift_right_logical3A_380 = vector.broadcast %shift_right_logical3A : i32 to vector<16xi32>
        %shift_right_logical3A_381 = arith.shrui %sub3A_379, %shift_right_logical3A_380 : vector<16xi32>
        %shift_right_logical3A_382 = arith.constant 7 : i32
        %shift_right_logical3A_383 = vector.broadcast %shift_right_logical3A_382 : i32 to vector<16xi32>
        %shift_right_logical3A_384 = arith.shrui %shift_right_logical3A_381, %shift_right_logical3A_383 : vector<16xi32>
        %and3A_385 = arith.constant 127 : i32
        %and3A_386 = vector.broadcast %and3A_385 : i32 to vector<16xi32>
        %and3A_387 = arith.andi %shift_right_logical3A_381, %and3A_386 : vector<16xi32>
        %gather3A = tpu.vector_load_idx %arg5[%broadcast_in_dim3A, %shift_right_logical3A_384, %broadcast_in_dim3A_371, %and3A_387] : memref<2x16x8x128xi32, #tpu.memory_space<vmem>>[vector<16xi32>, vector<16xi32>, vector<16xi32>, vector<16xi32>], vector<16xi32>,
        %and3A_388 = arith.constant 1 : i32
        %and3A_389 = vector.broadcast %and3A_388 : i32 to vector<16xi32>
        %and3A_390 = arith.andi %sub3A_379, %and3A_389 : vector<16xi32>
        %shift_left3A = arith.constant 4 : i32
        %shift_left3A_391 = vector.broadcast %shift_left3A : i32 to vector<16xi32>
        %shift_left3A_392 = arith.shli %and3A_390, %shift_left3A_391 : vector<16xi32>
        %shift_right_logical3A_393 = arith.shrui %gather3A, %shift_left3A_392 : vector<16xi32>
        %and3A_394 = arith.constant 65535 : i32
        %and3A_395 = vector.broadcast %and3A_394 : i32 to vector<16xi32>
        %and3A_396 = arith.andi %shift_right_logical3A_393, %and3A_395 : vector<16xi32>
        %le3A = arith.cmpi sle, %and3A_396, %mul3A_5 : vector<16xi32>
        %select_n3A_397 = arith.select %le3A, %add3A_376, %broadcast_in_dim3A_373 : vector<16xi1>, vector<16xi32>
        %add3A_398 = arith.constant 1024 : i32
        %add3A_399 = vector.broadcast %add3A_398 : i32 to vector<16xi32>
        %add3A_400 = arith.addi %select_n3A_397, %add3A_399 : vector<16xi32>
        %sub3A_401 = arith.constant 1 : i32
        %sub3A_402 = vector.broadcast %sub3A_401 : i32 to vector<16xi32>
        %sub3A_403 = arith.subi %add3A_400, %sub3A_402 : vector<16xi32>
        %shift_right_logical3A_404 = arith.constant 1 : i32
        %shift_right_logical3A_405 = vector.broadcast %shift_right_logical3A_404 : i32 to vector<16xi32>
        %shift_right_logical3A_406 = arith.shrui %sub3A_403, %shift_right_logical3A_405 : vector<16xi32>
        %shift_right_logical3A_407 = arith.constant 7 : i32
        %shift_right_logical3A_408 = vector.broadcast %shift_right_logical3A_407 : i32 to vector<16xi32>
        %shift_right_logical3A_409 = arith.shrui %shift_right_logical3A_406, %shift_right_logical3A_408 : vector<16xi32>
        %and3A_410 = arith.constant 127 : i32
        %and3A_411 = vector.broadcast %and3A_410 : i32 to vector<16xi32>
        %and3A_412 = arith.andi %shift_right_logical3A_406, %and3A_411 : vector<16xi32>
        %gather3A_413 = tpu.vector_load_idx %arg5[%broadcast_in_dim3A, %shift_right_logical3A_409, %broadcast_in_dim3A_371, %and3A_412] : memref<2x16x8x128xi32, #tpu.memory_space<vmem>>[vector<16xi32>, vector<16xi32>, vector<16xi32>, vector<16xi32>], vector<16xi32>,
        %and3A_414 = arith.constant 1 : i32
        %and3A_415 = vector.broadcast %and3A_414 : i32 to vector<16xi32>
        %and3A_416 = arith.andi %sub3A_403, %and3A_415 : vector<16xi32>
        %shift_left3A_417 = arith.constant 4 : i32
        %shift_left3A_418 = vector.broadcast %shift_left3A_417 : i32 to vector<16xi32>
        %shift_left3A_419 = arith.shli %and3A_416, %shift_left3A_418 : vector<16xi32>
        %shift_right_logical3A_420 = arith.shrui %gather3A_413, %shift_left3A_419 : vector<16xi32>
        %and3A_421 = arith.constant 65535 : i32
        %and3A_422 = vector.broadcast %and3A_421 : i32 to vector<16xi32>
        %and3A_423 = arith.andi %shift_right_logical3A_420, %and3A_422 : vector<16xi32>
        %le3A_424 = arith.cmpi sle, %and3A_423, %mul3A_5 : vector<16xi32>
        %select_n3A_425 = arith.select %le3A_424, %add3A_400, %select_n3A_397 : vector<16xi1>, vector<16xi32>
        %add3A_426 = arith.constant 512 : i32
        %add3A_427 = vector.broadcast %add3A_426 : i32 to vector<16xi32>
        %add3A_428 = arith.addi %select_n3A_425, %add3A_427 : vector<16xi32>
        %sub3A_429 = arith.constant 1 : i32
        %sub3A_430 = vector.broadcast %sub3A_429 : i32 to vector<16xi32>
        %sub3A_431 = arith.subi %add3A_428, %sub3A_430 : vector<16xi32>
        %shift_right_logical3A_432 = arith.constant 1 : i32
        %shift_right_logical3A_433 = vector.broadcast %shift_right_logical3A_432 : i32 to vector<16xi32>
        %shift_right_logical3A_434 = arith.shrui %sub3A_431, %shift_right_logical3A_433 : vector<16xi32>
        %shift_right_logical3A_435 = arith.constant 7 : i32
        %shift_right_logical3A_436 = vector.broadcast %shift_right_logical3A_435 : i32 to vector<16xi32>
        %shift_right_logical3A_437 = arith.shrui %shift_right_logical3A_434, %shift_right_logical3A_436 : vector<16xi32>
        %and3A_438 = arith.constant 127 : i32
        %and3A_439 = vector.broadcast %and3A_438 : i32 to vector<16xi32>
        %and3A_440 = arith.andi %shift_right_logical3A_434, %and3A_439 : vector<16xi32>
        %gather3A_441 = tpu.vector_load_idx %arg5[%broadcast_in_dim3A, %shift_right_logical3A_437, %broadcast_in_dim3A_371, %and3A_440] : memref<2x16x8x128xi32, #tpu.memory_space<vmem>>[vector<16xi32>, vector<16xi32>, vector<16xi32>, vector<16xi32>], vector<16xi32>,
        %and3A_442 = arith.constant 1 : i32
        %and3A_443 = vector.broadcast %and3A_442 : i32 to vector<16xi32>
        %and3A_444 = arith.andi %sub3A_431, %and3A_443 : vector<16xi32>
        %shift_left3A_445 = arith.constant 4 : i32
        %shift_left3A_446 = vector.broadcast %shift_left3A_445 : i32 to vector<16xi32>
        %shift_left3A_447 = arith.shli %and3A_444, %shift_left3A_446 : vector<16xi32>
        %shift_right_logical3A_448 = arith.shrui %gather3A_441, %shift_left3A_447 : vector<16xi32>
        %and3A_449 = arith.constant 65535 : i32
        %and3A_450 = vector.broadcast %and3A_449 : i32 to vector<16xi32>
        %and3A_451 = arith.andi %shift_right_logical3A_448, %and3A_450 : vector<16xi32>
        %le3A_452 = arith.cmpi sle, %and3A_451, %mul3A_5 : vector<16xi32>
        %select_n3A_453 = arith.select %le3A_452, %add3A_428, %select_n3A_425 : vector<16xi1>, vector<16xi32>
        %add3A_454 = arith.constant 256 : i32
        %add3A_455 = vector.broadcast %add3A_454 : i32 to vector<16xi32>
        %add3A_456 = arith.addi %select_n3A_453, %add3A_455 : vector<16xi32>
        %sub3A_457 = arith.constant 1 : i32
        %sub3A_458 = vector.broadcast %sub3A_457 : i32 to vector<16xi32>
        %sub3A_459 = arith.subi %add3A_456, %sub3A_458 : vector<16xi32>
        %shift_right_logical3A_460 = arith.constant 1 : i32
        %shift_right_logical3A_461 = vector.broadcast %shift_right_logical3A_460 : i32 to vector<16xi32>
        %shift_right_logical3A_462 = arith.shrui %sub3A_459, %shift_right_logical3A_461 : vector<16xi32>
        %shift_right_logical3A_463 = arith.constant 7 : i32
        %shift_right_logical3A_464 = vector.broadcast %shift_right_logical3A_463 : i32 to vector<16xi32>
        %shift_right_logical3A_465 = arith.shrui %shift_right_logical3A_462, %shift_right_logical3A_464 : vector<16xi32>
        %and3A_466 = arith.constant 127 : i32
        %and3A_467 = vector.broadcast %and3A_466 : i32 to vector<16xi32>
        %and3A_468 = arith.andi %shift_right_logical3A_462, %and3A_467 : vector<16xi32>
        %gather3A_469 = tpu.vector_load_idx %arg5[%broadcast_in_dim3A, %shift_right_logical3A_465, %broadcast_in_dim3A_371, %and3A_468] : memref<2x16x8x128xi32, #tpu.memory_space<vmem>>[vector<16xi32>, vector<16xi32>, vector<16xi32>, vector<16xi32>], vector<16xi32>,
        %and3A_470 = arith.constant 1 : i32
        %and3A_471 = vector.broadcast %and3A_470 : i32 to vector<16xi32>
        %and3A_472 = arith.andi %sub3A_459, %and3A_471 : vector<16xi32>
        %shift_left3A_473 = arith.constant 4 : i32
        %shift_left3A_474 = vector.broadcast %shift_left3A_473 : i32 to vector<16xi32>
        %shift_left3A_475 = arith.shli %and3A_472, %shift_left3A_474 : vector<16xi32>
        %shift_right_logical3A_476 = arith.shrui %gather3A_469, %shift_left3A_475 : vector<16xi32>
        %and3A_477 = arith.constant 65535 : i32
        %and3A_478 = vector.broadcast %and3A_477 : i32 to vector<16xi32>
        %and3A_479 = arith.andi %shift_right_logical3A_476, %and3A_478 : vector<16xi32>
        %le3A_480 = arith.cmpi sle, %and3A_479, %mul3A_5 : vector<16xi32>
        %select_n3A_481 = arith.select %le3A_480, %add3A_456, %select_n3A_453 : vector<16xi1>, vector<16xi32>
        %add3A_482 = arith.constant 128 : i32
        %add3A_483 = vector.broadcast %add3A_482 : i32 to vector<16xi32>
        %add3A_484 = arith.addi %select_n3A_481, %add3A_483 : vector<16xi32>
        %sub3A_485 = arith.constant 1 : i32
        %sub3A_486 = vector.broadcast %sub3A_485 : i32 to vector<16xi32>
        %sub3A_487 = arith.subi %add3A_484, %sub3A_486 : vector<16xi32>
        %shift_right_logical3A_488 = arith.constant 1 : i32
        %shift_right_logical3A_489 = vector.broadcast %shift_right_logical3A_488 : i32 to vector<16xi32>
        %shift_right_logical3A_490 = arith.shrui %sub3A_487, %shift_right_logical3A_489 : vector<16xi32>
        %shift_right_logical3A_491 = arith.constant 7 : i32
        %shift_right_logical3A_492 = vector.broadcast %shift_right_logical3A_491 : i32 to vector<16xi32>
        %shift_right_logical3A_493 = arith.shrui %shift_right_logical3A_490, %shift_right_logical3A_492 : vector<16xi32>
        %and3A_494 = arith.constant 127 : i32
        %and3A_495 = vector.broadcast %and3A_494 : i32 to vector<16xi32>
        %and3A_496 = arith.andi %shift_right_logical3A_490, %and3A_495 : vector<16xi32>
        %gather3A_497 = tpu.vector_load_idx %arg5[%broadcast_in_dim3A, %shift_right_logical3A_493, %broadcast_in_dim3A_371, %and3A_496] : memref<2x16x8x128xi32, #tpu.memory_space<vmem>>[vector<16xi32>, vector<16xi32>, vector<16xi32>, vector<16xi32>], vector<16xi32>,
        %and3A_498 = arith.constant 1 : i32
        %and3A_499 = vector.broadcast %and3A_498 : i32 to vector<16xi32>
        %and3A_500 = arith.andi %sub3A_487, %and3A_499 : vector<16xi32>
        %shift_left3A_501 = arith.constant 4 : i32
        %shift_left3A_502 = vector.broadcast %shift_left3A_501 : i32 to vector<16xi32>
        %shift_left3A_503 = arith.shli %and3A_500, %shift_left3A_502 : vector<16xi32>
        %shift_right_logical3A_504 = arith.shrui %gather3A_497, %shift_left3A_503 : vector<16xi32>
        %and3A_505 = arith.constant 65535 : i32
        %and3A_506 = vector.broadcast %and3A_505 : i32 to vector<16xi32>
        %and3A_507 = arith.andi %shift_right_logical3A_504, %and3A_506 : vector<16xi32>
        %le3A_508 = arith.cmpi sle, %and3A_507, %mul3A_5 : vector<16xi32>
        %select_n3A_509 = arith.select %le3A_508, %add3A_484, %select_n3A_481 : vector<16xi1>, vector<16xi32>
        %add3A_510 = arith.constant 64 : i32
        %add3A_511 = vector.broadcast %add3A_510 : i32 to vector<16xi32>
        %add3A_512 = arith.addi %select_n3A_509, %add3A_511 : vector<16xi32>
        %sub3A_513 = arith.constant 1 : i32
        %sub3A_514 = vector.broadcast %sub3A_513 : i32 to vector<16xi32>
        %sub3A_515 = arith.subi %add3A_512, %sub3A_514 : vector<16xi32>
        %shift_right_logical3A_516 = arith.constant 1 : i32
        %shift_right_logical3A_517 = vector.broadcast %shift_right_logical3A_516 : i32 to vector<16xi32>
        %shift_right_logical3A_518 = arith.shrui %sub3A_515, %shift_right_logical3A_517 : vector<16xi32>
        %shift_right_logical3A_519 = arith.constant 7 : i32
        %shift_right_logical3A_520 = vector.broadcast %shift_right_logical3A_519 : i32 to vector<16xi32>
        %shift_right_logical3A_521 = arith.shrui %shift_right_logical3A_518, %shift_right_logical3A_520 : vector<16xi32>
        %and3A_522 = arith.constant 127 : i32
        %and3A_523 = vector.broadcast %and3A_522 : i32 to vector<16xi32>
        %and3A_524 = arith.andi %shift_right_logical3A_518, %and3A_523 : vector<16xi32>
        %gather3A_525 = tpu.vector_load_idx %arg5[%broadcast_in_dim3A, %shift_right_logical3A_521, %broadcast_in_dim3A_371, %and3A_524] : memref<2x16x8x128xi32, #tpu.memory_space<vmem>>[vector<16xi32>, vector<16xi32>, vector<16xi32>, vector<16xi32>], vector<16xi32>,
        %and3A_526 = arith.constant 1 : i32
        %and3A_527 = vector.broadcast %and3A_526 : i32 to vector<16xi32>
        %and3A_528 = arith.andi %sub3A_515, %and3A_527 : vector<16xi32>
        %shift_left3A_529 = arith.constant 4 : i32
        %shift_left3A_530 = vector.broadcast %shift_left3A_529 : i32 to vector<16xi32>
        %shift_left3A_531 = arith.shli %and3A_528, %shift_left3A_530 : vector<16xi32>
        %shift_right_logical3A_532 = arith.shrui %gather3A_525, %shift_left3A_531 : vector<16xi32>
        %and3A_533 = arith.constant 65535 : i32
        %and3A_534 = vector.broadcast %and3A_533 : i32 to vector<16xi32>
        %and3A_535 = arith.andi %shift_right_logical3A_532, %and3A_534 : vector<16xi32>
        %le3A_536 = arith.cmpi sle, %and3A_535, %mul3A_5 : vector<16xi32>
        %select_n3A_537 = arith.select %le3A_536, %add3A_512, %select_n3A_509 : vector<16xi1>, vector<16xi32>
        %add3A_538 = arith.constant 32 : i32
        %add3A_539 = vector.broadcast %add3A_538 : i32 to vector<16xi32>
        %add3A_540 = arith.addi %select_n3A_537, %add3A_539 : vector<16xi32>
        %sub3A_541 = arith.constant 1 : i32
        %sub3A_542 = vector.broadcast %sub3A_541 : i32 to vector<16xi32>
        %sub3A_543 = arith.subi %add3A_540, %sub3A_542 : vector<16xi32>
        %shift_right_logical3A_544 = arith.constant 1 : i32
        %shift_right_logical3A_545 = vector.broadcast %shift_right_logical3A_544 : i32 to vector<16xi32>
        %shift_right_logical3A_546 = arith.shrui %sub3A_543, %shift_right_logical3A_545 : vector<16xi32>
        %shift_right_logical3A_547 = arith.constant 7 : i32
        %shift_right_logical3A_548 = vector.broadcast %shift_right_logical3A_547 : i32 to vector<16xi32>
        %shift_right_logical3A_549 = arith.shrui %shift_right_logical3A_546, %shift_right_logical3A_548 : vector<16xi32>
        %and3A_550 = arith.constant 127 : i32
        %and3A_551 = vector.broadcast %and3A_550 : i32 to vector<16xi32>
        %and3A_552 = arith.andi %shift_right_logical3A_546, %and3A_551 : vector<16xi32>
        %gather3A_553 = tpu.vector_load_idx %arg5[%broadcast_in_dim3A, %shift_right_logical3A_549, %broadcast_in_dim3A_371, %and3A_552] : memref<2x16x8x128xi32, #tpu.memory_space<vmem>>[vector<16xi32>, vector<16xi32>, vector<16xi32>, vector<16xi32>], vector<16xi32>,
        %and3A_554 = arith.constant 1 : i32
        %and3A_555 = vector.broadcast %and3A_554 : i32 to vector<16xi32>
        %and3A_556 = arith.andi %sub3A_543, %and3A_555 : vector<16xi32>
        %shift_left3A_557 = arith.constant 4 : i32
        %shift_left3A_558 = vector.broadcast %shift_left3A_557 : i32 to vector<16xi32>
        %shift_left3A_559 = arith.shli %and3A_556, %shift_left3A_558 : vector<16xi32>
        %shift_right_logical3A_560 = arith.shrui %gather3A_553, %shift_left3A_559 : vector<16xi32>
        %and3A_561 = arith.constant 65535 : i32
        %and3A_562 = vector.broadcast %and3A_561 : i32 to vector<16xi32>
        %and3A_563 = arith.andi %shift_right_logical3A_560, %and3A_562 : vector<16xi32>
        %le3A_564 = arith.cmpi sle, %and3A_563, %mul3A_5 : vector<16xi32>
        %select_n3A_565 = arith.select %le3A_564, %add3A_540, %select_n3A_537 : vector<16xi1>, vector<16xi32>
        %add3A_566 = arith.constant 16 : i32
        %add3A_567 = vector.broadcast %add3A_566 : i32 to vector<16xi32>
        %add3A_568 = arith.addi %select_n3A_565, %add3A_567 : vector<16xi32>
        %sub3A_569 = arith.constant 1 : i32
        %sub3A_570 = vector.broadcast %sub3A_569 : i32 to vector<16xi32>
        %sub3A_571 = arith.subi %add3A_568, %sub3A_570 : vector<16xi32>
        %shift_right_logical3A_572 = arith.constant 1 : i32
        %shift_right_logical3A_573 = vector.broadcast %shift_right_logical3A_572 : i32 to vector<16xi32>
        %shift_right_logical3A_574 = arith.shrui %sub3A_571, %shift_right_logical3A_573 : vector<16xi32>
        %shift_right_logical3A_575 = arith.constant 7 : i32
        %shift_right_logical3A_576 = vector.broadcast %shift_right_logical3A_575 : i32 to vector<16xi32>
        %shift_right_logical3A_577 = arith.shrui %shift_right_logical3A_574, %shift_right_logical3A_576 : vector<16xi32>
        %and3A_578 = arith.constant 127 : i32
        %and3A_579 = vector.broadcast %and3A_578 : i32 to vector<16xi32>
        %and3A_580 = arith.andi %shift_right_logical3A_574, %and3A_579 : vector<16xi32>
        %gather3A_581 = tpu.vector_load_idx %arg5[%broadcast_in_dim3A, %shift_right_logical3A_577, %broadcast_in_dim3A_371, %and3A_580] : memref<2x16x8x128xi32, #tpu.memory_space<vmem>>[vector<16xi32>, vector<16xi32>, vector<16xi32>, vector<16xi32>], vector<16xi32>,
        %and3A_582 = arith.constant 1 : i32
        %and3A_583 = vector.broadcast %and3A_582 : i32 to vector<16xi32>
        %and3A_584 = arith.andi %sub3A_571, %and3A_583 : vector<16xi32>
        %shift_left3A_585 = arith.constant 4 : i32
        %shift_left3A_586 = vector.broadcast %shift_left3A_585 : i32 to vector<16xi32>
        %shift_left3A_587 = arith.shli %and3A_584, %shift_left3A_586 : vector<16xi32>
        %shift_right_logical3A_588 = arith.shrui %gather3A_581, %shift_left3A_587 : vector<16xi32>
        %and3A_589 = arith.constant 65535 : i32
        %and3A_590 = vector.broadcast %and3A_589 : i32 to vector<16xi32>
        %and3A_591 = arith.andi %shift_right_logical3A_588, %and3A_590 : vector<16xi32>
        %le3A_592 = arith.cmpi sle, %and3A_591, %mul3A_5 : vector<16xi32>
        %select_n3A_593 = arith.select %le3A_592, %add3A_568, %select_n3A_565 : vector<16xi1>, vector<16xi32>
        %add3A_594 = arith.constant 8 : i32
        %add3A_595 = vector.broadcast %add3A_594 : i32 to vector<16xi32>
        %add3A_596 = arith.addi %select_n3A_593, %add3A_595 : vector<16xi32>
        %sub3A_597 = arith.constant 1 : i32
        %sub3A_598 = vector.broadcast %sub3A_597 : i32 to vector<16xi32>
        %sub3A_599 = arith.subi %add3A_596, %sub3A_598 : vector<16xi32>
        %shift_right_logical3A_600 = arith.constant 1 : i32
        %shift_right_logical3A_601 = vector.broadcast %shift_right_logical3A_600 : i32 to vector<16xi32>
        %shift_right_logical3A_602 = arith.shrui %sub3A_599, %shift_right_logical3A_601 : vector<16xi32>
        %shift_right_logical3A_603 = arith.constant 7 : i32
        %shift_right_logical3A_604 = vector.broadcast %shift_right_logical3A_603 : i32 to vector<16xi32>
        %shift_right_logical3A_605 = arith.shrui %shift_right_logical3A_602, %shift_right_logical3A_604 : vector<16xi32>
        %and3A_606 = arith.constant 127 : i32
        %and3A_607 = vector.broadcast %and3A_606 : i32 to vector<16xi32>
        %and3A_608 = arith.andi %shift_right_logical3A_602, %and3A_607 : vector<16xi32>
        %gather3A_609 = tpu.vector_load_idx %arg5[%broadcast_in_dim3A, %shift_right_logical3A_605, %broadcast_in_dim3A_371, %and3A_608] : memref<2x16x8x128xi32, #tpu.memory_space<vmem>>[vector<16xi32>, vector<16xi32>, vector<16xi32>, vector<16xi32>], vector<16xi32>,
        %and3A_610 = arith.constant 1 : i32
        %and3A_611 = vector.broadcast %and3A_610 : i32 to vector<16xi32>
        %and3A_612 = arith.andi %sub3A_599, %and3A_611 : vector<16xi32>
        %shift_left3A_613 = arith.constant 4 : i32
        %shift_left3A_614 = vector.broadcast %shift_left3A_613 : i32 to vector<16xi32>
        %shift_left3A_615 = arith.shli %and3A_612, %shift_left3A_614 : vector<16xi32>
        %shift_right_logical3A_616 = arith.shrui %gather3A_609, %shift_left3A_615 : vector<16xi32>
        %and3A_617 = arith.constant 65535 : i32
        %and3A_618 = vector.broadcast %and3A_617 : i32 to vector<16xi32>
        %and3A_619 = arith.andi %shift_right_logical3A_616, %and3A_618 : vector<16xi32>
        %le3A_620 = arith.cmpi sle, %and3A_619, %mul3A_5 : vector<16xi32>
        %select_n3A_621 = arith.select %le3A_620, %add3A_596, %select_n3A_593 : vector<16xi1>, vector<16xi32>
        %add3A_622 = arith.constant 4 : i32
        %add3A_623 = vector.broadcast %add3A_622 : i32 to vector<16xi32>
        %add3A_624 = arith.addi %select_n3A_621, %add3A_623 : vector<16xi32>
        %sub3A_625 = arith.constant 1 : i32
        %sub3A_626 = vector.broadcast %sub3A_625 : i32 to vector<16xi32>
        %sub3A_627 = arith.subi %add3A_624, %sub3A_626 : vector<16xi32>
        %shift_right_logical3A_628 = arith.constant 1 : i32
        %shift_right_logical3A_629 = vector.broadcast %shift_right_logical3A_628 : i32 to vector<16xi32>
        %shift_right_logical3A_630 = arith.shrui %sub3A_627, %shift_right_logical3A_629 : vector<16xi32>
        %shift_right_logical3A_631 = arith.constant 7 : i32
        %shift_right_logical3A_632 = vector.broadcast %shift_right_logical3A_631 : i32 to vector<16xi32>
        %shift_right_logical3A_633 = arith.shrui %shift_right_logical3A_630, %shift_right_logical3A_632 : vector<16xi32>
        %and3A_634 = arith.constant 127 : i32
        %and3A_635 = vector.broadcast %and3A_634 : i32 to vector<16xi32>
        %and3A_636 = arith.andi %shift_right_logical3A_630, %and3A_635 : vector<16xi32>
        %gather3A_637 = tpu.vector_load_idx %arg5[%broadcast_in_dim3A, %shift_right_logical3A_633, %broadcast_in_dim3A_371, %and3A_636] : memref<2x16x8x128xi32, #tpu.memory_space<vmem>>[vector<16xi32>, vector<16xi32>, vector<16xi32>, vector<16xi32>], vector<16xi32>,
        %and3A_638 = arith.constant 1 : i32
        %and3A_639 = vector.broadcast %and3A_638 : i32 to vector<16xi32>
        %and3A_640 = arith.andi %sub3A_627, %and3A_639 : vector<16xi32>
        %shift_left3A_641 = arith.constant 4 : i32
        %shift_left3A_642 = vector.broadcast %shift_left3A_641 : i32 to vector<16xi32>
        %shift_left3A_643 = arith.shli %and3A_640, %shift_left3A_642 : vector<16xi32>
        %shift_right_logical3A_644 = arith.shrui %gather3A_637, %shift_left3A_643 : vector<16xi32>
        %and3A_645 = arith.constant 65535 : i32
        %and3A_646 = vector.broadcast %and3A_645 : i32 to vector<16xi32>
        %and3A_647 = arith.andi %shift_right_logical3A_644, %and3A_646 : vector<16xi32>
        %le3A_648 = arith.cmpi sle, %and3A_647, %mul3A_5 : vector<16xi32>
        %select_n3A_649 = arith.select %le3A_648, %add3A_624, %select_n3A_621 : vector<16xi1>, vector<16xi32>
        %add3A_650 = arith.constant 2 : i32
        %add3A_651 = vector.broadcast %add3A_650 : i32 to vector<16xi32>
        %add3A_652 = arith.addi %select_n3A_649, %add3A_651 : vector<16xi32>
        %sub3A_653 = arith.constant 1 : i32
        %sub3A_654 = vector.broadcast %sub3A_653 : i32 to vector<16xi32>
        %sub3A_655 = arith.subi %add3A_652, %sub3A_654 : vector<16xi32>
        %shift_right_logical3A_656 = arith.constant 1 : i32
        %shift_right_logical3A_657 = vector.broadcast %shift_right_logical3A_656 : i32 to vector<16xi32>
        %shift_right_logical3A_658 = arith.shrui %sub3A_655, %shift_right_logical3A_657 : vector<16xi32>
        %shift_right_logical3A_659 = arith.constant 7 : i32
        %shift_right_logical3A_660 = vector.broadcast %shift_right_logical3A_659 : i32 to vector<16xi32>
        %shift_right_logical3A_661 = arith.shrui %shift_right_logical3A_658, %shift_right_logical3A_660 : vector<16xi32>
        %and3A_662 = arith.constant 127 : i32
        %and3A_663 = vector.broadcast %and3A_662 : i32 to vector<16xi32>
        %and3A_664 = arith.andi %shift_right_logical3A_658, %and3A_663 : vector<16xi32>
        %gather3A_665 = tpu.vector_load_idx %arg5[%broadcast_in_dim3A, %shift_right_logical3A_661, %broadcast_in_dim3A_371, %and3A_664] : memref<2x16x8x128xi32, #tpu.memory_space<vmem>>[vector<16xi32>, vector<16xi32>, vector<16xi32>, vector<16xi32>], vector<16xi32>,
        %and3A_666 = arith.constant 1 : i32
        %and3A_667 = vector.broadcast %and3A_666 : i32 to vector<16xi32>
        %and3A_668 = arith.andi %sub3A_655, %and3A_667 : vector<16xi32>
        %shift_left3A_669 = arith.constant 4 : i32
        %shift_left3A_670 = vector.broadcast %shift_left3A_669 : i32 to vector<16xi32>
        %shift_left3A_671 = arith.shli %and3A_668, %shift_left3A_670 : vector<16xi32>
        %shift_right_logical3A_672 = arith.shrui %gather3A_665, %shift_left3A_671 : vector<16xi32>
        %and3A_673 = arith.constant 65535 : i32
        %and3A_674 = vector.broadcast %and3A_673 : i32 to vector<16xi32>
        %and3A_675 = arith.andi %shift_right_logical3A_672, %and3A_674 : vector<16xi32>
        %le3A_676 = arith.cmpi sle, %and3A_675, %mul3A_5 : vector<16xi32>
        %select_n3A_677 = arith.select %le3A_676, %add3A_652, %select_n3A_649 : vector<16xi1>, vector<16xi32>
        %add3A_678 = arith.constant 1 : i32
        %add3A_679 = vector.broadcast %add3A_678 : i32 to vector<16xi32>
        %add3A_680 = arith.addi %select_n3A_677, %add3A_679 : vector<16xi32>
        %sub3A_681 = arith.constant 1 : i32
        %sub3A_682 = vector.broadcast %sub3A_681 : i32 to vector<16xi32>
        %sub3A_683 = arith.subi %add3A_680, %sub3A_682 : vector<16xi32>
        %shift_right_logical3A_684 = arith.constant 1 : i32
        %shift_right_logical3A_685 = vector.broadcast %shift_right_logical3A_684 : i32 to vector<16xi32>
        %shift_right_logical3A_686 = arith.shrui %sub3A_683, %shift_right_logical3A_685 : vector<16xi32>
        %shift_right_logical3A_687 = arith.constant 7 : i32
        %shift_right_logical3A_688 = vector.broadcast %shift_right_logical3A_687 : i32 to vector<16xi32>
        %shift_right_logical3A_689 = arith.shrui %shift_right_logical3A_686, %shift_right_logical3A_688 : vector<16xi32>
        %and3A_690 = arith.constant 127 : i32
        %and3A_691 = vector.broadcast %and3A_690 : i32 to vector<16xi32>
        %and3A_692 = arith.andi %shift_right_logical3A_686, %and3A_691 : vector<16xi32>
        %gather3A_693 = tpu.vector_load_idx %arg5[%broadcast_in_dim3A, %shift_right_logical3A_689, %broadcast_in_dim3A_371, %and3A_692] : memref<2x16x8x128xi32, #tpu.memory_space<vmem>>[vector<16xi32>, vector<16xi32>, vector<16xi32>, vector<16xi32>], vector<16xi32>,
        %and3A_694 = arith.constant 1 : i32
        %and3A_695 = vector.broadcast %and3A_694 : i32 to vector<16xi32>
        %and3A_696 = arith.andi %sub3A_683, %and3A_695 : vector<16xi32>
        %shift_left3A_697 = arith.constant 4 : i32
        %shift_left3A_698 = vector.broadcast %shift_left3A_697 : i32 to vector<16xi32>
        %shift_left3A_699 = arith.shli %and3A_696, %shift_left3A_698 : vector<16xi32>
        %shift_right_logical3A_700 = arith.shrui %gather3A_693, %shift_left3A_699 : vector<16xi32>
        %and3A_701 = arith.constant 65535 : i32
        %and3A_702 = vector.broadcast %and3A_701 : i32 to vector<16xi32>
        %and3A_703 = arith.andi %shift_right_logical3A_700, %and3A_702 : vector<16xi32>
        %le3A_704 = arith.cmpi sle, %and3A_703, %mul3A_5 : vector<16xi32>
        %select_n3A_705 = arith.select %le3A_704, %add3A_680, %select_n3A_677 : vector<16xi1>, vector<16xi32>
        %broadcast_in_dim3A_706 = arith.constant 0 : i32
        %broadcast_in_dim3A_707 = vector.broadcast %broadcast_in_dim3A_706 : i32 to vector<16xi32>
        %add3A_708 = arith.constant 2048 : i32
        %add3A_709 = vector.broadcast %add3A_708 : i32 to vector<16xi32>
        %add3A_710 = arith.addi %broadcast_in_dim3A_707, %add3A_709 : vector<16xi32>
        %sub3A_711 = arith.constant 1 : i32
        %sub3A_712 = vector.broadcast %sub3A_711 : i32 to vector<16xi32>
        %sub3A_713 = arith.subi %add3A_710, %sub3A_712 : vector<16xi32>
        %shift_right_logical3A_714 = arith.constant 1 : i32
        %shift_right_logical3A_715 = vector.broadcast %shift_right_logical3A_714 : i32 to vector<16xi32>
        %shift_right_logical3A_716 = arith.shrui %sub3A_713, %shift_right_logical3A_715 : vector<16xi32>
        %shift_right_logical3A_717 = arith.constant 7 : i32
        %shift_right_logical3A_718 = vector.broadcast %shift_right_logical3A_717 : i32 to vector<16xi32>
        %shift_right_logical3A_719 = arith.shrui %shift_right_logical3A_716, %shift_right_logical3A_718 : vector<16xi32>
        %and3A_720 = arith.constant 127 : i32
        %and3A_721 = vector.broadcast %and3A_720 : i32 to vector<16xi32>
        %and3A_722 = arith.andi %shift_right_logical3A_716, %and3A_721 : vector<16xi32>
        %gather3A_723 = tpu.vector_load_idx %arg5[%broadcast_in_dim3A, %shift_right_logical3A_719, %broadcast_in_dim3A_371, %and3A_722] : memref<2x16x8x128xi32, #tpu.memory_space<vmem>>[vector<16xi32>, vector<16xi32>, vector<16xi32>, vector<16xi32>], vector<16xi32>,
        %and3A_724 = arith.constant 1 : i32
        %and3A_725 = vector.broadcast %and3A_724 : i32 to vector<16xi32>
        %and3A_726 = arith.andi %sub3A_713, %and3A_725 : vector<16xi32>
        %shift_left3A_727 = arith.constant 4 : i32
        %shift_left3A_728 = vector.broadcast %shift_left3A_727 : i32 to vector<16xi32>
        %shift_left3A_729 = arith.shli %and3A_726, %shift_left3A_728 : vector<16xi32>
        %shift_right_logical3A_730 = arith.shrui %gather3A_723, %shift_left3A_729 : vector<16xi32>
        %and3A_731 = arith.constant 65535 : i32
        %and3A_732 = vector.broadcast %and3A_731 : i32 to vector<16xi32>
        %and3A_733 = arith.andi %shift_right_logical3A_730, %and3A_732 : vector<16xi32>
        %le3A_734 = arith.cmpi sle, %and3A_733, %add3A_11 : vector<16xi32>
        %select_n3A_735 = arith.select %le3A_734, %add3A_710, %broadcast_in_dim3A_707 : vector<16xi1>, vector<16xi32>
        %add3A_736 = arith.constant 1024 : i32
        %add3A_737 = vector.broadcast %add3A_736 : i32 to vector<16xi32>
        %add3A_738 = arith.addi %select_n3A_735, %add3A_737 : vector<16xi32>
        %sub3A_739 = arith.constant 1 : i32
        %sub3A_740 = vector.broadcast %sub3A_739 : i32 to vector<16xi32>
        %sub3A_741 = arith.subi %add3A_738, %sub3A_740 : vector<16xi32>
        %shift_right_logical3A_742 = arith.constant 1 : i32
        %shift_right_logical3A_743 = vector.broadcast %shift_right_logical3A_742 : i32 to vector<16xi32>
        %shift_right_logical3A_744 = arith.shrui %sub3A_741, %shift_right_logical3A_743 : vector<16xi32>
        %shift_right_logical3A_745 = arith.constant 7 : i32
        %shift_right_logical3A_746 = vector.broadcast %shift_right_logical3A_745 : i32 to vector<16xi32>
        %shift_right_logical3A_747 = arith.shrui %shift_right_logical3A_744, %shift_right_logical3A_746 : vector<16xi32>
        %and3A_748 = arith.constant 127 : i32
        %and3A_749 = vector.broadcast %and3A_748 : i32 to vector<16xi32>
        %and3A_750 = arith.andi %shift_right_logical3A_744, %and3A_749 : vector<16xi32>
        %gather3A_751 = tpu.vector_load_idx %arg5[%broadcast_in_dim3A, %shift_right_logical3A_747, %broadcast_in_dim3A_371, %and3A_750] : memref<2x16x8x128xi32, #tpu.memory_space<vmem>>[vector<16xi32>, vector<16xi32>, vector<16xi32>, vector<16xi32>], vector<16xi32>,
        %and3A_752 = arith.constant 1 : i32
        %and3A_753 = vector.broadcast %and3A_752 : i32 to vector<16xi32>
        %and3A_754 = arith.andi %sub3A_741, %and3A_753 : vector<16xi32>
        %shift_left3A_755 = arith.constant 4 : i32
        %shift_left3A_756 = vector.broadcast %shift_left3A_755 : i32 to vector<16xi32>
        %shift_left3A_757 = arith.shli %and3A_754, %shift_left3A_756 : vector<16xi32>
        %shift_right_logical3A_758 = arith.shrui %gather3A_751, %shift_left3A_757 : vector<16xi32>
        %and3A_759 = arith.constant 65535 : i32
        %and3A_760 = vector.broadcast %and3A_759 : i32 to vector<16xi32>
        %and3A_761 = arith.andi %shift_right_logical3A_758, %and3A_760 : vector<16xi32>
        %le3A_762 = arith.cmpi sle, %and3A_761, %add3A_11 : vector<16xi32>
        %select_n3A_763 = arith.select %le3A_762, %add3A_738, %select_n3A_735 : vector<16xi1>, vector<16xi32>
        %add3A_764 = arith.constant 512 : i32
        %add3A_765 = vector.broadcast %add3A_764 : i32 to vector<16xi32>
        %add3A_766 = arith.addi %select_n3A_763, %add3A_765 : vector<16xi32>
        %sub3A_767 = arith.constant 1 : i32
        %sub3A_768 = vector.broadcast %sub3A_767 : i32 to vector<16xi32>
        %sub3A_769 = arith.subi %add3A_766, %sub3A_768 : vector<16xi32>
        %shift_right_logical3A_770 = arith.constant 1 : i32
        %shift_right_logical3A_771 = vector.broadcast %shift_right_logical3A_770 : i32 to vector<16xi32>
        %shift_right_logical3A_772 = arith.shrui %sub3A_769, %shift_right_logical3A_771 : vector<16xi32>
        %shift_right_logical3A_773 = arith.constant 7 : i32
        %shift_right_logical3A_774 = vector.broadcast %shift_right_logical3A_773 : i32 to vector<16xi32>
        %shift_right_logical3A_775 = arith.shrui %shift_right_logical3A_772, %shift_right_logical3A_774 : vector<16xi32>
        %and3A_776 = arith.constant 127 : i32
        %and3A_777 = vector.broadcast %and3A_776 : i32 to vector<16xi32>
        %and3A_778 = arith.andi %shift_right_logical3A_772, %and3A_777 : vector<16xi32>
        %gather3A_779 = tpu.vector_load_idx %arg5[%broadcast_in_dim3A, %shift_right_logical3A_775, %broadcast_in_dim3A_371, %and3A_778] : memref<2x16x8x128xi32, #tpu.memory_space<vmem>>[vector<16xi32>, vector<16xi32>, vector<16xi32>, vector<16xi32>], vector<16xi32>,
        %and3A_780 = arith.constant 1 : i32
        %and3A_781 = vector.broadcast %and3A_780 : i32 to vector<16xi32>
        %and3A_782 = arith.andi %sub3A_769, %and3A_781 : vector<16xi32>
        %shift_left3A_783 = arith.constant 4 : i32
        %shift_left3A_784 = vector.broadcast %shift_left3A_783 : i32 to vector<16xi32>
        %shift_left3A_785 = arith.shli %and3A_782, %shift_left3A_784 : vector<16xi32>
        %shift_right_logical3A_786 = arith.shrui %gather3A_779, %shift_left3A_785 : vector<16xi32>
        %and3A_787 = arith.constant 65535 : i32
        %and3A_788 = vector.broadcast %and3A_787 : i32 to vector<16xi32>
        %and3A_789 = arith.andi %shift_right_logical3A_786, %and3A_788 : vector<16xi32>
        %le3A_790 = arith.cmpi sle, %and3A_789, %add3A_11 : vector<16xi32>
        %select_n3A_791 = arith.select %le3A_790, %add3A_766, %select_n3A_763 : vector<16xi1>, vector<16xi32>
        %add3A_792 = arith.constant 256 : i32
        %add3A_793 = vector.broadcast %add3A_792 : i32 to vector<16xi32>
        %add3A_794 = arith.addi %select_n3A_791, %add3A_793 : vector<16xi32>
        %sub3A_795 = arith.constant 1 : i32
        %sub3A_796 = vector.broadcast %sub3A_795 : i32 to vector<16xi32>
        %sub3A_797 = arith.subi %add3A_794, %sub3A_796 : vector<16xi32>
        %shift_right_logical3A_798 = arith.constant 1 : i32
        %shift_right_logical3A_799 = vector.broadcast %shift_right_logical3A_798 : i32 to vector<16xi32>
        %shift_right_logical3A_800 = arith.shrui %sub3A_797, %shift_right_logical3A_799 : vector<16xi32>
        %shift_right_logical3A_801 = arith.constant 7 : i32
        %shift_right_logical3A_802 = vector.broadcast %shift_right_logical3A_801 : i32 to vector<16xi32>
        %shift_right_logical3A_803 = arith.shrui %shift_right_logical3A_800, %shift_right_logical3A_802 : vector<16xi32>
        %and3A_804 = arith.constant 127 : i32
        %and3A_805 = vector.broadcast %and3A_804 : i32 to vector<16xi32>
        %and3A_806 = arith.andi %shift_right_logical3A_800, %and3A_805 : vector<16xi32>
        %gather3A_807 = tpu.vector_load_idx %arg5[%broadcast_in_dim3A, %shift_right_logical3A_803, %broadcast_in_dim3A_371, %and3A_806] : memref<2x16x8x128xi32, #tpu.memory_space<vmem>>[vector<16xi32>, vector<16xi32>, vector<16xi32>, vector<16xi32>], vector<16xi32>,
        %and3A_808 = arith.constant 1 : i32
        %and3A_809 = vector.broadcast %and3A_808 : i32 to vector<16xi32>
        %and3A_810 = arith.andi %sub3A_797, %and3A_809 : vector<16xi32>
        %shift_left3A_811 = arith.constant 4 : i32
        %shift_left3A_812 = vector.broadcast %shift_left3A_811 : i32 to vector<16xi32>
        %shift_left3A_813 = arith.shli %and3A_810, %shift_left3A_812 : vector<16xi32>
        %shift_right_logical3A_814 = arith.shrui %gather3A_807, %shift_left3A_813 : vector<16xi32>
        %and3A_815 = arith.constant 65535 : i32
        %and3A_816 = vector.broadcast %and3A_815 : i32 to vector<16xi32>
        %and3A_817 = arith.andi %shift_right_logical3A_814, %and3A_816 : vector<16xi32>
        %le3A_818 = arith.cmpi sle, %and3A_817, %add3A_11 : vector<16xi32>
        %select_n3A_819 = arith.select %le3A_818, %add3A_794, %select_n3A_791 : vector<16xi1>, vector<16xi32>
        %add3A_820 = arith.constant 128 : i32
        %add3A_821 = vector.broadcast %add3A_820 : i32 to vector<16xi32>
        %add3A_822 = arith.addi %select_n3A_819, %add3A_821 : vector<16xi32>
        %sub3A_823 = arith.constant 1 : i32
        %sub3A_824 = vector.broadcast %sub3A_823 : i32 to vector<16xi32>
        %sub3A_825 = arith.subi %add3A_822, %sub3A_824 : vector<16xi32>
        %shift_right_logical3A_826 = arith.constant 1 : i32
        %shift_right_logical3A_827 = vector.broadcast %shift_right_logical3A_826 : i32 to vector<16xi32>
        %shift_right_logical3A_828 = arith.shrui %sub3A_825, %shift_right_logical3A_827 : vector<16xi32>
        %shift_right_logical3A_829 = arith.constant 7 : i32
        %shift_right_logical3A_830 = vector.broadcast %shift_right_logical3A_829 : i32 to vector<16xi32>
        %shift_right_logical3A_831 = arith.shrui %shift_right_logical3A_828, %shift_right_logical3A_830 : vector<16xi32>
        %and3A_832 = arith.constant 127 : i32
        %and3A_833 = vector.broadcast %and3A_832 : i32 to vector<16xi32>
        %and3A_834 = arith.andi %shift_right_logical3A_828, %and3A_833 : vector<16xi32>
        %gather3A_835 = tpu.vector_load_idx %arg5[%broadcast_in_dim3A, %shift_right_logical3A_831, %broadcast_in_dim3A_371, %and3A_834] : memref<2x16x8x128xi32, #tpu.memory_space<vmem>>[vector<16xi32>, vector<16xi32>, vector<16xi32>, vector<16xi32>], vector<16xi32>,
        %and3A_836 = arith.constant 1 : i32
        %and3A_837 = vector.broadcast %and3A_836 : i32 to vector<16xi32>
        %and3A_838 = arith.andi %sub3A_825, %and3A_837 : vector<16xi32>
        %shift_left3A_839 = arith.constant 4 : i32
        %shift_left3A_840 = vector.broadcast %shift_left3A_839 : i32 to vector<16xi32>
        %shift_left3A_841 = arith.shli %and3A_838, %shift_left3A_840 : vector<16xi32>
        %shift_right_logical3A_842 = arith.shrui %gather3A_835, %shift_left3A_841 : vector<16xi32>
        %and3A_843 = arith.constant 65535 : i32
        %and3A_844 = vector.broadcast %and3A_843 : i32 to vector<16xi32>
        %and3A_845 = arith.andi %shift_right_logical3A_842, %and3A_844 : vector<16xi32>
        %le3A_846 = arith.cmpi sle, %and3A_845, %add3A_11 : vector<16xi32>
        %select_n3A_847 = arith.select %le3A_846, %add3A_822, %select_n3A_819 : vector<16xi1>, vector<16xi32>
        %add3A_848 = arith.constant 64 : i32
        %add3A_849 = vector.broadcast %add3A_848 : i32 to vector<16xi32>
        %add3A_850 = arith.addi %select_n3A_847, %add3A_849 : vector<16xi32>
        %sub3A_851 = arith.constant 1 : i32
        %sub3A_852 = vector.broadcast %sub3A_851 : i32 to vector<16xi32>
        %sub3A_853 = arith.subi %add3A_850, %sub3A_852 : vector<16xi32>
        %shift_right_logical3A_854 = arith.constant 1 : i32
        %shift_right_logical3A_855 = vector.broadcast %shift_right_logical3A_854 : i32 to vector<16xi32>
        %shift_right_logical3A_856 = arith.shrui %sub3A_853, %shift_right_logical3A_855 : vector<16xi32>
        %shift_right_logical3A_857 = arith.constant 7 : i32
        %shift_right_logical3A_858 = vector.broadcast %shift_right_logical3A_857 : i32 to vector<16xi32>
        %shift_right_logical3A_859 = arith.shrui %shift_right_logical3A_856, %shift_right_logical3A_858 : vector<16xi32>
        %and3A_860 = arith.constant 127 : i32
        %and3A_861 = vector.broadcast %and3A_860 : i32 to vector<16xi32>
        %and3A_862 = arith.andi %shift_right_logical3A_856, %and3A_861 : vector<16xi32>
        %gather3A_863 = tpu.vector_load_idx %arg5[%broadcast_in_dim3A, %shift_right_logical3A_859, %broadcast_in_dim3A_371, %and3A_862] : memref<2x16x8x128xi32, #tpu.memory_space<vmem>>[vector<16xi32>, vector<16xi32>, vector<16xi32>, vector<16xi32>], vector<16xi32>,
        %and3A_864 = arith.constant 1 : i32
        %and3A_865 = vector.broadcast %and3A_864 : i32 to vector<16xi32>
        %and3A_866 = arith.andi %sub3A_853, %and3A_865 : vector<16xi32>
        %shift_left3A_867 = arith.constant 4 : i32
        %shift_left3A_868 = vector.broadcast %shift_left3A_867 : i32 to vector<16xi32>
        %shift_left3A_869 = arith.shli %and3A_866, %shift_left3A_868 : vector<16xi32>
        %shift_right_logical3A_870 = arith.shrui %gather3A_863, %shift_left3A_869 : vector<16xi32>
        %and3A_871 = arith.constant 65535 : i32
        %and3A_872 = vector.broadcast %and3A_871 : i32 to vector<16xi32>
        %and3A_873 = arith.andi %shift_right_logical3A_870, %and3A_872 : vector<16xi32>
        %le3A_874 = arith.cmpi sle, %and3A_873, %add3A_11 : vector<16xi32>
        %select_n3A_875 = arith.select %le3A_874, %add3A_850, %select_n3A_847 : vector<16xi1>, vector<16xi32>
        %add3A_876 = arith.constant 32 : i32
        %add3A_877 = vector.broadcast %add3A_876 : i32 to vector<16xi32>
        %add3A_878 = arith.addi %select_n3A_875, %add3A_877 : vector<16xi32>
        %sub3A_879 = arith.constant 1 : i32
        %sub3A_880 = vector.broadcast %sub3A_879 : i32 to vector<16xi32>
        %sub3A_881 = arith.subi %add3A_878, %sub3A_880 : vector<16xi32>
        %shift_right_logical3A_882 = arith.constant 1 : i32
        %shift_right_logical3A_883 = vector.broadcast %shift_right_logical3A_882 : i32 to vector<16xi32>
        %shift_right_logical3A_884 = arith.shrui %sub3A_881, %shift_right_logical3A_883 : vector<16xi32>
        %shift_right_logical3A_885 = arith.constant 7 : i32
        %shift_right_logical3A_886 = vector.broadcast %shift_right_logical3A_885 : i32 to vector<16xi32>
        %shift_right_logical3A_887 = arith.shrui %shift_right_logical3A_884, %shift_right_logical3A_886 : vector<16xi32>
        %and3A_888 = arith.constant 127 : i32
        %and3A_889 = vector.broadcast %and3A_888 : i32 to vector<16xi32>
        %and3A_890 = arith.andi %shift_right_logical3A_884, %and3A_889 : vector<16xi32>
        %gather3A_891 = tpu.vector_load_idx %arg5[%broadcast_in_dim3A, %shift_right_logical3A_887, %broadcast_in_dim3A_371, %and3A_890] : memref<2x16x8x128xi32, #tpu.memory_space<vmem>>[vector<16xi32>, vector<16xi32>, vector<16xi32>, vector<16xi32>], vector<16xi32>,
        %and3A_892 = arith.constant 1 : i32
        %and3A_893 = vector.broadcast %and3A_892 : i32 to vector<16xi32>
        %and3A_894 = arith.andi %sub3A_881, %and3A_893 : vector<16xi32>
        %shift_left3A_895 = arith.constant 4 : i32
        %shift_left3A_896 = vector.broadcast %shift_left3A_895 : i32 to vector<16xi32>
        %shift_left3A_897 = arith.shli %and3A_894, %shift_left3A_896 : vector<16xi32>
        %shift_right_logical3A_898 = arith.shrui %gather3A_891, %shift_left3A_897 : vector<16xi32>
        %and3A_899 = arith.constant 65535 : i32
        %and3A_900 = vector.broadcast %and3A_899 : i32 to vector<16xi32>
        %and3A_901 = arith.andi %shift_right_logical3A_898, %and3A_900 : vector<16xi32>
        %le3A_902 = arith.cmpi sle, %and3A_901, %add3A_11 : vector<16xi32>
        %select_n3A_903 = arith.select %le3A_902, %add3A_878, %select_n3A_875 : vector<16xi1>, vector<16xi32>
        %add3A_904 = arith.constant 16 : i32
        %add3A_905 = vector.broadcast %add3A_904 : i32 to vector<16xi32>
        %add3A_906 = arith.addi %select_n3A_903, %add3A_905 : vector<16xi32>
        %sub3A_907 = arith.constant 1 : i32
        %sub3A_908 = vector.broadcast %sub3A_907 : i32 to vector<16xi32>
        %sub3A_909 = arith.subi %add3A_906, %sub3A_908 : vector<16xi32>
        %shift_right_logical3A_910 = arith.constant 1 : i32
        %shift_right_logical3A_911 = vector.broadcast %shift_right_logical3A_910 : i32 to vector<16xi32>
        %shift_right_logical3A_912 = arith.shrui %sub3A_909, %shift_right_logical3A_911 : vector<16xi32>
        %shift_right_logical3A_913 = arith.constant 7 : i32
        %shift_right_logical3A_914 = vector.broadcast %shift_right_logical3A_913 : i32 to vector<16xi32>
        %shift_right_logical3A_915 = arith.shrui %shift_right_logical3A_912, %shift_right_logical3A_914 : vector<16xi32>
        %and3A_916 = arith.constant 127 : i32
        %and3A_917 = vector.broadcast %and3A_916 : i32 to vector<16xi32>
        %and3A_918 = arith.andi %shift_right_logical3A_912, %and3A_917 : vector<16xi32>
        %gather3A_919 = tpu.vector_load_idx %arg5[%broadcast_in_dim3A, %shift_right_logical3A_915, %broadcast_in_dim3A_371, %and3A_918] : memref<2x16x8x128xi32, #tpu.memory_space<vmem>>[vector<16xi32>, vector<16xi32>, vector<16xi32>, vector<16xi32>], vector<16xi32>,
        %and3A_920 = arith.constant 1 : i32
        %and3A_921 = vector.broadcast %and3A_920 : i32 to vector<16xi32>
        %and3A_922 = arith.andi %sub3A_909, %and3A_921 : vector<16xi32>
        %shift_left3A_923 = arith.constant 4 : i32
        %shift_left3A_924 = vector.broadcast %shift_left3A_923 : i32 to vector<16xi32>
        %shift_left3A_925 = arith.shli %and3A_922, %shift_left3A_924 : vector<16xi32>
        %shift_right_logical3A_926 = arith.shrui %gather3A_919, %shift_left3A_925 : vector<16xi32>
        %and3A_927 = arith.constant 65535 : i32
        %and3A_928 = vector.broadcast %and3A_927 : i32 to vector<16xi32>
        %and3A_929 = arith.andi %shift_right_logical3A_926, %and3A_928 : vector<16xi32>
        %le3A_930 = arith.cmpi sle, %and3A_929, %add3A_11 : vector<16xi32>
        %select_n3A_931 = arith.select %le3A_930, %add3A_906, %select_n3A_903 : vector<16xi1>, vector<16xi32>
        %add3A_932 = arith.constant 8 : i32
        %add3A_933 = vector.broadcast %add3A_932 : i32 to vector<16xi32>
        %add3A_934 = arith.addi %select_n3A_931, %add3A_933 : vector<16xi32>
        %sub3A_935 = arith.constant 1 : i32
        %sub3A_936 = vector.broadcast %sub3A_935 : i32 to vector<16xi32>
        %sub3A_937 = arith.subi %add3A_934, %sub3A_936 : vector<16xi32>
        %shift_right_logical3A_938 = arith.constant 1 : i32
        %shift_right_logical3A_939 = vector.broadcast %shift_right_logical3A_938 : i32 to vector<16xi32>
        %shift_right_logical3A_940 = arith.shrui %sub3A_937, %shift_right_logical3A_939 : vector<16xi32>
        %shift_right_logical3A_941 = arith.constant 7 : i32
        %shift_right_logical3A_942 = vector.broadcast %shift_right_logical3A_941 : i32 to vector<16xi32>
        %shift_right_logical3A_943 = arith.shrui %shift_right_logical3A_940, %shift_right_logical3A_942 : vector<16xi32>
        %and3A_944 = arith.constant 127 : i32
        %and3A_945 = vector.broadcast %and3A_944 : i32 to vector<16xi32>
        %and3A_946 = arith.andi %shift_right_logical3A_940, %and3A_945 : vector<16xi32>
        %gather3A_947 = tpu.vector_load_idx %arg5[%broadcast_in_dim3A, %shift_right_logical3A_943, %broadcast_in_dim3A_371, %and3A_946] : memref<2x16x8x128xi32, #tpu.memory_space<vmem>>[vector<16xi32>, vector<16xi32>, vector<16xi32>, vector<16xi32>], vector<16xi32>,
        %and3A_948 = arith.constant 1 : i32
        %and3A_949 = vector.broadcast %and3A_948 : i32 to vector<16xi32>
        %and3A_950 = arith.andi %sub3A_937, %and3A_949 : vector<16xi32>
        %shift_left3A_951 = arith.constant 4 : i32
        %shift_left3A_952 = vector.broadcast %shift_left3A_951 : i32 to vector<16xi32>
        %shift_left3A_953 = arith.shli %and3A_950, %shift_left3A_952 : vector<16xi32>
        %shift_right_logical3A_954 = arith.shrui %gather3A_947, %shift_left3A_953 : vector<16xi32>
        %and3A_955 = arith.constant 65535 : i32
        %and3A_956 = vector.broadcast %and3A_955 : i32 to vector<16xi32>
        %and3A_957 = arith.andi %shift_right_logical3A_954, %and3A_956 : vector<16xi32>
        %le3A_958 = arith.cmpi sle, %and3A_957, %add3A_11 : vector<16xi32>
        %select_n3A_959 = arith.select %le3A_958, %add3A_934, %select_n3A_931 : vector<16xi1>, vector<16xi32>
        %add3A_960 = arith.constant 4 : i32
        %add3A_961 = vector.broadcast %add3A_960 : i32 to vector<16xi32>
        %add3A_962 = arith.addi %select_n3A_959, %add3A_961 : vector<16xi32>
        %sub3A_963 = arith.constant 1 : i32
        %sub3A_964 = vector.broadcast %sub3A_963 : i32 to vector<16xi32>
        %sub3A_965 = arith.subi %add3A_962, %sub3A_964 : vector<16xi32>
        %shift_right_logical3A_966 = arith.constant 1 : i32
        %shift_right_logical3A_967 = vector.broadcast %shift_right_logical3A_966 : i32 to vector<16xi32>
        %shift_right_logical3A_968 = arith.shrui %sub3A_965, %shift_right_logical3A_967 : vector<16xi32>
        %shift_right_logical3A_969 = arith.constant 7 : i32
        %shift_right_logical3A_970 = vector.broadcast %shift_right_logical3A_969 : i32 to vector<16xi32>
        %shift_right_logical3A_971 = arith.shrui %shift_right_logical3A_968, %shift_right_logical3A_970 : vector<16xi32>
        %and3A_972 = arith.constant 127 : i32
        %and3A_973 = vector.broadcast %and3A_972 : i32 to vector<16xi32>
        %and3A_974 = arith.andi %shift_right_logical3A_968, %and3A_973 : vector<16xi32>
        %gather3A_975 = tpu.vector_load_idx %arg5[%broadcast_in_dim3A, %shift_right_logical3A_971, %broadcast_in_dim3A_371, %and3A_974] : memref<2x16x8x128xi32, #tpu.memory_space<vmem>>[vector<16xi32>, vector<16xi32>, vector<16xi32>, vector<16xi32>], vector<16xi32>,
        %and3A_976 = arith.constant 1 : i32
        %and3A_977 = vector.broadcast %and3A_976 : i32 to vector<16xi32>
        %and3A_978 = arith.andi %sub3A_965, %and3A_977 : vector<16xi32>
        %shift_left3A_979 = arith.constant 4 : i32
        %shift_left3A_980 = vector.broadcast %shift_left3A_979 : i32 to vector<16xi32>
        %shift_left3A_981 = arith.shli %and3A_978, %shift_left3A_980 : vector<16xi32>
        %shift_right_logical3A_982 = arith.shrui %gather3A_975, %shift_left3A_981 : vector<16xi32>
        %and3A_983 = arith.constant 65535 : i32
        %and3A_984 = vector.broadcast %and3A_983 : i32 to vector<16xi32>
        %and3A_985 = arith.andi %shift_right_logical3A_982, %and3A_984 : vector<16xi32>
        %le3A_986 = arith.cmpi sle, %and3A_985, %add3A_11 : vector<16xi32>
        %select_n3A_987 = arith.select %le3A_986, %add3A_962, %select_n3A_959 : vector<16xi1>, vector<16xi32>
        %add3A_988 = arith.constant 2 : i32
        %add3A_989 = vector.broadcast %add3A_988 : i32 to vector<16xi32>
        %add3A_990 = arith.addi %select_n3A_987, %add3A_989 : vector<16xi32>
        %sub3A_991 = arith.constant 1 : i32
        %sub3A_992 = vector.broadcast %sub3A_991 : i32 to vector<16xi32>
        %sub3A_993 = arith.subi %add3A_990, %sub3A_992 : vector<16xi32>
        %shift_right_logical3A_994 = arith.constant 1 : i32
        %shift_right_logical3A_995 = vector.broadcast %shift_right_logical3A_994 : i32 to vector<16xi32>
        %shift_right_logical3A_996 = arith.shrui %sub3A_993, %shift_right_logical3A_995 : vector<16xi32>
        %shift_right_logical3A_997 = arith.constant 7 : i32
        %shift_right_logical3A_998 = vector.broadcast %shift_right_logical3A_997 : i32 to vector<16xi32>
        %shift_right_logical3A_999 = arith.shrui %shift_right_logical3A_996, %shift_right_logical3A_998 : vector<16xi32>
        %and3A_1000 = arith.constant 127 : i32
        %and3A_1001 = vector.broadcast %and3A_1000 : i32 to vector<16xi32>
        %and3A_1002 = arith.andi %shift_right_logical3A_996, %and3A_1001 : vector<16xi32>
        %gather3A_1003 = tpu.vector_load_idx %arg5[%broadcast_in_dim3A, %shift_right_logical3A_999, %broadcast_in_dim3A_371, %and3A_1002] : memref<2x16x8x128xi32, #tpu.memory_space<vmem>>[vector<16xi32>, vector<16xi32>, vector<16xi32>, vector<16xi32>], vector<16xi32>,
        %and3A_1004 = arith.constant 1 : i32
        %and3A_1005 = vector.broadcast %and3A_1004 : i32 to vector<16xi32>
        %and3A_1006 = arith.andi %sub3A_993, %and3A_1005 : vector<16xi32>
        %shift_left3A_1007 = arith.constant 4 : i32
        %shift_left3A_1008 = vector.broadcast %shift_left3A_1007 : i32 to vector<16xi32>
        %shift_left3A_1009 = arith.shli %and3A_1006, %shift_left3A_1008 : vector<16xi32>
        %shift_right_logical3A_1010 = arith.shrui %gather3A_1003, %shift_left3A_1009 : vector<16xi32>
        %and3A_1011 = arith.constant 65535 : i32
        %and3A_1012 = vector.broadcast %and3A_1011 : i32 to vector<16xi32>
        %and3A_1013 = arith.andi %shift_right_logical3A_1010, %and3A_1012 : vector<16xi32>
        %le3A_1014 = arith.cmpi sle, %and3A_1013, %add3A_11 : vector<16xi32>
        %select_n3A_1015 = arith.select %le3A_1014, %add3A_990, %select_n3A_987 : vector<16xi1>, vector<16xi32>
        %add3A_1016 = arith.constant 1 : i32
        %add3A_1017 = vector.broadcast %add3A_1016 : i32 to vector<16xi32>
        %add3A_1018 = arith.addi %select_n3A_1015, %add3A_1017 : vector<16xi32>
        %sub3A_1019 = arith.constant 1 : i32
        %sub3A_1020 = vector.broadcast %sub3A_1019 : i32 to vector<16xi32>
        %sub3A_1021 = arith.subi %add3A_1018, %sub3A_1020 : vector<16xi32>
        %shift_right_logical3A_1022 = arith.constant 1 : i32
        %shift_right_logical3A_1023 = vector.broadcast %shift_right_logical3A_1022 : i32 to vector<16xi32>
        %shift_right_logical3A_1024 = arith.shrui %sub3A_1021, %shift_right_logical3A_1023 : vector<16xi32>
        %shift_right_logical3A_1025 = arith.constant 7 : i32
        %shift_right_logical3A_1026 = vector.broadcast %shift_right_logical3A_1025 : i32 to vector<16xi32>
        %shift_right_logical3A_1027 = arith.shrui %shift_right_logical3A_1024, %shift_right_logical3A_1026 : vector<16xi32>
        %and3A_1028 = arith.constant 127 : i32
        %and3A_1029 = vector.broadcast %and3A_1028 : i32 to vector<16xi32>
        %and3A_1030 = arith.andi %shift_right_logical3A_1024, %and3A_1029 : vector<16xi32>
        %gather3A_1031 = tpu.vector_load_idx %arg5[%broadcast_in_dim3A, %shift_right_logical3A_1027, %broadcast_in_dim3A_371, %and3A_1030] : memref<2x16x8x128xi32, #tpu.memory_space<vmem>>[vector<16xi32>, vector<16xi32>, vector<16xi32>, vector<16xi32>], vector<16xi32>,
        %and3A_1032 = arith.constant 1 : i32
        %and3A_1033 = vector.broadcast %and3A_1032 : i32 to vector<16xi32>
        %and3A_1034 = arith.andi %sub3A_1021, %and3A_1033 : vector<16xi32>
        %shift_left3A_1035 = arith.constant 4 : i32
        %shift_left3A_1036 = vector.broadcast %shift_left3A_1035 : i32 to vector<16xi32>
        %shift_left3A_1037 = arith.shli %and3A_1034, %shift_left3A_1036 : vector<16xi32>
        %shift_right_logical3A_1038 = arith.shrui %gather3A_1031, %shift_left3A_1037 : vector<16xi32>
        %and3A_1039 = arith.constant 65535 : i32
        %and3A_1040 = vector.broadcast %and3A_1039 : i32 to vector<16xi32>
        %and3A_1041 = arith.andi %shift_right_logical3A_1038, %and3A_1040 : vector<16xi32>
        %le3A_1042 = arith.cmpi sle, %and3A_1041, %add3A_11 : vector<16xi32>
        %select_n3A_1043 = arith.select %le3A_1042, %add3A_1018, %select_n3A_1015 : vector<16xi1>, vector<16xi32>
        %broadcast_in_dim3A_1044 = arith.constant 15 : i32
        %broadcast_in_dim3A_1045 = vector.broadcast %broadcast_in_dim3A_1044 : i32 to vector<16xi32>
        %broadcast_in_dim3A_1046 = arith.constant 127 : i32
        %broadcast_in_dim3A_1047 = vector.broadcast %broadcast_in_dim3A_1046 : i32 to vector<16xi32>
        %gather3A_1048 = tpu.vector_load_idx %arg5[%broadcast_in_dim3A, %broadcast_in_dim3A_1045, %broadcast_in_dim3A_371, %broadcast_in_dim3A_1047] : memref<2x16x8x128xi32, #tpu.memory_space<vmem>>[vector<16xi32>, vector<16xi32>, vector<16xi32>, vector<16xi32>], vector<16xi32>,
        %shift_right_logical3A_1049 = arith.constant 16 : i32
        %shift_right_logical3A_1050 = vector.broadcast %shift_right_logical3A_1049 : i32 to vector<16xi32>
        %shift_right_logical3A_1051 = arith.shrui %gather3A_1048, %shift_right_logical3A_1050 : vector<16xi32>
        %and3A_1052 = arith.constant 65535 : i32
        %and3A_1053 = vector.broadcast %and3A_1052 : i32 to vector<16xi32>
        %and3A_1054 = arith.andi %shift_right_logical3A_1051, %and3A_1053 : vector<16xi32>
        %le3A_1055 = arith.cmpi sle, %and3A_1054, %mul3A_5 : vector<16xi32>
        %jit3A_1056 = arith.constant 4096 : i32
        %broadcast_in_dim3A_1057 = vector.broadcast %jit3A_1056 : i32 to vector<16xi32>
        %select_n3A_1058 = arith.select %le3A_1055, %broadcast_in_dim3A_1057, %select_n3A_705 : vector<16xi1>, vector<16xi32>
        %le3A_1059 = arith.cmpi sle, %and3A_1054, %add3A_11 : vector<16xi32>
        %jit3A_1060 = arith.constant 4096 : i32
        %broadcast_in_dim3A_1061 = vector.broadcast %jit3A_1060 : i32 to vector<16xi32>
        %select_n3A_1062 = arith.select %le3A_1059, %broadcast_in_dim3A_1061, %select_n3A_1043 : vector<16xi1>, vector<16xi32>
        %reduce_min3A = arith.constant true
        %reduce_min3A_1063 = vector.broadcast %reduce_min3A : i1 to vector<16xi1>
        %reduce_min3A_1064 = arith.constant -2147483648 : i32
        %reduce_min3A_1065 = vector.broadcast %reduce_min3A_1064 : i32 to vector<16xi32>
        %reduce_min3A_1066 = arith.xori %select_n3A_1058, %reduce_min3A_1065 : vector<16xi32>
        %reduce_min3A_1067 = tpu.scan <min>, %reduce_min3A_1066 masked %reduce_min3A_1063 : vector<16xi32>, vector<16xi1> -> vector<16xi32>
        %reduce_min3A_1068 = arith.xori %reduce_min3A_1067, %reduce_min3A_1065 : vector<16xi32>
        %reduce_min3A_1069 = vector.extract %reduce_min3A_1068[15] : i32 from vector<16xi32>
        %eq3A = arith.constant 4096 : i32
        %eq3A_1070 = vector.broadcast %eq3A : i32 to vector<16xi32>
        %eq3A_1071 = arith.cmpi eq, %select_n3A_1058, %eq3A_1070 : vector<16xi32>
        %broadcast_in_dim3A_1072 = vector.broadcast %reduce_min3A_1069 : i32 to vector<16xi32>
        %select_n3A_1073 = arith.select %eq3A_1071, %broadcast_in_dim3A_1072, %select_n3A_1058 : vector<16xi1>, vector<16xi32>
        %eq3A_1074 = arith.constant 4096 : i32
        %eq3A_1075 = vector.broadcast %eq3A_1074 : i32 to vector<16xi32>
        %eq3A_1076 = arith.cmpi eq, %select_n3A_1062, %eq3A_1075 : vector<16xi32>
        %broadcast_in_dim3A_1077 = vector.broadcast %reduce_min3A_1069 : i32 to vector<16xi32>
        %select_n3A_1078 = arith.select %eq3A_1076, %broadcast_in_dim3A_1077, %select_n3A_1062 : vector<16xi1>, vector<16xi32>
        %mul3A_1079 = arith.constant 8 : i32
        %mul3A_1080 = arith.muli %scan3A_303, %mul3A_1079 : i32
        %add3A_1081 = arith.addi %mul3A_2, %mul3A_1080 : i32
        %add3A_1082 = arith.addi %add3A_1081, %scan3A_368 : i32
        %jit3A_1083 = arith.constant 1024 : i32
        %div3A_1084 = arith.divsi %add3A_1082, %jit3A_1083 : i32
        %sign3A_1085 = arith.constant 0 : i32
        %sign3A_1086 = arith.cmpi sgt, %add3A_1082, %sign3A_1085 : i32
        %sign3A_1087 = arith.extui %sign3A_1086 : i1 to i32
        %sign3A_1088 = arith.constant 0 : i32
        %sign3A_1089 = arith.cmpi slt, %add3A_1082, %sign3A_1088 : i32
        %sign3A_1090 = arith.extui %sign3A_1089 : i1 to i32
        %sign3A_1091 = arith.subi %sign3A_1087, %sign3A_1090 : i32
        %sign3A_1092 = arith.constant 0 : i32
        %sign3A_1093 = arith.cmpi sgt, %jit3A_1083, %sign3A_1092 : i32
        %sign3A_1094 = arith.extui %sign3A_1093 : i1 to i32
        %sign3A_1095 = arith.constant 0 : i32
        %sign3A_1096 = arith.cmpi slt, %jit3A_1083, %sign3A_1095 : i32
        %sign3A_1097 = arith.extui %sign3A_1096 : i1 to i32
        %sign3A_1098 = arith.subi %sign3A_1094, %sign3A_1097 : i32
        %ne3A_1099 = arith.cmpi ne, %sign3A_1091, %sign3A_1098 : i32
        %rem3A_1100 = arith.remsi %add3A_1082, %jit3A_1083 : i32
        %ne3A_1101 = arith.constant 0 : i32
        %ne3A_1102 = arith.cmpi ne, %rem3A_1100, %ne3A_1101 : i32
        %and3A_1103 = arith.andi %ne3A_1099, %ne3A_1102 : i1
        %sub3A_1104 = arith.constant 1 : i32
        %sub3A_1105 = arith.subi %div3A_1084, %sub3A_1104 : i32
        %select_n3A_1106 = arith.select %and3A_1103, %sub3A_1105, %div3A_1084 : i32
        %mul3A_1107 = arith.constant 4096 : i32
        %mul3A_1108 = arith.muli %select_n3A_1106, %mul3A_1107 : i32
        %min3A = arith.constant 4095 : i32
        %min3A_1109 = vector.broadcast %min3A : i32 to vector<16xi32>
        %min3A_1110 = arith.minsi %select_n3A_1073, %min3A_1109 : vector<16xi32>
        %add3A_1111 = vector.broadcast %mul3A_1108 : i32 to vector<16xi32>
        %add3A_1112 = arith.addi %min3A_1110, %add3A_1111 : vector<16xi32>
        %min3A_1113 = arith.constant 4095 : i32
        %min3A_1114 = vector.broadcast %min3A_1113 : i32 to vector<16xi32>
        %min3A_1115 = arith.minsi %select_n3A_1078, %min3A_1114 : vector<16xi32>
        %add3A_1116 = vector.broadcast %mul3A_1108 : i32 to vector<16xi32>
        %add3A_1117 = arith.addi %min3A_1115, %add3A_1116 : vector<16xi32>
        %and3A_1118 = arith.constant 7 : i32
        %and3A_1119 = arith.andi %scan3A_368, %and3A_1118 : i32
        %shift_left3A_1120 = arith.constant 4 : i32
        %shift_left3A_1121 = arith.shli %and3A_1119, %shift_left3A_1120 : i32
        %rem3A_1122 = arith.constant 2 : i32
        %rem3A_1123 = arith.remsi %scan3A_303, %rem3A_1122 : i32
        %swap3A = arith.constant 0 : i32
        %swap3A_1124 = arith.index_cast %rem3A_1123 : i32 to index
        %swap3A_1125 = arith.index_cast %swap3A : i32 to index
        %swap3A_1126 = arith.index_cast %shift_left3A_1121 : i32 to index
        %swap3A_1127 = tpu.vector_load %arg6[%swap3A_1124, %swap3A_1125, %swap3A_1126] {strides = array<i32>} : memref<2x2x128xi32, #tpu.memory_space<vmem>>, vector<16xi32>,
        tpu.vector_store %arg6[%swap3A_1124, %swap3A_1125, %swap3A_1126], %add3A_1112 {strides = array<i32>} : memref<2x2x128xi32, #tpu.memory_space<vmem>>, vector<16xi32>,
        %swap3A_1128 = arith.constant 1 : i32
        %swap3A_1129 = arith.index_cast %rem3A_1123 : i32 to index
        %swap3A_1130 = arith.index_cast %swap3A_1128 : i32 to index
        %swap3A_1131 = arith.index_cast %shift_left3A_1121 : i32 to index
        %swap3A_1132 = tpu.vector_load %arg6[%swap3A_1129, %swap3A_1130, %swap3A_1131] {strides = array<i32>} : memref<2x2x128xi32, #tpu.memory_space<vmem>>, vector<16xi32>,
        tpu.vector_store %arg6[%swap3A_1129, %swap3A_1130, %swap3A_1131], %add3A_1117 {strides = array<i32>} : memref<2x2x128xi32, #tpu.memory_space<vmem>>, vector<16xi32>,
      }
      %scan3A_338 = arith.constant 8 : i32
      %gt3A_339 = arith.constant 0 : i32
      %gt3A_340 = arith.cmpi sgt, %scan3A_303, %gt3A_339 : i32
      %convert_element_type3A_341 = arith.extui %gt3A_340 : i1 to i32
      %cond3A_342 = arith.constant 0 : i32
      %cond3A_343 = arith.cmpi ne, %convert_element_type3A_341, %cond3A_342 : i32
      scf.if %cond3A_343 {
        %sub3A_368 = arith.constant 1 : i32
        %sub3A_369 = arith.subi %scan3A_303, %sub3A_368 : i32
        %rem3A_370 = arith.constant 2 : i32
        %rem3A_371 = arith.remsi %sub3A_369, %rem3A_370 : i32
        %dma_wait3A_372 = arith.constant 0 : i32
        %dma_wait3A_373 = arith.constant 0 : i32
        %dma_wait3A_374 = arith.constant 0 : i32
        %dma_wait3A_375 = arith.constant 0 : i32
        %dma_wait3A_376 = tpu.memref_slice %arg7[%rem3A_371, %dma_wait3A_373, %dma_wait3A_374, %dma_wait3A_375] : memref<2x2x128x64xf32, #tpu.memory_space<vmem>> -> memref<1x1x128x64xf32, #tpu.memory_space<vmem>>
        %dma_wait3A_377 = tpu.memref_squeeze %dma_wait3A_376 : memref<1x1x128x64xf32, #tpu.memory_space<vmem>> -> memref<128x64xf32, #tpu.memory_space<vmem>>
        %dma_wait3A_378 = arith.constant 0 : i32
        %dma_wait3A_379 = tpu.memref_slice %arg6[%rem3A_371, %dma_wait3A_372, %dma_wait3A_378] : memref<2x2x128xi32, #tpu.memory_space<vmem>> -> memref<1x1x128xi32, #tpu.memory_space<vmem>>
        %dma_wait3A_380 = tpu.memref_squeeze %dma_wait3A_379 : memref<1x1x128xi32, #tpu.memory_space<vmem>> -> memref<128xi32, #tpu.memory_space<vmem>>
        %dma_wait3A_381 = arith.constant 0 : i32
        %dma_wait3A_382 = arith.constant 0 : i32
        %dma_wait3A_383 = tpu.memref_slice %arg3[%dma_wait3A_381, %dma_wait3A_382] : memref<32768x64xf32, #tpu.memory_space<hbm>> -> memref<32768x64xf32, #tpu.memory_space<hbm>>
        tpu.wait_indirect_dma semaphore(%arg9 : memref<!tpu.dma_semaphore, #tpu.memory_space<semaphore_mem>>) src(%dma_wait3A_383 : memref<32768x64xf32, #tpu.memory_space<hbm>>) dst(%dma_wait3A_377 : memref<128x64xf32, #tpu.memory_space<vmem>>)
        %dma_wait3A_384 = arith.constant 1 : i32
        %dma_wait3A_385 = arith.constant 1 : i32
        %dma_wait3A_386 = arith.constant 0 : i32
        %dma_wait3A_387 = arith.constant 0 : i32
        %dma_wait3A_388 = tpu.memref_slice %arg7[%rem3A_371, %dma_wait3A_385, %dma_wait3A_386, %dma_wait3A_387] : memref<2x2x128x64xf32, #tpu.memory_space<vmem>> -> memref<1x1x128x64xf32, #tpu.memory_space<vmem>>
        %dma_wait3A_389 = tpu.memref_squeeze %dma_wait3A_388 : memref<1x1x128x64xf32, #tpu.memory_space<vmem>> -> memref<128x64xf32, #tpu.memory_space<vmem>>
        %dma_wait3A_390 = arith.constant 0 : i32
        %dma_wait3A_391 = tpu.memref_slice %arg6[%rem3A_371, %dma_wait3A_384, %dma_wait3A_390] : memref<2x2x128xi32, #tpu.memory_space<vmem>> -> memref<1x1x128xi32, #tpu.memory_space<vmem>>
        %dma_wait3A_392 = tpu.memref_squeeze %dma_wait3A_391 : memref<1x1x128xi32, #tpu.memory_space<vmem>> -> memref<128xi32, #tpu.memory_space<vmem>>
        %dma_wait3A_393 = arith.constant 0 : i32
        %dma_wait3A_394 = arith.constant 0 : i32
        %dma_wait3A_395 = tpu.memref_slice %arg3[%dma_wait3A_393, %dma_wait3A_394] : memref<32768x64xf32, #tpu.memory_space<hbm>> -> memref<32768x64xf32, #tpu.memory_space<hbm>>
        tpu.wait_indirect_dma semaphore(%arg9 : memref<!tpu.dma_semaphore, #tpu.memory_space<semaphore_mem>>) src(%dma_wait3A_395 : memref<32768x64xf32, #tpu.memory_space<hbm>>) dst(%dma_wait3A_389 : memref<128x64xf32, #tpu.memory_space<vmem>>)
        %mul3A_396 = arith.constant 8 : i32
        %mul3A_397 = arith.muli %sub3A_369, %mul3A_396 : i32
        %add3A_398 = arith.addi %mul3A_2, %mul3A_397 : i32
        %mul3A_399 = arith.constant 32 : i32
        %mul3A_400 = arith.muli %add3A_398, %mul3A_399 : i32
        %jit3A_401 = arith.constant 2 : i32
        %div3A_402 = arith.divsi %mul3A_400, %jit3A_401 : i32
        %sign3A_403 = arith.constant 0 : i32
        %sign3A_404 = arith.cmpi sgt, %mul3A_400, %sign3A_403 : i32
        %sign3A_405 = arith.extui %sign3A_404 : i1 to i32
        %sign3A_406 = arith.constant 0 : i32
        %sign3A_407 = arith.cmpi slt, %mul3A_400, %sign3A_406 : i32
        %sign3A_408 = arith.extui %sign3A_407 : i1 to i32
        %sign3A_409 = arith.subi %sign3A_405, %sign3A_408 : i32
        %sign3A_410 = arith.constant 0 : i32
        %sign3A_411 = arith.cmpi sgt, %jit3A_401, %sign3A_410 : i32
        %sign3A_412 = arith.extui %sign3A_411 : i1 to i32
        %sign3A_413 = arith.constant 0 : i32
        %sign3A_414 = arith.cmpi slt, %jit3A_401, %sign3A_413 : i32
        %sign3A_415 = arith.extui %sign3A_414 : i1 to i32
        %sign3A_416 = arith.subi %sign3A_412, %sign3A_415 : i32
        %ne3A_417 = arith.cmpi ne, %sign3A_409, %sign3A_416 : i32
        %rem3A_418 = arith.remsi %mul3A_400, %jit3A_401 : i32
        %ne3A_419 = arith.constant 0 : i32
        %ne3A_420 = arith.cmpi ne, %rem3A_418, %ne3A_419 : i32
        %and3A_421 = arith.andi %ne3A_417, %ne3A_420 : i1
        %sub3A_422 = arith.constant 1 : i32
        %sub3A_423 = arith.subi %div3A_402, %sub3A_422 : i32
        %select_n3A_424 = arith.select %and3A_421, %sub3A_423, %div3A_402 : i32
        %dma_start3A_425 = arith.constant 0 : i32
        %dma_start3A_426 = arith.constant 0 : i32
        %dma_start3A_427 = arith.constant 0 : i32
        %dma_start3A_428 = tpu.memref_slice %arg7[%rem3A_371, %dma_start3A_425, %dma_start3A_426, %dma_start3A_427] : memref<2x2x128x64xf32, #tpu.memory_space<vmem>> -> memref<1x1x128x64xf32, #tpu.memory_space<vmem>>
        %dma_start3A_429 = tpu.memref_squeeze %dma_start3A_428 : memref<1x1x128x64xf32, #tpu.memory_space<vmem>> -> memref<128x64xf32, #tpu.memory_space<vmem>>
        %dma_start3A_430 = arith.constant 0 : i32
        %dma_start3A_431 = tpu.memref_slice %arg4[%select_n3A_424, %dma_start3A_430] : memref<131072x128xf32, #tpu.memory_space<hbm>> -> memref<128x64xf32, #tpu.memory_space<hbm>>
        %dma_start3A_432 = arith.constant 0 : i32
        %dma_start3A_433 = tpu.memref_slice %arg4[%select_n3A_424, %dma_start3A_432] : memref<131072x128xf32, #tpu.memory_space<hbm>> -> memref<128x64xf32, #tpu.memory_space<hbm>>
        %dma_start3A_434 = arith.constant 0 : i32
        %dma_start3A_435 = arith.constant 0 : i32
        %dma_start3A_436 = tpu.memref_slice %arg7[%rem3A_371, %dma_start3A_425, %dma_start3A_434, %dma_start3A_435] : memref<2x2x128x64xf32, #tpu.memory_space<vmem>> -> memref<1x1x128x64xf32, #tpu.memory_space<vmem>>
        %dma_start3A_437 = tpu.memref_squeeze %dma_start3A_436 : memref<1x1x128x64xf32, #tpu.memory_space<vmem>> -> memref<128x64xf32, #tpu.memory_space<vmem>>
        tpu.enqueue_dma source(%dma_start3A_437 : memref<128x64xf32, #tpu.memory_space<vmem>>) target(%dma_start3A_433 : memref<128x64xf32, #tpu.memory_space<hbm>>) target_semaphore(%arg10 : memref<!tpu.dma_semaphore, #tpu.memory_space<semaphore_mem>>)
        %mul3A_438 = arith.constant 8 : i32
        %mul3A_439 = arith.muli %sub3A_369, %mul3A_438 : i32
        %add3A_440 = arith.addi %mul3A_2, %mul3A_439 : i32
        %mul3A_441 = arith.constant 32 : i32
        %mul3A_442 = arith.muli %add3A_440, %mul3A_441 : i32
        %jit3A_443 = arith.constant 2 : i32
        %div3A_444 = arith.divsi %mul3A_442, %jit3A_443 : i32
        %sign3A_445 = arith.constant 0 : i32
        %sign3A_446 = arith.cmpi sgt, %mul3A_442, %sign3A_445 : i32
        %sign3A_447 = arith.extui %sign3A_446 : i1 to i32
        %sign3A_448 = arith.constant 0 : i32
        %sign3A_449 = arith.cmpi slt, %mul3A_442, %sign3A_448 : i32
        %sign3A_450 = arith.extui %sign3A_449 : i1 to i32
        %sign3A_451 = arith.subi %sign3A_447, %sign3A_450 : i32
        %sign3A_452 = arith.constant 0 : i32
        %sign3A_453 = arith.cmpi sgt, %jit3A_443, %sign3A_452 : i32
        %sign3A_454 = arith.extui %sign3A_453 : i1 to i32
        %sign3A_455 = arith.constant 0 : i32
        %sign3A_456 = arith.cmpi slt, %jit3A_443, %sign3A_455 : i32
        %sign3A_457 = arith.extui %sign3A_456 : i1 to i32
        %sign3A_458 = arith.subi %sign3A_454, %sign3A_457 : i32
        %ne3A_459 = arith.cmpi ne, %sign3A_451, %sign3A_458 : i32
        %rem3A_460 = arith.remsi %mul3A_442, %jit3A_443 : i32
        %ne3A_461 = arith.constant 0 : i32
        %ne3A_462 = arith.cmpi ne, %rem3A_460, %ne3A_461 : i32
        %and3A_463 = arith.andi %ne3A_459, %ne3A_462 : i1
        %sub3A_464 = arith.constant 1 : i32
        %sub3A_465 = arith.subi %div3A_444, %sub3A_464 : i32
        %select_n3A_466 = arith.select %and3A_463, %sub3A_465, %div3A_444 : i32
        %dma_start3A_467 = arith.constant 1 : i32
        %dma_start3A_468 = arith.constant 0 : i32
        %dma_start3A_469 = arith.constant 0 : i32
        %dma_start3A_470 = tpu.memref_slice %arg7[%rem3A_371, %dma_start3A_467, %dma_start3A_468, %dma_start3A_469] : memref<2x2x128x64xf32, #tpu.memory_space<vmem>> -> memref<1x1x128x64xf32, #tpu.memory_space<vmem>>
        %dma_start3A_471 = tpu.memref_squeeze %dma_start3A_470 : memref<1x1x128x64xf32, #tpu.memory_space<vmem>> -> memref<128x64xf32, #tpu.memory_space<vmem>>
        %dma_start3A_472 = arith.constant 64 : i32
        %dma_start3A_473 = tpu.memref_slice %arg4[%select_n3A_466, %dma_start3A_472] : memref<131072x128xf32, #tpu.memory_space<hbm>> -> memref<128x64xf32, #tpu.memory_space<hbm>>
        %dma_start3A_474 = arith.constant 64 : i32
        %dma_start3A_475 = tpu.memref_slice %arg4[%select_n3A_466, %dma_start3A_474] : memref<131072x128xf32, #tpu.memory_space<hbm>> -> memref<128x64xf32, #tpu.memory_space<hbm>>
        %dma_start3A_476 = arith.constant 0 : i32
        %dma_start3A_477 = arith.constant 0 : i32
        %dma_start3A_478 = tpu.memref_slice %arg7[%rem3A_371, %dma_start3A_467, %dma_start3A_476, %dma_start3A_477] : memref<2x2x128x64xf32, #tpu.memory_space<vmem>> -> memref<1x1x128x64xf32, #tpu.memory_space<vmem>>
        %dma_start3A_479 = tpu.memref_squeeze %dma_start3A_478 : memref<1x1x128x64xf32, #tpu.memory_space<vmem>> -> memref<128x64xf32, #tpu.memory_space<vmem>>
        tpu.enqueue_dma source(%dma_start3A_479 : memref<128x64xf32, #tpu.memory_space<vmem>>) target(%dma_start3A_475 : memref<128x64xf32, #tpu.memory_space<hbm>>) target_semaphore(%arg10 : memref<!tpu.dma_semaphore, #tpu.memory_space<semaphore_mem>>)
      } else {
      }
      %dma_start3A_344 = arith.constant 0 : i32
      %dma_start3A_345 = arith.constant 0 : i32
      %dma_start3A_346 = arith.constant 0 : i32
      %dma_start3A_347 = arith.constant 0 : i32
      %dma_start3A_348 = tpu.memref_slice %arg7[%rem3A_308, %dma_start3A_345, %dma_start3A_346, %dma_start3A_347] : memref<2x2x128x64xf32, #tpu.memory_space<vmem>> -> memref<1x1x128x64xf32, #tpu.memory_space<vmem>>
      %dma_start3A_349 = tpu.memref_squeeze %dma_start3A_348 : memref<1x1x128x64xf32, #tpu.memory_space<vmem>> -> memref<128x64xf32, #tpu.memory_space<vmem>>
      %dma_start3A_350 = arith.constant 0 : i32
      %dma_start3A_351 = tpu.memref_slice %arg6[%rem3A_308, %dma_start3A_344, %dma_start3A_350] : memref<2x2x128xi32, #tpu.memory_space<vmem>> -> memref<1x1x128xi32, #tpu.memory_space<vmem>>
      %dma_start3A_352 = tpu.memref_squeeze %dma_start3A_351 : memref<1x1x128xi32, #tpu.memory_space<vmem>> -> memref<128xi32, #tpu.memory_space<vmem>>
      %dma_start3A_353 = arith.constant 0 : i32
      %dma_start3A_354 = arith.constant 0 : i32
      %dma_start3A_355 = tpu.memref_slice %arg3[%dma_start3A_353, %dma_start3A_354] : memref<32768x64xf32, #tpu.memory_space<hbm>> -> memref<32768x64xf32, #tpu.memory_space<hbm>>
      tpu.enqueue_indirect_dma source(%dma_start3A_355 : memref<32768x64xf32, #tpu.memory_space<hbm>>) target(%dma_start3A_349 : memref<128x64xf32, #tpu.memory_space<vmem>>) offsets(%dma_start3A_352 : memref<128xi32, #tpu.memory_space<vmem>>) semaphore(%arg9 : memref<!tpu.dma_semaphore, #tpu.memory_space<semaphore_mem>>)
      %dma_start3A_356 = arith.constant 1 : i32
      %dma_start3A_357 = arith.constant 1 : i32
      %dma_start3A_358 = arith.constant 0 : i32
      %dma_start3A_359 = arith.constant 0 : i32
      %dma_start3A_360 = tpu.memref_slice %arg7[%rem3A_308, %dma_start3A_357, %dma_start3A_358, %dma_start3A_359] : memref<2x2x128x64xf32, #tpu.memory_space<vmem>> -> memref<1x1x128x64xf32, #tpu.memory_space<vmem>>
      %dma_start3A_361 = tpu.memref_squeeze %dma_start3A_360 : memref<1x1x128x64xf32, #tpu.memory_space<vmem>> -> memref<128x64xf32, #tpu.memory_space<vmem>>
      %dma_start3A_362 = arith.constant 0 : i32
      %dma_start3A_363 = tpu.memref_slice %arg6[%rem3A_308, %dma_start3A_356, %dma_start3A_362] : memref<2x2x128xi32, #tpu.memory_space<vmem>> -> memref<1x1x128xi32, #tpu.memory_space<vmem>>
      %dma_start3A_364 = tpu.memref_squeeze %dma_start3A_363 : memref<1x1x128xi32, #tpu.memory_space<vmem>> -> memref<128xi32, #tpu.memory_space<vmem>>
      %dma_start3A_365 = arith.constant 0 : i32
      %dma_start3A_366 = arith.constant 0 : i32
      %dma_start3A_367 = tpu.memref_slice %arg3[%dma_start3A_365, %dma_start3A_366] : memref<32768x64xf32, #tpu.memory_space<hbm>> -> memref<32768x64xf32, #tpu.memory_space<hbm>>
      tpu.enqueue_indirect_dma source(%dma_start3A_367 : memref<32768x64xf32, #tpu.memory_space<hbm>>) target(%dma_start3A_361 : memref<128x64xf32, #tpu.memory_space<vmem>>) offsets(%dma_start3A_364 : memref<128xi32, #tpu.memory_space<vmem>>) semaphore(%arg9 : memref<!tpu.dma_semaphore, #tpu.memory_space<semaphore_mem>>)
    }
    %scan3A_32 = arith.constant 32 : i32
    %rem3A = arith.constant 31 : i32
    %rem3A_33 = arith.constant 2 : i32
    %rem3A_34 = arith.remsi %rem3A, %rem3A_33 : i32
    %dma_wait3A = arith.constant 0 : i32
    %dma_wait3A_35 = arith.constant 0 : i32
    %dma_wait3A_36 = arith.constant 0 : i32
    %dma_wait3A_37 = arith.constant 0 : i32
    %dma_wait3A_38 = tpu.memref_slice %arg7[%rem3A_34, %dma_wait3A_35, %dma_wait3A_36, %dma_wait3A_37] : memref<2x2x128x64xf32, #tpu.memory_space<vmem>> -> memref<1x1x128x64xf32, #tpu.memory_space<vmem>>
    %dma_wait3A_39 = tpu.memref_squeeze %dma_wait3A_38 : memref<1x1x128x64xf32, #tpu.memory_space<vmem>> -> memref<128x64xf32, #tpu.memory_space<vmem>>
    %dma_wait3A_40 = arith.constant 0 : i32
    %dma_wait3A_41 = tpu.memref_slice %arg6[%rem3A_34, %dma_wait3A, %dma_wait3A_40] : memref<2x2x128xi32, #tpu.memory_space<vmem>> -> memref<1x1x128xi32, #tpu.memory_space<vmem>>
    %dma_wait3A_42 = tpu.memref_squeeze %dma_wait3A_41 : memref<1x1x128xi32, #tpu.memory_space<vmem>> -> memref<128xi32, #tpu.memory_space<vmem>>
    %dma_wait3A_43 = arith.constant 0 : i32
    %dma_wait3A_44 = arith.constant 0 : i32
    %dma_wait3A_45 = tpu.memref_slice %arg3[%dma_wait3A_43, %dma_wait3A_44] : memref<32768x64xf32, #tpu.memory_space<hbm>> -> memref<32768x64xf32, #tpu.memory_space<hbm>>
    tpu.wait_indirect_dma semaphore(%arg9 : memref<!tpu.dma_semaphore, #tpu.memory_space<semaphore_mem>>) src(%dma_wait3A_45 : memref<32768x64xf32, #tpu.memory_space<hbm>>) dst(%dma_wait3A_39 : memref<128x64xf32, #tpu.memory_space<vmem>>)
    %dma_wait3A_46 = arith.constant 1 : i32
    %dma_wait3A_47 = arith.constant 1 : i32
    %dma_wait3A_48 = arith.constant 0 : i32
    %dma_wait3A_49 = arith.constant 0 : i32
    %dma_wait3A_50 = tpu.memref_slice %arg7[%rem3A_34, %dma_wait3A_47, %dma_wait3A_48, %dma_wait3A_49] : memref<2x2x128x64xf32, #tpu.memory_space<vmem>> -> memref<1x1x128x64xf32, #tpu.memory_space<vmem>>
    %dma_wait3A_51 = tpu.memref_squeeze %dma_wait3A_50 : memref<1x1x128x64xf32, #tpu.memory_space<vmem>> -> memref<128x64xf32, #tpu.memory_space<vmem>>
    %dma_wait3A_52 = arith.constant 0 : i32
    %dma_wait3A_53 = tpu.memref_slice %arg6[%rem3A_34, %dma_wait3A_46, %dma_wait3A_52] : memref<2x2x128xi32, #tpu.memory_space<vmem>> -> memref<1x1x128xi32, #tpu.memory_space<vmem>>
    %dma_wait3A_54 = tpu.memref_squeeze %dma_wait3A_53 : memref<1x1x128xi32, #tpu.memory_space<vmem>> -> memref<128xi32, #tpu.memory_space<vmem>>
    %dma_wait3A_55 = arith.constant 0 : i32
    %dma_wait3A_56 = arith.constant 0 : i32
    %dma_wait3A_57 = tpu.memref_slice %arg3[%dma_wait3A_55, %dma_wait3A_56] : memref<32768x64xf32, #tpu.memory_space<hbm>> -> memref<32768x64xf32, #tpu.memory_space<hbm>>
    tpu.wait_indirect_dma semaphore(%arg9 : memref<!tpu.dma_semaphore, #tpu.memory_space<semaphore_mem>>) src(%dma_wait3A_57 : memref<32768x64xf32, #tpu.memory_space<hbm>>) dst(%dma_wait3A_51 : memref<128x64xf32, #tpu.memory_space<vmem>>)
    %add3A_58 = arith.constant 248 : i32
    %add3A_59 = arith.addi %mul3A_2, %add3A_58 : i32
    %mul3A_60 = arith.constant 32 : i32
    %mul3A_61 = arith.muli %add3A_59, %mul3A_60 : i32
    %jit3A = arith.constant 2 : i32
    %div3A = arith.divsi %mul3A_61, %jit3A : i32
    %sign3A = arith.constant 0 : i32
    %sign3A_62 = arith.cmpi sgt, %mul3A_61, %sign3A : i32
    %sign3A_63 = arith.extui %sign3A_62 : i1 to i32
    %sign3A_64 = arith.constant 0 : i32
    %sign3A_65 = arith.cmpi slt, %mul3A_61, %sign3A_64 : i32
    %sign3A_66 = arith.extui %sign3A_65 : i1 to i32
    %sign3A_67 = arith.subi %sign3A_63, %sign3A_66 : i32
    %sign3A_68 = arith.constant 0 : i32
    %sign3A_69 = arith.cmpi sgt, %jit3A, %sign3A_68 : i32
    %sign3A_70 = arith.extui %sign3A_69 : i1 to i32
    %sign3A_71 = arith.constant 0 : i32
    %sign3A_72 = arith.cmpi slt, %jit3A, %sign3A_71 : i32
    %sign3A_73 = arith.extui %sign3A_72 : i1 to i32
    %sign3A_74 = arith.subi %sign3A_70, %sign3A_73 : i32
    %ne3A = arith.cmpi ne, %sign3A_67, %sign3A_74 : i32
    %rem3A_75 = arith.remsi %mul3A_61, %jit3A : i32
    %ne3A_76 = arith.constant 0 : i32
    %ne3A_77 = arith.cmpi ne, %rem3A_75, %ne3A_76 : i32
    %and3A = arith.andi %ne3A, %ne3A_77 : i1
    %sub3A = arith.constant 1 : i32
    %sub3A_78 = arith.subi %div3A, %sub3A : i32
    %select_n3A = arith.select %and3A, %sub3A_78, %div3A : i32
    %dma_start3A_79 = arith.constant 0 : i32
    %dma_start3A_80 = arith.constant 0 : i32
    %dma_start3A_81 = arith.constant 0 : i32
    %dma_start3A_82 = tpu.memref_slice %arg7[%rem3A_34, %dma_start3A_79, %dma_start3A_80, %dma_start3A_81] : memref<2x2x128x64xf32, #tpu.memory_space<vmem>> -> memref<1x1x128x64xf32, #tpu.memory_space<vmem>>
    %dma_start3A_83 = tpu.memref_squeeze %dma_start3A_82 : memref<1x1x128x64xf32, #tpu.memory_space<vmem>> -> memref<128x64xf32, #tpu.memory_space<vmem>>
    %dma_start3A_84 = arith.constant 0 : i32
    %dma_start3A_85 = tpu.memref_slice %arg4[%select_n3A, %dma_start3A_84] : memref<131072x128xf32, #tpu.memory_space<hbm>> -> memref<128x64xf32, #tpu.memory_space<hbm>>
    %dma_start3A_86 = arith.constant 0 : i32
    %dma_start3A_87 = tpu.memref_slice %arg4[%select_n3A, %dma_start3A_86] : memref<131072x128xf32, #tpu.memory_space<hbm>> -> memref<128x64xf32, #tpu.memory_space<hbm>>
    %dma_start3A_88 = arith.constant 0 : i32
    %dma_start3A_89 = arith.constant 0 : i32
    %dma_start3A_90 = tpu.memref_slice %arg7[%rem3A_34, %dma_start3A_79, %dma_start3A_88, %dma_start3A_89] : memref<2x2x128x64xf32, #tpu.memory_space<vmem>> -> memref<1x1x128x64xf32, #tpu.memory_space<vmem>>
    %dma_start3A_91 = tpu.memref_squeeze %dma_start3A_90 : memref<1x1x128x64xf32, #tpu.memory_space<vmem>> -> memref<128x64xf32, #tpu.memory_space<vmem>>
    tpu.enqueue_dma source(%dma_start3A_91 : memref<128x64xf32, #tpu.memory_space<vmem>>) target(%dma_start3A_87 : memref<128x64xf32, #tpu.memory_space<hbm>>) target_semaphore(%arg10 : memref<!tpu.dma_semaphore, #tpu.memory_space<semaphore_mem>>)
    %add3A_92 = arith.constant 248 : i32
    %add3A_93 = arith.addi %mul3A_2, %add3A_92 : i32
    %mul3A_94 = arith.constant 32 : i32
    %mul3A_95 = arith.muli %add3A_93, %mul3A_94 : i32
    %jit3A_96 = arith.constant 2 : i32
    %div3A_97 = arith.divsi %mul3A_95, %jit3A_96 : i32
    %sign3A_98 = arith.constant 0 : i32
    %sign3A_99 = arith.cmpi sgt, %mul3A_95, %sign3A_98 : i32
    %sign3A_100 = arith.extui %sign3A_99 : i1 to i32
    %sign3A_101 = arith.constant 0 : i32
    %sign3A_102 = arith.cmpi slt, %mul3A_95, %sign3A_101 : i32
    %sign3A_103 = arith.extui %sign3A_102 : i1 to i32
    %sign3A_104 = arith.subi %sign3A_100, %sign3A_103 : i32
    %sign3A_105 = arith.constant 0 : i32
    %sign3A_106 = arith.cmpi sgt, %jit3A_96, %sign3A_105 : i32
    %sign3A_107 = arith.extui %sign3A_106 : i1 to i32
    %sign3A_108 = arith.constant 0 : i32
    %sign3A_109 = arith.cmpi slt, %jit3A_96, %sign3A_108 : i32
    %sign3A_110 = arith.extui %sign3A_109 : i1 to i32
    %sign3A_111 = arith.subi %sign3A_107, %sign3A_110 : i32
    %ne3A_112 = arith.cmpi ne, %sign3A_104, %sign3A_111 : i32
    %rem3A_113 = arith.remsi %mul3A_95, %jit3A_96 : i32
    %ne3A_114 = arith.constant 0 : i32
    %ne3A_115 = arith.cmpi ne, %rem3A_113, %ne3A_114 : i32
    %and3A_116 = arith.andi %ne3A_112, %ne3A_115 : i1
    %sub3A_117 = arith.constant 1 : i32
    %sub3A_118 = arith.subi %div3A_97, %sub3A_117 : i32
    %select_n3A_119 = arith.select %and3A_116, %sub3A_118, %div3A_97 : i32
    %dma_start3A_120 = arith.constant 1 : i32
    %dma_start3A_121 = arith.constant 0 : i32
    %dma_start3A_122 = arith.constant 0 : i32
    %dma_start3A_123 = tpu.memref_slice %arg7[%rem3A_34, %dma_start3A_120, %dma_start3A_121, %dma_start3A_122] : memref<2x2x128x64xf32, #tpu.memory_space<vmem>> -> memref<1x1x128x64xf32, #tpu.memory_space<vmem>>
    %dma_start3A_124 = tpu.memref_squeeze %dma_start3A_123 : memref<1x1x128x64xf32, #tpu.memory_space<vmem>> -> memref<128x64xf32, #tpu.memory_space<vmem>>
    %dma_start3A_125 = arith.constant 64 : i32
    %dma_start3A_126 = tpu.memref_slice %arg4[%select_n3A_119, %dma_start3A_125] : memref<131072x128xf32, #tpu.memory_space<hbm>> -> memref<128x64xf32, #tpu.memory_space<hbm>>
    %dma_start3A_127 = arith.constant 64 : i32
    %dma_start3A_128 = tpu.memref_slice %arg4[%select_n3A_119, %dma_start3A_127] : memref<131072x128xf32, #tpu.memory_space<hbm>> -> memref<128x64xf32, #tpu.memory_space<hbm>>
    %dma_start3A_129 = arith.constant 0 : i32
    %dma_start3A_130 = arith.constant 0 : i32
    %dma_start3A_131 = tpu.memref_slice %arg7[%rem3A_34, %dma_start3A_120, %dma_start3A_129, %dma_start3A_130] : memref<2x2x128x64xf32, #tpu.memory_space<vmem>> -> memref<1x1x128x64xf32, #tpu.memory_space<vmem>>
    %dma_start3A_132 = tpu.memref_squeeze %dma_start3A_131 : memref<1x1x128x64xf32, #tpu.memory_space<vmem>> -> memref<128x64xf32, #tpu.memory_space<vmem>>
    tpu.enqueue_dma source(%dma_start3A_132 : memref<128x64xf32, #tpu.memory_space<vmem>>) target(%dma_start3A_128 : memref<128x64xf32, #tpu.memory_space<hbm>>) target_semaphore(%arg10 : memref<!tpu.dma_semaphore, #tpu.memory_space<semaphore_mem>>)
    %rem3A_133 = arith.constant 30 : i32
    %rem3A_134 = arith.constant 2 : i32
    %rem3A_135 = arith.remsi %rem3A_133, %rem3A_134 : i32
    %add3A_136 = arith.constant 240 : i32
    %add3A_137 = arith.addi %mul3A_2, %add3A_136 : i32
    %mul3A_138 = arith.constant 32 : i32
    %mul3A_139 = arith.muli %add3A_137, %mul3A_138 : i32
    %jit3A_140 = arith.constant 2 : i32
    %div3A_141 = arith.divsi %mul3A_139, %jit3A_140 : i32
    %sign3A_142 = arith.constant 0 : i32
    %sign3A_143 = arith.cmpi sgt, %mul3A_139, %sign3A_142 : i32
    %sign3A_144 = arith.extui %sign3A_143 : i1 to i32
    %sign3A_145 = arith.constant 0 : i32
    %sign3A_146 = arith.cmpi slt, %mul3A_139, %sign3A_145 : i32
    %sign3A_147 = arith.extui %sign3A_146 : i1 to i32
    %sign3A_148 = arith.subi %sign3A_144, %sign3A_147 : i32
    %sign3A_149 = arith.constant 0 : i32
    %sign3A_150 = arith.cmpi sgt, %jit3A_140, %sign3A_149 : i32
    %sign3A_151 = arith.extui %sign3A_150 : i1 to i32
    %sign3A_152 = arith.constant 0 : i32
    %sign3A_153 = arith.cmpi slt, %jit3A_140, %sign3A_152 : i32
    %sign3A_154 = arith.extui %sign3A_153 : i1 to i32
    %sign3A_155 = arith.subi %sign3A_151, %sign3A_154 : i32
    %ne3A_156 = arith.cmpi ne, %sign3A_148, %sign3A_155 : i32
    %rem3A_157 = arith.remsi %mul3A_139, %jit3A_140 : i32
    %ne3A_158 = arith.constant 0 : i32
    %ne3A_159 = arith.cmpi ne, %rem3A_157, %ne3A_158 : i32
    %and3A_160 = arith.andi %ne3A_156, %ne3A_159 : i1
    %sub3A_161 = arith.constant 1 : i32
    %sub3A_162 = arith.subi %div3A_141, %sub3A_161 : i32
    %select_n3A_163 = arith.select %and3A_160, %sub3A_162, %div3A_141 : i32
    %dma_wait3A_164 = arith.constant 0 : i32
    %dma_wait3A_165 = arith.constant 0 : i32
    %dma_wait3A_166 = arith.constant 0 : i32
    %dma_wait3A_167 = tpu.memref_slice %arg7[%rem3A_135, %dma_wait3A_164, %dma_wait3A_165, %dma_wait3A_166] : memref<2x2x128x64xf32, #tpu.memory_space<vmem>> -> memref<1x1x128x64xf32, #tpu.memory_space<vmem>>
    %dma_wait3A_168 = tpu.memref_squeeze %dma_wait3A_167 : memref<1x1x128x64xf32, #tpu.memory_space<vmem>> -> memref<128x64xf32, #tpu.memory_space<vmem>>
    %dma_wait3A_169 = arith.constant 0 : i32
    %dma_wait3A_170 = tpu.memref_slice %arg4[%select_n3A_163, %dma_wait3A_169] : memref<131072x128xf32, #tpu.memory_space<hbm>> -> memref<128x64xf32, #tpu.memory_space<hbm>>
    %dma_wait3A_171 = arith.constant 0 : i32
    %dma_wait3A_172 = tpu.memref_slice %arg4[%select_n3A_163, %dma_wait3A_171] : memref<131072x128xf32, #tpu.memory_space<hbm>> -> memref<128x64xf32, #tpu.memory_space<hbm>>
    %dma_wait3A_173 = arith.constant 0 : i32
    %dma_wait3A_174 = arith.constant 0 : i32
    %dma_wait3A_175 = tpu.memref_slice %arg7[%rem3A_135, %dma_wait3A_164, %dma_wait3A_173, %dma_wait3A_174] : memref<2x2x128x64xf32, #tpu.memory_space<vmem>> -> memref<1x1x128x64xf32, #tpu.memory_space<vmem>>
    %dma_wait3A_176 = tpu.memref_squeeze %dma_wait3A_175 : memref<1x1x128x64xf32, #tpu.memory_space<vmem>> -> memref<128x64xf32, #tpu.memory_space<vmem>>
    tpu.wait_dma2 semaphore(%arg10 : memref<!tpu.dma_semaphore, #tpu.memory_space<semaphore_mem>>) src(%dma_wait3A_176 : memref<128x64xf32, #tpu.memory_space<vmem>>) dst(%dma_wait3A_172 : memref<128x64xf32, #tpu.memory_space<hbm>>)
    %add3A_177 = arith.constant 240 : i32
    %add3A_178 = arith.addi %mul3A_2, %add3A_177 : i32
    %mul3A_179 = arith.constant 32 : i32
    %mul3A_180 = arith.muli %add3A_178, %mul3A_179 : i32
    %jit3A_181 = arith.constant 2 : i32
    %div3A_182 = arith.divsi %mul3A_180, %jit3A_181 : i32
    %sign3A_183 = arith.constant 0 : i32
    %sign3A_184 = arith.cmpi sgt, %mul3A_180, %sign3A_183 : i32
    %sign3A_185 = arith.extui %sign3A_184 : i1 to i32
    %sign3A_186 = arith.constant 0 : i32
    %sign3A_187 = arith.cmpi slt, %mul3A_180, %sign3A_186 : i32
    %sign3A_188 = arith.extui %sign3A_187 : i1 to i32
    %sign3A_189 = arith.subi %sign3A_185, %sign3A_188 : i32
    %sign3A_190 = arith.constant 0 : i32
    %sign3A_191 = arith.cmpi sgt, %jit3A_181, %sign3A_190 : i32
    %sign3A_192 = arith.extui %sign3A_191 : i1 to i32
    %sign3A_193 = arith.constant 0 : i32
    %sign3A_194 = arith.cmpi slt, %jit3A_181, %sign3A_193 : i32
    %sign3A_195 = arith.extui %sign3A_194 : i1 to i32
    %sign3A_196 = arith.subi %sign3A_192, %sign3A_195 : i32
    %ne3A_197 = arith.cmpi ne, %sign3A_189, %sign3A_196 : i32
    %rem3A_198 = arith.remsi %mul3A_180, %jit3A_181 : i32
    %ne3A_199 = arith.constant 0 : i32
    %ne3A_200 = arith.cmpi ne, %rem3A_198, %ne3A_199 : i32
    %and3A_201 = arith.andi %ne3A_197, %ne3A_200 : i1
    %sub3A_202 = arith.constant 1 : i32
    %sub3A_203 = arith.subi %div3A_182, %sub3A_202 : i32
    %select_n3A_204 = arith.select %and3A_201, %sub3A_203, %div3A_182 : i32
    %dma_wait3A_205 = arith.constant 1 : i32
    %dma_wait3A_206 = arith.constant 0 : i32
    %dma_wait3A_207 = arith.constant 0 : i32
    %dma_wait3A_208 = tpu.memref_slice %arg7[%rem3A_135, %dma_wait3A_205, %dma_wait3A_206, %dma_wait3A_207] : memref<2x2x128x64xf32, #tpu.memory_space<vmem>> -> memref<1x1x128x64xf32, #tpu.memory_space<vmem>>
    %dma_wait3A_209 = tpu.memref_squeeze %dma_wait3A_208 : memref<1x1x128x64xf32, #tpu.memory_space<vmem>> -> memref<128x64xf32, #tpu.memory_space<vmem>>
    %dma_wait3A_210 = arith.constant 64 : i32
    %dma_wait3A_211 = tpu.memref_slice %arg4[%select_n3A_204, %dma_wait3A_210] : memref<131072x128xf32, #tpu.memory_space<hbm>> -> memref<128x64xf32, #tpu.memory_space<hbm>>
    %dma_wait3A_212 = arith.constant 64 : i32
    %dma_wait3A_213 = tpu.memref_slice %arg4[%select_n3A_204, %dma_wait3A_212] : memref<131072x128xf32, #tpu.memory_space<hbm>> -> memref<128x64xf32, #tpu.memory_space<hbm>>
    %dma_wait3A_214 = arith.constant 0 : i32
    %dma_wait3A_215 = arith.constant 0 : i32
    %dma_wait3A_216 = tpu.memref_slice %arg7[%rem3A_135, %dma_wait3A_205, %dma_wait3A_214, %dma_wait3A_215] : memref<2x2x128x64xf32, #tpu.memory_space<vmem>> -> memref<1x1x128x64xf32, #tpu.memory_space<vmem>>
    %dma_wait3A_217 = tpu.memref_squeeze %dma_wait3A_216 : memref<1x1x128x64xf32, #tpu.memory_space<vmem>> -> memref<128x64xf32, #tpu.memory_space<vmem>>
    tpu.wait_dma2 semaphore(%arg10 : memref<!tpu.dma_semaphore, #tpu.memory_space<semaphore_mem>>) src(%dma_wait3A_217 : memref<128x64xf32, #tpu.memory_space<vmem>>) dst(%dma_wait3A_213 : memref<128x64xf32, #tpu.memory_space<hbm>>)
    %rem3A_218 = arith.constant 31 : i32
    %rem3A_219 = arith.constant 2 : i32
    %rem3A_220 = arith.remsi %rem3A_218, %rem3A_219 : i32
    %add3A_221 = arith.constant 248 : i32
    %add3A_222 = arith.addi %mul3A_2, %add3A_221 : i32
    %mul3A_223 = arith.constant 32 : i32
    %mul3A_224 = arith.muli %add3A_222, %mul3A_223 : i32
    %jit3A_225 = arith.constant 2 : i32
    %div3A_226 = arith.divsi %mul3A_224, %jit3A_225 : i32
    %sign3A_227 = arith.constant 0 : i32
    %sign3A_228 = arith.cmpi sgt, %mul3A_224, %sign3A_227 : i32
    %sign3A_229 = arith.extui %sign3A_228 : i1 to i32
    %sign3A_230 = arith.constant 0 : i32
    %sign3A_231 = arith.cmpi slt, %mul3A_224, %sign3A_230 : i32
    %sign3A_232 = arith.extui %sign3A_231 : i1 to i32
    %sign3A_233 = arith.subi %sign3A_229, %sign3A_232 : i32
    %sign3A_234 = arith.constant 0 : i32
    %sign3A_235 = arith.cmpi sgt, %jit3A_225, %sign3A_234 : i32
    %sign3A_236 = arith.extui %sign3A_235 : i1 to i32
    %sign3A_237 = arith.constant 0 : i32
    %sign3A_238 = arith.cmpi slt, %jit3A_225, %sign3A_237 : i32
    %sign3A_239 = arith.extui %sign3A_238 : i1 to i32
    %sign3A_240 = arith.subi %sign3A_236, %sign3A_239 : i32
    %ne3A_241 = arith.cmpi ne, %sign3A_233, %sign3A_240 : i32
    %rem3A_242 = arith.remsi %mul3A_224, %jit3A_225 : i32
    %ne3A_243 = arith.constant 0 : i32
    %ne3A_244 = arith.cmpi ne, %rem3A_242, %ne3A_243 : i32
    %and3A_245 = arith.andi %ne3A_241, %ne3A_244 : i1
    %sub3A_246 = arith.constant 1 : i32
    %sub3A_247 = arith.subi %div3A_226, %sub3A_246 : i32
    %select_n3A_248 = arith.select %and3A_245, %sub3A_247, %div3A_226 : i32
    %dma_wait3A_249 = arith.constant 0 : i32
    %dma_wait3A_250 = arith.constant 0 : i32
    %dma_wait3A_251 = arith.constant 0 : i32
    %dma_wait3A_252 = tpu.memref_slice %arg7[%rem3A_220, %dma_wait3A_249, %dma_wait3A_250, %dma_wait3A_251] : memref<2x2x128x64xf32, #tpu.memory_space<vmem>> -> memref<1x1x128x64xf32, #tpu.memory_space<vmem>>
    %dma_wait3A_253 = tpu.memref_squeeze %dma_wait3A_252 : memref<1x1x128x64xf32, #tpu.memory_space<vmem>> -> memref<128x64xf32, #tpu.memory_space<vmem>>
    %dma_wait3A_254 = arith.constant 0 : i32
    %dma_wait3A_255 = tpu.memref_slice %arg4[%select_n3A_248, %dma_wait3A_254] : memref<131072x128xf32, #tpu.memory_space<hbm>> -> memref<128x64xf32, #tpu.memory_space<hbm>>
    %dma_wait3A_256 = arith.constant 0 : i32
    %dma_wait3A_257 = tpu.memref_slice %arg4[%select_n3A_248, %dma_wait3A_256] : memref<131072x128xf32, #tpu.memory_space<hbm>> -> memref<128x64xf32, #tpu.memory_space<hbm>>
    %dma_wait3A_258 = arith.constant 0 : i32
    %dma_wait3A_259 = arith.constant 0 : i32
    %dma_wait3A_260 = tpu.memref_slice %arg7[%rem3A_220, %dma_wait3A_249, %dma_wait3A_258, %dma_wait3A_259] : memref<2x2x128x64xf32, #tpu.memory_space<vmem>> -> memref<1x1x128x64xf32, #tpu.memory_space<vmem>>
    %dma_wait3A_261 = tpu.memref_squeeze %dma_wait3A_260 : memref<1x1x128x64xf32, #tpu.memory_space<vmem>> -> memref<128x64xf32, #tpu.memory_space<vmem>>
    tpu.wait_dma2 semaphore(%arg10 : memref<!tpu.dma_semaphore, #tpu.memory_space<semaphore_mem>>) src(%dma_wait3A_261 : memref<128x64xf32, #tpu.memory_space<vmem>>) dst(%dma_wait3A_257 : memref<128x64xf32, #tpu.memory_space<hbm>>)
    %add3A_262 = arith.constant 248 : i32
    %add3A_263 = arith.addi %mul3A_2, %add3A_262 : i32
    %mul3A_264 = arith.constant 32 : i32
    %mul3A_265 = arith.muli %add3A_263, %mul3A_264 : i32
    %jit3A_266 = arith.constant 2 : i32
    %div3A_267 = arith.divsi %mul3A_265, %jit3A_266 : i32
    %sign3A_268 = arith.constant 0 : i32
    %sign3A_269 = arith.cmpi sgt, %mul3A_265, %sign3A_268 : i32
    %sign3A_270 = arith.extui %sign3A_269 : i1 to i32
    %sign3A_271 = arith.constant 0 : i32
    %sign3A_272 = arith.cmpi slt, %mul3A_265, %sign3A_271 : i32
    %sign3A_273 = arith.extui %sign3A_272 : i1 to i32
    %sign3A_274 = arith.subi %sign3A_270, %sign3A_273 : i32
    %sign3A_275 = arith.constant 0 : i32
    %sign3A_276 = arith.cmpi sgt, %jit3A_266, %sign3A_275 : i32
    %sign3A_277 = arith.extui %sign3A_276 : i1 to i32
    %sign3A_278 = arith.constant 0 : i32
    %sign3A_279 = arith.cmpi slt, %jit3A_266, %sign3A_278 : i32
    %sign3A_280 = arith.extui %sign3A_279 : i1 to i32
    %sign3A_281 = arith.subi %sign3A_277, %sign3A_280 : i32
    %ne3A_282 = arith.cmpi ne, %sign3A_274, %sign3A_281 : i32
    %rem3A_283 = arith.remsi %mul3A_265, %jit3A_266 : i32
    %ne3A_284 = arith.constant 0 : i32
    %ne3A_285 = arith.cmpi ne, %rem3A_283, %ne3A_284 : i32
    %and3A_286 = arith.andi %ne3A_282, %ne3A_285 : i1
    %sub3A_287 = arith.constant 1 : i32
    %sub3A_288 = arith.subi %div3A_267, %sub3A_287 : i32
    %select_n3A_289 = arith.select %and3A_286, %sub3A_288, %div3A_267 : i32
    %dma_wait3A_290 = arith.constant 1 : i32
    %dma_wait3A_291 = arith.constant 0 : i32
    %dma_wait3A_292 = arith.constant 0 : i32
    %dma_wait3A_293 = tpu.memref_slice %arg7[%rem3A_220, %dma_wait3A_290, %dma_wait3A_291, %dma_wait3A_292] : memref<2x2x128x64xf32, #tpu.memory_space<vmem>> -> memref<1x1x128x64xf32, #tpu.memory_space<vmem>>
    %dma_wait3A_294 = tpu.memref_squeeze %dma_wait3A_293 : memref<1x1x128x64xf32, #tpu.memory_space<vmem>> -> memref<128x64xf32, #tpu.memory_space<vmem>>
    %dma_wait3A_295 = arith.constant 64 : i32
    %dma_wait3A_296 = tpu.memref_slice %arg4[%select_n3A_289, %dma_wait3A_295] : memref<131072x128xf32, #tpu.memory_space<hbm>> -> memref<128x64xf32, #tpu.memory_space<hbm>>
    %dma_wait3A_297 = arith.constant 64 : i32
    %dma_wait3A_298 = tpu.memref_slice %arg4[%select_n3A_289, %dma_wait3A_297] : memref<131072x128xf32, #tpu.memory_space<hbm>> -> memref<128x64xf32, #tpu.memory_space<hbm>>
    %dma_wait3A_299 = arith.constant 0 : i32
    %dma_wait3A_300 = arith.constant 0 : i32
    %dma_wait3A_301 = tpu.memref_slice %arg7[%rem3A_220, %dma_wait3A_290, %dma_wait3A_299, %dma_wait3A_300] : memref<2x2x128x64xf32, #tpu.memory_space<vmem>> -> memref<1x1x128x64xf32, #tpu.memory_space<vmem>>
    %dma_wait3A_302 = tpu.memref_squeeze %dma_wait3A_301 : memref<1x1x128x64xf32, #tpu.memory_space<vmem>> -> memref<128x64xf32, #tpu.memory_space<vmem>>
    tpu.wait_dma2 semaphore(%arg10 : memref<!tpu.dma_semaphore, #tpu.memory_space<semaphore_mem>>) src(%dma_wait3A_302 : memref<128x64xf32, #tpu.memory_space<vmem>>) dst(%dma_wait3A_298 : memref<128x64xf32, #tpu.memory_space<hbm>>)
    return
  }
}

module attributes {stable_mosaic.version = 14 : i64} {
  func.func @_fps_body(%arg0: memref<3x8x4096xf32, #tpu.memory_space<vmem>>, %arg1: memref<3x8x1024xf32, #tpu.memory_space<vmem>>, %arg2: memref<8x4096xf32, #tpu.memory_space<vmem>>) attributes {dimension_semantics = [], scalar_prefetch = 0 : i64, scratch_operands = 1 : i64, tpu.core_type = #tpu.core_type<tc>} {
    %iota3A = tpu.iota {dimensions = array<i32: 1>} : vector<8x4096xi32>
    %iota3A_0 = tpu.iota {dimensions = array<i32: 1>} : vector<8x1024xi32>
    %broadcast_in_dim3A = arith.constant 1.000000e+10 : f32
    %broadcast_in_dim3A_1 = vector.broadcast %broadcast_in_dim3A : f32 to vector<8x4096xf32>
    %swap3A = arith.constant 0 : index
    %swap3A_2 = arith.constant 0 : index
    %swap3A_3 = vector.load %arg2[%swap3A, %swap3A_2] : memref<8x4096xf32, #tpu.memory_space<vmem>>, vector<8x4096xf32>
    tpu.vector_store %arg2[%swap3A, %swap3A_2], %broadcast_in_dim3A_1 {strides = array<i32>} : memref<8x4096xf32, #tpu.memory_space<vmem>>, vector<8x4096xf32>,
    %iota3A_4 = tpu.iota {dimensions = array<i32: 1>} : vector<8x128xi32>
    %broadcast_in_dim3A_5 = arith.constant 0 : i32
    %broadcast_in_dim3A_6 = vector.broadcast %broadcast_in_dim3A_5 : i32 to vector<8x1xi32>
    %scan3A = arith.constant 0 : i32
    %scan3A_7 = arith.constant 1024 : i32
    %scan3A_8 = arith.addi %scan3A, %scan3A_7 : i32
    %scan3A_9 = arith.constant 2 : i32
    %scan3A_10 = scf.for %scan3A_12 = %scan3A to %scan3A_8 step %scan3A_9 iter_args(%scan3A_13 = %broadcast_in_dim3A_6) -> (vector<8x1xi32>)  : i32 {
      %eq3A = vector.broadcast %scan3A_13 : vector<8x1xi32> to vector<8x4096xi32>
      %eq3A_14 = arith.cmpi eq, %iota3A, %eq3A : vector<8x4096xi32>
      %broadcast_in_dim3A_15 = vector.shape_cast %eq3A_14 : vector<8x4096xi1> to vector<1x8x4096xi1>
      %broadcast_in_dim3A_16 = vector.broadcast %broadcast_in_dim3A_15 : vector<1x8x4096xi1> to vector<3x8x4096xi1>
      %get3A = arith.constant 0 : index
      %get3A_17 = arith.constant 0 : index
      %get3A_18 = arith.constant 0 : index
      %get3A_19 = vector.load %arg0[%get3A, %get3A_17, %get3A_18] : memref<3x8x4096xf32, #tpu.memory_space<vmem>>, vector<3x8x4096xf32>
      %jit3A = arith.constant 0.000000e+00 : f32
      %broadcast_in_dim3A_20 = vector.broadcast %jit3A : f32 to vector<3x8x4096xf32>
      %select_n3A = arith.select %broadcast_in_dim3A_16, %get3A_19, %broadcast_in_dim3A_20 : vector<3x8x4096xi1>, vector<3x8x4096xf32>
      %slice3A = vector.extract_strided_slice %select_n3A {offsets = [0, 0, 0], sizes = [3, 8, 128], strides = [1, 1, 1]} : vector<3x8x4096xf32> to vector<3x8x128xf32>
      %slice3A_21 = vector.extract_strided_slice %select_n3A {offsets = [0, 0, 128], sizes = [3, 8, 128], strides = [1, 1, 1]} : vector<3x8x4096xf32> to vector<3x8x128xf32>
      %slice3A_22 = vector.extract_strided_slice %select_n3A {offsets = [0, 0, 256], sizes = [3, 8, 128], strides = [1, 1, 1]} : vector<3x8x4096xf32> to vector<3x8x128xf32>
      %slice3A_23 = vector.extract_strided_slice %select_n3A {offsets = [0, 0, 384], sizes = [3, 8, 128], strides = [1, 1, 1]} : vector<3x8x4096xf32> to vector<3x8x128xf32>
      %slice3A_24 = vector.extract_strided_slice %select_n3A {offsets = [0, 0, 512], sizes = [3, 8, 128], strides = [1, 1, 1]} : vector<3x8x4096xf32> to vector<3x8x128xf32>
      %slice3A_25 = vector.extract_strided_slice %select_n3A {offsets = [0, 0, 640], sizes = [3, 8, 128], strides = [1, 1, 1]} : vector<3x8x4096xf32> to vector<3x8x128xf32>
      %slice3A_26 = vector.extract_strided_slice %select_n3A {offsets = [0, 0, 768], sizes = [3, 8, 128], strides = [1, 1, 1]} : vector<3x8x4096xf32> to vector<3x8x128xf32>
      %slice3A_27 = vector.extract_strided_slice %select_n3A {offsets = [0, 0, 896], sizes = [3, 8, 128], strides = [1, 1, 1]} : vector<3x8x4096xf32> to vector<3x8x128xf32>
      %slice3A_28 = vector.extract_strided_slice %select_n3A {offsets = [0, 0, 1024], sizes = [3, 8, 128], strides = [1, 1, 1]} : vector<3x8x4096xf32> to vector<3x8x128xf32>
      %slice3A_29 = vector.extract_strided_slice %select_n3A {offsets = [0, 0, 1152], sizes = [3, 8, 128], strides = [1, 1, 1]} : vector<3x8x4096xf32> to vector<3x8x128xf32>
      %slice3A_30 = vector.extract_strided_slice %select_n3A {offsets = [0, 0, 1280], sizes = [3, 8, 128], strides = [1, 1, 1]} : vector<3x8x4096xf32> to vector<3x8x128xf32>
      %slice3A_31 = vector.extract_strided_slice %select_n3A {offsets = [0, 0, 1408], sizes = [3, 8, 128], strides = [1, 1, 1]} : vector<3x8x4096xf32> to vector<3x8x128xf32>
      %slice3A_32 = vector.extract_strided_slice %select_n3A {offsets = [0, 0, 1536], sizes = [3, 8, 128], strides = [1, 1, 1]} : vector<3x8x4096xf32> to vector<3x8x128xf32>
      %slice3A_33 = vector.extract_strided_slice %select_n3A {offsets = [0, 0, 1664], sizes = [3, 8, 128], strides = [1, 1, 1]} : vector<3x8x4096xf32> to vector<3x8x128xf32>
      %slice3A_34 = vector.extract_strided_slice %select_n3A {offsets = [0, 0, 1792], sizes = [3, 8, 128], strides = [1, 1, 1]} : vector<3x8x4096xf32> to vector<3x8x128xf32>
      %slice3A_35 = vector.extract_strided_slice %select_n3A {offsets = [0, 0, 1920], sizes = [3, 8, 128], strides = [1, 1, 1]} : vector<3x8x4096xf32> to vector<3x8x128xf32>
      %slice3A_36 = vector.extract_strided_slice %select_n3A {offsets = [0, 0, 2048], sizes = [3, 8, 128], strides = [1, 1, 1]} : vector<3x8x4096xf32> to vector<3x8x128xf32>
      %slice3A_37 = vector.extract_strided_slice %select_n3A {offsets = [0, 0, 2176], sizes = [3, 8, 128], strides = [1, 1, 1]} : vector<3x8x4096xf32> to vector<3x8x128xf32>
      %slice3A_38 = vector.extract_strided_slice %select_n3A {offsets = [0, 0, 2304], sizes = [3, 8, 128], strides = [1, 1, 1]} : vector<3x8x4096xf32> to vector<3x8x128xf32>
      %slice3A_39 = vector.extract_strided_slice %select_n3A {offsets = [0, 0, 2432], sizes = [3, 8, 128], strides = [1, 1, 1]} : vector<3x8x4096xf32> to vector<3x8x128xf32>
      %slice3A_40 = vector.extract_strided_slice %select_n3A {offsets = [0, 0, 2560], sizes = [3, 8, 128], strides = [1, 1, 1]} : vector<3x8x4096xf32> to vector<3x8x128xf32>
      %slice3A_41 = vector.extract_strided_slice %select_n3A {offsets = [0, 0, 2688], sizes = [3, 8, 128], strides = [1, 1, 1]} : vector<3x8x4096xf32> to vector<3x8x128xf32>
      %slice3A_42 = vector.extract_strided_slice %select_n3A {offsets = [0, 0, 2816], sizes = [3, 8, 128], strides = [1, 1, 1]} : vector<3x8x4096xf32> to vector<3x8x128xf32>
      %slice3A_43 = vector.extract_strided_slice %select_n3A {offsets = [0, 0, 2944], sizes = [3, 8, 128], strides = [1, 1, 1]} : vector<3x8x4096xf32> to vector<3x8x128xf32>
      %slice3A_44 = vector.extract_strided_slice %select_n3A {offsets = [0, 0, 3072], sizes = [3, 8, 128], strides = [1, 1, 1]} : vector<3x8x4096xf32> to vector<3x8x128xf32>
      %slice3A_45 = vector.extract_strided_slice %select_n3A {offsets = [0, 0, 3200], sizes = [3, 8, 128], strides = [1, 1, 1]} : vector<3x8x4096xf32> to vector<3x8x128xf32>
      %slice3A_46 = vector.extract_strided_slice %select_n3A {offsets = [0, 0, 3328], sizes = [3, 8, 128], strides = [1, 1, 1]} : vector<3x8x4096xf32> to vector<3x8x128xf32>
      %slice3A_47 = vector.extract_strided_slice %select_n3A {offsets = [0, 0, 3456], sizes = [3, 8, 128], strides = [1, 1, 1]} : vector<3x8x4096xf32> to vector<3x8x128xf32>
      %slice3A_48 = vector.extract_strided_slice %select_n3A {offsets = [0, 0, 3584], sizes = [3, 8, 128], strides = [1, 1, 1]} : vector<3x8x4096xf32> to vector<3x8x128xf32>
      %slice3A_49 = vector.extract_strided_slice %select_n3A {offsets = [0, 0, 3712], sizes = [3, 8, 128], strides = [1, 1, 1]} : vector<3x8x4096xf32> to vector<3x8x128xf32>
      %slice3A_50 = vector.extract_strided_slice %select_n3A {offsets = [0, 0, 3840], sizes = [3, 8, 128], strides = [1, 1, 1]} : vector<3x8x4096xf32> to vector<3x8x128xf32>
      %slice3A_51 = vector.extract_strided_slice %select_n3A {offsets = [0, 0, 3968], sizes = [3, 8, 128], strides = [1, 1, 1]} : vector<3x8x4096xf32> to vector<3x8x128xf32>
      %add3A = arith.addf %slice3A, %slice3A_21 : vector<3x8x128xf32>
      %add3A_52 = arith.addf %slice3A_22, %slice3A_23 : vector<3x8x128xf32>
      %add3A_53 = arith.addf %slice3A_24, %slice3A_25 : vector<3x8x128xf32>
      %add3A_54 = arith.addf %slice3A_26, %slice3A_27 : vector<3x8x128xf32>
      %add3A_55 = arith.addf %slice3A_28, %slice3A_29 : vector<3x8x128xf32>
      %add3A_56 = arith.addf %slice3A_30, %slice3A_31 : vector<3x8x128xf32>
      %add3A_57 = arith.addf %slice3A_32, %slice3A_33 : vector<3x8x128xf32>
      %add3A_58 = arith.addf %slice3A_34, %slice3A_35 : vector<3x8x128xf32>
      %add3A_59 = arith.addf %slice3A_36, %slice3A_37 : vector<3x8x128xf32>
      %add3A_60 = arith.addf %slice3A_38, %slice3A_39 : vector<3x8x128xf32>
      %add3A_61 = arith.addf %slice3A_40, %slice3A_41 : vector<3x8x128xf32>
      %add3A_62 = arith.addf %slice3A_42, %slice3A_43 : vector<3x8x128xf32>
      %add3A_63 = arith.addf %slice3A_44, %slice3A_45 : vector<3x8x128xf32>
      %add3A_64 = arith.addf %slice3A_46, %slice3A_47 : vector<3x8x128xf32>
      %add3A_65 = arith.addf %slice3A_48, %slice3A_49 : vector<3x8x128xf32>
      %add3A_66 = arith.addf %slice3A_50, %slice3A_51 : vector<3x8x128xf32>
      %add3A_67 = arith.addf %add3A, %add3A_52 : vector<3x8x128xf32>
      %add3A_68 = arith.addf %add3A_53, %add3A_54 : vector<3x8x128xf32>
      %add3A_69 = arith.addf %add3A_55, %add3A_56 : vector<3x8x128xf32>
      %add3A_70 = arith.addf %add3A_57, %add3A_58 : vector<3x8x128xf32>
      %add3A_71 = arith.addf %add3A_59, %add3A_60 : vector<3x8x128xf32>
      %add3A_72 = arith.addf %add3A_61, %add3A_62 : vector<3x8x128xf32>
      %add3A_73 = arith.addf %add3A_63, %add3A_64 : vector<3x8x128xf32>
      %add3A_74 = arith.addf %add3A_65, %add3A_66 : vector<3x8x128xf32>
      %add3A_75 = arith.addf %add3A_67, %add3A_68 : vector<3x8x128xf32>
      %add3A_76 = arith.addf %add3A_69, %add3A_70 : vector<3x8x128xf32>
      %add3A_77 = arith.addf %add3A_71, %add3A_72 : vector<3x8x128xf32>
      %add3A_78 = arith.addf %add3A_73, %add3A_74 : vector<3x8x128xf32>
      %add3A_79 = arith.addf %add3A_75, %add3A_76 : vector<3x8x128xf32>
      %add3A_80 = arith.addf %add3A_77, %add3A_78 : vector<3x8x128xf32>
      %add3A_81 = arith.addf %add3A_79, %add3A_80 : vector<3x8x128xf32>
      %reduce_sum3A = arith.constant dense<0.000000e+00> : vector<3x8xf32>
      %reduce_sum3A_82 = vector.multi_reduction <add>, %add3A_81, %reduce_sum3A [2] : vector<3x8x128xf32> to vector<3x8xf32>
      %broadcast_in_dim3A_83 = vector.shape_cast %reduce_sum3A_82 : vector<3x8xf32> to vector<3x8x1xf32>
      %eq3A_84 = vector.broadcast %scan3A_12 : i32 to vector<8x1024xi32>
      %eq3A_85 = arith.cmpi eq, %iota3A_0, %eq3A_84 : vector<8x1024xi32>
      %broadcast_in_dim3A_86 = vector.shape_cast %eq3A_85 : vector<8x1024xi1> to vector<1x8x1024xi1>
      %broadcast_in_dim3A_87 = vector.broadcast %broadcast_in_dim3A_86 : vector<1x8x1024xi1> to vector<3x8x1024xi1>
      %get3A_88 = arith.constant 0 : index
      %get3A_89 = arith.constant 0 : index
      %get3A_90 = arith.constant 0 : index
      %get3A_91 = vector.load %arg1[%get3A_88, %get3A_89, %get3A_90] : memref<3x8x1024xf32, #tpu.memory_space<vmem>>, vector<3x8x1024xf32>
      %broadcast_in_dim3A_92 = vector.shape_cast %broadcast_in_dim3A_83 : vector<3x8x1xf32> to vector<3x8x1xf32>
      %broadcast_in_dim3A_93 = vector.broadcast %broadcast_in_dim3A_92 : vector<3x8x1xf32> to vector<3x8x1024xf32>
      %select_n3A_94 = arith.select %broadcast_in_dim3A_87, %broadcast_in_dim3A_93, %get3A_91 : vector<3x8x1024xi1>, vector<3x8x1024xf32>
      %swap3A_95 = arith.constant 0 : index
      %swap3A_96 = arith.constant 0 : index
      %swap3A_97 = arith.constant 0 : index
      %swap3A_98 = vector.load %arg1[%swap3A_95, %swap3A_96, %swap3A_97] : memref<3x8x1024xf32, #tpu.memory_space<vmem>>, vector<3x8x1024xf32>
      tpu.vector_store %arg1[%swap3A_95, %swap3A_96, %swap3A_97], %select_n3A_94 {strides = array<i32>} : memref<3x8x1024xf32, #tpu.memory_space<vmem>>, vector<3x8x1024xf32>,
      %slice3A_99 = vector.extract_strided_slice %get3A_19 {offsets = [0, 0, 0], sizes = [1, 8, 4096], strides = [1, 1, 1]} : vector<3x8x4096xf32> to vector<1x8x4096xf32>
      %squeeze3A = vector.shape_cast %slice3A_99 : vector<1x8x4096xf32> to vector<8x4096xf32>
      %slice3A_100 = vector.extract_strided_slice %broadcast_in_dim3A_83 {offsets = [0, 0, 0], sizes = [1, 8, 1], strides = [1, 1, 1]} : vector<3x8x1xf32> to vector<1x8x1xf32>
      %squeeze3A_101 = vector.shape_cast %slice3A_100 : vector<1x8x1xf32> to vector<8x1xf32>
      %sub3A = vector.broadcast %squeeze3A_101 : vector<8x1xf32> to vector<8x4096xf32>
      %sub3A_102 = arith.subf %squeeze3A, %sub3A : vector<8x4096xf32>
      %slice3A_103 = vector.extract_strided_slice %get3A_19 {offsets = [1, 0, 0], sizes = [1, 8, 4096], strides = [1, 1, 1]} : vector<3x8x4096xf32> to vector<1x8x4096xf32>
      %squeeze3A_104 = vector.shape_cast %slice3A_103 : vector<1x8x4096xf32> to vector<8x4096xf32>
      %slice3A_105 = vector.extract_strided_slice %broadcast_in_dim3A_83 {offsets = [1, 0, 0], sizes = [1, 8, 1], strides = [1, 1, 1]} : vector<3x8x1xf32> to vector<1x8x1xf32>
      %squeeze3A_106 = vector.shape_cast %slice3A_105 : vector<1x8x1xf32> to vector<8x1xf32>
      %sub3A_107 = vector.broadcast %squeeze3A_106 : vector<8x1xf32> to vector<8x4096xf32>
      %sub3A_108 = arith.subf %squeeze3A_104, %sub3A_107 : vector<8x4096xf32>
      %slice3A_109 = vector.extract_strided_slice %get3A_19 {offsets = [2, 0, 0], sizes = [1, 8, 4096], strides = [1, 1, 1]} : vector<3x8x4096xf32> to vector<1x8x4096xf32>
      %squeeze3A_110 = vector.shape_cast %slice3A_109 : vector<1x8x4096xf32> to vector<8x4096xf32>
      %slice3A_111 = vector.extract_strided_slice %broadcast_in_dim3A_83 {offsets = [2, 0, 0], sizes = [1, 8, 1], strides = [1, 1, 1]} : vector<3x8x1xf32> to vector<1x8x1xf32>
      %squeeze3A_112 = vector.shape_cast %slice3A_111 : vector<1x8x1xf32> to vector<8x1xf32>
      %sub3A_113 = vector.broadcast %squeeze3A_112 : vector<8x1xf32> to vector<8x4096xf32>
      %sub3A_114 = arith.subf %squeeze3A_110, %sub3A_113 : vector<8x4096xf32>
      %mul3A = arith.mulf %sub3A_102, %sub3A_102 : vector<8x4096xf32>
      %mul3A_115 = arith.mulf %sub3A_108, %sub3A_108 : vector<8x4096xf32>
      %add3A_116 = arith.addf %mul3A, %mul3A_115 : vector<8x4096xf32>
      %mul3A_117 = arith.mulf %sub3A_114, %sub3A_114 : vector<8x4096xf32>
      %add3A_118 = arith.addf %add3A_116, %mul3A_117 : vector<8x4096xf32>
      %get3A_119 = arith.constant 0 : index
      %get3A_120 = arith.constant 0 : index
      %get3A_121 = vector.load %arg2[%get3A_119, %get3A_120] : memref<8x4096xf32, #tpu.memory_space<vmem>>, vector<8x4096xf32>
      %min3A = arith.minimumf %get3A_121, %add3A_118 : vector<8x4096xf32>
      %swap3A_122 = arith.constant 0 : index
      %swap3A_123 = arith.constant 0 : index
      %swap3A_124 = vector.load %arg2[%swap3A_122, %swap3A_123] : memref<8x4096xf32, #tpu.memory_space<vmem>>, vector<8x4096xf32>
      tpu.vector_store %arg2[%swap3A_122, %swap3A_123], %min3A {strides = array<i32>} : memref<8x4096xf32, #tpu.memory_space<vmem>>, vector<8x4096xf32>,
      %slice3A_125 = vector.extract_strided_slice %min3A {offsets = [0, 0], sizes = [8, 128], strides = [1, 1]} : vector<8x4096xf32> to vector<8x128xf32>
      %slice3A_126 = vector.extract_strided_slice %min3A {offsets = [0, 128], sizes = [8, 128], strides = [1, 1]} : vector<8x4096xf32> to vector<8x128xf32>
      %slice3A_127 = vector.extract_strided_slice %min3A {offsets = [0, 256], sizes = [8, 128], strides = [1, 1]} : vector<8x4096xf32> to vector<8x128xf32>
      %slice3A_128 = vector.extract_strided_slice %min3A {offsets = [0, 384], sizes = [8, 128], strides = [1, 1]} : vector<8x4096xf32> to vector<8x128xf32>
      %slice3A_129 = vector.extract_strided_slice %min3A {offsets = [0, 512], sizes = [8, 128], strides = [1, 1]} : vector<8x4096xf32> to vector<8x128xf32>
      %slice3A_130 = vector.extract_strided_slice %min3A {offsets = [0, 640], sizes = [8, 128], strides = [1, 1]} : vector<8x4096xf32> to vector<8x128xf32>
      %slice3A_131 = vector.extract_strided_slice %min3A {offsets = [0, 768], sizes = [8, 128], strides = [1, 1]} : vector<8x4096xf32> to vector<8x128xf32>
      %slice3A_132 = vector.extract_strided_slice %min3A {offsets = [0, 896], sizes = [8, 128], strides = [1, 1]} : vector<8x4096xf32> to vector<8x128xf32>
      %slice3A_133 = vector.extract_strided_slice %min3A {offsets = [0, 1024], sizes = [8, 128], strides = [1, 1]} : vector<8x4096xf32> to vector<8x128xf32>
      %slice3A_134 = vector.extract_strided_slice %min3A {offsets = [0, 1152], sizes = [8, 128], strides = [1, 1]} : vector<8x4096xf32> to vector<8x128xf32>
      %slice3A_135 = vector.extract_strided_slice %min3A {offsets = [0, 1280], sizes = [8, 128], strides = [1, 1]} : vector<8x4096xf32> to vector<8x128xf32>
      %slice3A_136 = vector.extract_strided_slice %min3A {offsets = [0, 1408], sizes = [8, 128], strides = [1, 1]} : vector<8x4096xf32> to vector<8x128xf32>
      %slice3A_137 = vector.extract_strided_slice %min3A {offsets = [0, 1536], sizes = [8, 128], strides = [1, 1]} : vector<8x4096xf32> to vector<8x128xf32>
      %slice3A_138 = vector.extract_strided_slice %min3A {offsets = [0, 1664], sizes = [8, 128], strides = [1, 1]} : vector<8x4096xf32> to vector<8x128xf32>
      %slice3A_139 = vector.extract_strided_slice %min3A {offsets = [0, 1792], sizes = [8, 128], strides = [1, 1]} : vector<8x4096xf32> to vector<8x128xf32>
      %slice3A_140 = vector.extract_strided_slice %min3A {offsets = [0, 1920], sizes = [8, 128], strides = [1, 1]} : vector<8x4096xf32> to vector<8x128xf32>
      %slice3A_141 = vector.extract_strided_slice %min3A {offsets = [0, 2048], sizes = [8, 128], strides = [1, 1]} : vector<8x4096xf32> to vector<8x128xf32>
      %slice3A_142 = vector.extract_strided_slice %min3A {offsets = [0, 2176], sizes = [8, 128], strides = [1, 1]} : vector<8x4096xf32> to vector<8x128xf32>
      %slice3A_143 = vector.extract_strided_slice %min3A {offsets = [0, 2304], sizes = [8, 128], strides = [1, 1]} : vector<8x4096xf32> to vector<8x128xf32>
      %slice3A_144 = vector.extract_strided_slice %min3A {offsets = [0, 2432], sizes = [8, 128], strides = [1, 1]} : vector<8x4096xf32> to vector<8x128xf32>
      %slice3A_145 = vector.extract_strided_slice %min3A {offsets = [0, 2560], sizes = [8, 128], strides = [1, 1]} : vector<8x4096xf32> to vector<8x128xf32>
      %slice3A_146 = vector.extract_strided_slice %min3A {offsets = [0, 2688], sizes = [8, 128], strides = [1, 1]} : vector<8x4096xf32> to vector<8x128xf32>
      %slice3A_147 = vector.extract_strided_slice %min3A {offsets = [0, 2816], sizes = [8, 128], strides = [1, 1]} : vector<8x4096xf32> to vector<8x128xf32>
      %slice3A_148 = vector.extract_strided_slice %min3A {offsets = [0, 2944], sizes = [8, 128], strides = [1, 1]} : vector<8x4096xf32> to vector<8x128xf32>
      %slice3A_149 = vector.extract_strided_slice %min3A {offsets = [0, 3072], sizes = [8, 128], strides = [1, 1]} : vector<8x4096xf32> to vector<8x128xf32>
      %slice3A_150 = vector.extract_strided_slice %min3A {offsets = [0, 3200], sizes = [8, 128], strides = [1, 1]} : vector<8x4096xf32> to vector<8x128xf32>
      %slice3A_151 = vector.extract_strided_slice %min3A {offsets = [0, 3328], sizes = [8, 128], strides = [1, 1]} : vector<8x4096xf32> to vector<8x128xf32>
      %slice3A_152 = vector.extract_strided_slice %min3A {offsets = [0, 3456], sizes = [8, 128], strides = [1, 1]} : vector<8x4096xf32> to vector<8x128xf32>
      %slice3A_153 = vector.extract_strided_slice %min3A {offsets = [0, 3584], sizes = [8, 128], strides = [1, 1]} : vector<8x4096xf32> to vector<8x128xf32>
      %slice3A_154 = vector.extract_strided_slice %min3A {offsets = [0, 3712], sizes = [8, 128], strides = [1, 1]} : vector<8x4096xf32> to vector<8x128xf32>
      %slice3A_155 = vector.extract_strided_slice %min3A {offsets = [0, 3840], sizes = [8, 128], strides = [1, 1]} : vector<8x4096xf32> to vector<8x128xf32>
      %slice3A_156 = vector.extract_strided_slice %min3A {offsets = [0, 3968], sizes = [8, 128], strides = [1, 1]} : vector<8x4096xf32> to vector<8x128xf32>
      %max3A = arith.maximumf %slice3A_125, %slice3A_126 : vector<8x128xf32>
      %max3A_157 = arith.maximumf %slice3A_127, %slice3A_128 : vector<8x128xf32>
      %max3A_158 = arith.maximumf %slice3A_129, %slice3A_130 : vector<8x128xf32>
      %max3A_159 = arith.maximumf %slice3A_131, %slice3A_132 : vector<8x128xf32>
      %max3A_160 = arith.maximumf %slice3A_133, %slice3A_134 : vector<8x128xf32>
      %max3A_161 = arith.maximumf %slice3A_135, %slice3A_136 : vector<8x128xf32>
      %max3A_162 = arith.maximumf %slice3A_137, %slice3A_138 : vector<8x128xf32>
      %max3A_163 = arith.maximumf %slice3A_139, %slice3A_140 : vector<8x128xf32>
      %max3A_164 = arith.maximumf %slice3A_141, %slice3A_142 : vector<8x128xf32>
      %max3A_165 = arith.maximumf %slice3A_143, %slice3A_144 : vector<8x128xf32>
      %max3A_166 = arith.maximumf %slice3A_145, %slice3A_146 : vector<8x128xf32>
      %max3A_167 = arith.maximumf %slice3A_147, %slice3A_148 : vector<8x128xf32>
      %max3A_168 = arith.maximumf %slice3A_149, %slice3A_150 : vector<8x128xf32>
      %max3A_169 = arith.maximumf %slice3A_151, %slice3A_152 : vector<8x128xf32>
      %max3A_170 = arith.maximumf %slice3A_153, %slice3A_154 : vector<8x128xf32>
      %max3A_171 = arith.maximumf %slice3A_155, %slice3A_156 : vector<8x128xf32>
      %max3A_172 = arith.maximumf %max3A, %max3A_157 : vector<8x128xf32>
      %max3A_173 = arith.maximumf %max3A_158, %max3A_159 : vector<8x128xf32>
      %max3A_174 = arith.maximumf %max3A_160, %max3A_161 : vector<8x128xf32>
      %max3A_175 = arith.maximumf %max3A_162, %max3A_163 : vector<8x128xf32>
      %max3A_176 = arith.maximumf %max3A_164, %max3A_165 : vector<8x128xf32>
      %max3A_177 = arith.maximumf %max3A_166, %max3A_167 : vector<8x128xf32>
      %max3A_178 = arith.maximumf %max3A_168, %max3A_169 : vector<8x128xf32>
      %max3A_179 = arith.maximumf %max3A_170, %max3A_171 : vector<8x128xf32>
      %max3A_180 = arith.maximumf %max3A_172, %max3A_173 : vector<8x128xf32>
      %max3A_181 = arith.maximumf %max3A_174, %max3A_175 : vector<8x128xf32>
      %max3A_182 = arith.maximumf %max3A_176, %max3A_177 : vector<8x128xf32>
      %max3A_183 = arith.maximumf %max3A_178, %max3A_179 : vector<8x128xf32>
      %max3A_184 = arith.maximumf %max3A_180, %max3A_181 : vector<8x128xf32>
      %max3A_185 = arith.maximumf %max3A_182, %max3A_183 : vector<8x128xf32>
      %max3A_186 = arith.maximumf %max3A_184, %max3A_185 : vector<8x128xf32>
      %reduce_max3A = arith.constant dense<0xFF800000> : vector<8xf32>
      %reduce_max3A_187 = vector.multi_reduction <maximumf>, %max3A_186, %reduce_max3A [1] : vector<8x128xf32> to vector<8xf32>
      %broadcast_in_dim3A_188 = vector.shape_cast %reduce_max3A_187 : vector<8xf32> to vector<8x1xf32>
      %eq3A_189 = vector.broadcast %broadcast_in_dim3A_188 : vector<8x1xf32> to vector<8x128xf32>
      %eq3A_190 = arith.cmpf oeq, %slice3A_125, %eq3A_189 : vector<8x128xf32>
      %jit3A_191 = arith.constant 0 : i32
      %jit3A_192 = arith.constant 32 : i32
      %broadcast_in_dim3A_193 = vector.broadcast %jit3A_191 : i32 to vector<8x128xi32>
      %broadcast_in_dim3A_194 = vector.broadcast %jit3A_192 : i32 to vector<8x128xi32>
      %select_n3A_195 = arith.select %eq3A_190, %broadcast_in_dim3A_193, %broadcast_in_dim3A_194 : vector<8x128xi1>, vector<8x128xi32>
      %eq3A_196 = vector.broadcast %broadcast_in_dim3A_188 : vector<8x1xf32> to vector<8x128xf32>
      %eq3A_197 = arith.cmpf oeq, %slice3A_126, %eq3A_196 : vector<8x128xf32>
      %jit3A_198 = arith.constant 1 : i32
      %jit3A_199 = arith.constant 32 : i32
      %broadcast_in_dim3A_200 = vector.broadcast %jit3A_198 : i32 to vector<8x128xi32>
      %broadcast_in_dim3A_201 = vector.broadcast %jit3A_199 : i32 to vector<8x128xi32>
      %select_n3A_202 = arith.select %eq3A_197, %broadcast_in_dim3A_200, %broadcast_in_dim3A_201 : vector<8x128xi1>, vector<8x128xi32>
      %eq3A_203 = vector.broadcast %broadcast_in_dim3A_188 : vector<8x1xf32> to vector<8x128xf32>
      %eq3A_204 = arith.cmpf oeq, %slice3A_127, %eq3A_203 : vector<8x128xf32>
      %jit3A_205 = arith.constant 2 : i32
      %jit3A_206 = arith.constant 32 : i32
      %broadcast_in_dim3A_207 = vector.broadcast %jit3A_205 : i32 to vector<8x128xi32>
      %broadcast_in_dim3A_208 = vector.broadcast %jit3A_206 : i32 to vector<8x128xi32>
      %select_n3A_209 = arith.select %eq3A_204, %broadcast_in_dim3A_207, %broadcast_in_dim3A_208 : vector<8x128xi1>, vector<8x128xi32>
      %eq3A_210 = vector.broadcast %broadcast_in_dim3A_188 : vector<8x1xf32> to vector<8x128xf32>
      %eq3A_211 = arith.cmpf oeq, %slice3A_128, %eq3A_210 : vector<8x128xf32>
      %jit3A_212 = arith.constant 3 : i32
      %jit3A_213 = arith.constant 32 : i32
      %broadcast_in_dim3A_214 = vector.broadcast %jit3A_212 : i32 to vector<8x128xi32>
      %broadcast_in_dim3A_215 = vector.broadcast %jit3A_213 : i32 to vector<8x128xi32>
      %select_n3A_216 = arith.select %eq3A_211, %broadcast_in_dim3A_214, %broadcast_in_dim3A_215 : vector<8x128xi1>, vector<8x128xi32>
      %eq3A_217 = vector.broadcast %broadcast_in_dim3A_188 : vector<8x1xf32> to vector<8x128xf32>
      %eq3A_218 = arith.cmpf oeq, %slice3A_129, %eq3A_217 : vector<8x128xf32>
      %jit3A_219 = arith.constant 4 : i32
      %jit3A_220 = arith.constant 32 : i32
      %broadcast_in_dim3A_221 = vector.broadcast %jit3A_219 : i32 to vector<8x128xi32>
      %broadcast_in_dim3A_222 = vector.broadcast %jit3A_220 : i32 to vector<8x128xi32>
      %select_n3A_223 = arith.select %eq3A_218, %broadcast_in_dim3A_221, %broadcast_in_dim3A_222 : vector<8x128xi1>, vector<8x128xi32>
      %eq3A_224 = vector.broadcast %broadcast_in_dim3A_188 : vector<8x1xf32> to vector<8x128xf32>
      %eq3A_225 = arith.cmpf oeq, %slice3A_130, %eq3A_224 : vector<8x128xf32>
      %jit3A_226 = arith.constant 5 : i32
      %jit3A_227 = arith.constant 32 : i32
      %broadcast_in_dim3A_228 = vector.broadcast %jit3A_226 : i32 to vector<8x128xi32>
      %broadcast_in_dim3A_229 = vector.broadcast %jit3A_227 : i32 to vector<8x128xi32>
      %select_n3A_230 = arith.select %eq3A_225, %broadcast_in_dim3A_228, %broadcast_in_dim3A_229 : vector<8x128xi1>, vector<8x128xi32>
      %eq3A_231 = vector.broadcast %broadcast_in_dim3A_188 : vector<8x1xf32> to vector<8x128xf32>
      %eq3A_232 = arith.cmpf oeq, %slice3A_131, %eq3A_231 : vector<8x128xf32>
      %jit3A_233 = arith.constant 6 : i32
      %jit3A_234 = arith.constant 32 : i32
      %broadcast_in_dim3A_235 = vector.broadcast %jit3A_233 : i32 to vector<8x128xi32>
      %broadcast_in_dim3A_236 = vector.broadcast %jit3A_234 : i32 to vector<8x128xi32>
      %select_n3A_237 = arith.select %eq3A_232, %broadcast_in_dim3A_235, %broadcast_in_dim3A_236 : vector<8x128xi1>, vector<8x128xi32>
      %eq3A_238 = vector.broadcast %broadcast_in_dim3A_188 : vector<8x1xf32> to vector<8x128xf32>
      %eq3A_239 = arith.cmpf oeq, %slice3A_132, %eq3A_238 : vector<8x128xf32>
      %jit3A_240 = arith.constant 7 : i32
      %jit3A_241 = arith.constant 32 : i32
      %broadcast_in_dim3A_242 = vector.broadcast %jit3A_240 : i32 to vector<8x128xi32>
      %broadcast_in_dim3A_243 = vector.broadcast %jit3A_241 : i32 to vector<8x128xi32>
      %select_n3A_244 = arith.select %eq3A_239, %broadcast_in_dim3A_242, %broadcast_in_dim3A_243 : vector<8x128xi1>, vector<8x128xi32>
      %eq3A_245 = vector.broadcast %broadcast_in_dim3A_188 : vector<8x1xf32> to vector<8x128xf32>
      %eq3A_246 = arith.cmpf oeq, %slice3A_133, %eq3A_245 : vector<8x128xf32>
      %jit3A_247 = arith.constant 8 : i32
      %jit3A_248 = arith.constant 32 : i32
      %broadcast_in_dim3A_249 = vector.broadcast %jit3A_247 : i32 to vector<8x128xi32>
      %broadcast_in_dim3A_250 = vector.broadcast %jit3A_248 : i32 to vector<8x128xi32>
      %select_n3A_251 = arith.select %eq3A_246, %broadcast_in_dim3A_249, %broadcast_in_dim3A_250 : vector<8x128xi1>, vector<8x128xi32>
      %eq3A_252 = vector.broadcast %broadcast_in_dim3A_188 : vector<8x1xf32> to vector<8x128xf32>
      %eq3A_253 = arith.cmpf oeq, %slice3A_134, %eq3A_252 : vector<8x128xf32>
      %jit3A_254 = arith.constant 9 : i32
      %jit3A_255 = arith.constant 32 : i32
      %broadcast_in_dim3A_256 = vector.broadcast %jit3A_254 : i32 to vector<8x128xi32>
      %broadcast_in_dim3A_257 = vector.broadcast %jit3A_255 : i32 to vector<8x128xi32>
      %select_n3A_258 = arith.select %eq3A_253, %broadcast_in_dim3A_256, %broadcast_in_dim3A_257 : vector<8x128xi1>, vector<8x128xi32>
      %eq3A_259 = vector.broadcast %broadcast_in_dim3A_188 : vector<8x1xf32> to vector<8x128xf32>
      %eq3A_260 = arith.cmpf oeq, %slice3A_135, %eq3A_259 : vector<8x128xf32>
      %jit3A_261 = arith.constant 10 : i32
      %jit3A_262 = arith.constant 32 : i32
      %broadcast_in_dim3A_263 = vector.broadcast %jit3A_261 : i32 to vector<8x128xi32>
      %broadcast_in_dim3A_264 = vector.broadcast %jit3A_262 : i32 to vector<8x128xi32>
      %select_n3A_265 = arith.select %eq3A_260, %broadcast_in_dim3A_263, %broadcast_in_dim3A_264 : vector<8x128xi1>, vector<8x128xi32>
      %eq3A_266 = vector.broadcast %broadcast_in_dim3A_188 : vector<8x1xf32> to vector<8x128xf32>
      %eq3A_267 = arith.cmpf oeq, %slice3A_136, %eq3A_266 : vector<8x128xf32>
      %jit3A_268 = arith.constant 11 : i32
      %jit3A_269 = arith.constant 32 : i32
      %broadcast_in_dim3A_270 = vector.broadcast %jit3A_268 : i32 to vector<8x128xi32>
      %broadcast_in_dim3A_271 = vector.broadcast %jit3A_269 : i32 to vector<8x128xi32>
      %select_n3A_272 = arith.select %eq3A_267, %broadcast_in_dim3A_270, %broadcast_in_dim3A_271 : vector<8x128xi1>, vector<8x128xi32>
      %eq3A_273 = vector.broadcast %broadcast_in_dim3A_188 : vector<8x1xf32> to vector<8x128xf32>
      %eq3A_274 = arith.cmpf oeq, %slice3A_137, %eq3A_273 : vector<8x128xf32>
      %jit3A_275 = arith.constant 12 : i32
      %jit3A_276 = arith.constant 32 : i32
      %broadcast_in_dim3A_277 = vector.broadcast %jit3A_275 : i32 to vector<8x128xi32>
      %broadcast_in_dim3A_278 = vector.broadcast %jit3A_276 : i32 to vector<8x128xi32>
      %select_n3A_279 = arith.select %eq3A_274, %broadcast_in_dim3A_277, %broadcast_in_dim3A_278 : vector<8x128xi1>, vector<8x128xi32>
      %eq3A_280 = vector.broadcast %broadcast_in_dim3A_188 : vector<8x1xf32> to vector<8x128xf32>
      %eq3A_281 = arith.cmpf oeq, %slice3A_138, %eq3A_280 : vector<8x128xf32>
      %jit3A_282 = arith.constant 13 : i32
      %jit3A_283 = arith.constant 32 : i32
      %broadcast_in_dim3A_284 = vector.broadcast %jit3A_282 : i32 to vector<8x128xi32>
      %broadcast_in_dim3A_285 = vector.broadcast %jit3A_283 : i32 to vector<8x128xi32>
      %select_n3A_286 = arith.select %eq3A_281, %broadcast_in_dim3A_284, %broadcast_in_dim3A_285 : vector<8x128xi1>, vector<8x128xi32>
      %eq3A_287 = vector.broadcast %broadcast_in_dim3A_188 : vector<8x1xf32> to vector<8x128xf32>
      %eq3A_288 = arith.cmpf oeq, %slice3A_139, %eq3A_287 : vector<8x128xf32>
      %jit3A_289 = arith.constant 14 : i32
      %jit3A_290 = arith.constant 32 : i32
      %broadcast_in_dim3A_291 = vector.broadcast %jit3A_289 : i32 to vector<8x128xi32>
      %broadcast_in_dim3A_292 = vector.broadcast %jit3A_290 : i32 to vector<8x128xi32>
      %select_n3A_293 = arith.select %eq3A_288, %broadcast_in_dim3A_291, %broadcast_in_dim3A_292 : vector<8x128xi1>, vector<8x128xi32>
      %eq3A_294 = vector.broadcast %broadcast_in_dim3A_188 : vector<8x1xf32> to vector<8x128xf32>
      %eq3A_295 = arith.cmpf oeq, %slice3A_140, %eq3A_294 : vector<8x128xf32>
      %jit3A_296 = arith.constant 15 : i32
      %jit3A_297 = arith.constant 32 : i32
      %broadcast_in_dim3A_298 = vector.broadcast %jit3A_296 : i32 to vector<8x128xi32>
      %broadcast_in_dim3A_299 = vector.broadcast %jit3A_297 : i32 to vector<8x128xi32>
      %select_n3A_300 = arith.select %eq3A_295, %broadcast_in_dim3A_298, %broadcast_in_dim3A_299 : vector<8x128xi1>, vector<8x128xi32>
      %eq3A_301 = vector.broadcast %broadcast_in_dim3A_188 : vector<8x1xf32> to vector<8x128xf32>
      %eq3A_302 = arith.cmpf oeq, %slice3A_141, %eq3A_301 : vector<8x128xf32>
      %jit3A_303 = arith.constant 16 : i32
      %jit3A_304 = arith.constant 32 : i32
      %broadcast_in_dim3A_305 = vector.broadcast %jit3A_303 : i32 to vector<8x128xi32>
      %broadcast_in_dim3A_306 = vector.broadcast %jit3A_304 : i32 to vector<8x128xi32>
      %select_n3A_307 = arith.select %eq3A_302, %broadcast_in_dim3A_305, %broadcast_in_dim3A_306 : vector<8x128xi1>, vector<8x128xi32>
      %eq3A_308 = vector.broadcast %broadcast_in_dim3A_188 : vector<8x1xf32> to vector<8x128xf32>
      %eq3A_309 = arith.cmpf oeq, %slice3A_142, %eq3A_308 : vector<8x128xf32>
      %jit3A_310 = arith.constant 17 : i32
      %jit3A_311 = arith.constant 32 : i32
      %broadcast_in_dim3A_312 = vector.broadcast %jit3A_310 : i32 to vector<8x128xi32>
      %broadcast_in_dim3A_313 = vector.broadcast %jit3A_311 : i32 to vector<8x128xi32>
      %select_n3A_314 = arith.select %eq3A_309, %broadcast_in_dim3A_312, %broadcast_in_dim3A_313 : vector<8x128xi1>, vector<8x128xi32>
      %eq3A_315 = vector.broadcast %broadcast_in_dim3A_188 : vector<8x1xf32> to vector<8x128xf32>
      %eq3A_316 = arith.cmpf oeq, %slice3A_143, %eq3A_315 : vector<8x128xf32>
      %jit3A_317 = arith.constant 18 : i32
      %jit3A_318 = arith.constant 32 : i32
      %broadcast_in_dim3A_319 = vector.broadcast %jit3A_317 : i32 to vector<8x128xi32>
      %broadcast_in_dim3A_320 = vector.broadcast %jit3A_318 : i32 to vector<8x128xi32>
      %select_n3A_321 = arith.select %eq3A_316, %broadcast_in_dim3A_319, %broadcast_in_dim3A_320 : vector<8x128xi1>, vector<8x128xi32>
      %eq3A_322 = vector.broadcast %broadcast_in_dim3A_188 : vector<8x1xf32> to vector<8x128xf32>
      %eq3A_323 = arith.cmpf oeq, %slice3A_144, %eq3A_322 : vector<8x128xf32>
      %jit3A_324 = arith.constant 19 : i32
      %jit3A_325 = arith.constant 32 : i32
      %broadcast_in_dim3A_326 = vector.broadcast %jit3A_324 : i32 to vector<8x128xi32>
      %broadcast_in_dim3A_327 = vector.broadcast %jit3A_325 : i32 to vector<8x128xi32>
      %select_n3A_328 = arith.select %eq3A_323, %broadcast_in_dim3A_326, %broadcast_in_dim3A_327 : vector<8x128xi1>, vector<8x128xi32>
      %eq3A_329 = vector.broadcast %broadcast_in_dim3A_188 : vector<8x1xf32> to vector<8x128xf32>
      %eq3A_330 = arith.cmpf oeq, %slice3A_145, %eq3A_329 : vector<8x128xf32>
      %jit3A_331 = arith.constant 20 : i32
      %jit3A_332 = arith.constant 32 : i32
      %broadcast_in_dim3A_333 = vector.broadcast %jit3A_331 : i32 to vector<8x128xi32>
      %broadcast_in_dim3A_334 = vector.broadcast %jit3A_332 : i32 to vector<8x128xi32>
      %select_n3A_335 = arith.select %eq3A_330, %broadcast_in_dim3A_333, %broadcast_in_dim3A_334 : vector<8x128xi1>, vector<8x128xi32>
      %eq3A_336 = vector.broadcast %broadcast_in_dim3A_188 : vector<8x1xf32> to vector<8x128xf32>
      %eq3A_337 = arith.cmpf oeq, %slice3A_146, %eq3A_336 : vector<8x128xf32>
      %jit3A_338 = arith.constant 21 : i32
      %jit3A_339 = arith.constant 32 : i32
      %broadcast_in_dim3A_340 = vector.broadcast %jit3A_338 : i32 to vector<8x128xi32>
      %broadcast_in_dim3A_341 = vector.broadcast %jit3A_339 : i32 to vector<8x128xi32>
      %select_n3A_342 = arith.select %eq3A_337, %broadcast_in_dim3A_340, %broadcast_in_dim3A_341 : vector<8x128xi1>, vector<8x128xi32>
      %eq3A_343 = vector.broadcast %broadcast_in_dim3A_188 : vector<8x1xf32> to vector<8x128xf32>
      %eq3A_344 = arith.cmpf oeq, %slice3A_147, %eq3A_343 : vector<8x128xf32>
      %jit3A_345 = arith.constant 22 : i32
      %jit3A_346 = arith.constant 32 : i32
      %broadcast_in_dim3A_347 = vector.broadcast %jit3A_345 : i32 to vector<8x128xi32>
      %broadcast_in_dim3A_348 = vector.broadcast %jit3A_346 : i32 to vector<8x128xi32>
      %select_n3A_349 = arith.select %eq3A_344, %broadcast_in_dim3A_347, %broadcast_in_dim3A_348 : vector<8x128xi1>, vector<8x128xi32>
      %eq3A_350 = vector.broadcast %broadcast_in_dim3A_188 : vector<8x1xf32> to vector<8x128xf32>
      %eq3A_351 = arith.cmpf oeq, %slice3A_148, %eq3A_350 : vector<8x128xf32>
      %jit3A_352 = arith.constant 23 : i32
      %jit3A_353 = arith.constant 32 : i32
      %broadcast_in_dim3A_354 = vector.broadcast %jit3A_352 : i32 to vector<8x128xi32>
      %broadcast_in_dim3A_355 = vector.broadcast %jit3A_353 : i32 to vector<8x128xi32>
      %select_n3A_356 = arith.select %eq3A_351, %broadcast_in_dim3A_354, %broadcast_in_dim3A_355 : vector<8x128xi1>, vector<8x128xi32>
      %eq3A_357 = vector.broadcast %broadcast_in_dim3A_188 : vector<8x1xf32> to vector<8x128xf32>
      %eq3A_358 = arith.cmpf oeq, %slice3A_149, %eq3A_357 : vector<8x128xf32>
      %jit3A_359 = arith.constant 24 : i32
      %jit3A_360 = arith.constant 32 : i32
      %broadcast_in_dim3A_361 = vector.broadcast %jit3A_359 : i32 to vector<8x128xi32>
      %broadcast_in_dim3A_362 = vector.broadcast %jit3A_360 : i32 to vector<8x128xi32>
      %select_n3A_363 = arith.select %eq3A_358, %broadcast_in_dim3A_361, %broadcast_in_dim3A_362 : vector<8x128xi1>, vector<8x128xi32>
      %eq3A_364 = vector.broadcast %broadcast_in_dim3A_188 : vector<8x1xf32> to vector<8x128xf32>
      %eq3A_365 = arith.cmpf oeq, %slice3A_150, %eq3A_364 : vector<8x128xf32>
      %jit3A_366 = arith.constant 25 : i32
      %jit3A_367 = arith.constant 32 : i32
      %broadcast_in_dim3A_368 = vector.broadcast %jit3A_366 : i32 to vector<8x128xi32>
      %broadcast_in_dim3A_369 = vector.broadcast %jit3A_367 : i32 to vector<8x128xi32>
      %select_n3A_370 = arith.select %eq3A_365, %broadcast_in_dim3A_368, %broadcast_in_dim3A_369 : vector<8x128xi1>, vector<8x128xi32>
      %eq3A_371 = vector.broadcast %broadcast_in_dim3A_188 : vector<8x1xf32> to vector<8x128xf32>
      %eq3A_372 = arith.cmpf oeq, %slice3A_151, %eq3A_371 : vector<8x128xf32>
      %jit3A_373 = arith.constant 26 : i32
      %jit3A_374 = arith.constant 32 : i32
      %broadcast_in_dim3A_375 = vector.broadcast %jit3A_373 : i32 to vector<8x128xi32>
      %broadcast_in_dim3A_376 = vector.broadcast %jit3A_374 : i32 to vector<8x128xi32>
      %select_n3A_377 = arith.select %eq3A_372, %broadcast_in_dim3A_375, %broadcast_in_dim3A_376 : vector<8x128xi1>, vector<8x128xi32>
      %eq3A_378 = vector.broadcast %broadcast_in_dim3A_188 : vector<8x1xf32> to vector<8x128xf32>
      %eq3A_379 = arith.cmpf oeq, %slice3A_152, %eq3A_378 : vector<8x128xf32>
      %jit3A_380 = arith.constant 27 : i32
      %jit3A_381 = arith.constant 32 : i32
      %broadcast_in_dim3A_382 = vector.broadcast %jit3A_380 : i32 to vector<8x128xi32>
      %broadcast_in_dim3A_383 = vector.broadcast %jit3A_381 : i32 to vector<8x128xi32>
      %select_n3A_384 = arith.select %eq3A_379, %broadcast_in_dim3A_382, %broadcast_in_dim3A_383 : vector<8x128xi1>, vector<8x128xi32>
      %eq3A_385 = vector.broadcast %broadcast_in_dim3A_188 : vector<8x1xf32> to vector<8x128xf32>
      %eq3A_386 = arith.cmpf oeq, %slice3A_153, %eq3A_385 : vector<8x128xf32>
      %jit3A_387 = arith.constant 28 : i32
      %jit3A_388 = arith.constant 32 : i32
      %broadcast_in_dim3A_389 = vector.broadcast %jit3A_387 : i32 to vector<8x128xi32>
      %broadcast_in_dim3A_390 = vector.broadcast %jit3A_388 : i32 to vector<8x128xi32>
      %select_n3A_391 = arith.select %eq3A_386, %broadcast_in_dim3A_389, %broadcast_in_dim3A_390 : vector<8x128xi1>, vector<8x128xi32>
      %eq3A_392 = vector.broadcast %broadcast_in_dim3A_188 : vector<8x1xf32> to vector<8x128xf32>
      %eq3A_393 = arith.cmpf oeq, %slice3A_154, %eq3A_392 : vector<8x128xf32>
      %jit3A_394 = arith.constant 29 : i32
      %jit3A_395 = arith.constant 32 : i32
      %broadcast_in_dim3A_396 = vector.broadcast %jit3A_394 : i32 to vector<8x128xi32>
      %broadcast_in_dim3A_397 = vector.broadcast %jit3A_395 : i32 to vector<8x128xi32>
      %select_n3A_398 = arith.select %eq3A_393, %broadcast_in_dim3A_396, %broadcast_in_dim3A_397 : vector<8x128xi1>, vector<8x128xi32>
      %eq3A_399 = vector.broadcast %broadcast_in_dim3A_188 : vector<8x1xf32> to vector<8x128xf32>
      %eq3A_400 = arith.cmpf oeq, %slice3A_155, %eq3A_399 : vector<8x128xf32>
      %jit3A_401 = arith.constant 30 : i32
      %jit3A_402 = arith.constant 32 : i32
      %broadcast_in_dim3A_403 = vector.broadcast %jit3A_401 : i32 to vector<8x128xi32>
      %broadcast_in_dim3A_404 = vector.broadcast %jit3A_402 : i32 to vector<8x128xi32>
      %select_n3A_405 = arith.select %eq3A_400, %broadcast_in_dim3A_403, %broadcast_in_dim3A_404 : vector<8x128xi1>, vector<8x128xi32>
      %eq3A_406 = vector.broadcast %broadcast_in_dim3A_188 : vector<8x1xf32> to vector<8x128xf32>
      %eq3A_407 = arith.cmpf oeq, %slice3A_156, %eq3A_406 : vector<8x128xf32>
      %jit3A_408 = arith.constant 31 : i32
      %jit3A_409 = arith.constant 32 : i32
      %broadcast_in_dim3A_410 = vector.broadcast %jit3A_408 : i32 to vector<8x128xi32>
      %broadcast_in_dim3A_411 = vector.broadcast %jit3A_409 : i32 to vector<8x128xi32>
      %select_n3A_412 = arith.select %eq3A_407, %broadcast_in_dim3A_410, %broadcast_in_dim3A_411 : vector<8x128xi1>, vector<8x128xi32>
      %min3A_413 = arith.minsi %select_n3A_195, %select_n3A_202 : vector<8x128xi32>
      %min3A_414 = arith.minsi %select_n3A_209, %select_n3A_216 : vector<8x128xi32>
      %min3A_415 = arith.minsi %select_n3A_223, %select_n3A_230 : vector<8x128xi32>
      %min3A_416 = arith.minsi %select_n3A_237, %select_n3A_244 : vector<8x128xi32>
      %min3A_417 = arith.minsi %select_n3A_251, %select_n3A_258 : vector<8x128xi32>
      %min3A_418 = arith.minsi %select_n3A_265, %select_n3A_272 : vector<8x128xi32>
      %min3A_419 = arith.minsi %select_n3A_279, %select_n3A_286 : vector<8x128xi32>
      %min3A_420 = arith.minsi %select_n3A_293, %select_n3A_300 : vector<8x128xi32>
      %min3A_421 = arith.minsi %select_n3A_307, %select_n3A_314 : vector<8x128xi32>
      %min3A_422 = arith.minsi %select_n3A_321, %select_n3A_328 : vector<8x128xi32>
      %min3A_423 = arith.minsi %select_n3A_335, %select_n3A_342 : vector<8x128xi32>
      %min3A_424 = arith.minsi %select_n3A_349, %select_n3A_356 : vector<8x128xi32>
      %min3A_425 = arith.minsi %select_n3A_363, %select_n3A_370 : vector<8x128xi32>
      %min3A_426 = arith.minsi %select_n3A_377, %select_n3A_384 : vector<8x128xi32>
      %min3A_427 = arith.minsi %select_n3A_391, %select_n3A_398 : vector<8x128xi32>
      %min3A_428 = arith.minsi %select_n3A_405, %select_n3A_412 : vector<8x128xi32>
      %min3A_429 = arith.minsi %min3A_413, %min3A_414 : vector<8x128xi32>
      %min3A_430 = arith.minsi %min3A_415, %min3A_416 : vector<8x128xi32>
      %min3A_431 = arith.minsi %min3A_417, %min3A_418 : vector<8x128xi32>
      %min3A_432 = arith.minsi %min3A_419, %min3A_420 : vector<8x128xi32>
      %min3A_433 = arith.minsi %min3A_421, %min3A_422 : vector<8x128xi32>
      %min3A_434 = arith.minsi %min3A_423, %min3A_424 : vector<8x128xi32>
      %min3A_435 = arith.minsi %min3A_425, %min3A_426 : vector<8x128xi32>
      %min3A_436 = arith.minsi %min3A_427, %min3A_428 : vector<8x128xi32>
      %min3A_437 = arith.minsi %min3A_429, %min3A_430 : vector<8x128xi32>
      %min3A_438 = arith.minsi %min3A_431, %min3A_432 : vector<8x128xi32>
      %min3A_439 = arith.minsi %min3A_433, %min3A_434 : vector<8x128xi32>
      %min3A_440 = arith.minsi %min3A_435, %min3A_436 : vector<8x128xi32>
      %min3A_441 = arith.minsi %min3A_437, %min3A_438 : vector<8x128xi32>
      %min3A_442 = arith.minsi %min3A_439, %min3A_440 : vector<8x128xi32>
      %min3A_443 = arith.minsi %min3A_441, %min3A_442 : vector<8x128xi32>
      %lt3A = arith.constant 32 : i32
      %lt3A_444 = vector.broadcast %lt3A : i32 to vector<8x128xi32>
      %lt3A_445 = arith.cmpi slt, %min3A_443, %lt3A_444 : vector<8x128xi32>
      %mul3A_446 = arith.constant 128 : i32
      %mul3A_447 = vector.broadcast %mul3A_446 : i32 to vector<8x128xi32>
      %mul3A_448 = arith.muli %min3A_443, %mul3A_447 : vector<8x128xi32>
      %add3A_449 = arith.addi %mul3A_448, %iota3A_4 : vector<8x128xi32>
      %jit3A_450 = arith.constant 4096 : i32
      %broadcast_in_dim3A_451 = vector.broadcast %jit3A_450 : i32 to vector<8x128xi32>
      %select_n3A_452 = arith.select %lt3A_445, %add3A_449, %broadcast_in_dim3A_451 : vector<8x128xi1>, vector<8x128xi32>
      %reduce_min3A = arith.constant dense<2147483647> : vector<8xi32>
      %reduce_min3A_453 = vector.multi_reduction <minsi>, %select_n3A_452, %reduce_min3A [1] : vector<8x128xi32> to vector<8xi32>
      %broadcast_in_dim3A_454 = vector.shape_cast %reduce_min3A_453 : vector<8xi32> to vector<8x1xi32>
      %scan3A_455 = arith.constant 1 : i32
      %scan3A_456 = arith.addi %scan3A_12, %scan3A_455 : i32
      %eq3A_457 = vector.broadcast %broadcast_in_dim3A_454 : vector<8x1xi32> to vector<8x4096xi32>
      %eq3A_458 = arith.cmpi eq, %iota3A, %eq3A_457 : vector<8x4096xi32>
      %broadcast_in_dim3A_459 = vector.shape_cast %eq3A_458 : vector<8x4096xi1> to vector<1x8x4096xi1>
      %broadcast_in_dim3A_460 = vector.broadcast %broadcast_in_dim3A_459 : vector<1x8x4096xi1> to vector<3x8x4096xi1>
      %get3A_461 = arith.constant 0 : index
      %get3A_462 = arith.constant 0 : index
      %get3A_463 = arith.constant 0 : index
      %get3A_464 = vector.load %arg0[%get3A_461, %get3A_462, %get3A_463] : memref<3x8x4096xf32, #tpu.memory_space<vmem>>, vector<3x8x4096xf32>
      %jit3A_465 = arith.constant 0.000000e+00 : f32
      %broadcast_in_dim3A_466 = vector.broadcast %jit3A_465 : f32 to vector<3x8x4096xf32>
      %select_n3A_467 = arith.select %broadcast_in_dim3A_460, %get3A_464, %broadcast_in_dim3A_466 : vector<3x8x4096xi1>, vector<3x8x4096xf32>
      %slice3A_468 = vector.extract_strided_slice %select_n3A_467 {offsets = [0, 0, 0], sizes = [3, 8, 128], strides = [1, 1, 1]} : vector<3x8x4096xf32> to vector<3x8x128xf32>
      %slice3A_469 = vector.extract_strided_slice %select_n3A_467 {offsets = [0, 0, 128], sizes = [3, 8, 128], strides = [1, 1, 1]} : vector<3x8x4096xf32> to vector<3x8x128xf32>
      %slice3A_470 = vector.extract_strided_slice %select_n3A_467 {offsets = [0, 0, 256], sizes = [3, 8, 128], strides = [1, 1, 1]} : vector<3x8x4096xf32> to vector<3x8x128xf32>
      %slice3A_471 = vector.extract_strided_slice %select_n3A_467 {offsets = [0, 0, 384], sizes = [3, 8, 128], strides = [1, 1, 1]} : vector<3x8x4096xf32> to vector<3x8x128xf32>
      %slice3A_472 = vector.extract_strided_slice %select_n3A_467 {offsets = [0, 0, 512], sizes = [3, 8, 128], strides = [1, 1, 1]} : vector<3x8x4096xf32> to vector<3x8x128xf32>
      %slice3A_473 = vector.extract_strided_slice %select_n3A_467 {offsets = [0, 0, 640], sizes = [3, 8, 128], strides = [1, 1, 1]} : vector<3x8x4096xf32> to vector<3x8x128xf32>
      %slice3A_474 = vector.extract_strided_slice %select_n3A_467 {offsets = [0, 0, 768], sizes = [3, 8, 128], strides = [1, 1, 1]} : vector<3x8x4096xf32> to vector<3x8x128xf32>
      %slice3A_475 = vector.extract_strided_slice %select_n3A_467 {offsets = [0, 0, 896], sizes = [3, 8, 128], strides = [1, 1, 1]} : vector<3x8x4096xf32> to vector<3x8x128xf32>
      %slice3A_476 = vector.extract_strided_slice %select_n3A_467 {offsets = [0, 0, 1024], sizes = [3, 8, 128], strides = [1, 1, 1]} : vector<3x8x4096xf32> to vector<3x8x128xf32>
      %slice3A_477 = vector.extract_strided_slice %select_n3A_467 {offsets = [0, 0, 1152], sizes = [3, 8, 128], strides = [1, 1, 1]} : vector<3x8x4096xf32> to vector<3x8x128xf32>
      %slice3A_478 = vector.extract_strided_slice %select_n3A_467 {offsets = [0, 0, 1280], sizes = [3, 8, 128], strides = [1, 1, 1]} : vector<3x8x4096xf32> to vector<3x8x128xf32>
      %slice3A_479 = vector.extract_strided_slice %select_n3A_467 {offsets = [0, 0, 1408], sizes = [3, 8, 128], strides = [1, 1, 1]} : vector<3x8x4096xf32> to vector<3x8x128xf32>
      %slice3A_480 = vector.extract_strided_slice %select_n3A_467 {offsets = [0, 0, 1536], sizes = [3, 8, 128], strides = [1, 1, 1]} : vector<3x8x4096xf32> to vector<3x8x128xf32>
      %slice3A_481 = vector.extract_strided_slice %select_n3A_467 {offsets = [0, 0, 1664], sizes = [3, 8, 128], strides = [1, 1, 1]} : vector<3x8x4096xf32> to vector<3x8x128xf32>
      %slice3A_482 = vector.extract_strided_slice %select_n3A_467 {offsets = [0, 0, 1792], sizes = [3, 8, 128], strides = [1, 1, 1]} : vector<3x8x4096xf32> to vector<3x8x128xf32>
      %slice3A_483 = vector.extract_strided_slice %select_n3A_467 {offsets = [0, 0, 1920], sizes = [3, 8, 128], strides = [1, 1, 1]} : vector<3x8x4096xf32> to vector<3x8x128xf32>
      %slice3A_484 = vector.extract_strided_slice %select_n3A_467 {offsets = [0, 0, 2048], sizes = [3, 8, 128], strides = [1, 1, 1]} : vector<3x8x4096xf32> to vector<3x8x128xf32>
      %slice3A_485 = vector.extract_strided_slice %select_n3A_467 {offsets = [0, 0, 2176], sizes = [3, 8, 128], strides = [1, 1, 1]} : vector<3x8x4096xf32> to vector<3x8x128xf32>
      %slice3A_486 = vector.extract_strided_slice %select_n3A_467 {offsets = [0, 0, 2304], sizes = [3, 8, 128], strides = [1, 1, 1]} : vector<3x8x4096xf32> to vector<3x8x128xf32>
      %slice3A_487 = vector.extract_strided_slice %select_n3A_467 {offsets = [0, 0, 2432], sizes = [3, 8, 128], strides = [1, 1, 1]} : vector<3x8x4096xf32> to vector<3x8x128xf32>
      %slice3A_488 = vector.extract_strided_slice %select_n3A_467 {offsets = [0, 0, 2560], sizes = [3, 8, 128], strides = [1, 1, 1]} : vector<3x8x4096xf32> to vector<3x8x128xf32>
      %slice3A_489 = vector.extract_strided_slice %select_n3A_467 {offsets = [0, 0, 2688], sizes = [3, 8, 128], strides = [1, 1, 1]} : vector<3x8x4096xf32> to vector<3x8x128xf32>
      %slice3A_490 = vector.extract_strided_slice %select_n3A_467 {offsets = [0, 0, 2816], sizes = [3, 8, 128], strides = [1, 1, 1]} : vector<3x8x4096xf32> to vector<3x8x128xf32>
      %slice3A_491 = vector.extract_strided_slice %select_n3A_467 {offsets = [0, 0, 2944], sizes = [3, 8, 128], strides = [1, 1, 1]} : vector<3x8x4096xf32> to vector<3x8x128xf32>
      %slice3A_492 = vector.extract_strided_slice %select_n3A_467 {offsets = [0, 0, 3072], sizes = [3, 8, 128], strides = [1, 1, 1]} : vector<3x8x4096xf32> to vector<3x8x128xf32>
      %slice3A_493 = vector.extract_strided_slice %select_n3A_467 {offsets = [0, 0, 3200], sizes = [3, 8, 128], strides = [1, 1, 1]} : vector<3x8x4096xf32> to vector<3x8x128xf32>
      %slice3A_494 = vector.extract_strided_slice %select_n3A_467 {offsets = [0, 0, 3328], sizes = [3, 8, 128], strides = [1, 1, 1]} : vector<3x8x4096xf32> to vector<3x8x128xf32>
      %slice3A_495 = vector.extract_strided_slice %select_n3A_467 {offsets = [0, 0, 3456], sizes = [3, 8, 128], strides = [1, 1, 1]} : vector<3x8x4096xf32> to vector<3x8x128xf32>
      %slice3A_496 = vector.extract_strided_slice %select_n3A_467 {offsets = [0, 0, 3584], sizes = [3, 8, 128], strides = [1, 1, 1]} : vector<3x8x4096xf32> to vector<3x8x128xf32>
      %slice3A_497 = vector.extract_strided_slice %select_n3A_467 {offsets = [0, 0, 3712], sizes = [3, 8, 128], strides = [1, 1, 1]} : vector<3x8x4096xf32> to vector<3x8x128xf32>
      %slice3A_498 = vector.extract_strided_slice %select_n3A_467 {offsets = [0, 0, 3840], sizes = [3, 8, 128], strides = [1, 1, 1]} : vector<3x8x4096xf32> to vector<3x8x128xf32>
      %slice3A_499 = vector.extract_strided_slice %select_n3A_467 {offsets = [0, 0, 3968], sizes = [3, 8, 128], strides = [1, 1, 1]} : vector<3x8x4096xf32> to vector<3x8x128xf32>
      %add3A_500 = arith.addf %slice3A_468, %slice3A_469 : vector<3x8x128xf32>
      %add3A_501 = arith.addf %slice3A_470, %slice3A_471 : vector<3x8x128xf32>
      %add3A_502 = arith.addf %slice3A_472, %slice3A_473 : vector<3x8x128xf32>
      %add3A_503 = arith.addf %slice3A_474, %slice3A_475 : vector<3x8x128xf32>
      %add3A_504 = arith.addf %slice3A_476, %slice3A_477 : vector<3x8x128xf32>
      %add3A_505 = arith.addf %slice3A_478, %slice3A_479 : vector<3x8x128xf32>
      %add3A_506 = arith.addf %slice3A_480, %slice3A_481 : vector<3x8x128xf32>
      %add3A_507 = arith.addf %slice3A_482, %slice3A_483 : vector<3x8x128xf32>
      %add3A_508 = arith.addf %slice3A_484, %slice3A_485 : vector<3x8x128xf32>
      %add3A_509 = arith.addf %slice3A_486, %slice3A_487 : vector<3x8x128xf32>
      %add3A_510 = arith.addf %slice3A_488, %slice3A_489 : vector<3x8x128xf32>
      %add3A_511 = arith.addf %slice3A_490, %slice3A_491 : vector<3x8x128xf32>
      %add3A_512 = arith.addf %slice3A_492, %slice3A_493 : vector<3x8x128xf32>
      %add3A_513 = arith.addf %slice3A_494, %slice3A_495 : vector<3x8x128xf32>
      %add3A_514 = arith.addf %slice3A_496, %slice3A_497 : vector<3x8x128xf32>
      %add3A_515 = arith.addf %slice3A_498, %slice3A_499 : vector<3x8x128xf32>
      %add3A_516 = arith.addf %add3A_500, %add3A_501 : vector<3x8x128xf32>
      %add3A_517 = arith.addf %add3A_502, %add3A_503 : vector<3x8x128xf32>
      %add3A_518 = arith.addf %add3A_504, %add3A_505 : vector<3x8x128xf32>
      %add3A_519 = arith.addf %add3A_506, %add3A_507 : vector<3x8x128xf32>
      %add3A_520 = arith.addf %add3A_508, %add3A_509 : vector<3x8x128xf32>
      %add3A_521 = arith.addf %add3A_510, %add3A_511 : vector<3x8x128xf32>
      %add3A_522 = arith.addf %add3A_512, %add3A_513 : vector<3x8x128xf32>
      %add3A_523 = arith.addf %add3A_514, %add3A_515 : vector<3x8x128xf32>
      %add3A_524 = arith.addf %add3A_516, %add3A_517 : vector<3x8x128xf32>
      %add3A_525 = arith.addf %add3A_518, %add3A_519 : vector<3x8x128xf32>
      %add3A_526 = arith.addf %add3A_520, %add3A_521 : vector<3x8x128xf32>
      %add3A_527 = arith.addf %add3A_522, %add3A_523 : vector<3x8x128xf32>
      %add3A_528 = arith.addf %add3A_524, %add3A_525 : vector<3x8x128xf32>
      %add3A_529 = arith.addf %add3A_526, %add3A_527 : vector<3x8x128xf32>
      %add3A_530 = arith.addf %add3A_528, %add3A_529 : vector<3x8x128xf32>
      %reduce_sum3A_531 = arith.constant dense<0.000000e+00> : vector<3x8xf32>
      %reduce_sum3A_532 = vector.multi_reduction <add>, %add3A_530, %reduce_sum3A_531 [2] : vector<3x8x128xf32> to vector<3x8xf32>
      %broadcast_in_dim3A_533 = vector.shape_cast %reduce_sum3A_532 : vector<3x8xf32> to vector<3x8x1xf32>
      %eq3A_534 = vector.broadcast %scan3A_456 : i32 to vector<8x1024xi32>
      %eq3A_535 = arith.cmpi eq, %iota3A_0, %eq3A_534 : vector<8x1024xi32>
      %broadcast_in_dim3A_536 = vector.shape_cast %eq3A_535 : vector<8x1024xi1> to vector<1x8x1024xi1>
      %broadcast_in_dim3A_537 = vector.broadcast %broadcast_in_dim3A_536 : vector<1x8x1024xi1> to vector<3x8x1024xi1>
      %get3A_538 = arith.constant 0 : index
      %get3A_539 = arith.constant 0 : index
      %get3A_540 = arith.constant 0 : index
      %get3A_541 = vector.load %arg1[%get3A_538, %get3A_539, %get3A_540] : memref<3x8x1024xf32, #tpu.memory_space<vmem>>, vector<3x8x1024xf32>
      %broadcast_in_dim3A_542 = vector.shape_cast %broadcast_in_dim3A_533 : vector<3x8x1xf32> to vector<3x8x1xf32>
      %broadcast_in_dim3A_543 = vector.broadcast %broadcast_in_dim3A_542 : vector<3x8x1xf32> to vector<3x8x1024xf32>
      %select_n3A_544 = arith.select %broadcast_in_dim3A_537, %broadcast_in_dim3A_543, %get3A_541 : vector<3x8x1024xi1>, vector<3x8x1024xf32>
      %swap3A_545 = arith.constant 0 : index
      %swap3A_546 = arith.constant 0 : index
      %swap3A_547 = arith.constant 0 : index
      %swap3A_548 = vector.load %arg1[%swap3A_545, %swap3A_546, %swap3A_547] : memref<3x8x1024xf32, #tpu.memory_space<vmem>>, vector<3x8x1024xf32>
      tpu.vector_store %arg1[%swap3A_545, %swap3A_546, %swap3A_547], %select_n3A_544 {strides = array<i32>} : memref<3x8x1024xf32, #tpu.memory_space<vmem>>, vector<3x8x1024xf32>,
      %slice3A_549 = vector.extract_strided_slice %get3A_464 {offsets = [0, 0, 0], sizes = [1, 8, 4096], strides = [1, 1, 1]} : vector<3x8x4096xf32> to vector<1x8x4096xf32>
      %squeeze3A_550 = vector.shape_cast %slice3A_549 : vector<1x8x4096xf32> to vector<8x4096xf32>
      %slice3A_551 = vector.extract_strided_slice %broadcast_in_dim3A_533 {offsets = [0, 0, 0], sizes = [1, 8, 1], strides = [1, 1, 1]} : vector<3x8x1xf32> to vector<1x8x1xf32>
      %squeeze3A_552 = vector.shape_cast %slice3A_551 : vector<1x8x1xf32> to vector<8x1xf32>
      %sub3A_553 = vector.broadcast %squeeze3A_552 : vector<8x1xf32> to vector<8x4096xf32>
      %sub3A_554 = arith.subf %squeeze3A_550, %sub3A_553 : vector<8x4096xf32>
      %slice3A_555 = vector.extract_strided_slice %get3A_464 {offsets = [1, 0, 0], sizes = [1, 8, 4096], strides = [1, 1, 1]} : vector<3x8x4096xf32> to vector<1x8x4096xf32>
      %squeeze3A_556 = vector.shape_cast %slice3A_555 : vector<1x8x4096xf32> to vector<8x4096xf32>
      %slice3A_557 = vector.extract_strided_slice %broadcast_in_dim3A_533 {offsets = [1, 0, 0], sizes = [1, 8, 1], strides = [1, 1, 1]} : vector<3x8x1xf32> to vector<1x8x1xf32>
      %squeeze3A_558 = vector.shape_cast %slice3A_557 : vector<1x8x1xf32> to vector<8x1xf32>
      %sub3A_559 = vector.broadcast %squeeze3A_558 : vector<8x1xf32> to vector<8x4096xf32>
      %sub3A_560 = arith.subf %squeeze3A_556, %sub3A_559 : vector<8x4096xf32>
      %slice3A_561 = vector.extract_strided_slice %get3A_464 {offsets = [2, 0, 0], sizes = [1, 8, 4096], strides = [1, 1, 1]} : vector<3x8x4096xf32> to vector<1x8x4096xf32>
      %squeeze3A_562 = vector.shape_cast %slice3A_561 : vector<1x8x4096xf32> to vector<8x4096xf32>
      %slice3A_563 = vector.extract_strided_slice %broadcast_in_dim3A_533 {offsets = [2, 0, 0], sizes = [1, 8, 1], strides = [1, 1, 1]} : vector<3x8x1xf32> to vector<1x8x1xf32>
      %squeeze3A_564 = vector.shape_cast %slice3A_563 : vector<1x8x1xf32> to vector<8x1xf32>
      %sub3A_565 = vector.broadcast %squeeze3A_564 : vector<8x1xf32> to vector<8x4096xf32>
      %sub3A_566 = arith.subf %squeeze3A_562, %sub3A_565 : vector<8x4096xf32>
      %mul3A_567 = arith.mulf %sub3A_554, %sub3A_554 : vector<8x4096xf32>
      %mul3A_568 = arith.mulf %sub3A_560, %sub3A_560 : vector<8x4096xf32>
      %add3A_569 = arith.addf %mul3A_567, %mul3A_568 : vector<8x4096xf32>
      %mul3A_570 = arith.mulf %sub3A_566, %sub3A_566 : vector<8x4096xf32>
      %add3A_571 = arith.addf %add3A_569, %mul3A_570 : vector<8x4096xf32>
      %get3A_572 = arith.constant 0 : index
      %get3A_573 = arith.constant 0 : index
      %get3A_574 = vector.load %arg2[%get3A_572, %get3A_573] : memref<8x4096xf32, #tpu.memory_space<vmem>>, vector<8x4096xf32>
      %min3A_575 = arith.minimumf %get3A_574, %add3A_571 : vector<8x4096xf32>
      %swap3A_576 = arith.constant 0 : index
      %swap3A_577 = arith.constant 0 : index
      %swap3A_578 = vector.load %arg2[%swap3A_576, %swap3A_577] : memref<8x4096xf32, #tpu.memory_space<vmem>>, vector<8x4096xf32>
      tpu.vector_store %arg2[%swap3A_576, %swap3A_577], %min3A_575 {strides = array<i32>} : memref<8x4096xf32, #tpu.memory_space<vmem>>, vector<8x4096xf32>,
      %slice3A_579 = vector.extract_strided_slice %min3A_575 {offsets = [0, 0], sizes = [8, 128], strides = [1, 1]} : vector<8x4096xf32> to vector<8x128xf32>
      %slice3A_580 = vector.extract_strided_slice %min3A_575 {offsets = [0, 128], sizes = [8, 128], strides = [1, 1]} : vector<8x4096xf32> to vector<8x128xf32>
      %slice3A_581 = vector.extract_strided_slice %min3A_575 {offsets = [0, 256], sizes = [8, 128], strides = [1, 1]} : vector<8x4096xf32> to vector<8x128xf32>
      %slice3A_582 = vector.extract_strided_slice %min3A_575 {offsets = [0, 384], sizes = [8, 128], strides = [1, 1]} : vector<8x4096xf32> to vector<8x128xf32>
      %slice3A_583 = vector.extract_strided_slice %min3A_575 {offsets = [0, 512], sizes = [8, 128], strides = [1, 1]} : vector<8x4096xf32> to vector<8x128xf32>
      %slice3A_584 = vector.extract_strided_slice %min3A_575 {offsets = [0, 640], sizes = [8, 128], strides = [1, 1]} : vector<8x4096xf32> to vector<8x128xf32>
      %slice3A_585 = vector.extract_strided_slice %min3A_575 {offsets = [0, 768], sizes = [8, 128], strides = [1, 1]} : vector<8x4096xf32> to vector<8x128xf32>
      %slice3A_586 = vector.extract_strided_slice %min3A_575 {offsets = [0, 896], sizes = [8, 128], strides = [1, 1]} : vector<8x4096xf32> to vector<8x128xf32>
      %slice3A_587 = vector.extract_strided_slice %min3A_575 {offsets = [0, 1024], sizes = [8, 128], strides = [1, 1]} : vector<8x4096xf32> to vector<8x128xf32>
      %slice3A_588 = vector.extract_strided_slice %min3A_575 {offsets = [0, 1152], sizes = [8, 128], strides = [1, 1]} : vector<8x4096xf32> to vector<8x128xf32>
      %slice3A_589 = vector.extract_strided_slice %min3A_575 {offsets = [0, 1280], sizes = [8, 128], strides = [1, 1]} : vector<8x4096xf32> to vector<8x128xf32>
      %slice3A_590 = vector.extract_strided_slice %min3A_575 {offsets = [0, 1408], sizes = [8, 128], strides = [1, 1]} : vector<8x4096xf32> to vector<8x128xf32>
      %slice3A_591 = vector.extract_strided_slice %min3A_575 {offsets = [0, 1536], sizes = [8, 128], strides = [1, 1]} : vector<8x4096xf32> to vector<8x128xf32>
      %slice3A_592 = vector.extract_strided_slice %min3A_575 {offsets = [0, 1664], sizes = [8, 128], strides = [1, 1]} : vector<8x4096xf32> to vector<8x128xf32>
      %slice3A_593 = vector.extract_strided_slice %min3A_575 {offsets = [0, 1792], sizes = [8, 128], strides = [1, 1]} : vector<8x4096xf32> to vector<8x128xf32>
      %slice3A_594 = vector.extract_strided_slice %min3A_575 {offsets = [0, 1920], sizes = [8, 128], strides = [1, 1]} : vector<8x4096xf32> to vector<8x128xf32>
      %slice3A_595 = vector.extract_strided_slice %min3A_575 {offsets = [0, 2048], sizes = [8, 128], strides = [1, 1]} : vector<8x4096xf32> to vector<8x128xf32>
      %slice3A_596 = vector.extract_strided_slice %min3A_575 {offsets = [0, 2176], sizes = [8, 128], strides = [1, 1]} : vector<8x4096xf32> to vector<8x128xf32>
      %slice3A_597 = vector.extract_strided_slice %min3A_575 {offsets = [0, 2304], sizes = [8, 128], strides = [1, 1]} : vector<8x4096xf32> to vector<8x128xf32>
      %slice3A_598 = vector.extract_strided_slice %min3A_575 {offsets = [0, 2432], sizes = [8, 128], strides = [1, 1]} : vector<8x4096xf32> to vector<8x128xf32>
      %slice3A_599 = vector.extract_strided_slice %min3A_575 {offsets = [0, 2560], sizes = [8, 128], strides = [1, 1]} : vector<8x4096xf32> to vector<8x128xf32>
      %slice3A_600 = vector.extract_strided_slice %min3A_575 {offsets = [0, 2688], sizes = [8, 128], strides = [1, 1]} : vector<8x4096xf32> to vector<8x128xf32>
      %slice3A_601 = vector.extract_strided_slice %min3A_575 {offsets = [0, 2816], sizes = [8, 128], strides = [1, 1]} : vector<8x4096xf32> to vector<8x128xf32>
      %slice3A_602 = vector.extract_strided_slice %min3A_575 {offsets = [0, 2944], sizes = [8, 128], strides = [1, 1]} : vector<8x4096xf32> to vector<8x128xf32>
      %slice3A_603 = vector.extract_strided_slice %min3A_575 {offsets = [0, 3072], sizes = [8, 128], strides = [1, 1]} : vector<8x4096xf32> to vector<8x128xf32>
      %slice3A_604 = vector.extract_strided_slice %min3A_575 {offsets = [0, 3200], sizes = [8, 128], strides = [1, 1]} : vector<8x4096xf32> to vector<8x128xf32>
      %slice3A_605 = vector.extract_strided_slice %min3A_575 {offsets = [0, 3328], sizes = [8, 128], strides = [1, 1]} : vector<8x4096xf32> to vector<8x128xf32>
      %slice3A_606 = vector.extract_strided_slice %min3A_575 {offsets = [0, 3456], sizes = [8, 128], strides = [1, 1]} : vector<8x4096xf32> to vector<8x128xf32>
      %slice3A_607 = vector.extract_strided_slice %min3A_575 {offsets = [0, 3584], sizes = [8, 128], strides = [1, 1]} : vector<8x4096xf32> to vector<8x128xf32>
      %slice3A_608 = vector.extract_strided_slice %min3A_575 {offsets = [0, 3712], sizes = [8, 128], strides = [1, 1]} : vector<8x4096xf32> to vector<8x128xf32>
      %slice3A_609 = vector.extract_strided_slice %min3A_575 {offsets = [0, 3840], sizes = [8, 128], strides = [1, 1]} : vector<8x4096xf32> to vector<8x128xf32>
      %slice3A_610 = vector.extract_strided_slice %min3A_575 {offsets = [0, 3968], sizes = [8, 128], strides = [1, 1]} : vector<8x4096xf32> to vector<8x128xf32>
      %max3A_611 = arith.maximumf %slice3A_579, %slice3A_580 : vector<8x128xf32>
      %max3A_612 = arith.maximumf %slice3A_581, %slice3A_582 : vector<8x128xf32>
      %max3A_613 = arith.maximumf %slice3A_583, %slice3A_584 : vector<8x128xf32>
      %max3A_614 = arith.maximumf %slice3A_585, %slice3A_586 : vector<8x128xf32>
      %max3A_615 = arith.maximumf %slice3A_587, %slice3A_588 : vector<8x128xf32>
      %max3A_616 = arith.maximumf %slice3A_589, %slice3A_590 : vector<8x128xf32>
      %max3A_617 = arith.maximumf %slice3A_591, %slice3A_592 : vector<8x128xf32>
      %max3A_618 = arith.maximumf %slice3A_593, %slice3A_594 : vector<8x128xf32>
      %max3A_619 = arith.maximumf %slice3A_595, %slice3A_596 : vector<8x128xf32>
      %max3A_620 = arith.maximumf %slice3A_597, %slice3A_598 : vector<8x128xf32>
      %max3A_621 = arith.maximumf %slice3A_599, %slice3A_600 : vector<8x128xf32>
      %max3A_622 = arith.maximumf %slice3A_601, %slice3A_602 : vector<8x128xf32>
      %max3A_623 = arith.maximumf %slice3A_603, %slice3A_604 : vector<8x128xf32>
      %max3A_624 = arith.maximumf %slice3A_605, %slice3A_606 : vector<8x128xf32>
      %max3A_625 = arith.maximumf %slice3A_607, %slice3A_608 : vector<8x128xf32>
      %max3A_626 = arith.maximumf %slice3A_609, %slice3A_610 : vector<8x128xf32>
      %max3A_627 = arith.maximumf %max3A_611, %max3A_612 : vector<8x128xf32>
      %max3A_628 = arith.maximumf %max3A_613, %max3A_614 : vector<8x128xf32>
      %max3A_629 = arith.maximumf %max3A_615, %max3A_616 : vector<8x128xf32>
      %max3A_630 = arith.maximumf %max3A_617, %max3A_618 : vector<8x128xf32>
      %max3A_631 = arith.maximumf %max3A_619, %max3A_620 : vector<8x128xf32>
      %max3A_632 = arith.maximumf %max3A_621, %max3A_622 : vector<8x128xf32>
      %max3A_633 = arith.maximumf %max3A_623, %max3A_624 : vector<8x128xf32>
      %max3A_634 = arith.maximumf %max3A_625, %max3A_626 : vector<8x128xf32>
      %max3A_635 = arith.maximumf %max3A_627, %max3A_628 : vector<8x128xf32>
      %max3A_636 = arith.maximumf %max3A_629, %max3A_630 : vector<8x128xf32>
      %max3A_637 = arith.maximumf %max3A_631, %max3A_632 : vector<8x128xf32>
      %max3A_638 = arith.maximumf %max3A_633, %max3A_634 : vector<8x128xf32>
      %max3A_639 = arith.maximumf %max3A_635, %max3A_636 : vector<8x128xf32>
      %max3A_640 = arith.maximumf %max3A_637, %max3A_638 : vector<8x128xf32>
      %max3A_641 = arith.maximumf %max3A_639, %max3A_640 : vector<8x128xf32>
      %reduce_max3A_642 = arith.constant dense<0xFF800000> : vector<8xf32>
      %reduce_max3A_643 = vector.multi_reduction <maximumf>, %max3A_641, %reduce_max3A_642 [1] : vector<8x128xf32> to vector<8xf32>
      %broadcast_in_dim3A_644 = vector.shape_cast %reduce_max3A_643 : vector<8xf32> to vector<8x1xf32>
      %eq3A_645 = vector.broadcast %broadcast_in_dim3A_644 : vector<8x1xf32> to vector<8x128xf32>
      %eq3A_646 = arith.cmpf oeq, %slice3A_579, %eq3A_645 : vector<8x128xf32>
      %jit3A_647 = arith.constant 0 : i32
      %jit3A_648 = arith.constant 32 : i32
      %broadcast_in_dim3A_649 = vector.broadcast %jit3A_647 : i32 to vector<8x128xi32>
      %broadcast_in_dim3A_650 = vector.broadcast %jit3A_648 : i32 to vector<8x128xi32>
      %select_n3A_651 = arith.select %eq3A_646, %broadcast_in_dim3A_649, %broadcast_in_dim3A_650 : vector<8x128xi1>, vector<8x128xi32>
      %eq3A_652 = vector.broadcast %broadcast_in_dim3A_644 : vector<8x1xf32> to vector<8x128xf32>
      %eq3A_653 = arith.cmpf oeq, %slice3A_580, %eq3A_652 : vector<8x128xf32>
      %jit3A_654 = arith.constant 1 : i32
      %jit3A_655 = arith.constant 32 : i32
      %broadcast_in_dim3A_656 = vector.broadcast %jit3A_654 : i32 to vector<8x128xi32>
      %broadcast_in_dim3A_657 = vector.broadcast %jit3A_655 : i32 to vector<8x128xi32>
      %select_n3A_658 = arith.select %eq3A_653, %broadcast_in_dim3A_656, %broadcast_in_dim3A_657 : vector<8x128xi1>, vector<8x128xi32>
      %eq3A_659 = vector.broadcast %broadcast_in_dim3A_644 : vector<8x1xf32> to vector<8x128xf32>
      %eq3A_660 = arith.cmpf oeq, %slice3A_581, %eq3A_659 : vector<8x128xf32>
      %jit3A_661 = arith.constant 2 : i32
      %jit3A_662 = arith.constant 32 : i32
      %broadcast_in_dim3A_663 = vector.broadcast %jit3A_661 : i32 to vector<8x128xi32>
      %broadcast_in_dim3A_664 = vector.broadcast %jit3A_662 : i32 to vector<8x128xi32>
      %select_n3A_665 = arith.select %eq3A_660, %broadcast_in_dim3A_663, %broadcast_in_dim3A_664 : vector<8x128xi1>, vector<8x128xi32>
      %eq3A_666 = vector.broadcast %broadcast_in_dim3A_644 : vector<8x1xf32> to vector<8x128xf32>
      %eq3A_667 = arith.cmpf oeq, %slice3A_582, %eq3A_666 : vector<8x128xf32>
      %jit3A_668 = arith.constant 3 : i32
      %jit3A_669 = arith.constant 32 : i32
      %broadcast_in_dim3A_670 = vector.broadcast %jit3A_668 : i32 to vector<8x128xi32>
      %broadcast_in_dim3A_671 = vector.broadcast %jit3A_669 : i32 to vector<8x128xi32>
      %select_n3A_672 = arith.select %eq3A_667, %broadcast_in_dim3A_670, %broadcast_in_dim3A_671 : vector<8x128xi1>, vector<8x128xi32>
      %eq3A_673 = vector.broadcast %broadcast_in_dim3A_644 : vector<8x1xf32> to vector<8x128xf32>
      %eq3A_674 = arith.cmpf oeq, %slice3A_583, %eq3A_673 : vector<8x128xf32>
      %jit3A_675 = arith.constant 4 : i32
      %jit3A_676 = arith.constant 32 : i32
      %broadcast_in_dim3A_677 = vector.broadcast %jit3A_675 : i32 to vector<8x128xi32>
      %broadcast_in_dim3A_678 = vector.broadcast %jit3A_676 : i32 to vector<8x128xi32>
      %select_n3A_679 = arith.select %eq3A_674, %broadcast_in_dim3A_677, %broadcast_in_dim3A_678 : vector<8x128xi1>, vector<8x128xi32>
      %eq3A_680 = vector.broadcast %broadcast_in_dim3A_644 : vector<8x1xf32> to vector<8x128xf32>
      %eq3A_681 = arith.cmpf oeq, %slice3A_584, %eq3A_680 : vector<8x128xf32>
      %jit3A_682 = arith.constant 5 : i32
      %jit3A_683 = arith.constant 32 : i32
      %broadcast_in_dim3A_684 = vector.broadcast %jit3A_682 : i32 to vector<8x128xi32>
      %broadcast_in_dim3A_685 = vector.broadcast %jit3A_683 : i32 to vector<8x128xi32>
      %select_n3A_686 = arith.select %eq3A_681, %broadcast_in_dim3A_684, %broadcast_in_dim3A_685 : vector<8x128xi1>, vector<8x128xi32>
      %eq3A_687 = vector.broadcast %broadcast_in_dim3A_644 : vector<8x1xf32> to vector<8x128xf32>
      %eq3A_688 = arith.cmpf oeq, %slice3A_585, %eq3A_687 : vector<8x128xf32>
      %jit3A_689 = arith.constant 6 : i32
      %jit3A_690 = arith.constant 32 : i32
      %broadcast_in_dim3A_691 = vector.broadcast %jit3A_689 : i32 to vector<8x128xi32>
      %broadcast_in_dim3A_692 = vector.broadcast %jit3A_690 : i32 to vector<8x128xi32>
      %select_n3A_693 = arith.select %eq3A_688, %broadcast_in_dim3A_691, %broadcast_in_dim3A_692 : vector<8x128xi1>, vector<8x128xi32>
      %eq3A_694 = vector.broadcast %broadcast_in_dim3A_644 : vector<8x1xf32> to vector<8x128xf32>
      %eq3A_695 = arith.cmpf oeq, %slice3A_586, %eq3A_694 : vector<8x128xf32>
      %jit3A_696 = arith.constant 7 : i32
      %jit3A_697 = arith.constant 32 : i32
      %broadcast_in_dim3A_698 = vector.broadcast %jit3A_696 : i32 to vector<8x128xi32>
      %broadcast_in_dim3A_699 = vector.broadcast %jit3A_697 : i32 to vector<8x128xi32>
      %select_n3A_700 = arith.select %eq3A_695, %broadcast_in_dim3A_698, %broadcast_in_dim3A_699 : vector<8x128xi1>, vector<8x128xi32>
      %eq3A_701 = vector.broadcast %broadcast_in_dim3A_644 : vector<8x1xf32> to vector<8x128xf32>
      %eq3A_702 = arith.cmpf oeq, %slice3A_587, %eq3A_701 : vector<8x128xf32>
      %jit3A_703 = arith.constant 8 : i32
      %jit3A_704 = arith.constant 32 : i32
      %broadcast_in_dim3A_705 = vector.broadcast %jit3A_703 : i32 to vector<8x128xi32>
      %broadcast_in_dim3A_706 = vector.broadcast %jit3A_704 : i32 to vector<8x128xi32>
      %select_n3A_707 = arith.select %eq3A_702, %broadcast_in_dim3A_705, %broadcast_in_dim3A_706 : vector<8x128xi1>, vector<8x128xi32>
      %eq3A_708 = vector.broadcast %broadcast_in_dim3A_644 : vector<8x1xf32> to vector<8x128xf32>
      %eq3A_709 = arith.cmpf oeq, %slice3A_588, %eq3A_708 : vector<8x128xf32>
      %jit3A_710 = arith.constant 9 : i32
      %jit3A_711 = arith.constant 32 : i32
      %broadcast_in_dim3A_712 = vector.broadcast %jit3A_710 : i32 to vector<8x128xi32>
      %broadcast_in_dim3A_713 = vector.broadcast %jit3A_711 : i32 to vector<8x128xi32>
      %select_n3A_714 = arith.select %eq3A_709, %broadcast_in_dim3A_712, %broadcast_in_dim3A_713 : vector<8x128xi1>, vector<8x128xi32>
      %eq3A_715 = vector.broadcast %broadcast_in_dim3A_644 : vector<8x1xf32> to vector<8x128xf32>
      %eq3A_716 = arith.cmpf oeq, %slice3A_589, %eq3A_715 : vector<8x128xf32>
      %jit3A_717 = arith.constant 10 : i32
      %jit3A_718 = arith.constant 32 : i32
      %broadcast_in_dim3A_719 = vector.broadcast %jit3A_717 : i32 to vector<8x128xi32>
      %broadcast_in_dim3A_720 = vector.broadcast %jit3A_718 : i32 to vector<8x128xi32>
      %select_n3A_721 = arith.select %eq3A_716, %broadcast_in_dim3A_719, %broadcast_in_dim3A_720 : vector<8x128xi1>, vector<8x128xi32>
      %eq3A_722 = vector.broadcast %broadcast_in_dim3A_644 : vector<8x1xf32> to vector<8x128xf32>
      %eq3A_723 = arith.cmpf oeq, %slice3A_590, %eq3A_722 : vector<8x128xf32>
      %jit3A_724 = arith.constant 11 : i32
      %jit3A_725 = arith.constant 32 : i32
      %broadcast_in_dim3A_726 = vector.broadcast %jit3A_724 : i32 to vector<8x128xi32>
      %broadcast_in_dim3A_727 = vector.broadcast %jit3A_725 : i32 to vector<8x128xi32>
      %select_n3A_728 = arith.select %eq3A_723, %broadcast_in_dim3A_726, %broadcast_in_dim3A_727 : vector<8x128xi1>, vector<8x128xi32>
      %eq3A_729 = vector.broadcast %broadcast_in_dim3A_644 : vector<8x1xf32> to vector<8x128xf32>
      %eq3A_730 = arith.cmpf oeq, %slice3A_591, %eq3A_729 : vector<8x128xf32>
      %jit3A_731 = arith.constant 12 : i32
      %jit3A_732 = arith.constant 32 : i32
      %broadcast_in_dim3A_733 = vector.broadcast %jit3A_731 : i32 to vector<8x128xi32>
      %broadcast_in_dim3A_734 = vector.broadcast %jit3A_732 : i32 to vector<8x128xi32>
      %select_n3A_735 = arith.select %eq3A_730, %broadcast_in_dim3A_733, %broadcast_in_dim3A_734 : vector<8x128xi1>, vector<8x128xi32>
      %eq3A_736 = vector.broadcast %broadcast_in_dim3A_644 : vector<8x1xf32> to vector<8x128xf32>
      %eq3A_737 = arith.cmpf oeq, %slice3A_592, %eq3A_736 : vector<8x128xf32>
      %jit3A_738 = arith.constant 13 : i32
      %jit3A_739 = arith.constant 32 : i32
      %broadcast_in_dim3A_740 = vector.broadcast %jit3A_738 : i32 to vector<8x128xi32>
      %broadcast_in_dim3A_741 = vector.broadcast %jit3A_739 : i32 to vector<8x128xi32>
      %select_n3A_742 = arith.select %eq3A_737, %broadcast_in_dim3A_740, %broadcast_in_dim3A_741 : vector<8x128xi1>, vector<8x128xi32>
      %eq3A_743 = vector.broadcast %broadcast_in_dim3A_644 : vector<8x1xf32> to vector<8x128xf32>
      %eq3A_744 = arith.cmpf oeq, %slice3A_593, %eq3A_743 : vector<8x128xf32>
      %jit3A_745 = arith.constant 14 : i32
      %jit3A_746 = arith.constant 32 : i32
      %broadcast_in_dim3A_747 = vector.broadcast %jit3A_745 : i32 to vector<8x128xi32>
      %broadcast_in_dim3A_748 = vector.broadcast %jit3A_746 : i32 to vector<8x128xi32>
      %select_n3A_749 = arith.select %eq3A_744, %broadcast_in_dim3A_747, %broadcast_in_dim3A_748 : vector<8x128xi1>, vector<8x128xi32>
      %eq3A_750 = vector.broadcast %broadcast_in_dim3A_644 : vector<8x1xf32> to vector<8x128xf32>
      %eq3A_751 = arith.cmpf oeq, %slice3A_594, %eq3A_750 : vector<8x128xf32>
      %jit3A_752 = arith.constant 15 : i32
      %jit3A_753 = arith.constant 32 : i32
      %broadcast_in_dim3A_754 = vector.broadcast %jit3A_752 : i32 to vector<8x128xi32>
      %broadcast_in_dim3A_755 = vector.broadcast %jit3A_753 : i32 to vector<8x128xi32>
      %select_n3A_756 = arith.select %eq3A_751, %broadcast_in_dim3A_754, %broadcast_in_dim3A_755 : vector<8x128xi1>, vector<8x128xi32>
      %eq3A_757 = vector.broadcast %broadcast_in_dim3A_644 : vector<8x1xf32> to vector<8x128xf32>
      %eq3A_758 = arith.cmpf oeq, %slice3A_595, %eq3A_757 : vector<8x128xf32>
      %jit3A_759 = arith.constant 16 : i32
      %jit3A_760 = arith.constant 32 : i32
      %broadcast_in_dim3A_761 = vector.broadcast %jit3A_759 : i32 to vector<8x128xi32>
      %broadcast_in_dim3A_762 = vector.broadcast %jit3A_760 : i32 to vector<8x128xi32>
      %select_n3A_763 = arith.select %eq3A_758, %broadcast_in_dim3A_761, %broadcast_in_dim3A_762 : vector<8x128xi1>, vector<8x128xi32>
      %eq3A_764 = vector.broadcast %broadcast_in_dim3A_644 : vector<8x1xf32> to vector<8x128xf32>
      %eq3A_765 = arith.cmpf oeq, %slice3A_596, %eq3A_764 : vector<8x128xf32>
      %jit3A_766 = arith.constant 17 : i32
      %jit3A_767 = arith.constant 32 : i32
      %broadcast_in_dim3A_768 = vector.broadcast %jit3A_766 : i32 to vector<8x128xi32>
      %broadcast_in_dim3A_769 = vector.broadcast %jit3A_767 : i32 to vector<8x128xi32>
      %select_n3A_770 = arith.select %eq3A_765, %broadcast_in_dim3A_768, %broadcast_in_dim3A_769 : vector<8x128xi1>, vector<8x128xi32>
      %eq3A_771 = vector.broadcast %broadcast_in_dim3A_644 : vector<8x1xf32> to vector<8x128xf32>
      %eq3A_772 = arith.cmpf oeq, %slice3A_597, %eq3A_771 : vector<8x128xf32>
      %jit3A_773 = arith.constant 18 : i32
      %jit3A_774 = arith.constant 32 : i32
      %broadcast_in_dim3A_775 = vector.broadcast %jit3A_773 : i32 to vector<8x128xi32>
      %broadcast_in_dim3A_776 = vector.broadcast %jit3A_774 : i32 to vector<8x128xi32>
      %select_n3A_777 = arith.select %eq3A_772, %broadcast_in_dim3A_775, %broadcast_in_dim3A_776 : vector<8x128xi1>, vector<8x128xi32>
      %eq3A_778 = vector.broadcast %broadcast_in_dim3A_644 : vector<8x1xf32> to vector<8x128xf32>
      %eq3A_779 = arith.cmpf oeq, %slice3A_598, %eq3A_778 : vector<8x128xf32>
      %jit3A_780 = arith.constant 19 : i32
      %jit3A_781 = arith.constant 32 : i32
      %broadcast_in_dim3A_782 = vector.broadcast %jit3A_780 : i32 to vector<8x128xi32>
      %broadcast_in_dim3A_783 = vector.broadcast %jit3A_781 : i32 to vector<8x128xi32>
      %select_n3A_784 = arith.select %eq3A_779, %broadcast_in_dim3A_782, %broadcast_in_dim3A_783 : vector<8x128xi1>, vector<8x128xi32>
      %eq3A_785 = vector.broadcast %broadcast_in_dim3A_644 : vector<8x1xf32> to vector<8x128xf32>
      %eq3A_786 = arith.cmpf oeq, %slice3A_599, %eq3A_785 : vector<8x128xf32>
      %jit3A_787 = arith.constant 20 : i32
      %jit3A_788 = arith.constant 32 : i32
      %broadcast_in_dim3A_789 = vector.broadcast %jit3A_787 : i32 to vector<8x128xi32>
      %broadcast_in_dim3A_790 = vector.broadcast %jit3A_788 : i32 to vector<8x128xi32>
      %select_n3A_791 = arith.select %eq3A_786, %broadcast_in_dim3A_789, %broadcast_in_dim3A_790 : vector<8x128xi1>, vector<8x128xi32>
      %eq3A_792 = vector.broadcast %broadcast_in_dim3A_644 : vector<8x1xf32> to vector<8x128xf32>
      %eq3A_793 = arith.cmpf oeq, %slice3A_600, %eq3A_792 : vector<8x128xf32>
      %jit3A_794 = arith.constant 21 : i32
      %jit3A_795 = arith.constant 32 : i32
      %broadcast_in_dim3A_796 = vector.broadcast %jit3A_794 : i32 to vector<8x128xi32>
      %broadcast_in_dim3A_797 = vector.broadcast %jit3A_795 : i32 to vector<8x128xi32>
      %select_n3A_798 = arith.select %eq3A_793, %broadcast_in_dim3A_796, %broadcast_in_dim3A_797 : vector<8x128xi1>, vector<8x128xi32>
      %eq3A_799 = vector.broadcast %broadcast_in_dim3A_644 : vector<8x1xf32> to vector<8x128xf32>
      %eq3A_800 = arith.cmpf oeq, %slice3A_601, %eq3A_799 : vector<8x128xf32>
      %jit3A_801 = arith.constant 22 : i32
      %jit3A_802 = arith.constant 32 : i32
      %broadcast_in_dim3A_803 = vector.broadcast %jit3A_801 : i32 to vector<8x128xi32>
      %broadcast_in_dim3A_804 = vector.broadcast %jit3A_802 : i32 to vector<8x128xi32>
      %select_n3A_805 = arith.select %eq3A_800, %broadcast_in_dim3A_803, %broadcast_in_dim3A_804 : vector<8x128xi1>, vector<8x128xi32>
      %eq3A_806 = vector.broadcast %broadcast_in_dim3A_644 : vector<8x1xf32> to vector<8x128xf32>
      %eq3A_807 = arith.cmpf oeq, %slice3A_602, %eq3A_806 : vector<8x128xf32>
      %jit3A_808 = arith.constant 23 : i32
      %jit3A_809 = arith.constant 32 : i32
      %broadcast_in_dim3A_810 = vector.broadcast %jit3A_808 : i32 to vector<8x128xi32>
      %broadcast_in_dim3A_811 = vector.broadcast %jit3A_809 : i32 to vector<8x128xi32>
      %select_n3A_812 = arith.select %eq3A_807, %broadcast_in_dim3A_810, %broadcast_in_dim3A_811 : vector<8x128xi1>, vector<8x128xi32>
      %eq3A_813 = vector.broadcast %broadcast_in_dim3A_644 : vector<8x1xf32> to vector<8x128xf32>
      %eq3A_814 = arith.cmpf oeq, %slice3A_603, %eq3A_813 : vector<8x128xf32>
      %jit3A_815 = arith.constant 24 : i32
      %jit3A_816 = arith.constant 32 : i32
      %broadcast_in_dim3A_817 = vector.broadcast %jit3A_815 : i32 to vector<8x128xi32>
      %broadcast_in_dim3A_818 = vector.broadcast %jit3A_816 : i32 to vector<8x128xi32>
      %select_n3A_819 = arith.select %eq3A_814, %broadcast_in_dim3A_817, %broadcast_in_dim3A_818 : vector<8x128xi1>, vector<8x128xi32>
      %eq3A_820 = vector.broadcast %broadcast_in_dim3A_644 : vector<8x1xf32> to vector<8x128xf32>
      %eq3A_821 = arith.cmpf oeq, %slice3A_604, %eq3A_820 : vector<8x128xf32>
      %jit3A_822 = arith.constant 25 : i32
      %jit3A_823 = arith.constant 32 : i32
      %broadcast_in_dim3A_824 = vector.broadcast %jit3A_822 : i32 to vector<8x128xi32>
      %broadcast_in_dim3A_825 = vector.broadcast %jit3A_823 : i32 to vector<8x128xi32>
      %select_n3A_826 = arith.select %eq3A_821, %broadcast_in_dim3A_824, %broadcast_in_dim3A_825 : vector<8x128xi1>, vector<8x128xi32>
      %eq3A_827 = vector.broadcast %broadcast_in_dim3A_644 : vector<8x1xf32> to vector<8x128xf32>
      %eq3A_828 = arith.cmpf oeq, %slice3A_605, %eq3A_827 : vector<8x128xf32>
      %jit3A_829 = arith.constant 26 : i32
      %jit3A_830 = arith.constant 32 : i32
      %broadcast_in_dim3A_831 = vector.broadcast %jit3A_829 : i32 to vector<8x128xi32>
      %broadcast_in_dim3A_832 = vector.broadcast %jit3A_830 : i32 to vector<8x128xi32>
      %select_n3A_833 = arith.select %eq3A_828, %broadcast_in_dim3A_831, %broadcast_in_dim3A_832 : vector<8x128xi1>, vector<8x128xi32>
      %eq3A_834 = vector.broadcast %broadcast_in_dim3A_644 : vector<8x1xf32> to vector<8x128xf32>
      %eq3A_835 = arith.cmpf oeq, %slice3A_606, %eq3A_834 : vector<8x128xf32>
      %jit3A_836 = arith.constant 27 : i32
      %jit3A_837 = arith.constant 32 : i32
      %broadcast_in_dim3A_838 = vector.broadcast %jit3A_836 : i32 to vector<8x128xi32>
      %broadcast_in_dim3A_839 = vector.broadcast %jit3A_837 : i32 to vector<8x128xi32>
      %select_n3A_840 = arith.select %eq3A_835, %broadcast_in_dim3A_838, %broadcast_in_dim3A_839 : vector<8x128xi1>, vector<8x128xi32>
      %eq3A_841 = vector.broadcast %broadcast_in_dim3A_644 : vector<8x1xf32> to vector<8x128xf32>
      %eq3A_842 = arith.cmpf oeq, %slice3A_607, %eq3A_841 : vector<8x128xf32>
      %jit3A_843 = arith.constant 28 : i32
      %jit3A_844 = arith.constant 32 : i32
      %broadcast_in_dim3A_845 = vector.broadcast %jit3A_843 : i32 to vector<8x128xi32>
      %broadcast_in_dim3A_846 = vector.broadcast %jit3A_844 : i32 to vector<8x128xi32>
      %select_n3A_847 = arith.select %eq3A_842, %broadcast_in_dim3A_845, %broadcast_in_dim3A_846 : vector<8x128xi1>, vector<8x128xi32>
      %eq3A_848 = vector.broadcast %broadcast_in_dim3A_644 : vector<8x1xf32> to vector<8x128xf32>
      %eq3A_849 = arith.cmpf oeq, %slice3A_608, %eq3A_848 : vector<8x128xf32>
      %jit3A_850 = arith.constant 29 : i32
      %jit3A_851 = arith.constant 32 : i32
      %broadcast_in_dim3A_852 = vector.broadcast %jit3A_850 : i32 to vector<8x128xi32>
      %broadcast_in_dim3A_853 = vector.broadcast %jit3A_851 : i32 to vector<8x128xi32>
      %select_n3A_854 = arith.select %eq3A_849, %broadcast_in_dim3A_852, %broadcast_in_dim3A_853 : vector<8x128xi1>, vector<8x128xi32>
      %eq3A_855 = vector.broadcast %broadcast_in_dim3A_644 : vector<8x1xf32> to vector<8x128xf32>
      %eq3A_856 = arith.cmpf oeq, %slice3A_609, %eq3A_855 : vector<8x128xf32>
      %jit3A_857 = arith.constant 30 : i32
      %jit3A_858 = arith.constant 32 : i32
      %broadcast_in_dim3A_859 = vector.broadcast %jit3A_857 : i32 to vector<8x128xi32>
      %broadcast_in_dim3A_860 = vector.broadcast %jit3A_858 : i32 to vector<8x128xi32>
      %select_n3A_861 = arith.select %eq3A_856, %broadcast_in_dim3A_859, %broadcast_in_dim3A_860 : vector<8x128xi1>, vector<8x128xi32>
      %eq3A_862 = vector.broadcast %broadcast_in_dim3A_644 : vector<8x1xf32> to vector<8x128xf32>
      %eq3A_863 = arith.cmpf oeq, %slice3A_610, %eq3A_862 : vector<8x128xf32>
      %jit3A_864 = arith.constant 31 : i32
      %jit3A_865 = arith.constant 32 : i32
      %broadcast_in_dim3A_866 = vector.broadcast %jit3A_864 : i32 to vector<8x128xi32>
      %broadcast_in_dim3A_867 = vector.broadcast %jit3A_865 : i32 to vector<8x128xi32>
      %select_n3A_868 = arith.select %eq3A_863, %broadcast_in_dim3A_866, %broadcast_in_dim3A_867 : vector<8x128xi1>, vector<8x128xi32>
      %min3A_869 = arith.minsi %select_n3A_651, %select_n3A_658 : vector<8x128xi32>
      %min3A_870 = arith.minsi %select_n3A_665, %select_n3A_672 : vector<8x128xi32>
      %min3A_871 = arith.minsi %select_n3A_679, %select_n3A_686 : vector<8x128xi32>
      %min3A_872 = arith.minsi %select_n3A_693, %select_n3A_700 : vector<8x128xi32>
      %min3A_873 = arith.minsi %select_n3A_707, %select_n3A_714 : vector<8x128xi32>
      %min3A_874 = arith.minsi %select_n3A_721, %select_n3A_728 : vector<8x128xi32>
      %min3A_875 = arith.minsi %select_n3A_735, %select_n3A_742 : vector<8x128xi32>
      %min3A_876 = arith.minsi %select_n3A_749, %select_n3A_756 : vector<8x128xi32>
      %min3A_877 = arith.minsi %select_n3A_763, %select_n3A_770 : vector<8x128xi32>
      %min3A_878 = arith.minsi %select_n3A_777, %select_n3A_784 : vector<8x128xi32>
      %min3A_879 = arith.minsi %select_n3A_791, %select_n3A_798 : vector<8x128xi32>
      %min3A_880 = arith.minsi %select_n3A_805, %select_n3A_812 : vector<8x128xi32>
      %min3A_881 = arith.minsi %select_n3A_819, %select_n3A_826 : vector<8x128xi32>
      %min3A_882 = arith.minsi %select_n3A_833, %select_n3A_840 : vector<8x128xi32>
      %min3A_883 = arith.minsi %select_n3A_847, %select_n3A_854 : vector<8x128xi32>
      %min3A_884 = arith.minsi %select_n3A_861, %select_n3A_868 : vector<8x128xi32>
      %min3A_885 = arith.minsi %min3A_869, %min3A_870 : vector<8x128xi32>
      %min3A_886 = arith.minsi %min3A_871, %min3A_872 : vector<8x128xi32>
      %min3A_887 = arith.minsi %min3A_873, %min3A_874 : vector<8x128xi32>
      %min3A_888 = arith.minsi %min3A_875, %min3A_876 : vector<8x128xi32>
      %min3A_889 = arith.minsi %min3A_877, %min3A_878 : vector<8x128xi32>
      %min3A_890 = arith.minsi %min3A_879, %min3A_880 : vector<8x128xi32>
      %min3A_891 = arith.minsi %min3A_881, %min3A_882 : vector<8x128xi32>
      %min3A_892 = arith.minsi %min3A_883, %min3A_884 : vector<8x128xi32>
      %min3A_893 = arith.minsi %min3A_885, %min3A_886 : vector<8x128xi32>
      %min3A_894 = arith.minsi %min3A_887, %min3A_888 : vector<8x128xi32>
      %min3A_895 = arith.minsi %min3A_889, %min3A_890 : vector<8x128xi32>
      %min3A_896 = arith.minsi %min3A_891, %min3A_892 : vector<8x128xi32>
      %min3A_897 = arith.minsi %min3A_893, %min3A_894 : vector<8x128xi32>
      %min3A_898 = arith.minsi %min3A_895, %min3A_896 : vector<8x128xi32>
      %min3A_899 = arith.minsi %min3A_897, %min3A_898 : vector<8x128xi32>
      %lt3A_900 = arith.constant 32 : i32
      %lt3A_901 = vector.broadcast %lt3A_900 : i32 to vector<8x128xi32>
      %lt3A_902 = arith.cmpi slt, %min3A_899, %lt3A_901 : vector<8x128xi32>
      %mul3A_903 = arith.constant 128 : i32
      %mul3A_904 = vector.broadcast %mul3A_903 : i32 to vector<8x128xi32>
      %mul3A_905 = arith.muli %min3A_899, %mul3A_904 : vector<8x128xi32>
      %add3A_906 = arith.addi %mul3A_905, %iota3A_4 : vector<8x128xi32>
      %jit3A_907 = arith.constant 4096 : i32
      %broadcast_in_dim3A_908 = vector.broadcast %jit3A_907 : i32 to vector<8x128xi32>
      %select_n3A_909 = arith.select %lt3A_902, %add3A_906, %broadcast_in_dim3A_908 : vector<8x128xi1>, vector<8x128xi32>
      %reduce_min3A_910 = arith.constant dense<2147483647> : vector<8xi32>
      %reduce_min3A_911 = vector.multi_reduction <minsi>, %select_n3A_909, %reduce_min3A_910 [1] : vector<8x128xi32> to vector<8xi32>
      %broadcast_in_dim3A_912 = vector.shape_cast %reduce_min3A_911 : vector<8xi32> to vector<8x1xi32>
      scf.yield %broadcast_in_dim3A_912 : vector<8x1xi32>
    }
    %scan3A_11 = arith.constant 1024 : i32
    return
  }
}

module attributes {stable_mosaic.version = 14 : i64} {
  func.func @_g1_body(%arg0: i32, %arg1: memref<1x3x4096xf32, #tpu.memory_space<vmem>>, %arg2: memref<1x4096x64xf32, #tpu.memory_space<vmem>>, %arg3: memref<3x64xf32, #tpu.memory_space<vmem>>, %arg4: memref<64x64xf32, #tpu.memory_space<vmem>>, %arg5: memref<1x4096x64xf32, #tpu.memory_space<vmem>>) attributes {dimension_semantics = [#tpu.dimension_semantics<arbitrary>], iteration_bounds = array<i64: 8>, scalar_prefetch = 0 : i64, scratch_operands = 0 : i64, tpu.core_type = #tpu.core_type<tc>, window_params = [{transform_indices = @transform_0, window_bounds = array<i64: 1, 3, 4096>}, {transform_indices = @transform_1, window_bounds = array<i64: 1, 4096, 64>}, {pipeline_mode = #tpu.pipeline_mode<synchronous>, transform_indices = @transform_2, window_bounds = array<i64: 3, 64>}, {pipeline_mode = #tpu.pipeline_mode<synchronous>, transform_indices = @transform_3, window_bounds = array<i64: 64, 64>}, {transform_indices = @transform_4, window_bounds = array<i64: 1, 4096, 64>}]} {
    %get3A = arith.constant 0 : index
    %get3A_0 = arith.constant 0 : index
    %get3A_1 = arith.constant 0 : index
    %get3A_2 = vector.load %arg1[%get3A, %get3A_0, %get3A_1] : memref<1x3x4096xf32, #tpu.memory_space<vmem>>, vector<1x3x4096xf32>
    %get3A_3 = vector.shape_cast %get3A_2 : vector<1x3x4096xf32> to vector<3x4096xf32>
    %get3A_4 = arith.constant 0 : index
    %get3A_5 = arith.constant 0 : index
    %get3A_6 = arith.constant 0 : index
    %get3A_7 = vector.load %arg2[%get3A_4, %get3A_5, %get3A_6] : memref<1x4096x64xf32, #tpu.memory_space<vmem>>, vector<1x4096x64xf32>
    %get3A_8 = vector.shape_cast %get3A_7 : vector<1x4096x64xf32> to vector<4096x64xf32>
    %get3A_9 = arith.constant 0 : index
    %get3A_10 = arith.constant 0 : index
    %get3A_11 = vector.load %arg3[%get3A_9, %get3A_10] : memref<3x64xf32, #tpu.memory_space<vmem>>, vector<3x64xf32>
    %dot_general3A = arith.constant dense<0.000000e+00> : vector<4096x64xf32>
    %dot_general3A_12 = tpu.matmul %get3A_3, %get3A_11, %dot_general3A {dimension_numbers = #tpu.dot_dimension_numbers<[0], [0], [1], [1], [0, 1, 1, 1], [], []>, transpose_lhs_hint = false} : vector<3x4096xf32>, vector<3x64xf32>, vector<4096x64xf32> -> vector<4096x64xf32>
    %get3A_13 = arith.constant 0 : index
    %get3A_14 = arith.constant 0 : index
    %get3A_15 = vector.load %arg4[%get3A_13, %get3A_14] : memref<64x64xf32, #tpu.memory_space<vmem>>, vector<64x64xf32>
    %dot_general3A_16 = arith.constant dense<0.000000e+00> : vector<4096x64xf32>
    %dot_general3A_17 = tpu.matmul %get3A_8, %get3A_15, %dot_general3A_16 {dimension_numbers = #tpu.dot_dimension_numbers<[1], [0], [0], [1], [0, 0, 1, 1], [], []>, transpose_lhs_hint = false} : vector<4096x64xf32>, vector<64x64xf32>, vector<4096x64xf32> -> vector<4096x64xf32>
    %add3A = arith.addf %dot_general3A_12, %dot_general3A_17 : vector<4096x64xf32>
    %swap3A = arith.constant 0 : index
    %swap3A_18 = arith.constant 0 : index
    %swap3A_19 = arith.constant 0 : index
    %swap3A_20 = vector.load %arg5[%swap3A, %swap3A_18, %swap3A_19] : memref<1x4096x64xf32, #tpu.memory_space<vmem>>, vector<1x4096x64xf32>
    %swap3A_21 = vector.shape_cast %swap3A_20 : vector<1x4096x64xf32> to vector<4096x64xf32>
    %swap3A_22 = vector.shape_cast %add3A : vector<4096x64xf32> to vector<1x4096x64xf32>
    tpu.vector_store %arg5[%swap3A, %swap3A_18, %swap3A_19], %swap3A_22 {strides = array<i32>} : memref<1x4096x64xf32, #tpu.memory_space<vmem>>, vector<1x4096x64xf32>,
    return
  }
  func.func @transform_0(%arg0: i32) -> (i32, i32, i32) {
    %c0_i32 = arith.constant 0 : i32
    %c0_i32_0 = arith.constant 0 : i32
    %c0_i32_1 = arith.constant 0 : i32
    return %arg0, %c0_i32, %c0_i32_0 : i32, i32, i32
  }
  func.func @transform_1(%arg0: i32) -> (i32, i32, i32) {
    %c0_i32 = arith.constant 0 : i32
    %c0_i32_0 = arith.constant 0 : i32
    %c0_i32_1 = arith.constant 0 : i32
    return %arg0, %c0_i32, %c0_i32_0 : i32, i32, i32
  }
  func.func @transform_2(%arg0: i32) -> (i32, i32) {
    %c0_i32 = arith.constant 0 : i32
    %c0_i32_0 = arith.constant 0 : i32
    %c0_i32_1 = arith.constant 0 : i32
    return %c0_i32, %c0_i32_0 : i32, i32
  }
  func.func @transform_3(%arg0: i32) -> (i32, i32) {
    %c0_i32 = arith.constant 0 : i32
    %c0_i32_0 = arith.constant 0 : i32
    %c0_i32_1 = arith.constant 0 : i32
    return %c0_i32, %c0_i32_0 : i32, i32
  }
  func.func @transform_4(%arg0: i32) -> (i32, i32, i32) {
    %c0_i32 = arith.constant 0 : i32
    %c0_i32_0 = arith.constant 0 : i32
    %c0_i32_1 = arith.constant 0 : i32
    return %arg0, %c0_i32, %c0_i32_0 : i32, i32, i32
  }
}

module attributes {stable_mosaic.version = 14 : i64} {
  func.func @_bq_body(%arg0: i32, %arg1: i32, %arg2: memref<1x256x3xf32, #tpu.memory_space<vmem>>, %arg3: memref<1x3x4096xf32, #tpu.memory_space<vmem>>, %arg4: memref<16x256x128xi32, #tpu.memory_space<vmem>>) attributes {dimension_semantics = [#tpu.dimension_semantics<arbitrary>, #tpu.dimension_semantics<arbitrary>], iteration_bounds = array<i64: 8, 4>, scalar_prefetch = 0 : i64, scratch_operands = 0 : i64, tpu.core_type = #tpu.core_type<tc>, window_params = [{transform_indices = @transform_0, window_bounds = array<i64: 1, 256, 3>}, {transform_indices = @transform_1, window_bounds = array<i64: 1, 3, 4096>}, {transform_indices = @transform_2, window_bounds = array<i64: 16, 256, 128>}]} {
    %get3A = arith.constant 0 : index
    %get3A_0 = arith.constant 0 : index
    %get3A_1 = arith.constant 0 : index
    %get3A_2 = vector.load %arg2[%get3A, %get3A_0, %get3A_1] : memref<1x256x3xf32, #tpu.memory_space<vmem>>, vector<1x256x3xf32>
    %get3A_3 = vector.shape_cast %get3A_2 : vector<1x256x3xf32> to vector<256x3xf32>
    %get3A_4 = arith.constant 0 : index
    %get3A_5 = arith.constant 0 : index
    %get3A_6 = arith.constant 0 : index
    %get3A_7 = vector.load %arg3[%get3A_4, %get3A_5, %get3A_6] : memref<1x3x4096xf32, #tpu.memory_space<vmem>>, vector<1x3x4096xf32>
    %get3A_8 = vector.shape_cast %get3A_7 : vector<1x3x4096xf32> to vector<3x4096xf32>
    %mul3A = arith.mulf %get3A_3, %get3A_3 : vector<256x3xf32>
    %reduce_sum3A = arith.constant dense<0.000000e+00> : vector<256xf32>
    %reduce_sum3A_9 = vector.multi_reduction <add>, %mul3A, %reduce_sum3A [1] : vector<256x3xf32> to vector<256xf32>
    %broadcast_in_dim3A = vector.shape_cast %reduce_sum3A_9 : vector<256xf32> to vector<256x1xf32>
    %mul3A_10 = arith.mulf %get3A_8, %get3A_8 : vector<3x4096xf32>
    %reduce_sum3A_11 = arith.constant dense<0.000000e+00> : vector<4096xf32>
    %reduce_sum3A_12 = vector.multi_reduction <add>, %mul3A_10, %reduce_sum3A_11 [0] : vector<3x4096xf32> to vector<4096xf32>
    %broadcast_in_dim3A_13 = vector.shape_cast %reduce_sum3A_12 : vector<4096xf32> to vector<1x4096xf32>
    %dot_general3A = arith.constant dense<0.000000e+00> : vector<256x4096xf32>
    %dot_general3A_14 = tpu.matmul %get3A_3, %get3A_8, %dot_general3A {dimension_numbers = #tpu.dot_dimension_numbers<[1], [0], [0], [1], [0, 0, 1, 1], [], []>, transpose_lhs_hint = false} : vector<256x3xf32>, vector<3x4096xf32>, vector<256x4096xf32> -> vector<256x4096xf32>
    %add3A = vector.broadcast %broadcast_in_dim3A : vector<256x1xf32> to vector<256x4096xf32>
    %add3A_15 = vector.broadcast %broadcast_in_dim3A_13 : vector<1x4096xf32> to vector<256x4096xf32>
    %add3A_16 = arith.addf %add3A, %add3A_15 : vector<256x4096xf32>
    %mul3A_17 = arith.constant 2.000000e+00 : f32
    %mul3A_18 = vector.broadcast %mul3A_17 : f32 to vector<256x4096xf32>
    %mul3A_19 = arith.mulf %mul3A_18, %dot_general3A_14 : vector<256x4096xf32>
    %sub3A = arith.subf %add3A_16, %mul3A_19 : vector<256x4096xf32>
    %le3A = arith.constant 1.600000e-01 : f32
    %le3A_20 = vector.broadcast %le3A : f32 to vector<256x4096xf32>
    %le3A_21 = arith.cmpf ole, %sub3A, %le3A_20 : vector<256x4096xf32>
    %jit3A = arith.constant 1.000000e+00 : f32
    %jit3A_22 = arith.constant 0.000000e+00 : f32
    %broadcast_in_dim3A_23 = vector.broadcast %jit3A : f32 to vector<256x4096xf32>
    %broadcast_in_dim3A_24 = vector.broadcast %jit3A_22 : f32 to vector<256x4096xf32>
    %select_n3A = arith.select %le3A_21, %broadcast_in_dim3A_23, %broadcast_in_dim3A_24 : vector<256x4096xi1>, vector<256x4096xf32>
    %iota3A = tpu.iota {dimensions = array<i32: 0>} : vector<128x128xi32>
    %iota3A_25 = tpu.iota {dimensions = array<i32: 1>} : vector<128x128xi32>
    %le3A_26 = arith.cmpi sle, %iota3A, %iota3A_25 : vector<128x128xi32>
    %jit3A_27 = arith.constant 1.000000e+00 : f32
    %jit3A_28 = arith.constant 0.000000e+00 : f32
    %broadcast_in_dim3A_29 = vector.broadcast %jit3A_27 : f32 to vector<128x128xf32>
    %broadcast_in_dim3A_30 = vector.broadcast %jit3A_28 : f32 to vector<128x128xf32>
    %select_n3A_31 = arith.select %le3A_26, %broadcast_in_dim3A_29, %broadcast_in_dim3A_30 : vector<128x128xi1>, vector<128x128xf32>
    %iota3A_32 = tpu.iota {dimensions = array<i32: 0>} : vector<128x64xi32>
    %iota3A_33 = tpu.iota {dimensions = array<i32: 1>} : vector<128x64xi32>
    %mul3A_34 = arith.constant 2 : i32
    %mul3A_35 = vector.broadcast %mul3A_34 : i32 to vector<128x64xi32>
    %mul3A_36 = arith.muli %mul3A_35, %iota3A_33 : vector<128x64xi32>
    %eq3A = arith.cmpi eq, %iota3A_32, %mul3A_36 : vector<128x64xi32>
    %jit3A_37 = arith.constant 1.000000e+00 : f32
    %jit3A_38 = arith.constant 0.000000e+00 : f32
    %broadcast_in_dim3A_39 = vector.broadcast %jit3A_37 : f32 to vector<128x64xf32>
    %broadcast_in_dim3A_40 = vector.broadcast %jit3A_38 : f32 to vector<128x64xf32>
    %select_n3A_41 = arith.select %eq3A, %broadcast_in_dim3A_39, %broadcast_in_dim3A_40 : vector<128x64xi1>, vector<128x64xf32>
    %mul3A_42 = arith.constant 2 : i32
    %mul3A_43 = vector.broadcast %mul3A_42 : i32 to vector<128x64xi32>
    %mul3A_44 = arith.muli %mul3A_43, %iota3A_33 : vector<128x64xi32>
    %add3A_45 = arith.constant 1 : i32
    %add3A_46 = vector.broadcast %add3A_45 : i32 to vector<128x64xi32>
    %add3A_47 = arith.addi %mul3A_44, %add3A_46 : vector<128x64xi32>
    %eq3A_48 = arith.cmpi eq, %iota3A_32, %add3A_47 : vector<128x64xi32>
    %jit3A_49 = arith.constant 6.553600e+04 : f32
    %jit3A_50 = arith.constant 0.000000e+00 : f32
    %broadcast_in_dim3A_51 = vector.broadcast %jit3A_49 : f32 to vector<128x64xf32>
    %broadcast_in_dim3A_52 = vector.broadcast %jit3A_50 : f32 to vector<128x64xf32>
    %select_n3A_53 = arith.select %eq3A_48, %broadcast_in_dim3A_51, %broadcast_in_dim3A_52 : vector<128x64xi1>, vector<128x64xf32>
    %add3A_54 = arith.addf %select_n3A_41, %select_n3A_53 : vector<128x64xf32>
    %broadcast_in_dim3A_55 = arith.constant 0.000000e+00 : f32
    %broadcast_in_dim3A_56 = vector.broadcast %broadcast_in_dim3A_55 : f32 to vector<256x1xf32>
    %slice3A = vector.extract_strided_slice %select_n3A {offsets = [0, 0], sizes = [256, 128], strides = [1, 1]} : vector<256x4096xf32> to vector<256x128xf32>
    %dot_general3A_57 = arith.constant dense<0.000000e+00> : vector<256x128xf32>
    %dot_general3A_58 = tpu.matmul %slice3A, %select_n3A_31, %dot_general3A_57 {dimension_numbers = #tpu.dot_dimension_numbers<[1], [0], [0], [1], [0, 0, 1, 1], [], []>, transpose_lhs_hint = false} : vector<256x128xf32>, vector<128x128xf32>, vector<256x128xf32> -> vector<256x128xf32>
    %add3A_59 = vector.broadcast %broadcast_in_dim3A_56 : vector<256x1xf32> to vector<256x128xf32>
    %add3A_60 = arith.addf %dot_general3A_58, %add3A_59 : vector<256x128xf32>
    %min3A = arith.constant 3.200000e+01 : f32
    %min3A_61 = vector.broadcast %min3A : f32 to vector<256x128xf32>
    %min3A_62 = arith.minimumf %add3A_60, %min3A_61 : vector<256x128xf32>
    %dot_general3A_63 = arith.constant dense<0.000000e+00> : vector<256x64xf32>
    %dot_general3A_64 = tpu.matmul %min3A_62, %add3A_54, %dot_general3A_63 {dimension_numbers = #tpu.dot_dimension_numbers<[1], [0], [0], [1], [0, 0, 1, 1], [], []>, transpose_lhs_hint = false} : vector<256x128xf32>, vector<128x64xf32>, vector<256x64xf32> -> vector<256x64xf32>
    %convert_element_type3A = arith.fptosi %dot_general3A_64 : vector<256x64xf32> to vector<256x64xi32>
    %swap3A = arith.constant 0 : index
    %swap3A_65 = arith.constant 0 : index
    %swap3A_66 = arith.constant 0 : index
    %swap3A_67 = vector.load %arg4[%swap3A, %swap3A_65, %swap3A_66] : memref<16x256x128xi32, #tpu.memory_space<vmem>>, vector<1x256x64xi32>
    %swap3A_68 = vector.shape_cast %swap3A_67 : vector<1x256x64xi32> to vector<256x64xi32>
    %swap3A_69 = vector.shape_cast %convert_element_type3A : vector<256x64xi32> to vector<1x256x64xi32>
    tpu.vector_store %arg4[%swap3A, %swap3A_65, %swap3A_66], %swap3A_69 {strides = array<i32>} : memref<16x256x128xi32, #tpu.memory_space<vmem>>, vector<1x256x64xi32>,
    %reduce_sum3A_70 = arith.constant dense<0.000000e+00> : vector<256xf32>
    %reduce_sum3A_71 = vector.multi_reduction <add>, %slice3A, %reduce_sum3A_70 [1] : vector<256x128xf32> to vector<256xf32>
    %broadcast_in_dim3A_72 = vector.shape_cast %reduce_sum3A_71 : vector<256xf32> to vector<256x1xf32>
    %add3A_73 = arith.addf %broadcast_in_dim3A_56, %broadcast_in_dim3A_72 : vector<256x1xf32>
    %slice3A_74 = vector.extract_strided_slice %select_n3A {offsets = [0, 128], sizes = [256, 128], strides = [1, 1]} : vector<256x4096xf32> to vector<256x128xf32>
    %dot_general3A_75 = arith.constant dense<0.000000e+00> : vector<256x128xf32>
    %dot_general3A_76 = tpu.matmul %slice3A_74, %select_n3A_31, %dot_general3A_75 {dimension_numbers = #tpu.dot_dimension_numbers<[1], [0], [0], [1], [0, 0, 1, 1], [], []>, transpose_lhs_hint = false} : vector<256x128xf32>, vector<128x128xf32>, vector<256x128xf32> -> vector<256x128xf32>
    %add3A_77 = vector.broadcast %add3A_73 : vector<256x1xf32> to vector<256x128xf32>
    %add3A_78 = arith.addf %dot_general3A_76, %add3A_77 : vector<256x128xf32>
    %min3A_79 = arith.constant 3.200000e+01 : f32
    %min3A_80 = vector.broadcast %min3A_79 : f32 to vector<256x128xf32>
    %min3A_81 = arith.minimumf %add3A_78, %min3A_80 : vector<256x128xf32>
    %dot_general3A_82 = arith.constant dense<0.000000e+00> : vector<256x64xf32>
    %dot_general3A_83 = tpu.matmul %min3A_81, %add3A_54, %dot_general3A_82 {dimension_numbers = #tpu.dot_dimension_numbers<[1], [0], [0], [1], [0, 0, 1, 1], [], []>, transpose_lhs_hint = false} : vector<256x128xf32>, vector<128x64xf32>, vector<256x64xf32> -> vector<256x64xf32>
    %convert_element_type3A_84 = arith.fptosi %dot_general3A_83 : vector<256x64xf32> to vector<256x64xi32>
    %swap3A_85 = arith.constant 0 : index
    %swap3A_86 = arith.constant 0 : index
    %swap3A_87 = arith.constant 64 : index
    %swap3A_88 = vector.load %arg4[%swap3A_85, %swap3A_86, %swap3A_87] : memref<16x256x128xi32, #tpu.memory_space<vmem>>, vector<1x256x64xi32>
    %swap3A_89 = vector.shape_cast %swap3A_88 : vector<1x256x64xi32> to vector<256x64xi32>
    %swap3A_90 = vector.shape_cast %convert_element_type3A_84 : vector<256x64xi32> to vector<1x256x64xi32>
    tpu.vector_store %arg4[%swap3A_85, %swap3A_86, %swap3A_87], %swap3A_90 {strides = array<i32>} : memref<16x256x128xi32, #tpu.memory_space<vmem>>, vector<1x256x64xi32>,
    %reduce_sum3A_91 = arith.constant dense<0.000000e+00> : vector<256xf32>
    %reduce_sum3A_92 = vector.multi_reduction <add>, %slice3A_74, %reduce_sum3A_91 [1] : vector<256x128xf32> to vector<256xf32>
    %broadcast_in_dim3A_93 = vector.shape_cast %reduce_sum3A_92 : vector<256xf32> to vector<256x1xf32>
    %add3A_94 = arith.addf %add3A_73, %broadcast_in_dim3A_93 : vector<256x1xf32>
    %slice3A_95 = vector.extract_strided_slice %select_n3A {offsets = [0, 256], sizes = [256, 128], strides = [1, 1]} : vector<256x4096xf32> to vector<256x128xf32>
    %dot_general3A_96 = arith.constant dense<0.000000e+00> : vector<256x128xf32>
    %dot_general3A_97 = tpu.matmul %slice3A_95, %select_n3A_31, %dot_general3A_96 {dimension_numbers = #tpu.dot_dimension_numbers<[1], [0], [0], [1], [0, 0, 1, 1], [], []>, transpose_lhs_hint = false} : vector<256x128xf32>, vector<128x128xf32>, vector<256x128xf32> -> vector<256x128xf32>
    %add3A_98 = vector.broadcast %add3A_94 : vector<256x1xf32> to vector<256x128xf32>
    %add3A_99 = arith.addf %dot_general3A_97, %add3A_98 : vector<256x128xf32>
    %min3A_100 = arith.constant 3.200000e+01 : f32
    %min3A_101 = vector.broadcast %min3A_100 : f32 to vector<256x128xf32>
    %min3A_102 = arith.minimumf %add3A_99, %min3A_101 : vector<256x128xf32>
    %dot_general3A_103 = arith.constant dense<0.000000e+00> : vector<256x64xf32>
    %dot_general3A_104 = tpu.matmul %min3A_102, %add3A_54, %dot_general3A_103 {dimension_numbers = #tpu.dot_dimension_numbers<[1], [0], [0], [1], [0, 0, 1, 1], [], []>, transpose_lhs_hint = false} : vector<256x128xf32>, vector<128x64xf32>, vector<256x64xf32> -> vector<256x64xf32>
    %convert_element_type3A_105 = arith.fptosi %dot_general3A_104 : vector<256x64xf32> to vector<256x64xi32>
    %swap3A_106 = arith.constant 1 : index
    %swap3A_107 = arith.constant 0 : index
    %swap3A_108 = arith.constant 0 : index
    %swap3A_109 = vector.load %arg4[%swap3A_106, %swap3A_107, %swap3A_108] : memref<16x256x128xi32, #tpu.memory_space<vmem>>, vector<1x256x64xi32>
    %swap3A_110 = vector.shape_cast %swap3A_109 : vector<1x256x64xi32> to vector<256x64xi32>
    %swap3A_111 = vector.shape_cast %convert_element_type3A_105 : vector<256x64xi32> to vector<1x256x64xi32>
    tpu.vector_store %arg4[%swap3A_106, %swap3A_107, %swap3A_108], %swap3A_111 {strides = array<i32>} : memref<16x256x128xi32, #tpu.memory_space<vmem>>, vector<1x256x64xi32>,
    %reduce_sum3A_112 = arith.constant dense<0.000000e+00> : vector<256xf32>
    %reduce_sum3A_113 = vector.multi_reduction <add>, %slice3A_95, %reduce_sum3A_112 [1] : vector<256x128xf32> to vector<256xf32>
    %broadcast_in_dim3A_114 = vector.shape_cast %reduce_sum3A_113 : vector<256xf32> to vector<256x1xf32>
    %add3A_115 = arith.addf %add3A_94, %broadcast_in_dim3A_114 : vector<256x1xf32>
    %slice3A_116 = vector.extract_strided_slice %select_n3A {offsets = [0, 384], sizes = [256, 128], strides = [1, 1]} : vector<256x4096xf32> to vector<256x128xf32>
    %dot_general3A_117 = arith.constant dense<0.000000e+00> : vector<256x128xf32>
    %dot_general3A_118 = tpu.matmul %slice3A_116, %select_n3A_31, %dot_general3A_117 {dimension_numbers = #tpu.dot_dimension_numbers<[1], [0], [0], [1], [0, 0, 1, 1], [], []>, transpose_lhs_hint = false} : vector<256x128xf32>, vector<128x128xf32>, vector<256x128xf32> -> vector<256x128xf32>
    %add3A_119 = vector.broadcast %add3A_115 : vector<256x1xf32> to vector<256x128xf32>
    %add3A_120 = arith.addf %dot_general3A_118, %add3A_119 : vector<256x128xf32>
    %min3A_121 = arith.constant 3.200000e+01 : f32
    %min3A_122 = vector.broadcast %min3A_121 : f32 to vector<256x128xf32>
    %min3A_123 = arith.minimumf %add3A_120, %min3A_122 : vector<256x128xf32>
    %dot_general3A_124 = arith.constant dense<0.000000e+00> : vector<256x64xf32>
    %dot_general3A_125 = tpu.matmul %min3A_123, %add3A_54, %dot_general3A_124 {dimension_numbers = #tpu.dot_dimension_numbers<[1], [0], [0], [1], [0, 0, 1, 1], [], []>, transpose_lhs_hint = false} : vector<256x128xf32>, vector<128x64xf32>, vector<256x64xf32> -> vector<256x64xf32>
    %convert_element_type3A_126 = arith.fptosi %dot_general3A_125 : vector<256x64xf32> to vector<256x64xi32>
    %swap3A_127 = arith.constant 1 : index
    %swap3A_128 = arith.constant 0 : index
    %swap3A_129 = arith.constant 64 : index
    %swap3A_130 = vector.load %arg4[%swap3A_127, %swap3A_128, %swap3A_129] : memref<16x256x128xi32, #tpu.memory_space<vmem>>, vector<1x256x64xi32>
    %swap3A_131 = vector.shape_cast %swap3A_130 : vector<1x256x64xi32> to vector<256x64xi32>
    %swap3A_132 = vector.shape_cast %convert_element_type3A_126 : vector<256x64xi32> to vector<1x256x64xi32>
    tpu.vector_store %arg4[%swap3A_127, %swap3A_128, %swap3A_129], %swap3A_132 {strides = array<i32>} : memref<16x256x128xi32, #tpu.memory_space<vmem>>, vector<1x256x64xi32>,
    %reduce_sum3A_133 = arith.constant dense<0.000000e+00> : vector<256xf32>
    %reduce_sum3A_134 = vector.multi_reduction <add>, %slice3A_116, %reduce_sum3A_133 [1] : vector<256x128xf32> to vector<256xf32>
    %broadcast_in_dim3A_135 = vector.shape_cast %reduce_sum3A_134 : vector<256xf32> to vector<256x1xf32>
    %add3A_136 = arith.addf %add3A_115, %broadcast_in_dim3A_135 : vector<256x1xf32>
    %slice3A_137 = vector.extract_strided_slice %select_n3A {offsets = [0, 512], sizes = [256, 128], strides = [1, 1]} : vector<256x4096xf32> to vector<256x128xf32>
    %dot_general3A_138 = arith.constant dense<0.000000e+00> : vector<256x128xf32>
    %dot_general3A_139 = tpu.matmul %slice3A_137, %select_n3A_31, %dot_general3A_138 {dimension_numbers = #tpu.dot_dimension_numbers<[1], [0], [0], [1], [0, 0, 1, 1], [], []>, transpose_lhs_hint = false} : vector<256x128xf32>, vector<128x128xf32>, vector<256x128xf32> -> vector<256x128xf32>
    %add3A_140 = vector.broadcast %add3A_136 : vector<256x1xf32> to vector<256x128xf32>
    %add3A_141 = arith.addf %dot_general3A_139, %add3A_140 : vector<256x128xf32>
    %min3A_142 = arith.constant 3.200000e+01 : f32
    %min3A_143 = vector.broadcast %min3A_142 : f32 to vector<256x128xf32>
    %min3A_144 = arith.minimumf %add3A_141, %min3A_143 : vector<256x128xf32>
    %dot_general3A_145 = arith.constant dense<0.000000e+00> : vector<256x64xf32>
    %dot_general3A_146 = tpu.matmul %min3A_144, %add3A_54, %dot_general3A_145 {dimension_numbers = #tpu.dot_dimension_numbers<[1], [0], [0], [1], [0, 0, 1, 1], [], []>, transpose_lhs_hint = false} : vector<256x128xf32>, vector<128x64xf32>, vector<256x64xf32> -> vector<256x64xf32>
    %convert_element_type3A_147 = arith.fptosi %dot_general3A_146 : vector<256x64xf32> to vector<256x64xi32>
    %swap3A_148 = arith.constant 2 : index
    %swap3A_149 = arith.constant 0 : index
    %swap3A_150 = arith.constant 0 : index
    %swap3A_151 = vector.load %arg4[%swap3A_148, %swap3A_149, %swap3A_150] : memref<16x256x128xi32, #tpu.memory_space<vmem>>, vector<1x256x64xi32>
    %swap3A_152 = vector.shape_cast %swap3A_151 : vector<1x256x64xi32> to vector<256x64xi32>
    %swap3A_153 = vector.shape_cast %convert_element_type3A_147 : vector<256x64xi32> to vector<1x256x64xi32>
    tpu.vector_store %arg4[%swap3A_148, %swap3A_149, %swap3A_150], %swap3A_153 {strides = array<i32>} : memref<16x256x128xi32, #tpu.memory_space<vmem>>, vector<1x256x64xi32>,
    %reduce_sum3A_154 = arith.constant dense<0.000000e+00> : vector<256xf32>
    %reduce_sum3A_155 = vector.multi_reduction <add>, %slice3A_137, %reduce_sum3A_154 [1] : vector<256x128xf32> to vector<256xf32>
    %broadcast_in_dim3A_156 = vector.shape_cast %reduce_sum3A_155 : vector<256xf32> to vector<256x1xf32>
    %add3A_157 = arith.addf %add3A_136, %broadcast_in_dim3A_156 : vector<256x1xf32>
    %slice3A_158 = vector.extract_strided_slice %select_n3A {offsets = [0, 640], sizes = [256, 128], strides = [1, 1]} : vector<256x4096xf32> to vector<256x128xf32>
    %dot_general3A_159 = arith.constant dense<0.000000e+00> : vector<256x128xf32>
    %dot_general3A_160 = tpu.matmul %slice3A_158, %select_n3A_31, %dot_general3A_159 {dimension_numbers = #tpu.dot_dimension_numbers<[1], [0], [0], [1], [0, 0, 1, 1], [], []>, transpose_lhs_hint = false} : vector<256x128xf32>, vector<128x128xf32>, vector<256x128xf32> -> vector<256x128xf32>
    %add3A_161 = vector.broadcast %add3A_157 : vector<256x1xf32> to vector<256x128xf32>
    %add3A_162 = arith.addf %dot_general3A_160, %add3A_161 : vector<256x128xf32>
    %min3A_163 = arith.constant 3.200000e+01 : f32
    %min3A_164 = vector.broadcast %min3A_163 : f32 to vector<256x128xf32>
    %min3A_165 = arith.minimumf %add3A_162, %min3A_164 : vector<256x128xf32>
    %dot_general3A_166 = arith.constant dense<0.000000e+00> : vector<256x64xf32>
    %dot_general3A_167 = tpu.matmul %min3A_165, %add3A_54, %dot_general3A_166 {dimension_numbers = #tpu.dot_dimension_numbers<[1], [0], [0], [1], [0, 0, 1, 1], [], []>, transpose_lhs_hint = false} : vector<256x128xf32>, vector<128x64xf32>, vector<256x64xf32> -> vector<256x64xf32>
    %convert_element_type3A_168 = arith.fptosi %dot_general3A_167 : vector<256x64xf32> to vector<256x64xi32>
    %swap3A_169 = arith.constant 2 : index
    %swap3A_170 = arith.constant 0 : index
    %swap3A_171 = arith.constant 64 : index
    %swap3A_172 = vector.load %arg4[%swap3A_169, %swap3A_170, %swap3A_171] : memref<16x256x128xi32, #tpu.memory_space<vmem>>, vector<1x256x64xi32>
    %swap3A_173 = vector.shape_cast %swap3A_172 : vector<1x256x64xi32> to vector<256x64xi32>
    %swap3A_174 = vector.shape_cast %convert_element_type3A_168 : vector<256x64xi32> to vector<1x256x64xi32>
    tpu.vector_store %arg4[%swap3A_169, %swap3A_170, %swap3A_171], %swap3A_174 {strides = array<i32>} : memref<16x256x128xi32, #tpu.memory_space<vmem>>, vector<1x256x64xi32>,
    %reduce_sum3A_175 = arith.constant dense<0.000000e+00> : vector<256xf32>
    %reduce_sum3A_176 = vector.multi_reduction <add>, %slice3A_158, %reduce_sum3A_175 [1] : vector<256x128xf32> to vector<256xf32>
    %broadcast_in_dim3A_177 = vector.shape_cast %reduce_sum3A_176 : vector<256xf32> to vector<256x1xf32>
    %add3A_178 = arith.addf %add3A_157, %broadcast_in_dim3A_177 : vector<256x1xf32>
    %slice3A_179 = vector.extract_strided_slice %select_n3A {offsets = [0, 768], sizes = [256, 128], strides = [1, 1]} : vector<256x4096xf32> to vector<256x128xf32>
    %dot_general3A_180 = arith.constant dense<0.000000e+00> : vector<256x128xf32>
    %dot_general3A_181 = tpu.matmul %slice3A_179, %select_n3A_31, %dot_general3A_180 {dimension_numbers = #tpu.dot_dimension_numbers<[1], [0], [0], [1], [0, 0, 1, 1], [], []>, transpose_lhs_hint = false} : vector<256x128xf32>, vector<128x128xf32>, vector<256x128xf32> -> vector<256x128xf32>
    %add3A_182 = vector.broadcast %add3A_178 : vector<256x1xf32> to vector<256x128xf32>
    %add3A_183 = arith.addf %dot_general3A_181, %add3A_182 : vector<256x128xf32>
    %min3A_184 = arith.constant 3.200000e+01 : f32
    %min3A_185 = vector.broadcast %min3A_184 : f32 to vector<256x128xf32>
    %min3A_186 = arith.minimumf %add3A_183, %min3A_185 : vector<256x128xf32>
    %dot_general3A_187 = arith.constant dense<0.000000e+00> : vector<256x64xf32>
    %dot_general3A_188 = tpu.matmul %min3A_186, %add3A_54, %dot_general3A_187 {dimension_numbers = #tpu.dot_dimension_numbers<[1], [0], [0], [1], [0, 0, 1, 1], [], []>, transpose_lhs_hint = false} : vector<256x128xf32>, vector<128x64xf32>, vector<256x64xf32> -> vector<256x64xf32>
    %convert_element_type3A_189 = arith.fptosi %dot_general3A_188 : vector<256x64xf32> to vector<256x64xi32>
    %swap3A_190 = arith.constant 3 : index
    %swap3A_191 = arith.constant 0 : index
    %swap3A_192 = arith.constant 0 : index
    %swap3A_193 = vector.load %arg4[%swap3A_190, %swap3A_191, %swap3A_192] : memref<16x256x128xi32, #tpu.memory_space<vmem>>, vector<1x256x64xi32>
    %swap3A_194 = vector.shape_cast %swap3A_193 : vector<1x256x64xi32> to vector<256x64xi32>
    %swap3A_195 = vector.shape_cast %convert_element_type3A_189 : vector<256x64xi32> to vector<1x256x64xi32>
    tpu.vector_store %arg4[%swap3A_190, %swap3A_191, %swap3A_192], %swap3A_195 {strides = array<i32>} : memref<16x256x128xi32, #tpu.memory_space<vmem>>, vector<1x256x64xi32>,
    %reduce_sum3A_196 = arith.constant dense<0.000000e+00> : vector<256xf32>
    %reduce_sum3A_197 = vector.multi_reduction <add>, %slice3A_179, %reduce_sum3A_196 [1] : vector<256x128xf32> to vector<256xf32>
    %broadcast_in_dim3A_198 = vector.shape_cast %reduce_sum3A_197 : vector<256xf32> to vector<256x1xf32>
    %add3A_199 = arith.addf %add3A_178, %broadcast_in_dim3A_198 : vector<256x1xf32>
    %slice3A_200 = vector.extract_strided_slice %select_n3A {offsets = [0, 896], sizes = [256, 128], strides = [1, 1]} : vector<256x4096xf32> to vector<256x128xf32>
    %dot_general3A_201 = arith.constant dense<0.000000e+00> : vector<256x128xf32>
    %dot_general3A_202 = tpu.matmul %slice3A_200, %select_n3A_31, %dot_general3A_201 {dimension_numbers = #tpu.dot_dimension_numbers<[1], [0], [0], [1], [0, 0, 1, 1], [], []>, transpose_lhs_hint = false} : vector<256x128xf32>, vector<128x128xf32>, vector<256x128xf32> -> vector<256x128xf32>
    %add3A_203 = vector.broadcast %add3A_199 : vector<256x1xf32> to vector<256x128xf32>
    %add3A_204 = arith.addf %dot_general3A_202, %add3A_203 : vector<256x128xf32>
    %min3A_205 = arith.constant 3.200000e+01 : f32
    %min3A_206 = vector.broadcast %min3A_205 : f32 to vector<256x128xf32>
    %min3A_207 = arith.minimumf %add3A_204, %min3A_206 : vector<256x128xf32>
    %dot_general3A_208 = arith.constant dense<0.000000e+00> : vector<256x64xf32>
    %dot_general3A_209 = tpu.matmul %min3A_207, %add3A_54, %dot_general3A_208 {dimension_numbers = #tpu.dot_dimension_numbers<[1], [0], [0], [1], [0, 0, 1, 1], [], []>, transpose_lhs_hint = false} : vector<256x128xf32>, vector<128x64xf32>, vector<256x64xf32> -> vector<256x64xf32>
    %convert_element_type3A_210 = arith.fptosi %dot_general3A_209 : vector<256x64xf32> to vector<256x64xi32>
    %swap3A_211 = arith.constant 3 : index
    %swap3A_212 = arith.constant 0 : index
    %swap3A_213 = arith.constant 64 : index
    %swap3A_214 = vector.load %arg4[%swap3A_211, %swap3A_212, %swap3A_213] : memref<16x256x128xi32, #tpu.memory_space<vmem>>, vector<1x256x64xi32>
    %swap3A_215 = vector.shape_cast %swap3A_214 : vector<1x256x64xi32> to vector<256x64xi32>
    %swap3A_216 = vector.shape_cast %convert_element_type3A_210 : vector<256x64xi32> to vector<1x256x64xi32>
    tpu.vector_store %arg4[%swap3A_211, %swap3A_212, %swap3A_213], %swap3A_216 {strides = array<i32>} : memref<16x256x128xi32, #tpu.memory_space<vmem>>, vector<1x256x64xi32>,
    %reduce_sum3A_217 = arith.constant dense<0.000000e+00> : vector<256xf32>
    %reduce_sum3A_218 = vector.multi_reduction <add>, %slice3A_200, %reduce_sum3A_217 [1] : vector<256x128xf32> to vector<256xf32>
    %broadcast_in_dim3A_219 = vector.shape_cast %reduce_sum3A_218 : vector<256xf32> to vector<256x1xf32>
    %add3A_220 = arith.addf %add3A_199, %broadcast_in_dim3A_219 : vector<256x1xf32>
    %slice3A_221 = vector.extract_strided_slice %select_n3A {offsets = [0, 1024], sizes = [256, 128], strides = [1, 1]} : vector<256x4096xf32> to vector<256x128xf32>
    %dot_general3A_222 = arith.constant dense<0.000000e+00> : vector<256x128xf32>
    %dot_general3A_223 = tpu.matmul %slice3A_221, %select_n3A_31, %dot_general3A_222 {dimension_numbers = #tpu.dot_dimension_numbers<[1], [0], [0], [1], [0, 0, 1, 1], [], []>, transpose_lhs_hint = false} : vector<256x128xf32>, vector<128x128xf32>, vector<256x128xf32> -> vector<256x128xf32>
    %add3A_224 = vector.broadcast %add3A_220 : vector<256x1xf32> to vector<256x128xf32>
    %add3A_225 = arith.addf %dot_general3A_223, %add3A_224 : vector<256x128xf32>
    %min3A_226 = arith.constant 3.200000e+01 : f32
    %min3A_227 = vector.broadcast %min3A_226 : f32 to vector<256x128xf32>
    %min3A_228 = arith.minimumf %add3A_225, %min3A_227 : vector<256x128xf32>
    %dot_general3A_229 = arith.constant dense<0.000000e+00> : vector<256x64xf32>
    %dot_general3A_230 = tpu.matmul %min3A_228, %add3A_54, %dot_general3A_229 {dimension_numbers = #tpu.dot_dimension_numbers<[1], [0], [0], [1], [0, 0, 1, 1], [], []>, transpose_lhs_hint = false} : vector<256x128xf32>, vector<128x64xf32>, vector<256x64xf32> -> vector<256x64xf32>
    %convert_element_type3A_231 = arith.fptosi %dot_general3A_230 : vector<256x64xf32> to vector<256x64xi32>
    %swap3A_232 = arith.constant 4 : index
    %swap3A_233 = arith.constant 0 : index
    %swap3A_234 = arith.constant 0 : index
    %swap3A_235 = vector.load %arg4[%swap3A_232, %swap3A_233, %swap3A_234] : memref<16x256x128xi32, #tpu.memory_space<vmem>>, vector<1x256x64xi32>
    %swap3A_236 = vector.shape_cast %swap3A_235 : vector<1x256x64xi32> to vector<256x64xi32>
    %swap3A_237 = vector.shape_cast %convert_element_type3A_231 : vector<256x64xi32> to vector<1x256x64xi32>
    tpu.vector_store %arg4[%swap3A_232, %swap3A_233, %swap3A_234], %swap3A_237 {strides = array<i32>} : memref<16x256x128xi32, #tpu.memory_space<vmem>>, vector<1x256x64xi32>,
    %reduce_sum3A_238 = arith.constant dense<0.000000e+00> : vector<256xf32>
    %reduce_sum3A_239 = vector.multi_reduction <add>, %slice3A_221, %reduce_sum3A_238 [1] : vector<256x128xf32> to vector<256xf32>
    %broadcast_in_dim3A_240 = vector.shape_cast %reduce_sum3A_239 : vector<256xf32> to vector<256x1xf32>
    %add3A_241 = arith.addf %add3A_220, %broadcast_in_dim3A_240 : vector<256x1xf32>
    %slice3A_242 = vector.extract_strided_slice %select_n3A {offsets = [0, 1152], sizes = [256, 128], strides = [1, 1]} : vector<256x4096xf32> to vector<256x128xf32>
    %dot_general3A_243 = arith.constant dense<0.000000e+00> : vector<256x128xf32>
    %dot_general3A_244 = tpu.matmul %slice3A_242, %select_n3A_31, %dot_general3A_243 {dimension_numbers = #tpu.dot_dimension_numbers<[1], [0], [0], [1], [0, 0, 1, 1], [], []>, transpose_lhs_hint = false} : vector<256x128xf32>, vector<128x128xf32>, vector<256x128xf32> -> vector<256x128xf32>
    %add3A_245 = vector.broadcast %add3A_241 : vector<256x1xf32> to vector<256x128xf32>
    %add3A_246 = arith.addf %dot_general3A_244, %add3A_245 : vector<256x128xf32>
    %min3A_247 = arith.constant 3.200000e+01 : f32
    %min3A_248 = vector.broadcast %min3A_247 : f32 to vector<256x128xf32>
    %min3A_249 = arith.minimumf %add3A_246, %min3A_248 : vector<256x128xf32>
    %dot_general3A_250 = arith.constant dense<0.000000e+00> : vector<256x64xf32>
    %dot_general3A_251 = tpu.matmul %min3A_249, %add3A_54, %dot_general3A_250 {dimension_numbers = #tpu.dot_dimension_numbers<[1], [0], [0], [1], [0, 0, 1, 1], [], []>, transpose_lhs_hint = false} : vector<256x128xf32>, vector<128x64xf32>, vector<256x64xf32> -> vector<256x64xf32>
    %convert_element_type3A_252 = arith.fptosi %dot_general3A_251 : vector<256x64xf32> to vector<256x64xi32>
    %swap3A_253 = arith.constant 4 : index
    %swap3A_254 = arith.constant 0 : index
    %swap3A_255 = arith.constant 64 : index
    %swap3A_256 = vector.load %arg4[%swap3A_253, %swap3A_254, %swap3A_255] : memref<16x256x128xi32, #tpu.memory_space<vmem>>, vector<1x256x64xi32>
    %swap3A_257 = vector.shape_cast %swap3A_256 : vector<1x256x64xi32> to vector<256x64xi32>
    %swap3A_258 = vector.shape_cast %convert_element_type3A_252 : vector<256x64xi32> to vector<1x256x64xi32>
    tpu.vector_store %arg4[%swap3A_253, %swap3A_254, %swap3A_255], %swap3A_258 {strides = array<i32>} : memref<16x256x128xi32, #tpu.memory_space<vmem>>, vector<1x256x64xi32>,
    %reduce_sum3A_259 = arith.constant dense<0.000000e+00> : vector<256xf32>
    %reduce_sum3A_260 = vector.multi_reduction <add>, %slice3A_242, %reduce_sum3A_259 [1] : vector<256x128xf32> to vector<256xf32>
    %broadcast_in_dim3A_261 = vector.shape_cast %reduce_sum3A_260 : vector<256xf32> to vector<256x1xf32>
    %add3A_262 = arith.addf %add3A_241, %broadcast_in_dim3A_261 : vector<256x1xf32>
    %slice3A_263 = vector.extract_strided_slice %select_n3A {offsets = [0, 1280], sizes = [256, 128], strides = [1, 1]} : vector<256x4096xf32> to vector<256x128xf32>
    %dot_general3A_264 = arith.constant dense<0.000000e+00> : vector<256x128xf32>
    %dot_general3A_265 = tpu.matmul %slice3A_263, %select_n3A_31, %dot_general3A_264 {dimension_numbers = #tpu.dot_dimension_numbers<[1], [0], [0], [1], [0, 0, 1, 1], [], []>, transpose_lhs_hint = false} : vector<256x128xf32>, vector<128x128xf32>, vector<256x128xf32> -> vector<256x128xf32>
    %add3A_266 = vector.broadcast %add3A_262 : vector<256x1xf32> to vector<256x128xf32>
    %add3A_267 = arith.addf %dot_general3A_265, %add3A_266 : vector<256x128xf32>
    %min3A_268 = arith.constant 3.200000e+01 : f32
    %min3A_269 = vector.broadcast %min3A_268 : f32 to vector<256x128xf32>
    %min3A_270 = arith.minimumf %add3A_267, %min3A_269 : vector<256x128xf32>
    %dot_general3A_271 = arith.constant dense<0.000000e+00> : vector<256x64xf32>
    %dot_general3A_272 = tpu.matmul %min3A_270, %add3A_54, %dot_general3A_271 {dimension_numbers = #tpu.dot_dimension_numbers<[1], [0], [0], [1], [0, 0, 1, 1], [], []>, transpose_lhs_hint = false} : vector<256x128xf32>, vector<128x64xf32>, vector<256x64xf32> -> vector<256x64xf32>
    %convert_element_type3A_273 = arith.fptosi %dot_general3A_272 : vector<256x64xf32> to vector<256x64xi32>
    %swap3A_274 = arith.constant 5 : index
    %swap3A_275 = arith.constant 0 : index
    %swap3A_276 = arith.constant 0 : index
    %swap3A_277 = vector.load %arg4[%swap3A_274, %swap3A_275, %swap3A_276] : memref<16x256x128xi32, #tpu.memory_space<vmem>>, vector<1x256x64xi32>
    %swap3A_278 = vector.shape_cast %swap3A_277 : vector<1x256x64xi32> to vector<256x64xi32>
    %swap3A_279 = vector.shape_cast %convert_element_type3A_273 : vector<256x64xi32> to vector<1x256x64xi32>
    tpu.vector_store %arg4[%swap3A_274, %swap3A_275, %swap3A_276], %swap3A_279 {strides = array<i32>} : memref<16x256x128xi32, #tpu.memory_space<vmem>>, vector<1x256x64xi32>,
    %reduce_sum3A_280 = arith.constant dense<0.000000e+00> : vector<256xf32>
    %reduce_sum3A_281 = vector.multi_reduction <add>, %slice3A_263, %reduce_sum3A_280 [1] : vector<256x128xf32> to vector<256xf32>
    %broadcast_in_dim3A_282 = vector.shape_cast %reduce_sum3A_281 : vector<256xf32> to vector<256x1xf32>
    %add3A_283 = arith.addf %add3A_262, %broadcast_in_dim3A_282 : vector<256x1xf32>
    %slice3A_284 = vector.extract_strided_slice %select_n3A {offsets = [0, 1408], sizes = [256, 128], strides = [1, 1]} : vector<256x4096xf32> to vector<256x128xf32>
    %dot_general3A_285 = arith.constant dense<0.000000e+00> : vector<256x128xf32>
    %dot_general3A_286 = tpu.matmul %slice3A_284, %select_n3A_31, %dot_general3A_285 {dimension_numbers = #tpu.dot_dimension_numbers<[1], [0], [0], [1], [0, 0, 1, 1], [], []>, transpose_lhs_hint = false} : vector<256x128xf32>, vector<128x128xf32>, vector<256x128xf32> -> vector<256x128xf32>
    %add3A_287 = vector.broadcast %add3A_283 : vector<256x1xf32> to vector<256x128xf32>
    %add3A_288 = arith.addf %dot_general3A_286, %add3A_287 : vector<256x128xf32>
    %min3A_289 = arith.constant 3.200000e+01 : f32
    %min3A_290 = vector.broadcast %min3A_289 : f32 to vector<256x128xf32>
    %min3A_291 = arith.minimumf %add3A_288, %min3A_290 : vector<256x128xf32>
    %dot_general3A_292 = arith.constant dense<0.000000e+00> : vector<256x64xf32>
    %dot_general3A_293 = tpu.matmul %min3A_291, %add3A_54, %dot_general3A_292 {dimension_numbers = #tpu.dot_dimension_numbers<[1], [0], [0], [1], [0, 0, 1, 1], [], []>, transpose_lhs_hint = false} : vector<256x128xf32>, vector<128x64xf32>, vector<256x64xf32> -> vector<256x64xf32>
    %convert_element_type3A_294 = arith.fptosi %dot_general3A_293 : vector<256x64xf32> to vector<256x64xi32>
    %swap3A_295 = arith.constant 5 : index
    %swap3A_296 = arith.constant 0 : index
    %swap3A_297 = arith.constant 64 : index
    %swap3A_298 = vector.load %arg4[%swap3A_295, %swap3A_296, %swap3A_297] : memref<16x256x128xi32, #tpu.memory_space<vmem>>, vector<1x256x64xi32>
    %swap3A_299 = vector.shape_cast %swap3A_298 : vector<1x256x64xi32> to vector<256x64xi32>
    %swap3A_300 = vector.shape_cast %convert_element_type3A_294 : vector<256x64xi32> to vector<1x256x64xi32>
    tpu.vector_store %arg4[%swap3A_295, %swap3A_296, %swap3A_297], %swap3A_300 {strides = array<i32>} : memref<16x256x128xi32, #tpu.memory_space<vmem>>, vector<1x256x64xi32>,
    %reduce_sum3A_301 = arith.constant dense<0.000000e+00> : vector<256xf32>
    %reduce_sum3A_302 = vector.multi_reduction <add>, %slice3A_284, %reduce_sum3A_301 [1] : vector<256x128xf32> to vector<256xf32>
    %broadcast_in_dim3A_303 = vector.shape_cast %reduce_sum3A_302 : vector<256xf32> to vector<256x1xf32>
    %add3A_304 = arith.addf %add3A_283, %broadcast_in_dim3A_303 : vector<256x1xf32>
    %slice3A_305 = vector.extract_strided_slice %select_n3A {offsets = [0, 1536], sizes = [256, 128], strides = [1, 1]} : vector<256x4096xf32> to vector<256x128xf32>
    %dot_general3A_306 = arith.constant dense<0.000000e+00> : vector<256x128xf32>
    %dot_general3A_307 = tpu.matmul %slice3A_305, %select_n3A_31, %dot_general3A_306 {dimension_numbers = #tpu.dot_dimension_numbers<[1], [0], [0], [1], [0, 0, 1, 1], [], []>, transpose_lhs_hint = false} : vector<256x128xf32>, vector<128x128xf32>, vector<256x128xf32> -> vector<256x128xf32>
    %add3A_308 = vector.broadcast %add3A_304 : vector<256x1xf32> to vector<256x128xf32>
    %add3A_309 = arith.addf %dot_general3A_307, %add3A_308 : vector<256x128xf32>
    %min3A_310 = arith.constant 3.200000e+01 : f32
    %min3A_311 = vector.broadcast %min3A_310 : f32 to vector<256x128xf32>
    %min3A_312 = arith.minimumf %add3A_309, %min3A_311 : vector<256x128xf32>
    %dot_general3A_313 = arith.constant dense<0.000000e+00> : vector<256x64xf32>
    %dot_general3A_314 = tpu.matmul %min3A_312, %add3A_54, %dot_general3A_313 {dimension_numbers = #tpu.dot_dimension_numbers<[1], [0], [0], [1], [0, 0, 1, 1], [], []>, transpose_lhs_hint = false} : vector<256x128xf32>, vector<128x64xf32>, vector<256x64xf32> -> vector<256x64xf32>
    %convert_element_type3A_315 = arith.fptosi %dot_general3A_314 : vector<256x64xf32> to vector<256x64xi32>
    %swap3A_316 = arith.constant 6 : index
    %swap3A_317 = arith.constant 0 : index
    %swap3A_318 = arith.constant 0 : index
    %swap3A_319 = vector.load %arg4[%swap3A_316, %swap3A_317, %swap3A_318] : memref<16x256x128xi32, #tpu.memory_space<vmem>>, vector<1x256x64xi32>
    %swap3A_320 = vector.shape_cast %swap3A_319 : vector<1x256x64xi32> to vector<256x64xi32>
    %swap3A_321 = vector.shape_cast %convert_element_type3A_315 : vector<256x64xi32> to vector<1x256x64xi32>
    tpu.vector_store %arg4[%swap3A_316, %swap3A_317, %swap3A_318], %swap3A_321 {strides = array<i32>} : memref<16x256x128xi32, #tpu.memory_space<vmem>>, vector<1x256x64xi32>,
    %reduce_sum3A_322 = arith.constant dense<0.000000e+00> : vector<256xf32>
    %reduce_sum3A_323 = vector.multi_reduction <add>, %slice3A_305, %reduce_sum3A_322 [1] : vector<256x128xf32> to vector<256xf32>
    %broadcast_in_dim3A_324 = vector.shape_cast %reduce_sum3A_323 : vector<256xf32> to vector<256x1xf32>
    %add3A_325 = arith.addf %add3A_304, %broadcast_in_dim3A_324 : vector<256x1xf32>
    %slice3A_326 = vector.extract_strided_slice %select_n3A {offsets = [0, 1664], sizes = [256, 128], strides = [1, 1]} : vector<256x4096xf32> to vector<256x128xf32>
    %dot_general3A_327 = arith.constant dense<0.000000e+00> : vector<256x128xf32>
    %dot_general3A_328 = tpu.matmul %slice3A_326, %select_n3A_31, %dot_general3A_327 {dimension_numbers = #tpu.dot_dimension_numbers<[1], [0], [0], [1], [0, 0, 1, 1], [], []>, transpose_lhs_hint = false} : vector<256x128xf32>, vector<128x128xf32>, vector<256x128xf32> -> vector<256x128xf32>
    %add3A_329 = vector.broadcast %add3A_325 : vector<256x1xf32> to vector<256x128xf32>
    %add3A_330 = arith.addf %dot_general3A_328, %add3A_329 : vector<256x128xf32>
    %min3A_331 = arith.constant 3.200000e+01 : f32
    %min3A_332 = vector.broadcast %min3A_331 : f32 to vector<256x128xf32>
    %min3A_333 = arith.minimumf %add3A_330, %min3A_332 : vector<256x128xf32>
    %dot_general3A_334 = arith.constant dense<0.000000e+00> : vector<256x64xf32>
    %dot_general3A_335 = tpu.matmul %min3A_333, %add3A_54, %dot_general3A_334 {dimension_numbers = #tpu.dot_dimension_numbers<[1], [0], [0], [1], [0, 0, 1, 1], [], []>, transpose_lhs_hint = false} : vector<256x128xf32>, vector<128x64xf32>, vector<256x64xf32> -> vector<256x64xf32>
    %convert_element_type3A_336 = arith.fptosi %dot_general3A_335 : vector<256x64xf32> to vector<256x64xi32>
    %swap3A_337 = arith.constant 6 : index
    %swap3A_338 = arith.constant 0 : index
    %swap3A_339 = arith.constant 64 : index
    %swap3A_340 = vector.load %arg4[%swap3A_337, %swap3A_338, %swap3A_339] : memref<16x256x128xi32, #tpu.memory_space<vmem>>, vector<1x256x64xi32>
    %swap3A_341 = vector.shape_cast %swap3A_340 : vector<1x256x64xi32> to vector<256x64xi32>
    %swap3A_342 = vector.shape_cast %convert_element_type3A_336 : vector<256x64xi32> to vector<1x256x64xi32>
    tpu.vector_store %arg4[%swap3A_337, %swap3A_338, %swap3A_339], %swap3A_342 {strides = array<i32>} : memref<16x256x128xi32, #tpu.memory_space<vmem>>, vector<1x256x64xi32>,
    %reduce_sum3A_343 = arith.constant dense<0.000000e+00> : vector<256xf32>
    %reduce_sum3A_344 = vector.multi_reduction <add>, %slice3A_326, %reduce_sum3A_343 [1] : vector<256x128xf32> to vector<256xf32>
    %broadcast_in_dim3A_345 = vector.shape_cast %reduce_sum3A_344 : vector<256xf32> to vector<256x1xf32>
    %add3A_346 = arith.addf %add3A_325, %broadcast_in_dim3A_345 : vector<256x1xf32>
    %slice3A_347 = vector.extract_strided_slice %select_n3A {offsets = [0, 1792], sizes = [256, 128], strides = [1, 1]} : vector<256x4096xf32> to vector<256x128xf32>
    %dot_general3A_348 = arith.constant dense<0.000000e+00> : vector<256x128xf32>
    %dot_general3A_349 = tpu.matmul %slice3A_347, %select_n3A_31, %dot_general3A_348 {dimension_numbers = #tpu.dot_dimension_numbers<[1], [0], [0], [1], [0, 0, 1, 1], [], []>, transpose_lhs_hint = false} : vector<256x128xf32>, vector<128x128xf32>, vector<256x128xf32> -> vector<256x128xf32>
    %add3A_350 = vector.broadcast %add3A_346 : vector<256x1xf32> to vector<256x128xf32>
    %add3A_351 = arith.addf %dot_general3A_349, %add3A_350 : vector<256x128xf32>
    %min3A_352 = arith.constant 3.200000e+01 : f32
    %min3A_353 = vector.broadcast %min3A_352 : f32 to vector<256x128xf32>
    %min3A_354 = arith.minimumf %add3A_351, %min3A_353 : vector<256x128xf32>
    %dot_general3A_355 = arith.constant dense<0.000000e+00> : vector<256x64xf32>
    %dot_general3A_356 = tpu.matmul %min3A_354, %add3A_54, %dot_general3A_355 {dimension_numbers = #tpu.dot_dimension_numbers<[1], [0], [0], [1], [0, 0, 1, 1], [], []>, transpose_lhs_hint = false} : vector<256x128xf32>, vector<128x64xf32>, vector<256x64xf32> -> vector<256x64xf32>
    %convert_element_type3A_357 = arith.fptosi %dot_general3A_356 : vector<256x64xf32> to vector<256x64xi32>
    %swap3A_358 = arith.constant 7 : index
    %swap3A_359 = arith.constant 0 : index
    %swap3A_360 = arith.constant 0 : index
    %swap3A_361 = vector.load %arg4[%swap3A_358, %swap3A_359, %swap3A_360] : memref<16x256x128xi32, #tpu.memory_space<vmem>>, vector<1x256x64xi32>
    %swap3A_362 = vector.shape_cast %swap3A_361 : vector<1x256x64xi32> to vector<256x64xi32>
    %swap3A_363 = vector.shape_cast %convert_element_type3A_357 : vector<256x64xi32> to vector<1x256x64xi32>
    tpu.vector_store %arg4[%swap3A_358, %swap3A_359, %swap3A_360], %swap3A_363 {strides = array<i32>} : memref<16x256x128xi32, #tpu.memory_space<vmem>>, vector<1x256x64xi32>,
    %reduce_sum3A_364 = arith.constant dense<0.000000e+00> : vector<256xf32>
    %reduce_sum3A_365 = vector.multi_reduction <add>, %slice3A_347, %reduce_sum3A_364 [1] : vector<256x128xf32> to vector<256xf32>
    %broadcast_in_dim3A_366 = vector.shape_cast %reduce_sum3A_365 : vector<256xf32> to vector<256x1xf32>
    %add3A_367 = arith.addf %add3A_346, %broadcast_in_dim3A_366 : vector<256x1xf32>
    %slice3A_368 = vector.extract_strided_slice %select_n3A {offsets = [0, 1920], sizes = [256, 128], strides = [1, 1]} : vector<256x4096xf32> to vector<256x128xf32>
    %dot_general3A_369 = arith.constant dense<0.000000e+00> : vector<256x128xf32>
    %dot_general3A_370 = tpu.matmul %slice3A_368, %select_n3A_31, %dot_general3A_369 {dimension_numbers = #tpu.dot_dimension_numbers<[1], [0], [0], [1], [0, 0, 1, 1], [], []>, transpose_lhs_hint = false} : vector<256x128xf32>, vector<128x128xf32>, vector<256x128xf32> -> vector<256x128xf32>
    %add3A_371 = vector.broadcast %add3A_367 : vector<256x1xf32> to vector<256x128xf32>
    %add3A_372 = arith.addf %dot_general3A_370, %add3A_371 : vector<256x128xf32>
    %min3A_373 = arith.constant 3.200000e+01 : f32
    %min3A_374 = vector.broadcast %min3A_373 : f32 to vector<256x128xf32>
    %min3A_375 = arith.minimumf %add3A_372, %min3A_374 : vector<256x128xf32>
    %dot_general3A_376 = arith.constant dense<0.000000e+00> : vector<256x64xf32>
    %dot_general3A_377 = tpu.matmul %min3A_375, %add3A_54, %dot_general3A_376 {dimension_numbers = #tpu.dot_dimension_numbers<[1], [0], [0], [1], [0, 0, 1, 1], [], []>, transpose_lhs_hint = false} : vector<256x128xf32>, vector<128x64xf32>, vector<256x64xf32> -> vector<256x64xf32>
    %convert_element_type3A_378 = arith.fptosi %dot_general3A_377 : vector<256x64xf32> to vector<256x64xi32>
    %swap3A_379 = arith.constant 7 : index
    %swap3A_380 = arith.constant 0 : index
    %swap3A_381 = arith.constant 64 : index
    %swap3A_382 = vector.load %arg4[%swap3A_379, %swap3A_380, %swap3A_381] : memref<16x256x128xi32, #tpu.memory_space<vmem>>, vector<1x256x64xi32>
    %swap3A_383 = vector.shape_cast %swap3A_382 : vector<1x256x64xi32> to vector<256x64xi32>
    %swap3A_384 = vector.shape_cast %convert_element_type3A_378 : vector<256x64xi32> to vector<1x256x64xi32>
    tpu.vector_store %arg4[%swap3A_379, %swap3A_380, %swap3A_381], %swap3A_384 {strides = array<i32>} : memref<16x256x128xi32, #tpu.memory_space<vmem>>, vector<1x256x64xi32>,
    %reduce_sum3A_385 = arith.constant dense<0.000000e+00> : vector<256xf32>
    %reduce_sum3A_386 = vector.multi_reduction <add>, %slice3A_368, %reduce_sum3A_385 [1] : vector<256x128xf32> to vector<256xf32>
    %broadcast_in_dim3A_387 = vector.shape_cast %reduce_sum3A_386 : vector<256xf32> to vector<256x1xf32>
    %add3A_388 = arith.addf %add3A_367, %broadcast_in_dim3A_387 : vector<256x1xf32>
    %slice3A_389 = vector.extract_strided_slice %select_n3A {offsets = [0, 2048], sizes = [256, 128], strides = [1, 1]} : vector<256x4096xf32> to vector<256x128xf32>
    %dot_general3A_390 = arith.constant dense<0.000000e+00> : vector<256x128xf32>
    %dot_general3A_391 = tpu.matmul %slice3A_389, %select_n3A_31, %dot_general3A_390 {dimension_numbers = #tpu.dot_dimension_numbers<[1], [0], [0], [1], [0, 0, 1, 1], [], []>, transpose_lhs_hint = false} : vector<256x128xf32>, vector<128x128xf32>, vector<256x128xf32> -> vector<256x128xf32>
    %add3A_392 = vector.broadcast %add3A_388 : vector<256x1xf32> to vector<256x128xf32>
    %add3A_393 = arith.addf %dot_general3A_391, %add3A_392 : vector<256x128xf32>
    %min3A_394 = arith.constant 3.200000e+01 : f32
    %min3A_395 = vector.broadcast %min3A_394 : f32 to vector<256x128xf32>
    %min3A_396 = arith.minimumf %add3A_393, %min3A_395 : vector<256x128xf32>
    %dot_general3A_397 = arith.constant dense<0.000000e+00> : vector<256x64xf32>
    %dot_general3A_398 = tpu.matmul %min3A_396, %add3A_54, %dot_general3A_397 {dimension_numbers = #tpu.dot_dimension_numbers<[1], [0], [0], [1], [0, 0, 1, 1], [], []>, transpose_lhs_hint = false} : vector<256x128xf32>, vector<128x64xf32>, vector<256x64xf32> -> vector<256x64xf32>
    %convert_element_type3A_399 = arith.fptosi %dot_general3A_398 : vector<256x64xf32> to vector<256x64xi32>
    %swap3A_400 = arith.constant 8 : index
    %swap3A_401 = arith.constant 0 : index
    %swap3A_402 = arith.constant 0 : index
    %swap3A_403 = vector.load %arg4[%swap3A_400, %swap3A_401, %swap3A_402] : memref<16x256x128xi32, #tpu.memory_space<vmem>>, vector<1x256x64xi32>
    %swap3A_404 = vector.shape_cast %swap3A_403 : vector<1x256x64xi32> to vector<256x64xi32>
    %swap3A_405 = vector.shape_cast %convert_element_type3A_399 : vector<256x64xi32> to vector<1x256x64xi32>
    tpu.vector_store %arg4[%swap3A_400, %swap3A_401, %swap3A_402], %swap3A_405 {strides = array<i32>} : memref<16x256x128xi32, #tpu.memory_space<vmem>>, vector<1x256x64xi32>,
    %reduce_sum3A_406 = arith.constant dense<0.000000e+00> : vector<256xf32>
    %reduce_sum3A_407 = vector.multi_reduction <add>, %slice3A_389, %reduce_sum3A_406 [1] : vector<256x128xf32> to vector<256xf32>
    %broadcast_in_dim3A_408 = vector.shape_cast %reduce_sum3A_407 : vector<256xf32> to vector<256x1xf32>
    %add3A_409 = arith.addf %add3A_388, %broadcast_in_dim3A_408 : vector<256x1xf32>
    %slice3A_410 = vector.extract_strided_slice %select_n3A {offsets = [0, 2176], sizes = [256, 128], strides = [1, 1]} : vector<256x4096xf32> to vector<256x128xf32>
    %dot_general3A_411 = arith.constant dense<0.000000e+00> : vector<256x128xf32>
    %dot_general3A_412 = tpu.matmul %slice3A_410, %select_n3A_31, %dot_general3A_411 {dimension_numbers = #tpu.dot_dimension_numbers<[1], [0], [0], [1], [0, 0, 1, 1], [], []>, transpose_lhs_hint = false} : vector<256x128xf32>, vector<128x128xf32>, vector<256x128xf32> -> vector<256x128xf32>
    %add3A_413 = vector.broadcast %add3A_409 : vector<256x1xf32> to vector<256x128xf32>
    %add3A_414 = arith.addf %dot_general3A_412, %add3A_413 : vector<256x128xf32>
    %min3A_415 = arith.constant 3.200000e+01 : f32
    %min3A_416 = vector.broadcast %min3A_415 : f32 to vector<256x128xf32>
    %min3A_417 = arith.minimumf %add3A_414, %min3A_416 : vector<256x128xf32>
    %dot_general3A_418 = arith.constant dense<0.000000e+00> : vector<256x64xf32>
    %dot_general3A_419 = tpu.matmul %min3A_417, %add3A_54, %dot_general3A_418 {dimension_numbers = #tpu.dot_dimension_numbers<[1], [0], [0], [1], [0, 0, 1, 1], [], []>, transpose_lhs_hint = false} : vector<256x128xf32>, vector<128x64xf32>, vector<256x64xf32> -> vector<256x64xf32>
    %convert_element_type3A_420 = arith.fptosi %dot_general3A_419 : vector<256x64xf32> to vector<256x64xi32>
    %swap3A_421 = arith.constant 8 : index
    %swap3A_422 = arith.constant 0 : index
    %swap3A_423 = arith.constant 64 : index
    %swap3A_424 = vector.load %arg4[%swap3A_421, %swap3A_422, %swap3A_423] : memref<16x256x128xi32, #tpu.memory_space<vmem>>, vector<1x256x64xi32>
    %swap3A_425 = vector.shape_cast %swap3A_424 : vector<1x256x64xi32> to vector<256x64xi32>
    %swap3A_426 = vector.shape_cast %convert_element_type3A_420 : vector<256x64xi32> to vector<1x256x64xi32>
    tpu.vector_store %arg4[%swap3A_421, %swap3A_422, %swap3A_423], %swap3A_426 {strides = array<i32>} : memref<16x256x128xi32, #tpu.memory_space<vmem>>, vector<1x256x64xi32>,
    %reduce_sum3A_427 = arith.constant dense<0.000000e+00> : vector<256xf32>
    %reduce_sum3A_428 = vector.multi_reduction <add>, %slice3A_410, %reduce_sum3A_427 [1] : vector<256x128xf32> to vector<256xf32>
    %broadcast_in_dim3A_429 = vector.shape_cast %reduce_sum3A_428 : vector<256xf32> to vector<256x1xf32>
    %add3A_430 = arith.addf %add3A_409, %broadcast_in_dim3A_429 : vector<256x1xf32>
    %slice3A_431 = vector.extract_strided_slice %select_n3A {offsets = [0, 2304], sizes = [256, 128], strides = [1, 1]} : vector<256x4096xf32> to vector<256x128xf32>
    %dot_general3A_432 = arith.constant dense<0.000000e+00> : vector<256x128xf32>
    %dot_general3A_433 = tpu.matmul %slice3A_431, %select_n3A_31, %dot_general3A_432 {dimension_numbers = #tpu.dot_dimension_numbers<[1], [0], [0], [1], [0, 0, 1, 1], [], []>, transpose_lhs_hint = false} : vector<256x128xf32>, vector<128x128xf32>, vector<256x128xf32> -> vector<256x128xf32>
    %add3A_434 = vector.broadcast %add3A_430 : vector<256x1xf32> to vector<256x128xf32>
    %add3A_435 = arith.addf %dot_general3A_433, %add3A_434 : vector<256x128xf32>
    %min3A_436 = arith.constant 3.200000e+01 : f32
    %min3A_437 = vector.broadcast %min3A_436 : f32 to vector<256x128xf32>
    %min3A_438 = arith.minimumf %add3A_435, %min3A_437 : vector<256x128xf32>
    %dot_general3A_439 = arith.constant dense<0.000000e+00> : vector<256x64xf32>
    %dot_general3A_440 = tpu.matmul %min3A_438, %add3A_54, %dot_general3A_439 {dimension_numbers = #tpu.dot_dimension_numbers<[1], [0], [0], [1], [0, 0, 1, 1], [], []>, transpose_lhs_hint = false} : vector<256x128xf32>, vector<128x64xf32>, vector<256x64xf32> -> vector<256x64xf32>
    %convert_element_type3A_441 = arith.fptosi %dot_general3A_440 : vector<256x64xf32> to vector<256x64xi32>
    %swap3A_442 = arith.constant 9 : index
    %swap3A_443 = arith.constant 0 : index
    %swap3A_444 = arith.constant 0 : index
    %swap3A_445 = vector.load %arg4[%swap3A_442, %swap3A_443, %swap3A_444] : memref<16x256x128xi32, #tpu.memory_space<vmem>>, vector<1x256x64xi32>
    %swap3A_446 = vector.shape_cast %swap3A_445 : vector<1x256x64xi32> to vector<256x64xi32>
    %swap3A_447 = vector.shape_cast %convert_element_type3A_441 : vector<256x64xi32> to vector<1x256x64xi32>
    tpu.vector_store %arg4[%swap3A_442, %swap3A_443, %swap3A_444], %swap3A_447 {strides = array<i32>} : memref<16x256x128xi32, #tpu.memory_space<vmem>>, vector<1x256x64xi32>,
    %reduce_sum3A_448 = arith.constant dense<0.000000e+00> : vector<256xf32>
    %reduce_sum3A_449 = vector.multi_reduction <add>, %slice3A_431, %reduce_sum3A_448 [1] : vector<256x128xf32> to vector<256xf32>
    %broadcast_in_dim3A_450 = vector.shape_cast %reduce_sum3A_449 : vector<256xf32> to vector<256x1xf32>
    %add3A_451 = arith.addf %add3A_430, %broadcast_in_dim3A_450 : vector<256x1xf32>
    %slice3A_452 = vector.extract_strided_slice %select_n3A {offsets = [0, 2432], sizes = [256, 128], strides = [1, 1]} : vector<256x4096xf32> to vector<256x128xf32>
    %dot_general3A_453 = arith.constant dense<0.000000e+00> : vector<256x128xf32>
    %dot_general3A_454 = tpu.matmul %slice3A_452, %select_n3A_31, %dot_general3A_453 {dimension_numbers = #tpu.dot_dimension_numbers<[1], [0], [0], [1], [0, 0, 1, 1], [], []>, transpose_lhs_hint = false} : vector<256x128xf32>, vector<128x128xf32>, vector<256x128xf32> -> vector<256x128xf32>
    %add3A_455 = vector.broadcast %add3A_451 : vector<256x1xf32> to vector<256x128xf32>
    %add3A_456 = arith.addf %dot_general3A_454, %add3A_455 : vector<256x128xf32>
    %min3A_457 = arith.constant 3.200000e+01 : f32
    %min3A_458 = vector.broadcast %min3A_457 : f32 to vector<256x128xf32>
    %min3A_459 = arith.minimumf %add3A_456, %min3A_458 : vector<256x128xf32>
    %dot_general3A_460 = arith.constant dense<0.000000e+00> : vector<256x64xf32>
    %dot_general3A_461 = tpu.matmul %min3A_459, %add3A_54, %dot_general3A_460 {dimension_numbers = #tpu.dot_dimension_numbers<[1], [0], [0], [1], [0, 0, 1, 1], [], []>, transpose_lhs_hint = false} : vector<256x128xf32>, vector<128x64xf32>, vector<256x64xf32> -> vector<256x64xf32>
    %convert_element_type3A_462 = arith.fptosi %dot_general3A_461 : vector<256x64xf32> to vector<256x64xi32>
    %swap3A_463 = arith.constant 9 : index
    %swap3A_464 = arith.constant 0 : index
    %swap3A_465 = arith.constant 64 : index
    %swap3A_466 = vector.load %arg4[%swap3A_463, %swap3A_464, %swap3A_465] : memref<16x256x128xi32, #tpu.memory_space<vmem>>, vector<1x256x64xi32>
    %swap3A_467 = vector.shape_cast %swap3A_466 : vector<1x256x64xi32> to vector<256x64xi32>
    %swap3A_468 = vector.shape_cast %convert_element_type3A_462 : vector<256x64xi32> to vector<1x256x64xi32>
    tpu.vector_store %arg4[%swap3A_463, %swap3A_464, %swap3A_465], %swap3A_468 {strides = array<i32>} : memref<16x256x128xi32, #tpu.memory_space<vmem>>, vector<1x256x64xi32>,
    %reduce_sum3A_469 = arith.constant dense<0.000000e+00> : vector<256xf32>
    %reduce_sum3A_470 = vector.multi_reduction <add>, %slice3A_452, %reduce_sum3A_469 [1] : vector<256x128xf32> to vector<256xf32>
    %broadcast_in_dim3A_471 = vector.shape_cast %reduce_sum3A_470 : vector<256xf32> to vector<256x1xf32>
    %add3A_472 = arith.addf %add3A_451, %broadcast_in_dim3A_471 : vector<256x1xf32>
    %slice3A_473 = vector.extract_strided_slice %select_n3A {offsets = [0, 2560], sizes = [256, 128], strides = [1, 1]} : vector<256x4096xf32> to vector<256x128xf32>
    %dot_general3A_474 = arith.constant dense<0.000000e+00> : vector<256x128xf32>
    %dot_general3A_475 = tpu.matmul %slice3A_473, %select_n3A_31, %dot_general3A_474 {dimension_numbers = #tpu.dot_dimension_numbers<[1], [0], [0], [1], [0, 0, 1, 1], [], []>, transpose_lhs_hint = false} : vector<256x128xf32>, vector<128x128xf32>, vector<256x128xf32> -> vector<256x128xf32>
    %add3A_476 = vector.broadcast %add3A_472 : vector<256x1xf32> to vector<256x128xf32>
    %add3A_477 = arith.addf %dot_general3A_475, %add3A_476 : vector<256x128xf32>
    %min3A_478 = arith.constant 3.200000e+01 : f32
    %min3A_479 = vector.broadcast %min3A_478 : f32 to vector<256x128xf32>
    %min3A_480 = arith.minimumf %add3A_477, %min3A_479 : vector<256x128xf32>
    %dot_general3A_481 = arith.constant dense<0.000000e+00> : vector<256x64xf32>
    %dot_general3A_482 = tpu.matmul %min3A_480, %add3A_54, %dot_general3A_481 {dimension_numbers = #tpu.dot_dimension_numbers<[1], [0], [0], [1], [0, 0, 1, 1], [], []>, transpose_lhs_hint = false} : vector<256x128xf32>, vector<128x64xf32>, vector<256x64xf32> -> vector<256x64xf32>
    %convert_element_type3A_483 = arith.fptosi %dot_general3A_482 : vector<256x64xf32> to vector<256x64xi32>
    %swap3A_484 = arith.constant 10 : index
    %swap3A_485 = arith.constant 0 : index
    %swap3A_486 = arith.constant 0 : index
    %swap3A_487 = vector.load %arg4[%swap3A_484, %swap3A_485, %swap3A_486] : memref<16x256x128xi32, #tpu.memory_space<vmem>>, vector<1x256x64xi32>
    %swap3A_488 = vector.shape_cast %swap3A_487 : vector<1x256x64xi32> to vector<256x64xi32>
    %swap3A_489 = vector.shape_cast %convert_element_type3A_483 : vector<256x64xi32> to vector<1x256x64xi32>
    tpu.vector_store %arg4[%swap3A_484, %swap3A_485, %swap3A_486], %swap3A_489 {strides = array<i32>} : memref<16x256x128xi32, #tpu.memory_space<vmem>>, vector<1x256x64xi32>,
    %reduce_sum3A_490 = arith.constant dense<0.000000e+00> : vector<256xf32>
    %reduce_sum3A_491 = vector.multi_reduction <add>, %slice3A_473, %reduce_sum3A_490 [1] : vector<256x128xf32> to vector<256xf32>
    %broadcast_in_dim3A_492 = vector.shape_cast %reduce_sum3A_491 : vector<256xf32> to vector<256x1xf32>
    %add3A_493 = arith.addf %add3A_472, %broadcast_in_dim3A_492 : vector<256x1xf32>
    %slice3A_494 = vector.extract_strided_slice %select_n3A {offsets = [0, 2688], sizes = [256, 128], strides = [1, 1]} : vector<256x4096xf32> to vector<256x128xf32>
    %dot_general3A_495 = arith.constant dense<0.000000e+00> : vector<256x128xf32>
    %dot_general3A_496 = tpu.matmul %slice3A_494, %select_n3A_31, %dot_general3A_495 {dimension_numbers = #tpu.dot_dimension_numbers<[1], [0], [0], [1], [0, 0, 1, 1], [], []>, transpose_lhs_hint = false} : vector<256x128xf32>, vector<128x128xf32>, vector<256x128xf32> -> vector<256x128xf32>
    %add3A_497 = vector.broadcast %add3A_493 : vector<256x1xf32> to vector<256x128xf32>
    %add3A_498 = arith.addf %dot_general3A_496, %add3A_497 : vector<256x128xf32>
    %min3A_499 = arith.constant 3.200000e+01 : f32
    %min3A_500 = vector.broadcast %min3A_499 : f32 to vector<256x128xf32>
    %min3A_501 = arith.minimumf %add3A_498, %min3A_500 : vector<256x128xf32>
    %dot_general3A_502 = arith.constant dense<0.000000e+00> : vector<256x64xf32>
    %dot_general3A_503 = tpu.matmul %min3A_501, %add3A_54, %dot_general3A_502 {dimension_numbers = #tpu.dot_dimension_numbers<[1], [0], [0], [1], [0, 0, 1, 1], [], []>, transpose_lhs_hint = false} : vector<256x128xf32>, vector<128x64xf32>, vector<256x64xf32> -> vector<256x64xf32>
    %convert_element_type3A_504 = arith.fptosi %dot_general3A_503 : vector<256x64xf32> to vector<256x64xi32>
    %swap3A_505 = arith.constant 10 : index
    %swap3A_506 = arith.constant 0 : index
    %swap3A_507 = arith.constant 64 : index
    %swap3A_508 = vector.load %arg4[%swap3A_505, %swap3A_506, %swap3A_507] : memref<16x256x128xi32, #tpu.memory_space<vmem>>, vector<1x256x64xi32>
    %swap3A_509 = vector.shape_cast %swap3A_508 : vector<1x256x64xi32> to vector<256x64xi32>
    %swap3A_510 = vector.shape_cast %convert_element_type3A_504 : vector<256x64xi32> to vector<1x256x64xi32>
    tpu.vector_store %arg4[%swap3A_505, %swap3A_506, %swap3A_507], %swap3A_510 {strides = array<i32>} : memref<16x256x128xi32, #tpu.memory_space<vmem>>, vector<1x256x64xi32>,
    %reduce_sum3A_511 = arith.constant dense<0.000000e+00> : vector<256xf32>
    %reduce_sum3A_512 = vector.multi_reduction <add>, %slice3A_494, %reduce_sum3A_511 [1] : vector<256x128xf32> to vector<256xf32>
    %broadcast_in_dim3A_513 = vector.shape_cast %reduce_sum3A_512 : vector<256xf32> to vector<256x1xf32>
    %add3A_514 = arith.addf %add3A_493, %broadcast_in_dim3A_513 : vector<256x1xf32>
    %slice3A_515 = vector.extract_strided_slice %select_n3A {offsets = [0, 2816], sizes = [256, 128], strides = [1, 1]} : vector<256x4096xf32> to vector<256x128xf32>
    %dot_general3A_516 = arith.constant dense<0.000000e+00> : vector<256x128xf32>
    %dot_general3A_517 = tpu.matmul %slice3A_515, %select_n3A_31, %dot_general3A_516 {dimension_numbers = #tpu.dot_dimension_numbers<[1], [0], [0], [1], [0, 0, 1, 1], [], []>, transpose_lhs_hint = false} : vector<256x128xf32>, vector<128x128xf32>, vector<256x128xf32> -> vector<256x128xf32>
    %add3A_518 = vector.broadcast %add3A_514 : vector<256x1xf32> to vector<256x128xf32>
    %add3A_519 = arith.addf %dot_general3A_517, %add3A_518 : vector<256x128xf32>
    %min3A_520 = arith.constant 3.200000e+01 : f32
    %min3A_521 = vector.broadcast %min3A_520 : f32 to vector<256x128xf32>
    %min3A_522 = arith.minimumf %add3A_519, %min3A_521 : vector<256x128xf32>
    %dot_general3A_523 = arith.constant dense<0.000000e+00> : vector<256x64xf32>
    %dot_general3A_524 = tpu.matmul %min3A_522, %add3A_54, %dot_general3A_523 {dimension_numbers = #tpu.dot_dimension_numbers<[1], [0], [0], [1], [0, 0, 1, 1], [], []>, transpose_lhs_hint = false} : vector<256x128xf32>, vector<128x64xf32>, vector<256x64xf32> -> vector<256x64xf32>
    %convert_element_type3A_525 = arith.fptosi %dot_general3A_524 : vector<256x64xf32> to vector<256x64xi32>
    %swap3A_526 = arith.constant 11 : index
    %swap3A_527 = arith.constant 0 : index
    %swap3A_528 = arith.constant 0 : index
    %swap3A_529 = vector.load %arg4[%swap3A_526, %swap3A_527, %swap3A_528] : memref<16x256x128xi32, #tpu.memory_space<vmem>>, vector<1x256x64xi32>
    %swap3A_530 = vector.shape_cast %swap3A_529 : vector<1x256x64xi32> to vector<256x64xi32>
    %swap3A_531 = vector.shape_cast %convert_element_type3A_525 : vector<256x64xi32> to vector<1x256x64xi32>
    tpu.vector_store %arg4[%swap3A_526, %swap3A_527, %swap3A_528], %swap3A_531 {strides = array<i32>} : memref<16x256x128xi32, #tpu.memory_space<vmem>>, vector<1x256x64xi32>,
    %reduce_sum3A_532 = arith.constant dense<0.000000e+00> : vector<256xf32>
    %reduce_sum3A_533 = vector.multi_reduction <add>, %slice3A_515, %reduce_sum3A_532 [1] : vector<256x128xf32> to vector<256xf32>
    %broadcast_in_dim3A_534 = vector.shape_cast %reduce_sum3A_533 : vector<256xf32> to vector<256x1xf32>
    %add3A_535 = arith.addf %add3A_514, %broadcast_in_dim3A_534 : vector<256x1xf32>
    %slice3A_536 = vector.extract_strided_slice %select_n3A {offsets = [0, 2944], sizes = [256, 128], strides = [1, 1]} : vector<256x4096xf32> to vector<256x128xf32>
    %dot_general3A_537 = arith.constant dense<0.000000e+00> : vector<256x128xf32>
    %dot_general3A_538 = tpu.matmul %slice3A_536, %select_n3A_31, %dot_general3A_537 {dimension_numbers = #tpu.dot_dimension_numbers<[1], [0], [0], [1], [0, 0, 1, 1], [], []>, transpose_lhs_hint = false} : vector<256x128xf32>, vector<128x128xf32>, vector<256x128xf32> -> vector<256x128xf32>
    %add3A_539 = vector.broadcast %add3A_535 : vector<256x1xf32> to vector<256x128xf32>
    %add3A_540 = arith.addf %dot_general3A_538, %add3A_539 : vector<256x128xf32>
    %min3A_541 = arith.constant 3.200000e+01 : f32
    %min3A_542 = vector.broadcast %min3A_541 : f32 to vector<256x128xf32>
    %min3A_543 = arith.minimumf %add3A_540, %min3A_542 : vector<256x128xf32>
    %dot_general3A_544 = arith.constant dense<0.000000e+00> : vector<256x64xf32>
    %dot_general3A_545 = tpu.matmul %min3A_543, %add3A_54, %dot_general3A_544 {dimension_numbers = #tpu.dot_dimension_numbers<[1], [0], [0], [1], [0, 0, 1, 1], [], []>, transpose_lhs_hint = false} : vector<256x128xf32>, vector<128x64xf32>, vector<256x64xf32> -> vector<256x64xf32>
    %convert_element_type3A_546 = arith.fptosi %dot_general3A_545 : vector<256x64xf32> to vector<256x64xi32>
    %swap3A_547 = arith.constant 11 : index
    %swap3A_548 = arith.constant 0 : index
    %swap3A_549 = arith.constant 64 : index
    %swap3A_550 = vector.load %arg4[%swap3A_547, %swap3A_548, %swap3A_549] : memref<16x256x128xi32, #tpu.memory_space<vmem>>, vector<1x256x64xi32>
    %swap3A_551 = vector.shape_cast %swap3A_550 : vector<1x256x64xi32> to vector<256x64xi32>
    %swap3A_552 = vector.shape_cast %convert_element_type3A_546 : vector<256x64xi32> to vector<1x256x64xi32>
    tpu.vector_store %arg4[%swap3A_547, %swap3A_548, %swap3A_549], %swap3A_552 {strides = array<i32>} : memref<16x256x128xi32, #tpu.memory_space<vmem>>, vector<1x256x64xi32>,
    %reduce_sum3A_553 = arith.constant dense<0.000000e+00> : vector<256xf32>
    %reduce_sum3A_554 = vector.multi_reduction <add>, %slice3A_536, %reduce_sum3A_553 [1] : vector<256x128xf32> to vector<256xf32>
    %broadcast_in_dim3A_555 = vector.shape_cast %reduce_sum3A_554 : vector<256xf32> to vector<256x1xf32>
    %add3A_556 = arith.addf %add3A_535, %broadcast_in_dim3A_555 : vector<256x1xf32>
    %slice3A_557 = vector.extract_strided_slice %select_n3A {offsets = [0, 3072], sizes = [256, 128], strides = [1, 1]} : vector<256x4096xf32> to vector<256x128xf32>
    %dot_general3A_558 = arith.constant dense<0.000000e+00> : vector<256x128xf32>
    %dot_general3A_559 = tpu.matmul %slice3A_557, %select_n3A_31, %dot_general3A_558 {dimension_numbers = #tpu.dot_dimension_numbers<[1], [0], [0], [1], [0, 0, 1, 1], [], []>, transpose_lhs_hint = false} : vector<256x128xf32>, vector<128x128xf32>, vector<256x128xf32> -> vector<256x128xf32>
    %add3A_560 = vector.broadcast %add3A_556 : vector<256x1xf32> to vector<256x128xf32>
    %add3A_561 = arith.addf %dot_general3A_559, %add3A_560 : vector<256x128xf32>
    %min3A_562 = arith.constant 3.200000e+01 : f32
    %min3A_563 = vector.broadcast %min3A_562 : f32 to vector<256x128xf32>
    %min3A_564 = arith.minimumf %add3A_561, %min3A_563 : vector<256x128xf32>
    %dot_general3A_565 = arith.constant dense<0.000000e+00> : vector<256x64xf32>
    %dot_general3A_566 = tpu.matmul %min3A_564, %add3A_54, %dot_general3A_565 {dimension_numbers = #tpu.dot_dimension_numbers<[1], [0], [0], [1], [0, 0, 1, 1], [], []>, transpose_lhs_hint = false} : vector<256x128xf32>, vector<128x64xf32>, vector<256x64xf32> -> vector<256x64xf32>
    %convert_element_type3A_567 = arith.fptosi %dot_general3A_566 : vector<256x64xf32> to vector<256x64xi32>
    %swap3A_568 = arith.constant 12 : index
    %swap3A_569 = arith.constant 0 : index
    %swap3A_570 = arith.constant 0 : index
    %swap3A_571 = vector.load %arg4[%swap3A_568, %swap3A_569, %swap3A_570] : memref<16x256x128xi32, #tpu.memory_space<vmem>>, vector<1x256x64xi32>
    %swap3A_572 = vector.shape_cast %swap3A_571 : vector<1x256x64xi32> to vector<256x64xi32>
    %swap3A_573 = vector.shape_cast %convert_element_type3A_567 : vector<256x64xi32> to vector<1x256x64xi32>
    tpu.vector_store %arg4[%swap3A_568, %swap3A_569, %swap3A_570], %swap3A_573 {strides = array<i32>} : memref<16x256x128xi32, #tpu.memory_space<vmem>>, vector<1x256x64xi32>,
    %reduce_sum3A_574 = arith.constant dense<0.000000e+00> : vector<256xf32>
    %reduce_sum3A_575 = vector.multi_reduction <add>, %slice3A_557, %reduce_sum3A_574 [1] : vector<256x128xf32> to vector<256xf32>
    %broadcast_in_dim3A_576 = vector.shape_cast %reduce_sum3A_575 : vector<256xf32> to vector<256x1xf32>
    %add3A_577 = arith.addf %add3A_556, %broadcast_in_dim3A_576 : vector<256x1xf32>
    %slice3A_578 = vector.extract_strided_slice %select_n3A {offsets = [0, 3200], sizes = [256, 128], strides = [1, 1]} : vector<256x4096xf32> to vector<256x128xf32>
    %dot_general3A_579 = arith.constant dense<0.000000e+00> : vector<256x128xf32>
    %dot_general3A_580 = tpu.matmul %slice3A_578, %select_n3A_31, %dot_general3A_579 {dimension_numbers = #tpu.dot_dimension_numbers<[1], [0], [0], [1], [0, 0, 1, 1], [], []>, transpose_lhs_hint = false} : vector<256x128xf32>, vector<128x128xf32>, vector<256x128xf32> -> vector<256x128xf32>
    %add3A_581 = vector.broadcast %add3A_577 : vector<256x1xf32> to vector<256x128xf32>
    %add3A_582 = arith.addf %dot_general3A_580, %add3A_581 : vector<256x128xf32>
    %min3A_583 = arith.constant 3.200000e+01 : f32
    %min3A_584 = vector.broadcast %min3A_583 : f32 to vector<256x128xf32>
    %min3A_585 = arith.minimumf %add3A_582, %min3A_584 : vector<256x128xf32>
    %dot_general3A_586 = arith.constant dense<0.000000e+00> : vector<256x64xf32>
    %dot_general3A_587 = tpu.matmul %min3A_585, %add3A_54, %dot_general3A_586 {dimension_numbers = #tpu.dot_dimension_numbers<[1], [0], [0], [1], [0, 0, 1, 1], [], []>, transpose_lhs_hint = false} : vector<256x128xf32>, vector<128x64xf32>, vector<256x64xf32> -> vector<256x64xf32>
    %convert_element_type3A_588 = arith.fptosi %dot_general3A_587 : vector<256x64xf32> to vector<256x64xi32>
    %swap3A_589 = arith.constant 12 : index
    %swap3A_590 = arith.constant 0 : index
    %swap3A_591 = arith.constant 64 : index
    %swap3A_592 = vector.load %arg4[%swap3A_589, %swap3A_590, %swap3A_591] : memref<16x256x128xi32, #tpu.memory_space<vmem>>, vector<1x256x64xi32>
    %swap3A_593 = vector.shape_cast %swap3A_592 : vector<1x256x64xi32> to vector<256x64xi32>
    %swap3A_594 = vector.shape_cast %convert_element_type3A_588 : vector<256x64xi32> to vector<1x256x64xi32>
    tpu.vector_store %arg4[%swap3A_589, %swap3A_590, %swap3A_591], %swap3A_594 {strides = array<i32>} : memref<16x256x128xi32, #tpu.memory_space<vmem>>, vector<1x256x64xi32>,
    %reduce_sum3A_595 = arith.constant dense<0.000000e+00> : vector<256xf32>
    %reduce_sum3A_596 = vector.multi_reduction <add>, %slice3A_578, %reduce_sum3A_595 [1] : vector<256x128xf32> to vector<256xf32>
    %broadcast_in_dim3A_597 = vector.shape_cast %reduce_sum3A_596 : vector<256xf32> to vector<256x1xf32>
    %add3A_598 = arith.addf %add3A_577, %broadcast_in_dim3A_597 : vector<256x1xf32>
    %slice3A_599 = vector.extract_strided_slice %select_n3A {offsets = [0, 3328], sizes = [256, 128], strides = [1, 1]} : vector<256x4096xf32> to vector<256x128xf32>
    %dot_general3A_600 = arith.constant dense<0.000000e+00> : vector<256x128xf32>
    %dot_general3A_601 = tpu.matmul %slice3A_599, %select_n3A_31, %dot_general3A_600 {dimension_numbers = #tpu.dot_dimension_numbers<[1], [0], [0], [1], [0, 0, 1, 1], [], []>, transpose_lhs_hint = false} : vector<256x128xf32>, vector<128x128xf32>, vector<256x128xf32> -> vector<256x128xf32>
    %add3A_602 = vector.broadcast %add3A_598 : vector<256x1xf32> to vector<256x128xf32>
    %add3A_603 = arith.addf %dot_general3A_601, %add3A_602 : vector<256x128xf32>
    %min3A_604 = arith.constant 3.200000e+01 : f32
    %min3A_605 = vector.broadcast %min3A_604 : f32 to vector<256x128xf32>
    %min3A_606 = arith.minimumf %add3A_603, %min3A_605 : vector<256x128xf32>
    %dot_general3A_607 = arith.constant dense<0.000000e+00> : vector<256x64xf32>
    %dot_general3A_608 = tpu.matmul %min3A_606, %add3A_54, %dot_general3A_607 {dimension_numbers = #tpu.dot_dimension_numbers<[1], [0], [0], [1], [0, 0, 1, 1], [], []>, transpose_lhs_hint = false} : vector<256x128xf32>, vector<128x64xf32>, vector<256x64xf32> -> vector<256x64xf32>
    %convert_element_type3A_609 = arith.fptosi %dot_general3A_608 : vector<256x64xf32> to vector<256x64xi32>
    %swap3A_610 = arith.constant 13 : index
    %swap3A_611 = arith.constant 0 : index
    %swap3A_612 = arith.constant 0 : index
    %swap3A_613 = vector.load %arg4[%swap3A_610, %swap3A_611, %swap3A_612] : memref<16x256x128xi32, #tpu.memory_space<vmem>>, vector<1x256x64xi32>
    %swap3A_614 = vector.shape_cast %swap3A_613 : vector<1x256x64xi32> to vector<256x64xi32>
    %swap3A_615 = vector.shape_cast %convert_element_type3A_609 : vector<256x64xi32> to vector<1x256x64xi32>
    tpu.vector_store %arg4[%swap3A_610, %swap3A_611, %swap3A_612], %swap3A_615 {strides = array<i32>} : memref<16x256x128xi32, #tpu.memory_space<vmem>>, vector<1x256x64xi32>,
    %reduce_sum3A_616 = arith.constant dense<0.000000e+00> : vector<256xf32>
    %reduce_sum3A_617 = vector.multi_reduction <add>, %slice3A_599, %reduce_sum3A_616 [1] : vector<256x128xf32> to vector<256xf32>
    %broadcast_in_dim3A_618 = vector.shape_cast %reduce_sum3A_617 : vector<256xf32> to vector<256x1xf32>
    %add3A_619 = arith.addf %add3A_598, %broadcast_in_dim3A_618 : vector<256x1xf32>
    %slice3A_620 = vector.extract_strided_slice %select_n3A {offsets = [0, 3456], sizes = [256, 128], strides = [1, 1]} : vector<256x4096xf32> to vector<256x128xf32>
    %dot_general3A_621 = arith.constant dense<0.000000e+00> : vector<256x128xf32>
    %dot_general3A_622 = tpu.matmul %slice3A_620, %select_n3A_31, %dot_general3A_621 {dimension_numbers = #tpu.dot_dimension_numbers<[1], [0], [0], [1], [0, 0, 1, 1], [], []>, transpose_lhs_hint = false} : vector<256x128xf32>, vector<128x128xf32>, vector<256x128xf32> -> vector<256x128xf32>
    %add3A_623 = vector.broadcast %add3A_619 : vector<256x1xf32> to vector<256x128xf32>
    %add3A_624 = arith.addf %dot_general3A_622, %add3A_623 : vector<256x128xf32>
    %min3A_625 = arith.constant 3.200000e+01 : f32
    %min3A_626 = vector.broadcast %min3A_625 : f32 to vector<256x128xf32>
    %min3A_627 = arith.minimumf %add3A_624, %min3A_626 : vector<256x128xf32>
    %dot_general3A_628 = arith.constant dense<0.000000e+00> : vector<256x64xf32>
    %dot_general3A_629 = tpu.matmul %min3A_627, %add3A_54, %dot_general3A_628 {dimension_numbers = #tpu.dot_dimension_numbers<[1], [0], [0], [1], [0, 0, 1, 1], [], []>, transpose_lhs_hint = false} : vector<256x128xf32>, vector<128x64xf32>, vector<256x64xf32> -> vector<256x64xf32>
    %convert_element_type3A_630 = arith.fptosi %dot_general3A_629 : vector<256x64xf32> to vector<256x64xi32>
    %swap3A_631 = arith.constant 13 : index
    %swap3A_632 = arith.constant 0 : index
    %swap3A_633 = arith.constant 64 : index
    %swap3A_634 = vector.load %arg4[%swap3A_631, %swap3A_632, %swap3A_633] : memref<16x256x128xi32, #tpu.memory_space<vmem>>, vector<1x256x64xi32>
    %swap3A_635 = vector.shape_cast %swap3A_634 : vector<1x256x64xi32> to vector<256x64xi32>
    %swap3A_636 = vector.shape_cast %convert_element_type3A_630 : vector<256x64xi32> to vector<1x256x64xi32>
    tpu.vector_store %arg4[%swap3A_631, %swap3A_632, %swap3A_633], %swap3A_636 {strides = array<i32>} : memref<16x256x128xi32, #tpu.memory_space<vmem>>, vector<1x256x64xi32>,
    %reduce_sum3A_637 = arith.constant dense<0.000000e+00> : vector<256xf32>
    %reduce_sum3A_638 = vector.multi_reduction <add>, %slice3A_620, %reduce_sum3A_637 [1] : vector<256x128xf32> to vector<256xf32>
    %broadcast_in_dim3A_639 = vector.shape_cast %reduce_sum3A_638 : vector<256xf32> to vector<256x1xf32>
    %add3A_640 = arith.addf %add3A_619, %broadcast_in_dim3A_639 : vector<256x1xf32>
    %slice3A_641 = vector.extract_strided_slice %select_n3A {offsets = [0, 3584], sizes = [256, 128], strides = [1, 1]} : vector<256x4096xf32> to vector<256x128xf32>
    %dot_general3A_642 = arith.constant dense<0.000000e+00> : vector<256x128xf32>
    %dot_general3A_643 = tpu.matmul %slice3A_641, %select_n3A_31, %dot_general3A_642 {dimension_numbers = #tpu.dot_dimension_numbers<[1], [0], [0], [1], [0, 0, 1, 1], [], []>, transpose_lhs_hint = false} : vector<256x128xf32>, vector<128x128xf32>, vector<256x128xf32> -> vector<256x128xf32>
    %add3A_644 = vector.broadcast %add3A_640 : vector<256x1xf32> to vector<256x128xf32>
    %add3A_645 = arith.addf %dot_general3A_643, %add3A_644 : vector<256x128xf32>
    %min3A_646 = arith.constant 3.200000e+01 : f32
    %min3A_647 = vector.broadcast %min3A_646 : f32 to vector<256x128xf32>
    %min3A_648 = arith.minimumf %add3A_645, %min3A_647 : vector<256x128xf32>
    %dot_general3A_649 = arith.constant dense<0.000000e+00> : vector<256x64xf32>
    %dot_general3A_650 = tpu.matmul %min3A_648, %add3A_54, %dot_general3A_649 {dimension_numbers = #tpu.dot_dimension_numbers<[1], [0], [0], [1], [0, 0, 1, 1], [], []>, transpose_lhs_hint = false} : vector<256x128xf32>, vector<128x64xf32>, vector<256x64xf32> -> vector<256x64xf32>
    %convert_element_type3A_651 = arith.fptosi %dot_general3A_650 : vector<256x64xf32> to vector<256x64xi32>
    %swap3A_652 = arith.constant 14 : index
    %swap3A_653 = arith.constant 0 : index
    %swap3A_654 = arith.constant 0 : index
    %swap3A_655 = vector.load %arg4[%swap3A_652, %swap3A_653, %swap3A_654] : memref<16x256x128xi32, #tpu.memory_space<vmem>>, vector<1x256x64xi32>
    %swap3A_656 = vector.shape_cast %swap3A_655 : vector<1x256x64xi32> to vector<256x64xi32>
    %swap3A_657 = vector.shape_cast %convert_element_type3A_651 : vector<256x64xi32> to vector<1x256x64xi32>
    tpu.vector_store %arg4[%swap3A_652, %swap3A_653, %swap3A_654], %swap3A_657 {strides = array<i32>} : memref<16x256x128xi32, #tpu.memory_space<vmem>>, vector<1x256x64xi32>,
    %reduce_sum3A_658 = arith.constant dense<0.000000e+00> : vector<256xf32>
    %reduce_sum3A_659 = vector.multi_reduction <add>, %slice3A_641, %reduce_sum3A_658 [1] : vector<256x128xf32> to vector<256xf32>
    %broadcast_in_dim3A_660 = vector.shape_cast %reduce_sum3A_659 : vector<256xf32> to vector<256x1xf32>
    %add3A_661 = arith.addf %add3A_640, %broadcast_in_dim3A_660 : vector<256x1xf32>
    %slice3A_662 = vector.extract_strided_slice %select_n3A {offsets = [0, 3712], sizes = [256, 128], strides = [1, 1]} : vector<256x4096xf32> to vector<256x128xf32>
    %dot_general3A_663 = arith.constant dense<0.000000e+00> : vector<256x128xf32>
    %dot_general3A_664 = tpu.matmul %slice3A_662, %select_n3A_31, %dot_general3A_663 {dimension_numbers = #tpu.dot_dimension_numbers<[1], [0], [0], [1], [0, 0, 1, 1], [], []>, transpose_lhs_hint = false} : vector<256x128xf32>, vector<128x128xf32>, vector<256x128xf32> -> vector<256x128xf32>
    %add3A_665 = vector.broadcast %add3A_661 : vector<256x1xf32> to vector<256x128xf32>
    %add3A_666 = arith.addf %dot_general3A_664, %add3A_665 : vector<256x128xf32>
    %min3A_667 = arith.constant 3.200000e+01 : f32
    %min3A_668 = vector.broadcast %min3A_667 : f32 to vector<256x128xf32>
    %min3A_669 = arith.minimumf %add3A_666, %min3A_668 : vector<256x128xf32>
    %dot_general3A_670 = arith.constant dense<0.000000e+00> : vector<256x64xf32>
    %dot_general3A_671 = tpu.matmul %min3A_669, %add3A_54, %dot_general3A_670 {dimension_numbers = #tpu.dot_dimension_numbers<[1], [0], [0], [1], [0, 0, 1, 1], [], []>, transpose_lhs_hint = false} : vector<256x128xf32>, vector<128x64xf32>, vector<256x64xf32> -> vector<256x64xf32>
    %convert_element_type3A_672 = arith.fptosi %dot_general3A_671 : vector<256x64xf32> to vector<256x64xi32>
    %swap3A_673 = arith.constant 14 : index
    %swap3A_674 = arith.constant 0 : index
    %swap3A_675 = arith.constant 64 : index
    %swap3A_676 = vector.load %arg4[%swap3A_673, %swap3A_674, %swap3A_675] : memref<16x256x128xi32, #tpu.memory_space<vmem>>, vector<1x256x64xi32>
    %swap3A_677 = vector.shape_cast %swap3A_676 : vector<1x256x64xi32> to vector<256x64xi32>
    %swap3A_678 = vector.shape_cast %convert_element_type3A_672 : vector<256x64xi32> to vector<1x256x64xi32>
    tpu.vector_store %arg4[%swap3A_673, %swap3A_674, %swap3A_675], %swap3A_678 {strides = array<i32>} : memref<16x256x128xi32, #tpu.memory_space<vmem>>, vector<1x256x64xi32>,
    %reduce_sum3A_679 = arith.constant dense<0.000000e+00> : vector<256xf32>
    %reduce_sum3A_680 = vector.multi_reduction <add>, %slice3A_662, %reduce_sum3A_679 [1] : vector<256x128xf32> to vector<256xf32>
    %broadcast_in_dim3A_681 = vector.shape_cast %reduce_sum3A_680 : vector<256xf32> to vector<256x1xf32>
    %add3A_682 = arith.addf %add3A_661, %broadcast_in_dim3A_681 : vector<256x1xf32>
    %slice3A_683 = vector.extract_strided_slice %select_n3A {offsets = [0, 3840], sizes = [256, 128], strides = [1, 1]} : vector<256x4096xf32> to vector<256x128xf32>
    %dot_general3A_684 = arith.constant dense<0.000000e+00> : vector<256x128xf32>
    %dot_general3A_685 = tpu.matmul %slice3A_683, %select_n3A_31, %dot_general3A_684 {dimension_numbers = #tpu.dot_dimension_numbers<[1], [0], [0], [1], [0, 0, 1, 1], [], []>, transpose_lhs_hint = false} : vector<256x128xf32>, vector<128x128xf32>, vector<256x128xf32> -> vector<256x128xf32>
    %add3A_686 = vector.broadcast %add3A_682 : vector<256x1xf32> to vector<256x128xf32>
    %add3A_687 = arith.addf %dot_general3A_685, %add3A_686 : vector<256x128xf32>
    %min3A_688 = arith.constant 3.200000e+01 : f32
    %min3A_689 = vector.broadcast %min3A_688 : f32 to vector<256x128xf32>
    %min3A_690 = arith.minimumf %add3A_687, %min3A_689 : vector<256x128xf32>
    %dot_general3A_691 = arith.constant dense<0.000000e+00> : vector<256x64xf32>
    %dot_general3A_692 = tpu.matmul %min3A_690, %add3A_54, %dot_general3A_691 {dimension_numbers = #tpu.dot_dimension_numbers<[1], [0], [0], [1], [0, 0, 1, 1], [], []>, transpose_lhs_hint = false} : vector<256x128xf32>, vector<128x64xf32>, vector<256x64xf32> -> vector<256x64xf32>
    %convert_element_type3A_693 = arith.fptosi %dot_general3A_692 : vector<256x64xf32> to vector<256x64xi32>
    %swap3A_694 = arith.constant 15 : index
    %swap3A_695 = arith.constant 0 : index
    %swap3A_696 = arith.constant 0 : index
    %swap3A_697 = vector.load %arg4[%swap3A_694, %swap3A_695, %swap3A_696] : memref<16x256x128xi32, #tpu.memory_space<vmem>>, vector<1x256x64xi32>
    %swap3A_698 = vector.shape_cast %swap3A_697 : vector<1x256x64xi32> to vector<256x64xi32>
    %swap3A_699 = vector.shape_cast %convert_element_type3A_693 : vector<256x64xi32> to vector<1x256x64xi32>
    tpu.vector_store %arg4[%swap3A_694, %swap3A_695, %swap3A_696], %swap3A_699 {strides = array<i32>} : memref<16x256x128xi32, #tpu.memory_space<vmem>>, vector<1x256x64xi32>,
    %reduce_sum3A_700 = arith.constant dense<0.000000e+00> : vector<256xf32>
    %reduce_sum3A_701 = vector.multi_reduction <add>, %slice3A_683, %reduce_sum3A_700 [1] : vector<256x128xf32> to vector<256xf32>
    %broadcast_in_dim3A_702 = vector.shape_cast %reduce_sum3A_701 : vector<256xf32> to vector<256x1xf32>
    %add3A_703 = arith.addf %add3A_682, %broadcast_in_dim3A_702 : vector<256x1xf32>
    %slice3A_704 = vector.extract_strided_slice %select_n3A {offsets = [0, 3968], sizes = [256, 128], strides = [1, 1]} : vector<256x4096xf32> to vector<256x128xf32>
    %dot_general3A_705 = arith.constant dense<0.000000e+00> : vector<256x128xf32>
    %dot_general3A_706 = tpu.matmul %slice3A_704, %select_n3A_31, %dot_general3A_705 {dimension_numbers = #tpu.dot_dimension_numbers<[1], [0], [0], [1], [0, 0, 1, 1], [], []>, transpose_lhs_hint = false} : vector<256x128xf32>, vector<128x128xf32>, vector<256x128xf32> -> vector<256x128xf32>
    %add3A_707 = vector.broadcast %add3A_703 : vector<256x1xf32> to vector<256x128xf32>
    %add3A_708 = arith.addf %dot_general3A_706, %add3A_707 : vector<256x128xf32>
    %min3A_709 = arith.constant 3.200000e+01 : f32
    %min3A_710 = vector.broadcast %min3A_709 : f32 to vector<256x128xf32>
    %min3A_711 = arith.minimumf %add3A_708, %min3A_710 : vector<256x128xf32>
    %dot_general3A_712 = arith.constant dense<0.000000e+00> : vector<256x64xf32>
    %dot_general3A_713 = tpu.matmul %min3A_711, %add3A_54, %dot_general3A_712 {dimension_numbers = #tpu.dot_dimension_numbers<[1], [0], [0], [1], [0, 0, 1, 1], [], []>, transpose_lhs_hint = false} : vector<256x128xf32>, vector<128x64xf32>, vector<256x64xf32> -> vector<256x64xf32>
    %convert_element_type3A_714 = arith.fptosi %dot_general3A_713 : vector<256x64xf32> to vector<256x64xi32>
    %swap3A_715 = arith.constant 15 : index
    %swap3A_716 = arith.constant 0 : index
    %swap3A_717 = arith.constant 64 : index
    %swap3A_718 = vector.load %arg4[%swap3A_715, %swap3A_716, %swap3A_717] : memref<16x256x128xi32, #tpu.memory_space<vmem>>, vector<1x256x64xi32>
    %swap3A_719 = vector.shape_cast %swap3A_718 : vector<1x256x64xi32> to vector<256x64xi32>
    %swap3A_720 = vector.shape_cast %convert_element_type3A_714 : vector<256x64xi32> to vector<1x256x64xi32>
    tpu.vector_store %arg4[%swap3A_715, %swap3A_716, %swap3A_717], %swap3A_720 {strides = array<i32>} : memref<16x256x128xi32, #tpu.memory_space<vmem>>, vector<1x256x64xi32>,
    return
  }
  func.func @transform_0(%arg0: i32, %arg1: i32) -> (i32, i32, i32) {
    %c0_i32 = arith.constant 0 : i32
    %c0_i32_0 = arith.constant 0 : i32
    return %arg0, %arg1, %c0_i32 : i32, i32, i32
  }
  func.func @transform_1(%arg0: i32, %arg1: i32) -> (i32, i32, i32) {
    %c0_i32 = arith.constant 0 : i32
    %c0_i32_0 = arith.constant 0 : i32
    %c0_i32_1 = arith.constant 0 : i32
    return %arg0, %c0_i32, %c0_i32_0 : i32, i32, i32
  }
  func.func @transform_2(%arg0: i32, %arg1: i32) -> (i32, i32, i32) {
    %mul3A = arith.constant 4 : i32
    %mul3A_0 = arith.muli %arg0, %mul3A : i32
    %add3A = arith.addi %mul3A_0, %arg1 : i32
    %c0_i32 = arith.constant 0 : i32
    %c0_i32_1 = arith.constant 0 : i32
    %c0_i32_2 = arith.constant 0 : i32
    return %c0_i32, %add3A, %c0_i32_1 : i32, i32, i32
  }
}

module attributes {stable_mosaic.version = 14 : i64} {
  func.func @_mlp_body(%arg0: i32, %arg1: memref<2048x128xf32, #tpu.memory_space<vmem>>, %arg2: memref<128x3xf32, #tpu.memory_space<vmem>>, %arg3: memref<3x64xf32, #tpu.memory_space<vmem>>, %arg4: memref<1x64xf32, #tpu.memory_space<vmem>>, %arg5: memref<64x64xf32, #tpu.memory_space<vmem>>, %arg6: memref<1x64xf32, #tpu.memory_space<vmem>>, %arg7: memref<64x128xf32, #tpu.memory_space<vmem>>, %arg8: memref<1x128xf32, #tpu.memory_space<vmem>>, %arg9: memref<128x128xf32, #tpu.memory_space<vmem>>) attributes {dimension_semantics = [#tpu.dimension_semantics<arbitrary>], iteration_bounds = array<i64: 64>, scalar_prefetch = 0 : i64, scratch_operands = 0 : i64, tpu.core_type = #tpu.core_type<tc>, window_params = [{transform_indices = @transform_0, window_bounds = array<i64: 2048, 128>}, {transform_indices = @transform_1, window_bounds = array<i64: 128, 3>}, {pipeline_mode = #tpu.pipeline_mode<synchronous>, transform_indices = @transform_2, window_bounds = array<i64: 3, 64>}, {pipeline_mode = #tpu.pipeline_mode<synchronous>, transform_indices = @transform_3, window_bounds = array<i64: 1, 64>}, {pipeline_mode = #tpu.pipeline_mode<synchronous>, transform_indices = @transform_4, window_bounds = array<i64: 64, 64>}, {pipeline_mode = #tpu.pipeline_mode<synchronous>, transform_indices = @transform_5, window_bounds = array<i64: 1, 64>}, {pipeline_mode = #tpu.pipeline_mode<synchronous>, transform_indices = @transform_6, window_bounds = array<i64: 64, 128>}, {pipeline_mode = #tpu.pipeline_mode<synchronous>, transform_indices = @transform_7, window_bounds = array<i64: 1, 128>}, {transform_indices = @transform_8, window_bounds = array<i64: 128, 128>}]} {
    %get3A = arith.constant 0 : index
    %get3A_0 = arith.constant 0 : index
    %get3A_1 = vector.load %arg4[%get3A, %get3A_0] : memref<1x64xf32, #tpu.memory_space<vmem>>, vector<1x64xf32>
    %get3A_2 = arith.constant 0 : index
    %get3A_3 = arith.constant 0 : index
    %get3A_4 = vector.load %arg2[%get3A_2, %get3A_3] : memref<128x3xf32, #tpu.memory_space<vmem>>, vector<128x3xf32>
    %get3A_5 = arith.constant 0 : index
    %get3A_6 = arith.constant 0 : index
    %get3A_7 = vector.load %arg3[%get3A_5, %get3A_6] : memref<3x64xf32, #tpu.memory_space<vmem>>, vector<3x64xf32>
    %dot_general3A = arith.constant dense<0.000000e+00> : vector<128x64xf32>
    %dot_general3A_8 = tpu.matmul %get3A_4, %get3A_7, %dot_general3A {dimension_numbers = #tpu.dot_dimension_numbers<[1], [0], [0], [1], [0, 0, 1, 1], [], []>, transpose_lhs_hint = false} : vector<128x3xf32>, vector<3x64xf32>, vector<128x64xf32> -> vector<128x64xf32>
    %sub3A = vector.broadcast %get3A_1 : vector<1x64xf32> to vector<128x64xf32>
    %sub3A_9 = arith.subf %sub3A, %dot_general3A_8 : vector<128x64xf32>
    %broadcast_in_dim3A = vector.shape_cast %sub3A_9 : vector<128x64xf32> to vector<128x1x64xf32>
    %broadcast_in_dim3A_10 = vector.shape_cast %broadcast_in_dim3A : vector<128x1x64xf32> to vector<128x1x64xf32>
    %broadcast_in_dim3A_11 = vector.broadcast %broadcast_in_dim3A_10 : vector<128x1x64xf32> to vector<128x16x64xf32>
    %reshape3A = vector.shape_cast %broadcast_in_dim3A_11 : vector<128x16x64xf32> to vector<2048x64xf32>
    %get3A_12 = arith.constant 0 : index
    %get3A_13 = arith.constant 0 : index
    %get3A_14 = vector.load %arg1[%get3A_12, %get3A_13] : memref<2048x128xf32, #tpu.memory_space<vmem>>, vector<2048x128xf32>
    %slice3A = vector.extract_strided_slice %get3A_14 {offsets = [0, 0], sizes = [2048, 64], strides = [1, 1]} : vector<2048x128xf32> to vector<2048x64xf32>
    %add3A = arith.addf %slice3A, %reshape3A : vector<2048x64xf32>
    %max3A = arith.constant 0.000000e+00 : f32
    %max3A_15 = vector.broadcast %max3A : f32 to vector<2048x64xf32>
    %max3A_16 = arith.maximumf %add3A, %max3A_15 : vector<2048x64xf32>
    %get3A_17 = arith.constant 0 : index
    %get3A_18 = arith.constant 0 : index
    %get3A_19 = vector.load %arg5[%get3A_17, %get3A_18] : memref<64x64xf32, #tpu.memory_space<vmem>>, vector<64x64xf32>
    %dot_general3A_20 = arith.constant dense<0.000000e+00> : vector<2048x64xf32>
    %dot_general3A_21 = tpu.matmul %max3A_16, %get3A_19, %dot_general3A_20 {dimension_numbers = #tpu.dot_dimension_numbers<[1], [0], [0], [1], [0, 0, 1, 1], [], []>, transpose_lhs_hint = false} : vector<2048x64xf32>, vector<64x64xf32>, vector<2048x64xf32> -> vector<2048x64xf32>
    %get3A_22 = arith.constant 0 : index
    %get3A_23 = arith.constant 0 : index
    %get3A_24 = vector.load %arg6[%get3A_22, %get3A_23] : memref<1x64xf32, #tpu.memory_space<vmem>>, vector<1x64xf32>
    %add3A_25 = vector.broadcast %get3A_24 : vector<1x64xf32> to vector<2048x64xf32>
    %add3A_26 = arith.addf %dot_general3A_21, %add3A_25 : vector<2048x64xf32>
    %max3A_27 = arith.constant 0.000000e+00 : f32
    %max3A_28 = vector.broadcast %max3A_27 : f32 to vector<2048x64xf32>
    %max3A_29 = arith.maximumf %add3A_26, %max3A_28 : vector<2048x64xf32>
    %get3A_30 = arith.constant 0 : index
    %get3A_31 = arith.constant 0 : index
    %get3A_32 = vector.load %arg7[%get3A_30, %get3A_31] : memref<64x128xf32, #tpu.memory_space<vmem>>, vector<64x128xf32>
    %dot_general3A_33 = arith.constant dense<0.000000e+00> : vector<2048x128xf32>
    %dot_general3A_34 = tpu.matmul %max3A_29, %get3A_32, %dot_general3A_33 {dimension_numbers = #tpu.dot_dimension_numbers<[1], [0], [0], [1], [0, 0, 1, 1], [], []>, transpose_lhs_hint = false} : vector<2048x64xf32>, vector<64x128xf32>, vector<2048x128xf32> -> vector<2048x128xf32>
    %get3A_35 = arith.constant 0 : index
    %get3A_36 = arith.constant 0 : index
    %get3A_37 = vector.load %arg8[%get3A_35, %get3A_36] : memref<1x128xf32, #tpu.memory_space<vmem>>, vector<1x128xf32>
    %add3A_38 = vector.broadcast %get3A_37 : vector<1x128xf32> to vector<2048x128xf32>
    %add3A_39 = arith.addf %dot_general3A_34, %add3A_38 : vector<2048x128xf32>
    %max3A_40 = arith.constant 0.000000e+00 : f32
    %max3A_41 = vector.broadcast %max3A_40 : f32 to vector<2048x128xf32>
    %max3A_42 = arith.maximumf %add3A_39, %max3A_41 : vector<2048x128xf32>
    %slice3A_43 = vector.extract_strided_slice %get3A_14 {offsets = [0, 64], sizes = [2048, 64], strides = [1, 1]} : vector<2048x128xf32> to vector<2048x64xf32>
    %add3A_44 = arith.addf %slice3A_43, %reshape3A : vector<2048x64xf32>
    %max3A_45 = arith.constant 0.000000e+00 : f32
    %max3A_46 = vector.broadcast %max3A_45 : f32 to vector<2048x64xf32>
    %max3A_47 = arith.maximumf %add3A_44, %max3A_46 : vector<2048x64xf32>
    %get3A_48 = arith.constant 0 : index
    %get3A_49 = arith.constant 0 : index
    %get3A_50 = vector.load %arg5[%get3A_48, %get3A_49] : memref<64x64xf32, #tpu.memory_space<vmem>>, vector<64x64xf32>
    %dot_general3A_51 = arith.constant dense<0.000000e+00> : vector<2048x64xf32>
    %dot_general3A_52 = tpu.matmul %max3A_47, %get3A_50, %dot_general3A_51 {dimension_numbers = #tpu.dot_dimension_numbers<[1], [0], [0], [1], [0, 0, 1, 1], [], []>, transpose_lhs_hint = false} : vector<2048x64xf32>, vector<64x64xf32>, vector<2048x64xf32> -> vector<2048x64xf32>
    %get3A_53 = arith.constant 0 : index
    %get3A_54 = arith.constant 0 : index
    %get3A_55 = vector.load %arg6[%get3A_53, %get3A_54] : memref<1x64xf32, #tpu.memory_space<vmem>>, vector<1x64xf32>
    %add3A_56 = vector.broadcast %get3A_55 : vector<1x64xf32> to vector<2048x64xf32>
    %add3A_57 = arith.addf %dot_general3A_52, %add3A_56 : vector<2048x64xf32>
    %max3A_58 = arith.constant 0.000000e+00 : f32
    %max3A_59 = vector.broadcast %max3A_58 : f32 to vector<2048x64xf32>
    %max3A_60 = arith.maximumf %add3A_57, %max3A_59 : vector<2048x64xf32>
    %get3A_61 = arith.constant 0 : index
    %get3A_62 = arith.constant 0 : index
    %get3A_63 = vector.load %arg7[%get3A_61, %get3A_62] : memref<64x128xf32, #tpu.memory_space<vmem>>, vector<64x128xf32>
    %dot_general3A_64 = arith.constant dense<0.000000e+00> : vector<2048x128xf32>
    %dot_general3A_65 = tpu.matmul %max3A_60, %get3A_63, %dot_general3A_64 {dimension_numbers = #tpu.dot_dimension_numbers<[1], [0], [0], [1], [0, 0, 1, 1], [], []>, transpose_lhs_hint = false} : vector<2048x64xf32>, vector<64x128xf32>, vector<2048x128xf32> -> vector<2048x128xf32>
    %get3A_66 = arith.constant 0 : index
    %get3A_67 = arith.constant 0 : index
    %get3A_68 = vector.load %arg8[%get3A_66, %get3A_67] : memref<1x128xf32, #tpu.memory_space<vmem>>, vector<1x128xf32>
    %add3A_69 = vector.broadcast %get3A_68 : vector<1x128xf32> to vector<2048x128xf32>
    %add3A_70 = arith.addf %dot_general3A_65, %add3A_69 : vector<2048x128xf32>
    %max3A_71 = arith.constant 0.000000e+00 : f32
    %max3A_72 = vector.broadcast %max3A_71 : f32 to vector<2048x128xf32>
    %max3A_73 = arith.maximumf %add3A_70, %max3A_72 : vector<2048x128xf32>
    %max3A_74 = arith.maximumf %max3A_42, %max3A_73 : vector<2048x128xf32>
    %reshape3A_75 = vector.shape_cast %max3A_74 : vector<2048x128xf32> to vector<128x16x128xf32>
    %reduce_max3A = arith.constant dense<0xFF800000> : vector<128x128xf32>
    %reduce_max3A_76 = vector.multi_reduction <maximumf>, %reshape3A_75, %reduce_max3A [1] : vector<128x16x128xf32> to vector<128x128xf32>
    %swap3A = arith.constant 0 : index
    %swap3A_77 = arith.constant 0 : index
    %swap3A_78 = vector.load %arg9[%swap3A, %swap3A_77] : memref<128x128xf32, #tpu.memory_space<vmem>>, vector<128x128xf32>
    tpu.vector_store %arg9[%swap3A, %swap3A_77], %reduce_max3A_76 {strides = array<i32>} : memref<128x128xf32, #tpu.memory_space<vmem>>, vector<128x128xf32>,
    return
  }
  func.func @transform_0(%arg0: i32) -> (i32, i32) {
    %c0_i32 = arith.constant 0 : i32
    %c0_i32_0 = arith.constant 0 : i32
    return %arg0, %c0_i32 : i32, i32
  }
  func.func @transform_1(%arg0: i32) -> (i32, i32) {
    %c0_i32 = arith.constant 0 : i32
    %c0_i32_0 = arith.constant 0 : i32
    return %arg0, %c0_i32 : i32, i32
  }
  func.func @transform_2(%arg0: i32) -> (i32, i32) {
    %c0_i32 = arith.constant 0 : i32
    %c0_i32_0 = arith.constant 0 : i32
    %c0_i32_1 = arith.constant 0 : i32
    return %c0_i32, %c0_i32_0 : i32, i32
  }
  func.func @transform_3(%arg0: i32) -> (i32, i32) {
    %c0_i32 = arith.constant 0 : i32
    %c0_i32_0 = arith.constant 0 : i32
    %c0_i32_1 = arith.constant 0 : i32
    return %c0_i32, %c0_i32_0 : i32, i32
  }
  func.func @transform_4(%arg0: i32) -> (i32, i32) {
    %c0_i32 = arith.constant 0 : i32
    %c0_i32_0 = arith.constant 0 : i32
    %c0_i32_1 = arith.constant 0 : i32
    return %c0_i32, %c0_i32_0 : i32, i32
  }
  func.func @transform_5(%arg0: i32) -> (i32, i32) {
    %c0_i32 = arith.constant 0 : i32
    %c0_i32_0 = arith.constant 0 : i32
    %c0_i32_1 = arith.constant 0 : i32
    return %c0_i32, %c0_i32_0 : i32, i32
  }
  func.func @transform_6(%arg0: i32) -> (i32, i32) {
    %c0_i32 = arith.constant 0 : i32
    %c0_i32_0 = arith.constant 0 : i32
    %c0_i32_1 = arith.constant 0 : i32
    return %c0_i32, %c0_i32_0 : i32, i32
  }
  func.func @transform_7(%arg0: i32) -> (i32, i32) {
    %c0_i32 = arith.constant 0 : i32
    %c0_i32_0 = arith.constant 0 : i32
    %c0_i32_1 = arith.constant 0 : i32
    return %c0_i32, %c0_i32_0 : i32, i32
  }
  func.func @transform_8(%arg0: i32) -> (i32, i32) {
    %c0_i32 = arith.constant 0 : i32
    %c0_i32_0 = arith.constant 0 : i32
    return %arg0, %c0_i32 : i32, i32
  }
}

</mosaic_0001>

<sc_bundles>
// kernel: kernel.7.cloned.1.call-start
scs
__scs_entry_jumppad:
0x0: {  	(pc) =	sbr.rel $0x88, $3  }
0x1: {  	(tag) =	ssettag $0x0;
	lr =	simm.s32 $0x1  }
0x2: {  	[smem:$0x3F99] =	sst lr;
	_ =	strace $0xD0000000  }
0x3: {  	_ = 	snop  }
0x4: {  	_ = 	snop  }
0x5: {  	_ = 	snop  }
0x6: {  	_ = 	snop  }
0x7: {  	_ = 	snop  }
__scs_overlays_trampoline_lowered:
0x8: {  	[smem:$0x3FA8] =	sst s0  }
0x9: {  	[smem:$0x3FA9] =	sst s1  }
0xa: {  	[smem:$0x3FAA] =	sst s2  }
0xb: {  	[smem:$0x3FAB] =	sst s3  }
0xc: {  	[smem:$0x3FAC] =	sst s4  }
0xd: {  	[smem:$0x3FAD] =	sst s5  }
0xe: {  	[smem:$0x3FAE] =	sst s6  }
0xf: {  	[smem:$0x3FAF] =	sst s7  }
0x10: {  	[smem:$0x3FB0] =	sst s8  }
0x11: {  	[smem:$0x3FB1] =	sst s9;
	s0 =	simm.s32 @!p0 $0x0  }
0x12: {  	s1 =	sld [smem:$0x3F97];
	s0 =	simm.s32 @p0 $0x1  }
0x13: {  	[smem:$0x3FB2] =	sst s0;
	s0 =	simm.s32 @!p1 $0x0  }
0x14: {  	s2 =	sld [smem:$0x3F96];
	s0 =	simm.s32 @p1 $0x1  }
0x15: {  	[smem:$0x3FB3] =	sst s0;
	s0 =	simm.s32 @!p2 $0x0  }
0x16: {  	s3 =	sld [smem:$0x3FDB];
	s0 =	simm.s32 @p2 $0x1  }
0x17: {  	s4 =	simm.s32 $0x1BF5;
	[smem:$0x3FB5] =	sst s0  }
0x18: {  	s0 =	sld [smem:$0x3F98];
	_ =	swait.ge [sflag:s4], $0x0  }
0x19: {  	s7 =	sld [smem:$0x3F99]  }
0x1a: {  	s8 =	sadd.s32 $0xFFFFE003, lr  }
0x1b: {  	s9 =	sadd.s32 $0xFFFFFEF7, lr;
	s5 =	simm.s32 $0xFFFFFFFF;
	p2 =	slt.u32 s8, $0xFFFFF086  }
0x1c: {  	p1 =	slt.u32 s9, $0xF7A;
	s5 =	simm.s32 @!p2 $0x0  }
0x1d: {  	s5 =	simm.s32 @p1 $0x1;
	p0 =	seq.s32 s7, s2  }
0x1e: {  	s7 =	smul.u32 @!p0 $0xF7A, s2;
	p2 =	seq.s32 @!p0 s5, $0x0  }
0x1f: {  	s9 =	smul.u32 $0xF7A, s1;
	s8 =	simm.s32 @!p0 $0x1BF5;
	p2 =	por !p2, p0  }
0x20: {  	[sflag:s8] =	ssyncset.s32 @!p0 $0xFFFFF086;
	s6 =	sadd.s32 @!p0 s3, s7;
	s7 =	simm.s32 @!p0 $0x108  }
0x21: {  	s3 =	sadd.s32 s3, s9;
	s6 =	sadd.s32 @!p0 $0x88, s6;
	s7 =	simm.s32 @p2 $0x1082  }
0x22: {  	[simem:s7], [sflag:s8] =	dma.local @!p0 [hbm:s6], $0xF7A  }
0x23: {  	s9 =	sor.u32 $0xD0000000, s2;
	s6 =	simm.s32 $0x108;
	_ =	swait.ge @!p0 [sflag:s8], $0x0  }
0x24: {  	s3 =	sadd.s32 $0x88, s3;
	s6 =	simm.s32 @!p1 $0x1082;
	[sflag:s4] =	ssyncset.s32 $0xFFFFF086  }
0x25: {  	[simem:s6], [sflag:s4] =	dma.local [hbm:s3], $0xF7A  }
0x26: {  	[smem:$0x3F99] =	sst s1;
	(tag) =	ssettag s2;
	_ =	strace s9  }
0x27: {  	s1 =	sld [smem:$0x3FA9]  }
0x28: {  	s2 =	sld [smem:$0x3FAA]  }
0x29: {  	s4 =	sld [smem:$0x3FAC]  }
0x2a: {  	p0 =	seq.s32 s5, $0x0;
	s5 =	sld [smem:$0x3FAD]  }
0x2b: {  	s6 =	sld [smem:$0x3FAE]  }
0x2c: {  	s7 =	sld [smem:$0x3FAF]  }
0x2d: {  	s3 =	simm.s32 $0x108;
	s8 =	sld [smem:$0x3FB0]  }
0x2e: {  	s3 =	simm.s32 @!p0 $0x1082;
	s9 =	sld [smem:$0x3FB1]  }
0x2f: {  	lr =	sadd.s32 s0, s3;
	s0 =	sld [smem:$0x3FA8]  }
0x30: {  	s3 =	sld [smem:$0x3FAB]  }
0x31: {  	[smem:$0x3FB4] =	sst s10  }
0x32: {  	s10 =	sld [smem:$0x3FB2];
	_ =	sdelay $0x3  }
0x33: {  	p0 =	seq.s32 s10, $0x1;
	s10 =	sld [smem:$0x3FB4];
	_ =	sdelay $0x3  }
0x34: {  	[smem:$0x3FB4] =	sst s10  }
0x35: {  	s10 =	sld [smem:$0x3FB3];
	_ =	sdelay $0x3  }
0x36: {  	p1 =	seq.s32 s10, $0x1;
	s10 =	sld [smem:$0x3FB4];
	_ =	sdelay $0x3  }
0x37: {  	[smem:$0x3FB4] =	sst s10  }
0x38: {  	s10 =	sld [smem:$0x3FB5]  }
0x39: {  	_ = 	snop;
	(pc) =	sbr.ind lr, $3  }
0x3a: {  	_ = 	snop  }
0x3b: {  	_ = 	snop  }
0x3c: {  	p2 =	seq.s32 s10, $0x1;
	s10 =	sld [smem:$0x3FB4]  }
0x3d: {  	_ =	shalt  }
0x3e: {  	_ =	shalt  }
0x3f: {  	_ =	shalt  }
0x40: {  	_ =	shalt  }
0x41: {  	_ =	shalt  }
0x42: {  	_ =	shalt  }
0x43: {  	_ =	shalt  }
0x44: {  	_ =	shalt  }
0x45: {  	_ =	shalt  }
0x46: {  	_ =	shalt  }
0x47: {  	_ =	shalt  }
0x48: {  	_ =	shalt  }
0x49: {  	_ =	shalt  }
0x4a: {  	_ =	shalt  }
0x4b: {  	_ =	shalt  }
0x4c: {  	_ =	shalt  }
0x4d: {  	_ =	shalt  }
0x4e: {  	_ =	shalt  }
0x4f: {  	_ =	shalt  }
0x50: {  	_ =	shalt  }
0x51: {  	_ =	shalt  }
0x52: {  	_ =	shalt  }
0x53: {  	_ =	shalt  }
0x54: {  	_ =	shalt  }
0x55: {  	_ =	shalt  }
0x56: {  	_ =	shalt  }
0x57: {  	_ =	shalt  }
0x58: {  	_ =	shalt  }
0x59: {  	_ =	shalt  }
0x5a: {  	_ =	shalt  }
0x5b: {  	_ =	shalt  }
0x5c: {  	_ =	shalt  }
0x5d: {  	_ =	shalt  }
0x5e: {  	_ =	shalt  }
0x5f: {  	_ =	shalt  }
0x60: {  	_ =	shalt  }
0x61: {  	_ =	shalt  }
0x62: {  	_ =	shalt  }
0x63: {  	_ =	shalt  }
0x64: {  	_ =	shalt  }
0x65: {  	_ =	shalt  }
0x66: {  	_ =	shalt  }
0x67: {  	_ =	shalt  }
0x68: {  	_ =	shalt  }
0x69: {  	_ =	shalt  }
0x6a: {  	_ =	shalt  }
0x6b: {  	_ =	shalt  }
0x6c: {  	_ =	shalt  }
0x6d: {  	_ =	shalt  }
0x6e: {  	_ =	shalt  }
0x6f: {  	_ =	shalt  }
0x70: {  	_ =	shalt  }
0x71: {  	_ =	shalt  }
0x72: {  	_ =	shalt  }
0x73: {  	_ =	shalt  }
0x74: {  	_ =	shalt  }
0x75: {  	_ =	shalt  }
0x76: {  	_ =	shalt  }
0x77: {  	_ =	shalt  }
0x78: {  	_ =	shalt  }
0x79: {  	_ =	shalt  }
0x7a: {  	_ =	shalt  }
0x7b: {  	_ =	shalt  }
0x7c: {  	_ =	shalt  }
0x7d: {  	_ =	shalt  }
0x7e: {  	_ =	shalt  }
0x7f: {  	_ =	shalt  }
0x80: {  	_ =	shalt  }
0x81: {  	_ =	shalt  }
0x82: {  	_ =	shalt  }
0x83: {  	_ =	shalt  }
0x84: {  	_ =	shalt  }
0x85: {  	_ =	shalt  }
0x86: {  	_ =	shalt  }
0x87: {  	_ =	shalt  }
.Lfunc_end0:
.L_simem_size_0:
called_computation_lowered:
.L_overlay_start_0:
0x88: {  	s2 =	sld [smem:$0x3FD9]  }
0x89: {  	s3 =	sld [smem:$0x3FFE];
	_ =	sdelay $0x1  }
0x8a: {  	s1 =	srdreg.scid  }
0x8b: {  	s0 =	sand.u32 $0x1, s1  }
0x8c: {  	s16 =	sshll.u32 s0, $0xA;
	s2 =	sadd.s32 s3, s2  }
0x8d: {  	s2 =	sadd.s32 s2, s16  }
0x8e: {  	[smem:$0x3FC0] =	sst s2  }
0x8f: {  	_ = 	snop  }
0x90: {  	(tm) =	ssettm $0x1  }
0x91: {  	s17 =	sld [smem:$0x3FFB];
	_ =	sdelay $0x3  }
0x92: {  	_ =	strace s17  }
0x93: {  	s2 =	sld [smem:$0x3FFC];
	_ =	sdelay $0x3  }
0x94: {  	_ =	strace s2  }
0x95: {  	s2 =	sld [smem:$0x3FFD];
	_ =	sdelay $0x3  }
0x96: {  	_ =	strace s2  }
0x97: {  	_ =	strace $0x8FFFFFFF  }
0x98: {  	s18 =	sld [smem:$0x3FDB];
	_ =	sdelay $0x1  }
0x99: {  	s19 =	simm.s32 $_scs_section_size  }
0x9a: {  	s4 =	simm.s32 $_size__tile_overlayer_lowered;
	s5 =	simm.s32 $_tile_overlayer_lowered  }
0x9b: {  	s22 =	simm.s32 $0x1BFF;
	s21 =	sshll.u32 s5, $0x1;
	s2 =	sadd.s32 s19, s18  }
0x9c: {  	s6 =	simm.s32 $0x0;
	s20 =	sshll.u32 s4, $0x1;
	s4 =	sadd.s32 s21, s2  }
0x9d: {  	[timem:s6], [sflag:s22] =	dma.local [hbm:s4], s20  }
0x9e: {  	_ =	swait.ge [sflag:s22], s20  }
0x9f: {  	s3 =	ssub.s32 $0x0, s20;
	[sflag:s22] =	ssyncset.done $0x0  }
0xa0: {  	[sflag:s22] =	ssyncadd.s32 s3;
	_ =	sdelay $0x1  }
0xa1: {  	s23 =	simm.s32 $0x1B8B  }
0xa2: {  	_ =	swait.ge [sflag:s23], $0x1  }
0xa3: {  	[sflag:s23] =	ssyncset.done $0x0  }
0xa4: {  	s25 =	simm.s32 $0x1B8E;
	s24 =	sld [smem:$0x3FFE];
	[sflag:s23] =	ssyncadd.s32 $0xFFFFFFFF  }
0xa5: {  	s26 =	simm.s32 $execute0_lowered;
	[smem:$0x3FD2] =	sst s25  }
0xa6: {  	s4 =	sshll.u32 s26, $0x1;
	_ =	strace $0x80000046;
	[dreg:$0x1] =	wrdreg $0xFFFFFFFF  }
0xa7: {  	s28 =	simm.s32 $_size_execute0_lowered;
	s2 =	sadd.s32 s2, s4;
	[dreg:$0x0] =	wrdreg $0x0  }
0xa8: {  	s4 =	sshll.u32 s28, $0x1;
	[dreg:$0x2] =	wrdreg s2  }
0xa9: {  	[dreg:$0x3] =	wrdreg s4  }
0xaa: {  	[dreg:$0x4] =	wrdreg $0xC0  }
0xab: {  	_ =	task [dreg:s6], $0x5FFFF  }
0xac: {  	[dreg:$0x1] =	wrdreg $0xFFFFFFFF  }
0xad: {  	[dreg:$0x0] =	wrdreg $0x60  }
0xae: {  	[dreg:$0x2] =	wrdreg s24  }
0xaf: {  	[dreg:$0x3] =	wrdreg $0x9  }
0xb0: {  	_ =	task.clear_ibuf [dreg:s6], $0x4FFFF;
	_ =	strace $0x90000046  }
0xb1: {  	s29 =	simm.s32 $0x9;
	_ =	strace $0x80000048  }
0xb2: {  	_ =	swait.ge [sflag:s29], $0x1  }
0xb3: {  	[sflag:s29] =	ssyncadd.s32 $0xFFFFFFFF  }
0xb4: {  	_ =	strace $0x90000048  }
0xb5: {  	_ =	sfence  }
0xb6: {  	s30 =	sld [smem:$0x0];
	_ =	sdelay $0x2  }
0xb7: {  	s31 =	sshll.u32 s1, $0xD;
	s1 =	sshrl.u32 s1, $0x2  }
0xb8: {  	s3 =	sand.u32 $0x4000, s31;
	s1 =	sadd.s32 s1, s30  }
0xb9: {  	s0 =	sor.u32 s3, s0;
	s1 =	sshll.u32 s1, $0x11  }
0xba: {  	s0 =	sor.u32 s1, s0  }
0xbb: {  	s0 =	sadd.s32 $0x8F2B, s0  }
0xbc: {  	[sflag:s0] =	ssyncadd.remote.s32 $0x1  }
0xbd: {  	_ =	sfence.sel $0xFFFF  }
0xbe: {  	[dreg:$0x0] =	wrdreg $0xFFFFFFFF;
	(pc) =	sbr.abs _section_cstart, $3  }
0xbf: {  	[dreg:$0x1] =	wrdreg $0xFFFFFFFF  }
0xc0: {  	_ =	task.clear_ibuf [dreg:s6], $0x2FFFF;
	_ =	strace $0x9FFFFFFF  }
0xc1: {  	(tm) =	ssettm $0x7FFFFFFF  }
tec
execute0_lowered:
.L_overlay_start_1:
0x0: {  	(tag) =	ssettag $0x1  }
0x1: {  	s1 =	srdreg.scid;
	s0 =	stileid.u32  }
0x2: {  	s8 =	rddreg [dreg:$0x0];
	s2 =	simm.s32 $0x0;
	s12 =	simm.s32 $0x400  }
0x3: {  	s13 =	simm.s32 $0x100000;
	s14 =	simm.s32 $0x1;
	s15 =	simm.s32 $0x3  }
0x4: {  	s17 =	simm.s32 $0x2;
	s18 =	simm.s32 $0x40;
	s19 =	simm.s32 $0xC200  }
0x5: {  	s20 =	simm.s32 $0xE200;
	s21 =	simm.s32 $0x0;
	s3 =	sand.u32 $0x1, s1  }
0x6: {  	s4 =	sshll.u32 s0, $0x9;
	[smem:$0x7FF] =	sst s2;
	s31 =	sshll.u32 s0, $0xB  }
0x7: {  	s5 =	sshll.u32 s3, $0x8;
	s30 =	ssub.s32 $0x2, s3;
	_ =	strace $0x80000047  }
0x8: {  	v0 =	vlaneseq.u32;
	s3 =	sadd.s32 $0x1400, s8;
	s16 =	sand.u32 $0x7000, s31;
	s7 =	sor.u32 s5, s4  }
0x9: {  	v3 =	vmul.u32 $0x2, v0;
	s9 =	sshrl.u32 s30, $0x1;
	v0 =	vmov s16;
	s16 =	simm.s32 $0x80;
	s4 =	sshll.u32 s7, $0x4  }
0xa: {  	s11 =	ssub.s32 s30, s9;
	s10 =	sshll.u32 s7, $0x8;
	s7 =	sshll.u32 s7, $0xB  }
0xb: {  	s6 =	sadd.s32 s4, s8;
	s4 =	sadd.s32 $0x241400, s8;
	s8 =	sadd.s32 $0x241408, s8  }
0xc: {  	s11 =	smax.u32 s11, $0x1;
	s5 =	sadd.s32 $0x41400, s6;
	s10 =	sadd.s32 s10, s4  }
0xd: {  	v2 =	vimm.s32 $0x0;
	v1 =	vor.u32 $0x1, v3;
	v3 =	vadd.s32 $0x2, v3;
	s6 =	sadd.s32 $0x41480, s6;
	s9 =	sadd.s32 $0xF800, s10;
	s10 =	sadd.s32 $0xF808, s10  }
.LBB2_1:
0xe: {  	[tilespmem:s2], [sflag:$0x1] =	stream.strided.gather [hbm4b:s5+s12], $0x4000, s13, s12, $0x38;
	[tilespmem:$0x10200] =	vst v63  }
0xf: {  	p0 =	por $0x0, $0x0;
	s23 =	simm.s32 $0x0  }
.LBB2_2:
0x10: {  	_ =	swait.ge [sflag:s14], $0x4000;
	s22 =	sadd.s32 $0x1, s23;
	p1 =	seq.s32 s23, $0x1F  }
0x11: {  	[sflag:s14] =	ssyncset.done $0x0;
	s24 =	sshll.u32 @!p1 s22, $0xE;
	s25 =	sshll.u32 @!p1 s23, $0x7  }
0x12: {  	s26 =	simm.s32 @!p1 $0x400;
	s28 =	simm.s32 @!p1 $0x100000;
	p2 =	slt.u32 @!p1 s23, $0x2  }
0x13: {  	[sflag:s14] =	ssyncadd.s32 $0xFFFFC000;
	s24 =	sand.u32 @!p1 $0x4000, s24;
	s25 =	sadd.s32 @!p1 s25, s6  }
0x14: {  	[tilespmem:s24], [sflag:$0x1] =	stream.strided.gather @!p1 [hbm4b:s25+s26], $0x4000, s28, s26, $0x38;
	[tilespmem:$0x10200] =	vst v63  }
0x15: {  	p1 =	por p1, !p2  }
0x16: {  	_ =	swait.ge @p1 [sflag:s15], $0x2000  }
0x17: {  	s31 =	sand.u32 $0x1, s23;
	[sflag:s15] =	ssyncset.done @p1 $0x0  }
0x18: {  	s26 =	simm.s32 $0x1;
	s24 =	sshll.u32 s31, $0xE;
	[sflag:s15] =	ssyncadd.s32 @p1 $0xFFFFE000  }
0x19: {  	s29 =	simm.s32 $0x0;
	s26 =	simm.s32 @!p0 $0x0;
	v4 =	vmov s24;
	_ =	swait.ge @p1 [sflag:s15], $0x2000  }
0x1a: {  	s25 =	sshll.u32 s31, $0x8;
	s26 =	sshll.u32 s26, $0x8;
	v5 =	vor.u32 $0x1C7F, v4;
	v6 =	vor.u32 $0xC00, v4;
	[sflag:s15] =	ssyncset.done @p1 $0x0  }
0x1b: {  	v7 =	vor.u32 $0x400, v4;
	v8 =	vor.u32 $0x7F, v4;
	v9 =	vor.u32 $0x3C7F, v4;
	s28 =	sor.u32 $0x8080, s26;
	s26 =	sor.u32 $0x8000, s25;
	[sflag:s15] =	ssyncadd.s32 @p1 $0xFFFFE000  }
.LBB2_3:
0x1c: {  	s30 =	sshll.u32 s29, $0x7  }
0x1d: {  	v10 =	vor.u32 s30, v5;
	_ =	sdelay $0x4  }
0x1e: {  	v10 =	vld.idx.msk [tilespmem:v10+s2+$0x0], $0xffff;
	_ =	sdelay $0x4  }
0x1f: {  	v10 =	vshrl.u32 v10, $0x10  }
0x20: {  	vm0 =	vlt.u32 v10, v1  }
0x21: {  	v11 =	vsel vm0, $0x800, v2  }
0x22: {  	v12 =	vshll.u32 v11, $0x2  }
0x23: {  	v12 =	vor.u32 v6, v12  }
0x24: {  	v12 =	vadd.s32 s30, v12  }
0x25: {  	v12 =	vor.u32 $0x7F, v12;
	_ =	sdelay $0x4  }
0x26: {  	v12 =	vld.idx.msk [tilespmem:v12+s2+$0x0], $0xffff;
	_ =	sdelay $0x4  }
0x27: {  	v12 =	vshrl.u32 v12, $0x10  }
0x28: {  	v13 =	vor.u32 $0x400, v11;
	vm11 =	vlt.u32 v12, v1  }
0x29: {  	v11 =	vsel vm11, v13, v11  }
0x2a: {  	v24 =	vshll.u32 v11, $0x2  }
0x2b: {  	v12 =	vor.u32 v7, v24  }
0x2c: {  	v12 =	vadd.s32 s30, v12  }
0x2d: {  	v12 =	vor.u32 $0x7F, v12;
	_ =	sdelay $0x3  }
0x2e: {  	vm12 =	vlt.u32 v10, v3  }
0x2f: {  	v25 =	vsel vm12, $0x800, v2;
	v10 =	vld.idx.msk [tilespmem:v12+s2+$0x0], $0xffff  }
0x30: {  	v26 =	vshll.u32 v25, $0x2  }
0x31: {  	v13 =	vor.u32 v6, v26  }
0x32: {  	v13 =	vadd.s32 s30, v13  }
0x33: {  	v13 =	vor.u32 $0x7F, v13  }
0x34: {  	v10 =	vshrl.u32 v10, $0x10  }
0x35: {  	v14 =	vor.u32 $0x200, v11;
	vm13 =	vlt.u32 v10, v1  }
0x36: {  	v10 =	vsel vm13, v14, v11  }
0x37: {  	v27 =	vadd.s32 s30, v8;
	v11 =	vshll.u32 v10, $0x2  }
0x38: {  	v13 =	vld.idx.msk [tilespmem:v13+s2+$0x0], $0xffff;
	v11 =	vadd.s32 v11, v27;
	_ =	sdelay $0x4  }
0x39: {  	v13 =	vshrl.u32 v13, $0x10;
	v11 =	vld.idx.msk [tilespmem:v11+s2+$0x0], $0xffff  }
0x3a: {  	v15 =	vor.u32 $0x400, v25;
	vm14 =	vlt.u32 v13, v3  }
0x3b: {  	v12 =	vsel vm14, v15, v25  }
0x3c: {  	v28 =	vshll.u32 v12, $0x2  }
0x3d: {  	v13 =	vor.u32 v7, v28  }
0x3e: {  	v13 =	vadd.s32 s30, v13;
	v11 =	vshrl.u32 v11, $0x10  }
0x3f: {  	v29 =	vor.u32 $0x100, v10;
	vm15 =	vlt.u32 v11, v1;
	v11 =	vor.u32 $0x7F, v13  }
0x40: {  	v10 =	vsel vm15, v29, v10  }
0x41: {  	v30 =	vadd.s32 $0x7F, v10  }
0x42: {  	v31 =	vshll.u32 v30, $0x2  }
0x43: {  	v16 =	vshrl.u32 v30, $0x1;
	v15 =	vand.u32 $0x7FFFFC00, v31  }
0x44: {  	v16 =	vand.u32 $0x7F, v16;
	v15 =	vadd.s32 v4, v15;
	v11 =	vld.idx.msk [tilespmem:v11+s2+$0x0], $0xffff  }
0x45: {  	v15 =	vor.u32 v16, v15  }
0x46: {  	v15 =	vadd.s32 s30, v15;
	_ =	sdelay $0x2  }
0x47: {  	v11 =	vshrl.u32 v11, $0x10  }
0x48: {  	v32 =	vor.u32 $0x200, v12;
	vm4 =	vlt.u32 v11, v3  }
0x49: {  	v11 =	vld.idx.msk [tilespmem:v15+s2+$0x0], $0xffff;
	v12 =	vsel vm4, v32, v12  }
0x4a: {  	v33 =	vshll.u32 v12, $0x2  }
0x4b: {  	v14 =	vadd.s32 v33, v27  }
0x4c: {  	v13 =	vshll.u32 v30, $0x4  }
0x4d: {  	v13 =	vand.u32 $0x10, v13  }
0x4e: {  	v11 =	vshrl.u32 v11, v13  }
0x4f: {  	v11 =	vand.u32 $0xFFFF, v11  }
0x50: {  	v34 =	vadd.s32 $0x80, v10;
	vm5 =	vlt.u32 v11, v1;
	v11 =	vld.idx.msk [tilespmem:v14+s2+$0x0], $0xffff  }
0x51: {  	v10 =	vsel vm5, v34, v10  }
0x52: {  	v13 =	vadd.s32 $0x3F, v10  }
0x53: {  	v35 =	vshll.u32 v13, $0x2  }
0x54: {  	v36 =	vshrl.u32 v13, $0x1;
	v14 =	vand.u32 $0x7FFFFC00, v35  }
0x55: {  	v15 =	vand.u32 $0x7F, v36;
	v14 =	vadd.s32 v4, v14;
	v11 =	vshrl.u32 v11, $0x10  }
0x56: {  	v37 =	vor.u32 $0x100, v12;
	v14 =	vor.u32 v15, v14;
	vm6 =	vlt.u32 v11, v3  }
0x57: {  	v11 =	vadd.s32 s30, v14;
	v12 =	vsel vm6, v37, v12  }
0x58: {  	v38 =	vadd.s32 $0x7F, v12  }
0x59: {  	v39 =	vshll.u32 v38, $0x2  }
0x5a: {  	v40 =	vshrl.u32 v38, $0x1;
	v15 =	vand.u32 $0x7FFFFC00, v39  }
0x5b: {  	v16 =	vand.u32 $0x7F, v40;
	v15 =	vadd.s32 v4, v15  }
0x5c: {  	v11 =	vld.idx.msk [tilespmem:v11+s2+$0x0], $0xffff;
	v15 =	vor.u32 v16, v15  }
0x5d: {  	v15 =	vadd.s32 s30, v15;
	_ =	sdelay $0x1  }
0x5e: {  	v13 =	vshll.u32 v13, $0x4  }
0x5f: {  	v13 =	vand.u32 $0x10, v13  }
0x60: {  	v11 =	vshrl.u32 v11, v13  }
0x61: {  	v11 =	vand.u32 $0xFFFF, v11;
	v41 =	vld.idx.msk [tilespmem:v15+s2+$0x0], $0xffff  }
0x62: {  	v42 =	vadd.s32 $0x40, v10;
	vm7 =	vlt.u32 v11, v1  }
0x63: {  	v10 =	vsel vm7, v42, v10  }
0x64: {  	v14 =	vshll.u32 v38, $0x4;
	v11 =	vadd.s32 $0x1F, v10  }
0x65: {  	v14 =	vand.u32 $0x10, v14;
	v43 =	vshll.u32 v11, $0x2  }
0x66: {  	v44 =	vshrl.u32 v11, $0x1;
	v15 =	vand.u32 $0x7FFFFC00, v43;
	v13 =	vshrl.u32 v41, v14  }
0x67: {  	v46 =	vand.u32 $0x7F, v44;
	v45 =	vadd.s32 v4, v15;
	v13 =	vand.u32 $0xFFFF, v13  }
0x68: {  	v47 =	vadd.s32 $0x80, v12;
	v14 =	vor.u32 v46, v45;
	vm8 =	vlt.u32 v13, v3  }
0x69: {  	v48 =	vadd.s32 s30, v14;
	v12 =	vsel vm8, v47, v12  }
0x6a: {  	v49 =	vadd.s32 $0x3F, v12  }
0x6b: {  	v50 =	vshll.u32 v49, $0x2  }
0x6c: {  	v51 =	vshrl.u32 v49, $0x1;
	v15 =	vand.u32 $0x7FFFFC00, v50  }
0x6d: {  	v16 =	vand.u32 $0x7F, v51;
	v15 =	vadd.s32 v4, v15  }
0x6e: {  	v13 =	vld.idx.msk [tilespmem:v48+s2+$0x0], $0xffff;
	v15 =	vor.u32 v16, v15  }
0x6f: {  	v15 =	vadd.s32 s30, v15;
	_ =	sdelay $0x1  }
0x70: {  	v11 =	vshll.u32 v11, $0x4  }
0x71: {  	v11 =	vand.u32 $0x10, v11  }
0x72: {  	v11 =	vshrl.u32 v13, v11  }
0x73: {  	v11 =	vand.u32 $0xFFFF, v11;
	v52 =	vld.idx.msk [tilespmem:v15+s2+$0x0], $0xffff  }
0x74: {  	v53 =	vadd.s32 $0x20, v10;
	vm9 =	vlt.u32 v11, v1  }
0x75: {  	v10 =	vsel vm9, v53, v10  }
0x76: {  	v14 =	vshll.u32 v49, $0x4;
	v11 =	vadd.s32 $0xF, v10  }
0x77: {  	v14 =	vand.u32 $0x10, v14;
	v54 =	vshll.u32 v11, $0x2  }
0x78: {  	v55 =	vshrl.u32 v11, $0x1;
	v15 =	vand.u32 $0x7FFFFC00, v54;
	v13 =	vshrl.u32 v52, v14  }
0x79: {  	v57 =	vand.u32 $0x7F, v55;
	v56 =	vadd.s32 v4, v15;
	v13 =	vand.u32 $0xFFFF, v13  }
0x7a: {  	v58 =	vadd.s32 $0x40, v12;
	v14 =	vor.u32 v57, v56;
	vm10 =	vlt.u32 v13, v3  }
0x7b: {  	v59 =	vadd.s32 s30, v14;
	v12 =	vsel vm10, v58, v12  }
0x7c: {  	v60 =	vadd.s32 $0x1F, v12  }
0x7d: {  	v61 =	vshll.u32 v60, $0x2  }
0x7e: {  	v62 =	vshrl.u32 v60, $0x1;
	v15 =	vand.u32 $0x7FFFFC00, v61  }
0x7f: {  	v16 =	vand.u32 $0x7F, v62;
	v15 =	vadd.s32 v4, v15  }
0x80: {  	v13 =	vld.idx.msk [tilespmem:v59+s2+$0x0], $0xffff;
	v15 =	vor.u32 v16, v15  }
0x81: {  	v15 =	vadd.s32 s30, v15;
	_ =	sdelay $0x1  }
0x82: {  	v11 =	vshll.u32 v11, $0x4  }
0x83: {  	v11 =	vand.u32 $0x10, v11  }
0x84: {  	v11 =	vshrl.u32 v13, v11  }
0x85: {  	v11 =	vand.u32 $0xFFFF, v11;
	v63 =	vld.idx.msk [tilespmem:v15+s2+$0x0], $0xffff  }
0x86: {  	v20 =	vadd.s32 $0x10, v10;
	vm11 =	vlt.u32 v11, v1  }
0x87: {  	v10 =	vsel vm11, v20, v10  }
0x88: {  	v14 =	vshll.u32 v60, $0x4;
	v11 =	vadd.s32 $0x7, v10  }
0x89: {  	v14 =	vand.u32 $0x10, v14;
	v21 =	vshll.u32 v11, $0x2  }
0x8a: {  	v22 =	vshrl.u32 v11, $0x1;
	v15 =	vand.u32 $0x7FFFFC00, v21;
	v13 =	vshrl.u32 v63, v14  }
0x8b: {  	v24 =	vand.u32 $0x7F, v22;
	v23 =	vadd.s32 v4, v15;
	v13 =	vand.u32 $0xFFFF, v13  }
0x8c: {  	v25 =	vadd.s32 $0x20, v12;
	v14 =	vor.u32 v24, v23;
	vm12 =	vlt.u32 v13, v3  }
0x8d: {  	v26 =	vadd.s32 s30, v14;
	v12 =	vsel vm12, v25, v12  }
0x8e: {  	v27 =	vadd.s32 $0xF, v12  }
0x8f: {  	v28 =	vshll.u32 v27, $0x2  }
0x90: {  	v29 =	vshrl.u32 v27, $0x1;
	v15 =	vand.u32 $0x7FFFFC00, v28  }
0x91: {  	v16 =	vand.u32 $0x7F, v29;
	v15 =	vadd.s32 v4, v15  }
0x92: {  	v13 =	vld.idx.msk [tilespmem:v26+s2+$0x0], $0xffff;
	v15 =	vor.u32 v16, v15  }
0x93: {  	v15 =	vadd.s32 s30, v15;
	_ =	sdelay $0x1  }
0x94: {  	v11 =	vshll.u32 v11, $0x4  }
0x95: {  	v11 =	vand.u32 $0x10, v11  }
0x96: {  	v11 =	vshrl.u32 v13, v11  }
0x97: {  	v11 =	vand.u32 $0xFFFF, v11;
	v30 =	vld.idx.msk [tilespmem:v15+s2+$0x0], $0xffff  }
0x98: {  	v31 =	vadd.s32 $0x8, v10;
	vm13 =	vlt.u32 v11, v1  }
0x99: {  	v10 =	vsel vm13, v31, v10  }
0x9a: {  	v14 =	vshll.u32 v27, $0x4;
	v11 =	vadd.s32 $0x3, v10  }
0x9b: {  	v14 =	vand.u32 $0x10, v14;
	v32 =	vshll.u32 v11, $0x2  }
0x9c: {  	v33 =	vshrl.u32 v11, $0x1;
	v15 =	vand.u32 $0x7FFFFC00, v32;
	v13 =	vshrl.u32 v30, v14  }
0x9d: {  	v35 =	vand.u32 $0x7F, v33;
	v34 =	vadd.s32 v4, v15;
	v13 =	vand.u32 $0xFFFF, v13  }
0x9e: {  	v36 =	vadd.s32 $0x10, v12;
	v14 =	vor.u32 v35, v34;
	vm14 =	vlt.u32 v13, v3  }
0x9f: {  	v37 =	vadd.s32 s30, v14;
	v12 =	vsel vm14, v36, v12  }
0xa0: {  	v38 =	vadd.s32 $0x7, v12  }
0xa1: {  	v39 =	vshll.u32 v38, $0x2  }
0xa2: {  	v40 =	vshrl.u32 v38, $0x1;
	v15 =	vand.u32 $0x7FFFFC00, v39  }
0xa3: {  	v16 =	vand.u32 $0x7F, v40;
	v15 =	vadd.s32 v4, v15  }
0xa4: {  	v13 =	vld.idx.msk [tilespmem:v37+s2+$0x0], $0xffff;
	v15 =	vor.u32 v16, v15  }
0xa5: {  	v15 =	vadd.s32 s30, v15;
	_ =	sdelay $0x1  }
0xa6: {  	v11 =	vshll.u32 v11, $0x4  }
0xa7: {  	v11 =	vand.u32 $0x10, v11  }
0xa8: {  	v11 =	vshrl.u32 v13, v11  }
0xa9: {  	v11 =	vand.u32 $0xFFFF, v11;
	v41 =	vld.idx.msk [tilespmem:v15+s2+$0x0], $0xffff  }
0xaa: {  	v42 =	vadd.s32 $0x4, v10;
	vm15 =	vlt.u32 v11, v1  }
0xab: {  	v10 =	vsel vm15, v42, v10  }
0xac: {  	v14 =	vshll.u32 v38, $0x4;
	v11 =	vadd.s32 $0x1, v10  }
0xad: {  	v14 =	vand.u32 $0x10, v14;
	v43 =	vshll.u32 v11, $0x2  }
0xae: {  	v44 =	vshrl.u32 v11, $0x1;
	v15 =	vand.u32 $0x7FFFFC00, v43;
	v13 =	vshrl.u32 v41, v14  }
0xaf: {  	v46 =	vand.u32 $0x7F, v44;
	v45 =	vadd.s32 v4, v15;
	v13 =	vand.u32 $0xFFFF, v13  }
0xb0: {  	v47 =	vadd.s32 $0x8, v12;
	v14 =	vor.u32 v46, v45;
	vm4 =	vlt.u32 v13, v3  }
0xb1: {  	v48 =	vadd.s32 s30, v14;
	v12 =	vsel vm4, v47, v12  }
0xb2: {  	v49 =	vadd.s32 $0x3, v12  }
0xb3: {  	v50 =	vshll.u32 v49, $0x2  }
0xb4: {  	v51 =	vshrl.u32 v49, $0x1;
	v15 =	vand.u32 $0x7FFFFC00, v50  }
0xb5: {  	v16 =	vand.u32 $0x7F, v51;
	v15 =	vadd.s32 v4, v15  }
0xb6: {  	v13 =	vld.idx.msk [tilespmem:v48+s2+$0x0], $0xffff;
	v15 =	vor.u32 v16, v15  }
0xb7: {  	v15 =	vadd.s32 s30, v15;
	_ =	sdelay $0x1  }
0xb8: {  	v11 =	vshll.u32 v11, $0x4  }
0xb9: {  	v11 =	vand.u32 $0x10, v11  }
0xba: {  	v11 =	vshrl.u32 v13, v11  }
0xbb: {  	v11 =	vand.u32 $0xFFFF, v11;
	v52 =	vld.idx.msk [tilespmem:v15+s2+$0x0], $0xffff  }
0xbc: {  	v53 =	vadd.s32 $0x2, v10;
	vm5 =	vlt.u32 v11, v1  }
0xbd: {  	v10 =	vsel vm5, v53, v10  }
0xbe: {  	v14 =	vshll.u32 v49, $0x4;
	v11 =	vshll.u32 v10, $0x2  }
0xbf: {  	v14 =	vand.u32 $0x10, v14;
	v15 =	vshrl.u32 v10, $0x1;
	v11 =	vand.u32 $0x7FFFFC00, v11  }
0xc0: {  	v15 =	vand.u32 $0x7F, v15;
	v11 =	vadd.s32 v4, v11;
	v13 =	vshrl.u32 v52, v14  }
0xc1: {  	v11 =	vor.u32 v15, v11;
	v13 =	vand.u32 $0xFFFF, v13  }
0xc2: {  	v54 =	vadd.s32 $0x4, v12;
	v11 =	vadd.s32 s30, v11;
	vm6 =	vlt.u32 v13, v3  }
0xc3: {  	v12 =	vsel vm6, v54, v12  }
0xc4: {  	v55 =	vadd.s32 $0x1, v12  }
0xc5: {  	v57 =	vor.u32 s30, v9;
	v56 =	vshll.u32 v55, $0x2  }
0xc6: {  	v58 =	vshrl.u32 v55, $0x1;
	v14 =	vand.u32 $0x7FFFFC00, v56  }
0xc7: {  	v16 =	vand.u32 $0x7F, v58;
	v11 =	vld.idx.msk [tilespmem:v11+s2+$0x0], $0xffff;
	v14 =	vadd.s32 v4, v14  }
0xc8: {  	v14 =	vor.u32 v16, v14  }
0xc9: {  	v14 =	vadd.s32 s30, v14  }
0xca: {  	v59 =	vshll.u32 v10, $0x4;
	v15 =	vld.idx.msk [tilespmem:v57+s2+$0x0], $0xffff  }
0xcb: {  	v16 =	vand.u32 $0x10, v59  }
0xcc: {  	v11 =	vshrl.u32 v11, v16  }
0xcd: {  	v11 =	vand.u32 $0xFFFF, v11  }
0xce: {  	vm7 =	vlt.u32 v11, v1;
	v11 =	vld.idx.msk [tilespmem:v14+s2+$0x0], $0xffff  }
0xcf: {  	v15 =	vshrl.u32 v15, $0x10;
	v60 =	vsel vm7, $0x1, v2  }
0xd0: {  	vm8 =	vlt.u32 v15, v1;
	v10 =	vadd.s32 v60, v10  }
0xd1: {  	v13 =	vshll.u32 v55, $0x4;
	v10 =	vsel vm8, $0x1000, v10  }
0xd2: {  	v13 =	vand.u32 $0x10, v13;
	v61 =	vxor.u32 $0x80000000, v10  }
0xd3: {  	v11 =	vshrl.u32 v11, v13;
	(xrf0) =	vmin.scan.msk.u32 $0xffff, v61  }
0xd4: {  	v11 =	vand.u32 $0xFFFF, v11  }
0xd5: {  	v62 =	vadd.s32 $0x2, v12;
	vm9 =	vlt.u32 v11, v3  }
0xd6: {  	v11 =	vsel vm9, v62, v12  }
0xd7: {  	v12 =	vshll.u32 v11, $0x2  }
0xd8: {  	v13 =	vshrl.u32 v11, $0x1;
	v12 =	vand.u32 $0x7FFFFC00, v12  }
0xd9: {  	v13 =	vand.u32 $0x7F, v13;
	v12 =	vadd.s32 v4, v12;
	v14, _, _ =	vpop (xrf0)  }
0xda: {  	v12 =	vor.u32 v13, v12;
	(v2sf) =	vpush v14, $0xF  }
0xdb: {  	v12 =	vadd.s32 s30, v12;
	_ =	sdelay $0x4  }
0xdc: {  	v12 =	vld.idx.msk [tilespmem:v12+s2+$0x0], $0xffff;
	_ =	sdelay $0x2  }
0xdd: {  	v63 =	vshll.u32 v11, $0x4  }
0xde: {  	v13 =	vand.u32 $0x10, v63  }
0xdf: {  	v12 =	vshrl.u32 v12, v13  }
0xe0: {  	v12 =	vand.u32 $0xFFFF, v12  }
0xe1: {  	vm10 =	vlt.u32 v12, v3  }
0xe2: {  	v12 =	vsel vm10, $0x1, v2  }
0xe3: {  	vm11 =	vlt.u32 v15, v3;
	v11 =	vadd.s32 v12, v11;
	s31 =	spop (v2sf)  }
0xe4: {  	vm12 =	veq.s32 v10, $0x1000;
	v11 =	vsel vm11, $0x1000, v11;
	s30 =	sxor.u32 $0x80000000, s31  }
0xe5: {  	p1 =	sne.s32 s29, $0x7;
	v10 =	vsel vm12, s30, v10;
	vm13 =	veq.s32 v11, $0x1000  }
.Ltmp0:
0xe6: {  	v11 =	vsel vm13, s30, v11;
	vm14 =	vlt.s32 v10, $0xFFF;
	(pc) =	sbr.rel @p1 .LBB2_3-.Ltmp0, $4  }
0xe7: {  	v10 =	vnsel vm14, $0xFFF, v10;
	vm15 =	vlt.s32 v11, $0xFFF  }
0xe8: {  	v10 =	vadd.s32 v0, v10;
	v11 =	vnsel vm15, $0xFFF, v11  }
0xe9: {  	v11 =	vadd.s32 v0, v11;
	[tilespmem:s28+$0xFFFFFF80] =	vst v10  }
0xea: {  	s29 =	sadd.s32 $0x1, s29;
	[tilespmem:s28+$0x0] =	vst v11;
	s28 =	sadd.s32 $0x10, s28  }
0xeb: {  	p1 =	seq.s32 s23, $0x0  }
0xec: {  	s28 =	simm.s32 @!p1 $0x2  }
0xed: {  	_ =	swait.ge @!p1 [sflag:s28], $0x2000  }
0xee: {  	s23 =	sshll.u32 @!p1 s23, $0xE;
	[sflag:s28] =	ssyncset.done @!p1 $0x0  }
0xef: {  	s31 =	simm.s32 @!p1 $0x40;
	s23 =	sadd.s32 @!p1 $0xFFFFC000, s23;
	[sflag:s28] =	ssyncadd.s32 @!p1 $0xFFFFE000  }
0xf0: {  	s1 =	simm.s32 @!p1 $0x80;
	s29 =	sadd.s32 @!p1 s7, s23;
	_ =	swait.ge @!p1 [sflag:s28], $0x2000  }
0xf1: {  	s23 =	sand.u32 @!p1 $0x4000, s23;
	s29 =	sshrl.u32 @!p1 s29, $0x3;
	[sflag:s28] =	ssyncset.done @!p1 $0x0  }
0xf2: {  	s30 =	sor.u32 @!p1 $0x8200, s23;
	[sflag:s28] =	ssyncadd.s32 @!p1 $0xFFFFE000;
	s28 =	sadd.s32 @!p1 s4, s29  }
0xf3: {  	[hbm4b:s28+s31] =	stream.strided.scatter @!p1 [tilespmem:s30], [sflag:$0x3], $0x2000, s1, s31, $0x38;
	[tilespmem:$0x10200] =	vst v63  }
0xf4: {  	s23 =	sor.u32 @!p1 $0xA200, s23;
	s28 =	sadd.s32 @!p1 s29, s8  }
0xf5: {  	[hbm4b:s28+s31] =	stream.strided.scatter @!p1 [tilespmem:s23], [sflag:$0x3], $0x2000, s1, s31, $0x38;
	[tilespmem:$0x10200] =	vst v63  }
0xf6: {  	p1 =	sne.s32 s22, $0x20  }
.Ltmp1:
0xf7: {  	_ = 	snop;
	(pc) =	sbr.rel @p1 .LBB2_2-.Ltmp1, $4  }
0xf8: {  	p0 =	por !p0, !p0;
	s29 =	sor.u32 $0x8200, s24  }
0xf9: {  	[tilespmem:s29], [sflag:$0x2] =	stream.indirect.gather [hbm4b:s3+s16], $0x40, s26, s16, $0xb8;
	[tilespmem:$0x10200] =	vst v63  }
0xfa: {  	s30 =	sor.u32 $0xA200, s24;
	s31 =	sadd.s32 $0x8080, s25;
	s23 =	smov.u32 s22  }
0xfb: {  	[tilespmem:s30], [sflag:$0x2] =	stream.indirect.gather [hbm4b:s3+s16], $0x40, s31, s16, $0xb8;
	[tilespmem:$0x10200] =	vst v63  }
0xfc: {  	_ =	swait.ge [sflag:s17], $0x2000  }
0xfd: {  	[sflag:s17] =	ssyncset.done $0x0  }
0xfe: {  	[sflag:s17] =	ssyncadd.s32 $0xFFFFE000  }
0xff: {  	_ =	swait.ge [sflag:s17], $0x2000  }
0x100: {  	[sflag:s17] =	ssyncset.done $0x0  }
0x101: {  	[sflag:s17] =	ssyncadd.s32 $0xFFFFE000  }
0x102: {  	[hbm4b:s9+s18] =	stream.strided.scatter [tilespmem:s19], [sflag:$0x3], $0x2000, s16, s18, $0x38;
	[tilespmem:$0x10200] =	vst v63  }
0x103: {  	_ = 	snop  }
0x104: {  	[hbm4b:s10+s18] =	stream.strided.scatter [tilespmem:s20], [sflag:$0x3], $0x2000, s16, s18, $0x38;
	[tilespmem:$0x10200] =	vst v63  }
0x105: {  	_ =	swait.ge [sflag:s15], $0x2000  }
0x106: {  	[sflag:s15] =	ssyncset.done $0x0  }
0x107: {  	[sflag:s15] =	ssyncadd.s32 $0xFFFFE000  }
0x108: {  	_ =	swait.ge [sflag:s15], $0x2000  }
0x109: {  	[sflag:s15] =	ssyncset.done $0x0  }
0x10a: {  	s21 =	sadd.s32 $0x1, s21;
	[sflag:s15] =	ssyncadd.s32 $0xFFFFE000  }
0x10b: {  	p0 =	sne.s32 s21, s11;
	_ =	swait.ge [sflag:s15], $0x2000  }
.Ltmp2:
0x10c: {  	[sflag:s15] =	ssyncset.done $0x0;
	(pc) =	sbr.rel @p0 .LBB2_1-.Ltmp2, $4  }
0x10d: {  	[sflag:s15] =	ssyncadd.s32 $0xFFFFE000  }
0x10e: {  	_ =	swait.ge [sflag:s15], $0x2000  }
0x10f: {  	[sflag:s15] =	ssyncset.done $0x0  }
0x110: {  	[sflag:s15] =	ssyncadd.s32 $0xFFFFE000  }
0x111: {  	_ =	sfence.sel $0x180000  }
0x112: {  	[bflag:$0x0] =	sbarrier.arrive $0xFFFF  }
0x113: {  	_ =	strace $0x90000047  }
0x114: {  	[bflag:$0x2] =	sbarrier.arrive $0xFFFF  }
0x115: {  	p0 =	sne.s32 s0, $0x0;
	s0 =	rddreg [dreg:$0x1]  }
0x116: {  	s0 =	sadd.s32 @!p0 $0x100000, s0  }
0x117: {  	[sflag:s0] =	ssyncadd.tile.s32 @!p0 $0x1;
	_ =	shalt  }
.Lfunc_end2:
_tile_overlayer_lowered:
.L_overlay_start_2:
0x118: {  	(tag) =	ssettag $0x2  }
0x119: {  	s0 =	rddreg [dreg:$0x0];
	s2 =	stileid.u32  }
0x11a: {  	s1 =	rddreg [dreg:$0x1];
	p0 =	sne.s32 s2, $0x0  }
0x11b: {  	s3 =	rddreg [dreg:$0x2];
	[bflag:$0x3] =	sbarrier.arrive $0xFFFF;
	s2 =	simm.s32 @!p0 $0x1C04  }
0x11c: {  	[timem:s3], [sflag:s2] =	dma.local @!p0 [hbm:s0], s1  }
0x11d: {  	s0 =	simm.s32 @!p0 $0x4  }
0x11e: {  	_ =	swait.ge @!p0 [sflag:s0], s1  }
0x11f: {  	s1 =	ssub.s32 @!p0 $0x0, s1;
	[sflag:s0] =	ssyncset.done @!p0 $0x0  }
0x120: {  	[sflag:s0] =	ssyncadd.s32 @!p0 s1  }
0x121: {  	[bflag:$0x3] =	sbarrier.arrive $0xFFFF  }
0x122: {  	_ =	shalt  }

</sc_bundles>
